<compile_context>
chip_gen: v7x
topology: tpu7x:2x2x1
jax: 0.10.2.dev20260603
libtpu: 0.0.44.dev20260713+nightly
codegen_flags: <defaults>
</compile_context>

<pallas_src>
import functools

import jax
import jax.numpy as jnp
from jax import lax
from jax.experimental import pallas as pl
from jax.experimental.pallas import tpu as pltpu
from jax.experimental.pallas import tpu_sc as plsc

N = 10000
N_PAD = 10240
E = 320000
D = 128
D_OUT = 64
NC = 2
NS = 16
NW = NC * NS
CHUNK = 128
GRP = 8
CHUNKS_W = 80
CH_C0 = 120
CH_C1 = 40
E_W = CHUNKS_W * CHUNK
E_PAD = NW * E_W
NROW = E_PAD // CHUNK
ROWS_T = N_PAD // NS
PAD_SRC = N
PAD_DST = N + 8

_mesh = plsc.VectorSubcoreMesh(core_axis_name="c", subcore_axis_name="s")


@functools.partial(
    pl.kernel,
    out_type=jax.ShapeDtypeStruct((NC, N_PAD, D), jnp.float32),
    mesh=_mesh,
    scratch_types=[
        pltpu.VMEM((GRP, CHUNK), jnp.int32),
        pltpu.VMEM((CHUNK, D), jnp.float32),
        pltpu.VMEM_SHARED((N_PAD, D), jnp.float32),
    ],
)
def _sc_deg(dst_hbm, ones_hbm, zeros_hbm, deg_out, idx_d, ones_v, dacc):
    c = lax.axis_index("c")
    s = lax.axis_index("s")
    wid = s * NC + c
    pltpu.sync_copy(ones_hbm, ones_v)
    r0 = s * ROWS_T
    pltpu.sync_copy(zeros_hbm, dacc.at[pl.ds(r0, ROWS_T)])
    plsc.subcore_barrier()
    row0 = wid * CHUNKS_W

    def grp_body(g, carry):
        pltpu.sync_copy(dst_hbm.at[pl.ds(row0 + g * GRP, GRP)], idx_d)

        def body(j, cr):
            pltpu.sync_copy(ones_v, dacc.at[idx_d.at[j]], add=True)
            return cr

        lax.fori_loop(0, GRP, body, carry)
        return carry

    lax.fori_loop(0, CHUNKS_W // GRP, grp_body, 0)
    plsc.subcore_barrier()
    pltpu.sync_copy(dacc.at[pl.ds(r0, ROWS_T)], deg_out.at[c, pl.ds(r0, ROWS_T)])


@functools.partial(
    pl.kernel,
    out_type=jax.ShapeDtypeStruct((NC, N_PAD, D), jnp.float32),
    mesh=_mesh,
    scratch_types=[
        pltpu.VMEM((2, GRP, CHUNK), jnp.int32),
        pltpu.VMEM((2, GRP, CHUNK), jnp.int32),
        pltpu.VMEM((2, CHUNK, D), jnp.float32),
        pltpu.VMEM_SHARED((N_PAD, D), jnp.float32),
        pltpu.SemaphoreType.DMA,
        pltpu.SemaphoreType.DMA,
    ],
)
def _sc_mp(g_hbm, src_hbm, dst_hbm, zeros_hbm, acc_out,
           ixs, ixd, rows2, acc, sem0, sem1):
    c = lax.axis_index("c")
    s = lax.axis_index("s")
    r0 = s * ROWS_T
    pltpu.sync_copy(zeros_hbm, acc.at[pl.ds(r0, ROWS_T)])
    plsc.subcore_barrier()
    nch = jnp.where(c == 0, CH_C0, CH_C1)
    row0 = jnp.where(c == 0, s * CH_C0, NS * CH_C0 + s * CH_C1)

    pltpu.sync_copy(src_hbm.at[pl.ds(row0, GRP)], ixs.at[0])
    pltpu.sync_copy(dst_hbm.at[pl.ds(row0, GRP)], ixd.at[0])
    pltpu.async_copy(g_hbm.at[ixs.at[0, 0]], rows2.at[0], sem0)
    pltpu.async_copy(g_hbm.at[ixs.at[0, 1]], rows2.at[1], sem1)

    def pair(i2, carry):
        for b in (0, 1):
            k = 2 * i2 + b
            sem = sem0 if b == 0 else sem1
            pltpu.make_async_copy(g_hbm.at[ixs.at[0, 0]], rows2.at[b], sem).wait()
            pltpu.sync_copy(rows2.at[b],
                            acc.at[ixd.at[(k // GRP) % 2, k % GRP]], add=True)
            nk = k + 2
            if b == 0:
                @pl.when(jnp.logical_and(nk % GRP == 0, nk < nch))
                def _():
                    ng = nk // GRP
                    pltpu.sync_copy(src_hbm.at[pl.ds(row0 + ng * GRP, GRP)],
                                    ixs.at[ng % 2])
                    pltpu.sync_copy(dst_hbm.at[pl.ds(row0 + ng * GRP, GRP)],
                                    ixd.at[ng % 2])

            @pl.when(nk < nch)
            def _():
                pltpu.async_copy(
                    g_hbm.at[ixs.at[(nk // GRP) % 2, nk % GRP]],
                    rows2.at[b], sem)

        return carry

    lax.fori_loop(0, nch // 2, pair, 0)
    plsc.subcore_barrier()
    pltpu.sync_copy(acc.at[pl.ds(r0, ROWS_T)], acc_out.at[c, pl.ds(r0, ROWS_T)])


def _mm(a, b):
    return lax.dot_general(a, b, (((1,), (0,)), ((), ())),
                           precision=lax.Precision.DEFAULT,
                           preferred_element_type=jnp.float32)


def _dinv(deg_ref):
    deg = deg_ref[0] + deg_ref[1]
    tot = deg[:, :1] + 1.0
    return lax.rsqrt(tot)


def _tc0_body(x_ref, w_ref, deg_ref, g_ref):
    g_ref[...] = _mm(x_ref[...], w_ref[...]) * _dinv(deg_ref)


def _tc0(x, w, deg2):
    return pl.pallas_call(
        _tc0_body,
        out_shape=jax.ShapeDtypeStruct((N_PAD, D), jnp.float32),
    )(x, w, deg2)


def _tcmid_body(acc_ref, g_ref, deg_ref, w_ref, b_ref, o_ref):
    dinv = _dinv(deg_ref)
    a = jnp.maximum(dinv * (acc_ref[0] + acc_ref[1] + g_ref[...]) + b_ref[...], 0.0)
    o_ref[...] = _mm(a, w_ref[...]) * dinv


def _tcmid(acc2, g, deg2, w, b):
    return pl.pallas_call(
        _tcmid_body,
        out_shape=jax.ShapeDtypeStruct((N_PAD, D), jnp.float32),
    )(acc2, g, deg2, w, b)


def _tcfin_body(acc_ref, g_ref, deg_ref, b2_ref, qe_ref, fc0w_ref, fc0b_ref,
                batch_ref, w1x_ref, w1q_ref, fc1b_ref, fc2w_ref, fc2b_ref,
                o_ref):
    dinv = _dinv(deg_ref)
    h = jnp.maximum(dinv * (acc_ref[0] + acc_ref[1] + g_ref[...]) + b2_ref[...], 0.0)
    q = jnp.maximum(_mm(qe_ref[...], fc0w_ref[...]) + fc0b_ref[...], 0.0)
    q2 = _mm(q, w1q_ref[...])
    oh = (batch_ref[...] ==
          lax.broadcasted_iota(jnp.int32, (1, 64), 1)).astype(jnp.float32)
    z = jnp.maximum(_mm(h, w1x_ref[...]) + _mm(oh, q2) + fc1b_ref[...], 0.0)
    o_ref[...] = _mm(z, fc2w_ref[...]) + fc2b_ref[...]


def _tcfin(acc2, g, deg2, b2, qe, fc0w, fc0b, batchp, w1x, w1q, fc1b, fc2w, fc2b):
    return pl.pallas_call(
        _tcfin_body,
        out_shape=jax.ShapeDtypeStruct((N_PAD, D_OUT), jnp.float32),
    )(acc2, g, deg2, b2, qe, fc0w, fc0b, batchp, w1x, w1q, fc1b, fc2w, fc2b)


def kernel(x, edge_index, batch, question_embedding, W0, b0, W1, b1, W2, b2,
           fc0_W, fc0_b, fc1_W, fc1_b, fc2_W, fc2_b):
    f32 = jnp.float32
    src = edge_index[0]
    dst = edge_index[1]
    srcp = jnp.concatenate(
        [src, jnp.full((E_PAD - E,), PAD_SRC, jnp.int32)]).reshape(NROW, CHUNK)
    dstp = jnp.concatenate(
        [dst, jnp.full((E_PAD - E,), PAD_DST, jnp.int32)]).reshape(NROW, CHUNK)
    xp = jnp.pad(x, ((0, N_PAD - N), (0, 0)))
    batchp = jnp.pad(batch, (0, N_PAD - N)).reshape(N_PAD, 1)
    onesD = jnp.ones((CHUNK, D), f32)
    zrows = jnp.zeros((ROWS_T, D), f32)

    deg2 = _sc_deg(dstp, onesD, zrows)
    g0 = _tc0(xp, W0, deg2)
    acc0 = _sc_mp(g0, srcp, dstp, zrows)
    g1 = _tcmid(acc0, g0, deg2, W1, b0.reshape(1, D))
    acc1 = _sc_mp(g1, srcp, dstp, zrows)
    g2 = _tcmid(acc1, g1, deg2, W2, b1.reshape(1, D))
    acc2 = _sc_mp(g2, srcp, dstp, zrows)
    out = _tcfin(acc2, g2, deg2, b2.reshape(1, D), question_embedding,
                 fc0_W, fc0_b.reshape(1, D), batchp,
                 fc1_W[:D], fc1_W[D:], fc1_b.reshape(1, D),
                 fc2_W, fc2_b.reshape(1, D_OUT))
    return out[:N]

# --- scband reference (transcript-rebuilt; emitter-appended) ---
"""Pipeline reference for scband-gcnmodel-57853209477141 (READ-ONLY COPY).

The authoritative reference and input builder live on the scoring server;
editing this copy changes nothing except your own understanding.
"""

import jax, jax.numpy as jnp
import numpy as np

N_NODES = 10000
N_EDGES = 320000
N_GRAPHS = 64
D_IN = 128
D_HID = 128
D_QE = 256
D_PQ = 128
D_PX = 128
D_OUT = 64


def gcn_conv(x, src, dst, W, b):
    # PyG-style GCNConv: add self-loops, symmetric normalization, linear, scatter-add, bias
    n = x.shape[0]
    h = x @ W
    loop = jnp.arange(n, dtype=src.dtype)
    s = jnp.concatenate([src, loop])
    d = jnp.concatenate([dst, loop])
    deg = jnp.zeros((n,), dtype=h.dtype).at[d].add(1.0)
    dinv = jnp.where(deg > 0, jax.lax.rsqrt(deg), 0.0)
    norm = dinv[s] * dinv[d]
    msg = h[s] * norm[:, None]
    out = jnp.zeros((n, h.shape[1]), dtype=h.dtype).at[d].add(msg)
    return out + b


def setup_inputs(seed: int = 0) -> dict:
    key = jax.random.key(seed)
    ks = jax.random.split(key, 20)
    inp = {}
    inp["x"] = jax.random.normal(ks[0], (N_NODES, D_IN), dtype=jnp.float32)
    inp["edge_index"] = jax.random.randint(ks[1], (2, N_EDGES), 0, N_NODES, dtype=jnp.int32)
    inp["batch"] = jnp.sort(jax.random.randint(ks[2], (N_NODES,), 0, N_GRAPHS, dtype=jnp.int32))
    inp["question_embedding"] = jax.random.normal(ks[3], (N_GRAPHS, D_QE), dtype=jnp.float32)
    # learned parameters
    inp["W0"] = jax.random.normal(ks[4], (D_IN, D_HID), dtype=jnp.float32) * 0.05
    inp["b0"] = jnp.zeros((D_HID,), dtype=jnp.float32)
    inp["W1"] = jax.random.normal(ks[5], (D_HID, D_HID), dtype=jnp.float32) * 0.05
    inp["b1"] = jnp.zeros((D_HID,), dtype=jnp.float32)
    inp["W2"] = jax.random.normal(ks[6], (D_HID, D_PX), dtype=jnp.float32) * 0.05
    inp["b2"] = jnp.zeros((D_PX,), dtype=jnp.float32)
    inp["fc0_W"] = jax.random.normal(ks[7], (D_QE, D_PQ), dtype=jnp.float32) * 0.05
    inp["fc0_b"] = jnp.zeros((D_PQ,), dtype=jnp.float32)
    inp["fc1_W"] = jax.random.normal(ks[8], (D_PX + D_PQ, D_HID), dtype=jnp.float32) * 0.05
    inp["fc1_b"] = jnp.zeros((D_HID,), dtype=jnp.float32)
    inp["fc2_W"] = jax.random.normal(ks[9], (D_HID, D_OUT), dtype=jnp.float32) * 0.05
    inp["fc2_b"] = jnp.zeros((D_OUT,), dtype=jnp.float32)
    return inp


def reference(x, edge_index, batch, question_embedding, W0, b0, W1, b1, W2, b2, fc0_W, fc0_b, fc1_W, fc1_b, fc2_W, fc2_b):
    src, dst = edge_index[0], edge_index[1]
    h = jax.nn.relu(gcn_conv(x, src, dst, W0, b0))
    h = jax.nn.relu(gcn_conv(h, src, dst, W1, b1))
    h = jax.nn.relu(gcn_conv(h, src, dst, W2, b2))
    qe = jax.nn.relu(question_embedding @ fc0_W + fc0_b)
    qe_expanded = qe[batch]
    combined = jnp.concatenate([h, qe_expanded], axis=1)
    z = jax.nn.relu(combined @ fc1_W + fc1_b)
    out = z @ fc2_W + fc2_b
    return out

if __name__ == "__main__":
    import jax
    _d = setup_inputs()
    print(jax.jit(kernel)(*tuple(_d.values())))

</pallas_src>

<mosaic_0001>
#map = affine_map<(d0, d1) -> (0, 0)>
#map1 = affine_map<(d0, d1) -> (0, 0, 0)>
module attributes {stable_mosaic.version = 14 : i64} {
  func.func @_sc_deg(%arg0: i32, %arg1: i32, %arg2: memref<2560x128xi32, #tpu.memory_space<hbm>>, %arg3: memref<128x128xf32, #tpu.memory_space<hbm>>, %arg4: memref<640x128xf32, #tpu.memory_space<hbm>>, %arg5: memref<2x10240x128xf32, #tpu.memory_space<hbm>>, %arg6: memref<8x128xi32, #tpu.memory_space<vmem>>, %arg7: memref<128x128xf32, #tpu.memory_space<vmem>>, %arg8: memref<10240x128xf32, #tpu.memory_space<vmem_shared>>) attributes {dimension_semantics = [#tpu.dimension_semantics<core_parallel>, #tpu.dimension_semantics<subcore_parallel>], iteration_bounds = array<i64: 2, 16>, scalar_prefetch = 0 : i64, scratch_operands = 3 : i64, tpu.core_type = #tpu.core_type<sc_vector_subcore>, window_params = [{transform_indices = #map}, {transform_indices = #map}, {transform_indices = #map}, {transform_indices = #map1}]} {
    %mul3A = arith.constant 2 : i32
    %mul3A_0 = arith.muli %arg1, %mul3A : i32
    %add3A = arith.addi %mul3A_0, %arg0 : i32
    "tpu.region"() ({
      %run_scoped3A = tpu.sem_alloc : memref<!tpu.dma_semaphore, #tpu.memory_space<semaphore_mem>>
      tpu.enqueue_dma source(%arg3 : memref<128x128xf32, #tpu.memory_space<hbm>>) target(%arg7 : memref<128x128xf32, #tpu.memory_space<vmem>>) target_semaphore(%run_scoped3A : memref<!tpu.dma_semaphore, #tpu.memory_space<semaphore_mem>>)
      tpu.wait_dma2 semaphore(%run_scoped3A : memref<!tpu.dma_semaphore, #tpu.memory_space<semaphore_mem>>) src(%arg3 : memref<128x128xf32, #tpu.memory_space<hbm>>) dst(%arg7 : memref<128x128xf32, #tpu.memory_space<vmem>>)
      tpu.yield
    }) : () -> ()
    %mul3A_1 = arith.constant 640 : i32
    %mul3A_2 = arith.muli %arg1, %mul3A_1 : i32
    "tpu.region"() ({
      %run_scoped3A = tpu.sem_alloc : memref<!tpu.dma_semaphore, #tpu.memory_space<semaphore_mem>>
      %dma_start3A = arith.constant 0 : i32
      %dma_start3A_11 = tpu.memref_slice %arg8[%mul3A_2, %dma_start3A] : memref<10240x128xf32, #tpu.memory_space<vmem_shared>> -> memref<640x128xf32, #tpu.memory_space<vmem_shared>>
      tpu.enqueue_dma source(%arg4 : memref<640x128xf32, #tpu.memory_space<hbm>>) target(%dma_start3A_11 : memref<640x128xf32, #tpu.memory_space<vmem_shared>>) target_semaphore(%run_scoped3A : memref<!tpu.dma_semaphore, #tpu.memory_space<semaphore_mem>>)
      %dma_wait3A = arith.constant 0 : i32
      %dma_wait3A_12 = tpu.memref_slice %arg8[%mul3A_2, %dma_wait3A] : memref<10240x128xf32, #tpu.memory_space<vmem_shared>> -> memref<640x128xf32, #tpu.memory_space<vmem_shared>>
      tpu.wait_dma2 semaphore(%run_scoped3A : memref<!tpu.dma_semaphore, #tpu.memory_space<semaphore_mem>>) src(%arg4 : memref<640x128xf32, #tpu.memory_space<hbm>>) dst(%dma_wait3A_12 : memref<640x128xf32, #tpu.memory_space<vmem_shared>>)
      tpu.yield
    }) : () -> ()
    %barrier3A = arith.constant 0 : index
    tpu.barrier barrier_id(%barrier3A)
    %mul3A_3 = arith.constant 80 : i32
    %mul3A_4 = arith.muli %add3A, %mul3A_3 : i32
    %scan3A = arith.constant 0 : i32
    %scan3A_5 = arith.constant 0 : i32
    %scan3A_6 = arith.constant 10 : i32
    %scan3A_7 = arith.addi %scan3A_5, %scan3A_6 : i32
    %scan3A_8 = arith.constant 1 : i32
    scf.for %scan3A_11 = %scan3A_5 to %scan3A_7 step %scan3A_8  : i32 {
      %mul3A_12 = arith.constant 8 : i32
      %mul3A_13 = arith.muli %scan3A_11, %mul3A_12 : i32
      %add3A_14 = arith.addi %mul3A_4, %mul3A_13 : i32
      "tpu.region"() ({
        %run_scoped3A = tpu.sem_alloc : memref<!tpu.dma_semaphore, #tpu.memory_space<semaphore_mem>>
        %dma_start3A = arith.constant 0 : i32
        %dma_start3A_20 = tpu.memref_slice %arg2[%add3A_14, %dma_start3A] : memref<2560x128xi32, #tpu.memory_space<hbm>> -> memref<8x128xi32, #tpu.memory_space<hbm>>
        %dma_start3A_21 = arith.constant 0 : i32
        %dma_start3A_22 = tpu.memref_slice %arg2[%add3A_14, %dma_start3A_21] : memref<2560x128xi32, #tpu.memory_space<hbm>> -> memref<8x128xi32, #tpu.memory_space<hbm>>
        tpu.enqueue_dma source(%dma_start3A_22 : memref<8x128xi32, #tpu.memory_space<hbm>>) target(%arg6 : memref<8x128xi32, #tpu.memory_space<vmem>>) target_semaphore(%run_scoped3A : memref<!tpu.dma_semaphore, #tpu.memory_space<semaphore_mem>>)
        %dma_wait3A = arith.constant 0 : i32
        %dma_wait3A_23 = tpu.memref_slice %arg2[%add3A_14, %dma_wait3A] : memref<2560x128xi32, #tpu.memory_space<hbm>> -> memref<8x128xi32, #tpu.memory_space<hbm>>
        %dma_wait3A_24 = arith.constant 0 : i32
        %dma_wait3A_25 = tpu.memref_slice %arg2[%add3A_14, %dma_wait3A_24] : memref<2560x128xi32, #tpu.memory_space<hbm>> -> memref<8x128xi32, #tpu.memory_space<hbm>>
        tpu.wait_dma2 semaphore(%run_scoped3A : memref<!tpu.dma_semaphore, #tpu.memory_space<semaphore_mem>>) src(%dma_wait3A_25 : memref<8x128xi32, #tpu.memory_space<hbm>>) dst(%arg6 : memref<8x128xi32, #tpu.memory_space<vmem>>)
        tpu.yield
      }) : () -> ()
      %scan3A_15 = arith.constant 0 : i32
      %scan3A_16 = arith.constant 8 : i32
      %scan3A_17 = arith.addi %scan3A_15, %scan3A_16 : i32
      %scan3A_18 = arith.constant 1 : i32
      scf.for %scan3A_20 = %scan3A_15 to %scan3A_17 step %scan3A_18  : i32 {
        "tpu.region"() ({
          %run_scoped3A = tpu.sem_alloc : memref<!tpu.dma_semaphore, #tpu.memory_space<semaphore_mem>>
          %dma_start3A = arith.constant 0 : i32
          %dma_start3A_21 = tpu.memref_slice %arg6[%scan3A_20, %dma_start3A] : memref<8x128xi32, #tpu.memory_space<vmem>> -> memref<1x128xi32, #tpu.memory_space<vmem>>
          %dma_start3A_22 = tpu.memref_squeeze %dma_start3A_21 : memref<1x128xi32, #tpu.memory_space<vmem>> -> memref<128xi32, #tpu.memory_space<vmem>>
          %dma_start3A_23 = arith.constant 0 : i32
          %dma_start3A_24 = arith.constant 0 : i32
          %dma_start3A_25 = tpu.memref_slice %arg8[%dma_start3A_23, %dma_start3A_24] : memref<10240x128xf32, #tpu.memory_space<vmem_shared>> -> memref<10240x128xf32, #tpu.memory_space<vmem_shared>>
          tpu.enqueue_indirect_dma source(%arg7 : memref<128x128xf32, #tpu.memory_space<vmem>>) target(%dma_start3A_25 : memref<10240x128xf32, #tpu.memory_space<vmem_shared>>) offsets(%dma_start3A_22 : memref<128xi32, #tpu.memory_space<vmem>>) semaphore(%run_scoped3A : memref<!tpu.dma_semaphore, #tpu.memory_space<semaphore_mem>>) {add = true}
          %dma_wait3A = arith.constant 0 : i32
          %dma_wait3A_26 = tpu.memref_slice %arg6[%scan3A_20, %dma_wait3A] : memref<8x128xi32, #tpu.memory_space<vmem>> -> memref<1x128xi32, #tpu.memory_space<vmem>>
          %dma_wait3A_27 = tpu.memref_squeeze %dma_wait3A_26 : memref<1x128xi32, #tpu.memory_space<vmem>> -> memref<128xi32, #tpu.memory_space<vmem>>
          %dma_wait3A_28 = arith.constant 0 : i32
          %dma_wait3A_29 = arith.constant 0 : i32
          %dma_wait3A_30 = tpu.memref_slice %arg8[%dma_wait3A_28, %dma_wait3A_29] : memref<10240x128xf32, #tpu.memory_space<vmem_shared>> -> memref<10240x128xf32, #tpu.memory_space<vmem_shared>>
          tpu.wait_indirect_dma semaphore(%run_scoped3A : memref<!tpu.dma_semaphore, #tpu.memory_space<semaphore_mem>>) src(%arg7 : memref<128x128xf32, #tpu.memory_space<vmem>>) dst(%dma_wait3A_30 : memref<10240x128xf32, #tpu.memory_space<vmem_shared>>)
          tpu.yield
        }) : () -> ()
      }
      %scan3A_19 = arith.constant 8 : i32
    }
    %scan3A_9 = arith.constant 10 : i32
    %barrier3A_10 = arith.constant 0 : index
    tpu.barrier barrier_id(%barrier3A_10)
    "tpu.region"() ({
      %run_scoped3A = tpu.sem_alloc : memref<!tpu.dma_semaphore, #tpu.memory_space<semaphore_mem>>
      %dma_start3A = arith.constant 0 : i32
      %dma_start3A_11 = tpu.memref_slice %arg5[%arg0, %mul3A_2, %dma_start3A] : memref<2x10240x128xf32, #tpu.memory_space<hbm>> -> memref<1x640x128xf32, #tpu.memory_space<hbm>>
      %dma_start3A_12 = tpu.memref_squeeze %dma_start3A_11 : memref<1x640x128xf32, #tpu.memory_space<hbm>> -> memref<640x128xf32, #tpu.memory_space<hbm>>
      %dma_start3A_13 = arith.constant 0 : i32
      %dma_start3A_14 = tpu.memref_slice %arg8[%mul3A_2, %dma_start3A_13] : memref<10240x128xf32, #tpu.memory_space<vmem_shared>> -> memref<640x128xf32, #tpu.memory_space<vmem_shared>>
      tpu.enqueue_dma source(%dma_start3A_14 : memref<640x128xf32, #tpu.memory_space<vmem_shared>>) target(%dma_start3A_12 : memref<640x128xf32, #tpu.memory_space<hbm>>) target_semaphore(%run_scoped3A : memref<!tpu.dma_semaphore, #tpu.memory_space<semaphore_mem>>)
      %dma_wait3A = arith.constant 0 : i32
      %dma_wait3A_15 = tpu.memref_slice %arg5[%arg0, %mul3A_2, %dma_wait3A] : memref<2x10240x128xf32, #tpu.memory_space<hbm>> -> memref<1x640x128xf32, #tpu.memory_space<hbm>>
      %dma_wait3A_16 = tpu.memref_squeeze %dma_wait3A_15 : memref<1x640x128xf32, #tpu.memory_space<hbm>> -> memref<640x128xf32, #tpu.memory_space<hbm>>
      %dma_wait3A_17 = arith.constant 0 : i32
      %dma_wait3A_18 = tpu.memref_slice %arg8[%mul3A_2, %dma_wait3A_17] : memref<10240x128xf32, #tpu.memory_space<vmem_shared>> -> memref<640x128xf32, #tpu.memory_space<vmem_shared>>
      tpu.wait_dma2 semaphore(%run_scoped3A : memref<!tpu.dma_semaphore, #tpu.memory_space<semaphore_mem>>) src(%dma_wait3A_18 : memref<640x128xf32, #tpu.memory_space<vmem_shared>>) dst(%dma_wait3A_16 : memref<640x128xf32, #tpu.memory_space<hbm>>)
      tpu.yield
    }) : () -> ()
    return
  }
}

#map = affine_map<(d0, d1) -> (0, 0)>
#map1 = affine_map<(d0, d1) -> (0, 0, 0)>
module attributes {stable_mosaic.version = 14 : i64} {
  func.func @_sc_mp(%arg0: i32, %arg1: i32, %arg2: memref<10240x128xf32, #tpu.memory_space<hbm>>, %arg3: memref<2560x128xi32, #tpu.memory_space<hbm>>, %arg4: memref<2560x128xi32, #tpu.memory_space<hbm>>, %arg5: memref<640x128xf32, #tpu.memory_space<hbm>>, %arg6: memref<2x10240x128xf32, #tpu.memory_space<hbm>>, %arg7: memref<2x8x128xi32, #tpu.memory_space<vmem>>, %arg8: memref<2x8x128xi32, #tpu.memory_space<vmem>>, %arg9: memref<2x128x128xf32, #tpu.memory_space<vmem>>, %arg10: memref<10240x128xf32, #tpu.memory_space<vmem_shared>>, %arg11: memref<!tpu.dma_semaphore, #tpu.memory_space<semaphore_mem>>, %arg12: memref<!tpu.dma_semaphore, #tpu.memory_space<semaphore_mem>>) attributes {dimension_semantics = [#tpu.dimension_semantics<core_parallel>, #tpu.dimension_semantics<subcore_parallel>], iteration_bounds = array<i64: 2, 16>, scalar_prefetch = 0 : i64, scratch_operands = 6 : i64, tpu.core_type = #tpu.core_type<sc_vector_subcore>, window_params = [{transform_indices = #map}, {transform_indices = #map}, {transform_indices = #map}, {transform_indices = #map}, {transform_indices = #map1}]} {
    %mul3A = arith.constant 640 : i32
    %mul3A_0 = arith.muli %arg1, %mul3A : i32
    "tpu.region"() ({
      %run_scoped3A_65 = tpu.sem_alloc : memref<!tpu.dma_semaphore, #tpu.memory_space<semaphore_mem>>
      %dma_start3A_66 = arith.constant 0 : i32
      %dma_start3A_67 = tpu.memref_slice %arg10[%mul3A_0, %dma_start3A_66] : memref<10240x128xf32, #tpu.memory_space<vmem_shared>> -> memref<640x128xf32, #tpu.memory_space<vmem_shared>>
      tpu.enqueue_dma source(%arg5 : memref<640x128xf32, #tpu.memory_space<hbm>>) target(%dma_start3A_67 : memref<640x128xf32, #tpu.memory_space<vmem_shared>>) target_semaphore(%run_scoped3A_65 : memref<!tpu.dma_semaphore, #tpu.memory_space<semaphore_mem>>)
      %dma_wait3A = arith.constant 0 : i32
      %dma_wait3A_68 = tpu.memref_slice %arg10[%mul3A_0, %dma_wait3A] : memref<10240x128xf32, #tpu.memory_space<vmem_shared>> -> memref<640x128xf32, #tpu.memory_space<vmem_shared>>
      tpu.wait_dma2 semaphore(%run_scoped3A_65 : memref<!tpu.dma_semaphore, #tpu.memory_space<semaphore_mem>>) src(%arg5 : memref<640x128xf32, #tpu.memory_space<hbm>>) dst(%dma_wait3A_68 : memref<640x128xf32, #tpu.memory_space<vmem_shared>>)
      tpu.yield
    }) : () -> ()
    %barrier3A = arith.constant 0 : index
    tpu.barrier barrier_id(%barrier3A)
    %eq3A = arith.constant 0 : i32
    %eq3A_1 = arith.cmpi eq, %arg0, %eq3A : i32
    %jit3A = arith.constant 120 : i32
    %jit3A_2 = arith.constant 40 : i32
    %select_n3A = arith.select %eq3A_1, %jit3A, %jit3A_2 : i32
    %eq3A_3 = arith.constant 0 : i32
    %eq3A_4 = arith.cmpi eq, %arg0, %eq3A_3 : i32
    %mul3A_5 = arith.constant 120 : i32
    %mul3A_6 = arith.muli %arg1, %mul3A_5 : i32
    %mul3A_7 = arith.constant 40 : i32
    %mul3A_8 = arith.muli %arg1, %mul3A_7 : i32
    %add3A = arith.constant 1920 : i32
    %add3A_9 = arith.addi %add3A, %mul3A_8 : i32
    %select_n3A_10 = arith.select %eq3A_4, %mul3A_6, %add3A_9 : i32
    %run_scoped3A = arith.constant 0 : i32
    "tpu.region"() ({
      %run_scoped3A_65 = tpu.sem_alloc : memref<!tpu.dma_semaphore, #tpu.memory_space<semaphore_mem>>
      %dma_start3A_66 = arith.constant 0 : i32
      %dma_start3A_67 = arith.constant 0 : i32
      %dma_start3A_68 = tpu.memref_slice %arg7[%run_scoped3A, %dma_start3A_66, %dma_start3A_67] : memref<2x8x128xi32, #tpu.memory_space<vmem>> -> memref<1x8x128xi32, #tpu.memory_space<vmem>>
      %dma_start3A_69 = tpu.memref_squeeze %dma_start3A_68 : memref<1x8x128xi32, #tpu.memory_space<vmem>> -> memref<8x128xi32, #tpu.memory_space<vmem>>
      %dma_start3A_70 = arith.constant 0 : i32
      %dma_start3A_71 = tpu.memref_slice %arg3[%select_n3A_10, %dma_start3A_70] : memref<2560x128xi32, #tpu.memory_space<hbm>> -> memref<8x128xi32, #tpu.memory_space<hbm>>
      %dma_start3A_72 = arith.constant 0 : i32
      %dma_start3A_73 = arith.constant 0 : i32
      %dma_start3A_74 = tpu.memref_slice %arg7[%run_scoped3A, %dma_start3A_72, %dma_start3A_73] : memref<2x8x128xi32, #tpu.memory_space<vmem>> -> memref<1x8x128xi32, #tpu.memory_space<vmem>>
      %dma_start3A_75 = tpu.memref_squeeze %dma_start3A_74 : memref<1x8x128xi32, #tpu.memory_space<vmem>> -> memref<8x128xi32, #tpu.memory_space<vmem>>
      %dma_start3A_76 = arith.constant 0 : i32
      %dma_start3A_77 = tpu.memref_slice %arg3[%select_n3A_10, %dma_start3A_76] : memref<2560x128xi32, #tpu.memory_space<hbm>> -> memref<8x128xi32, #tpu.memory_space<hbm>>
      tpu.enqueue_dma source(%dma_start3A_77 : memref<8x128xi32, #tpu.memory_space<hbm>>) target(%dma_start3A_75 : memref<8x128xi32, #tpu.memory_space<vmem>>) target_semaphore(%run_scoped3A_65 : memref<!tpu.dma_semaphore, #tpu.memory_space<semaphore_mem>>)
      %dma_wait3A = arith.constant 0 : i32
      %dma_wait3A_78 = arith.constant 0 : i32
      %dma_wait3A_79 = tpu.memref_slice %arg7[%run_scoped3A, %dma_wait3A, %dma_wait3A_78] : memref<2x8x128xi32, #tpu.memory_space<vmem>> -> memref<1x8x128xi32, #tpu.memory_space<vmem>>
      %dma_wait3A_80 = tpu.memref_squeeze %dma_wait3A_79 : memref<1x8x128xi32, #tpu.memory_space<vmem>> -> memref<8x128xi32, #tpu.memory_space<vmem>>
      %dma_wait3A_81 = arith.constant 0 : i32
      %dma_wait3A_82 = tpu.memref_slice %arg3[%select_n3A_10, %dma_wait3A_81] : memref<2560x128xi32, #tpu.memory_space<hbm>> -> memref<8x128xi32, #tpu.memory_space<hbm>>
      %dma_wait3A_83 = arith.constant 0 : i32
      %dma_wait3A_84 = arith.constant 0 : i32
      %dma_wait3A_85 = tpu.memref_slice %arg7[%run_scoped3A, %dma_wait3A_83, %dma_wait3A_84] : memref<2x8x128xi32, #tpu.memory_space<vmem>> -> memref<1x8x128xi32, #tpu.memory_space<vmem>>
      %dma_wait3A_86 = tpu.memref_squeeze %dma_wait3A_85 : memref<1x8x128xi32, #tpu.memory_space<vmem>> -> memref<8x128xi32, #tpu.memory_space<vmem>>
      %dma_wait3A_87 = arith.constant 0 : i32
      %dma_wait3A_88 = tpu.memref_slice %arg3[%select_n3A_10, %dma_wait3A_87] : memref<2560x128xi32, #tpu.memory_space<hbm>> -> memref<8x128xi32, #tpu.memory_space<hbm>>
      tpu.wait_dma2 semaphore(%run_scoped3A_65 : memref<!tpu.dma_semaphore, #tpu.memory_space<semaphore_mem>>) src(%dma_wait3A_88 : memref<8x128xi32, #tpu.memory_space<hbm>>) dst(%dma_wait3A_86 : memref<8x128xi32, #tpu.memory_space<vmem>>)
      tpu.yield
    }) : () -> ()
    %run_scoped3A_11 = arith.constant 0 : i32
    "tpu.region"() ({
      %run_scoped3A_65 = tpu.sem_alloc : memref<!tpu.dma_semaphore, #tpu.memory_space<semaphore_mem>>
      %dma_start3A_66 = arith.constant 0 : i32
      %dma_start3A_67 = arith.constant 0 : i32
      %dma_start3A_68 = tpu.memref_slice %arg8[%run_scoped3A_11, %dma_start3A_66, %dma_start3A_67] : memref<2x8x128xi32, #tpu.memory_space<vmem>> -> memref<1x8x128xi32, #tpu.memory_space<vmem>>
      %dma_start3A_69 = tpu.memref_squeeze %dma_start3A_68 : memref<1x8x128xi32, #tpu.memory_space<vmem>> -> memref<8x128xi32, #tpu.memory_space<vmem>>
      %dma_start3A_70 = arith.constant 0 : i32
      %dma_start3A_71 = tpu.memref_slice %arg4[%select_n3A_10, %dma_start3A_70] : memref<2560x128xi32, #tpu.memory_space<hbm>> -> memref<8x128xi32, #tpu.memory_space<hbm>>
      %dma_start3A_72 = arith.constant 0 : i32
      %dma_start3A_73 = arith.constant 0 : i32
      %dma_start3A_74 = tpu.memref_slice %arg8[%run_scoped3A_11, %dma_start3A_72, %dma_start3A_73] : memref<2x8x128xi32, #tpu.memory_space<vmem>> -> memref<1x8x128xi32, #tpu.memory_space<vmem>>
      %dma_start3A_75 = tpu.memref_squeeze %dma_start3A_74 : memref<1x8x128xi32, #tpu.memory_space<vmem>> -> memref<8x128xi32, #tpu.memory_space<vmem>>
      %dma_start3A_76 = arith.constant 0 : i32
      %dma_start3A_77 = tpu.memref_slice %arg4[%select_n3A_10, %dma_start3A_76] : memref<2560x128xi32, #tpu.memory_space<hbm>> -> memref<8x128xi32, #tpu.memory_space<hbm>>
      tpu.enqueue_dma source(%dma_start3A_77 : memref<8x128xi32, #tpu.memory_space<hbm>>) target(%dma_start3A_75 : memref<8x128xi32, #tpu.memory_space<vmem>>) target_semaphore(%run_scoped3A_65 : memref<!tpu.dma_semaphore, #tpu.memory_space<semaphore_mem>>)
      %dma_wait3A = arith.constant 0 : i32
      %dma_wait3A_78 = arith.constant 0 : i32
      %dma_wait3A_79 = tpu.memref_slice %arg8[%run_scoped3A_11, %dma_wait3A, %dma_wait3A_78] : memref<2x8x128xi32, #tpu.memory_space<vmem>> -> memref<1x8x128xi32, #tpu.memory_space<vmem>>
      %dma_wait3A_80 = tpu.memref_squeeze %dma_wait3A_79 : memref<1x8x128xi32, #tpu.memory_space<vmem>> -> memref<8x128xi32, #tpu.memory_space<vmem>>
      %dma_wait3A_81 = arith.constant 0 : i32
      %dma_wait3A_82 = tpu.memref_slice %arg4[%select_n3A_10, %dma_wait3A_81] : memref<2560x128xi32, #tpu.memory_space<hbm>> -> memref<8x128xi32, #tpu.memory_space<hbm>>
      %dma_wait3A_83 = arith.constant 0 : i32
      %dma_wait3A_84 = arith.constant 0 : i32
      %dma_wait3A_85 = tpu.memref_slice %arg8[%run_scoped3A_11, %dma_wait3A_83, %dma_wait3A_84] : memref<2x8x128xi32, #tpu.memory_space<vmem>> -> memref<1x8x128xi32, #tpu.memory_space<vmem>>
      %dma_wait3A_86 = tpu.memref_squeeze %dma_wait3A_85 : memref<1x8x128xi32, #tpu.memory_space<vmem>> -> memref<8x128xi32, #tpu.memory_space<vmem>>
      %dma_wait3A_87 = arith.constant 0 : i32
      %dma_wait3A_88 = tpu.memref_slice %arg4[%select_n3A_10, %dma_wait3A_87] : memref<2560x128xi32, #tpu.memory_space<hbm>> -> memref<8x128xi32, #tpu.memory_space<hbm>>
      tpu.wait_dma2 semaphore(%run_scoped3A_65 : memref<!tpu.dma_semaphore, #tpu.memory_space<semaphore_mem>>) src(%dma_wait3A_88 : memref<8x128xi32, #tpu.memory_space<hbm>>) dst(%dma_wait3A_86 : memref<8x128xi32, #tpu.memory_space<vmem>>)
      tpu.yield
    }) : () -> ()
    %dma_start3A = arith.constant 0 : i32
    %dma_start3A_12 = arith.constant 0 : i32
    %dma_start3A_13 = arith.constant 0 : i32
    %dma_start3A_14 = arith.constant 0 : i32
    %dma_start3A_15 = arith.constant 0 : i32
    %dma_start3A_16 = tpu.memref_slice %arg9[%dma_start3A_13, %dma_start3A_14, %dma_start3A_15] : memref<2x128x128xf32, #tpu.memory_space<vmem>> -> memref<1x128x128xf32, #tpu.memory_space<vmem>>
    %dma_start3A_17 = tpu.memref_squeeze %dma_start3A_16 : memref<1x128x128xf32, #tpu.memory_space<vmem>> -> memref<128x128xf32, #tpu.memory_space<vmem>>
    %dma_start3A_18 = arith.constant 0 : i32
    %dma_start3A_19 = tpu.memref_slice %arg7[%dma_start3A, %dma_start3A_12, %dma_start3A_18] : memref<2x8x128xi32, #tpu.memory_space<vmem>> -> memref<1x1x128xi32, #tpu.memory_space<vmem>>
    %dma_start3A_20 = tpu.memref_squeeze %dma_start3A_19 : memref<1x1x128xi32, #tpu.memory_space<vmem>> -> memref<128xi32, #tpu.memory_space<vmem>>
    %dma_start3A_21 = arith.constant 0 : i32
    %dma_start3A_22 = arith.constant 0 : i32
    %dma_start3A_23 = tpu.memref_slice %arg2[%dma_start3A_21, %dma_start3A_22] : memref<10240x128xf32, #tpu.memory_space<hbm>> -> memref<10240x128xf32, #tpu.memory_space<hbm>>
    tpu.enqueue_indirect_dma source(%dma_start3A_23 : memref<10240x128xf32, #tpu.memory_space<hbm>>) target(%dma_start3A_17 : memref<128x128xf32, #tpu.memory_space<vmem>>) offsets(%dma_start3A_20 : memref<128xi32, #tpu.memory_space<vmem>>) semaphore(%arg11 : memref<!tpu.dma_semaphore, #tpu.memory_space<semaphore_mem>>)
    %dma_start3A_24 = arith.constant 0 : i32
    %dma_start3A_25 = arith.constant 1 : i32
    %dma_start3A_26 = arith.constant 1 : i32
    %dma_start3A_27 = arith.constant 0 : i32
    %dma_start3A_28 = arith.constant 0 : i32
    %dma_start3A_29 = tpu.memref_slice %arg9[%dma_start3A_26, %dma_start3A_27, %dma_start3A_28] : memref<2x128x128xf32, #tpu.memory_space<vmem>> -> memref<1x128x128xf32, #tpu.memory_space<vmem>>
    %dma_start3A_30 = tpu.memref_squeeze %dma_start3A_29 : memref<1x128x128xf32, #tpu.memory_space<vmem>> -> memref<128x128xf32, #tpu.memory_space<vmem>>
    %dma_start3A_31 = arith.constant 0 : i32
    %dma_start3A_32 = tpu.memref_slice %arg7[%dma_start3A_24, %dma_start3A_25, %dma_start3A_31] : memref<2x8x128xi32, #tpu.memory_space<vmem>> -> memref<1x1x128xi32, #tpu.memory_space<vmem>>
    %dma_start3A_33 = tpu.memref_squeeze %dma_start3A_32 : memref<1x1x128xi32, #tpu.memory_space<vmem>> -> memref<128xi32, #tpu.memory_space<vmem>>
    %dma_start3A_34 = arith.constant 0 : i32
    %dma_start3A_35 = arith.constant 0 : i32
    %dma_start3A_36 = tpu.memref_slice %arg2[%dma_start3A_34, %dma_start3A_35] : memref<10240x128xf32, #tpu.memory_space<hbm>> -> memref<10240x128xf32, #tpu.memory_space<hbm>>
    tpu.enqueue_indirect_dma source(%dma_start3A_36 : memref<10240x128xf32, #tpu.memory_space<hbm>>) target(%dma_start3A_30 : memref<128x128xf32, #tpu.memory_space<vmem>>) offsets(%dma_start3A_33 : memref<128xi32, #tpu.memory_space<vmem>>) semaphore(%arg12 : memref<!tpu.dma_semaphore, #tpu.memory_space<semaphore_mem>>)
    %jit3A_37 = arith.constant 2 : i32
    %div3A = arith.divsi %select_n3A, %jit3A_37 : i32
    %sign3A = arith.constant 0 : i32
    %sign3A_38 = arith.cmpi sgt, %select_n3A, %sign3A : i32
    %sign3A_39 = arith.extui %sign3A_38 : i1 to i32
    %sign3A_40 = arith.constant 0 : i32
    %sign3A_41 = arith.cmpi slt, %select_n3A, %sign3A_40 : i32
    %sign3A_42 = arith.extui %sign3A_41 : i1 to i32
    %sign3A_43 = arith.subi %sign3A_39, %sign3A_42 : i32
    %sign3A_44 = arith.constant 0 : i32
    %sign3A_45 = arith.cmpi sgt, %jit3A_37, %sign3A_44 : i32
    %sign3A_46 = arith.extui %sign3A_45 : i1 to i32
    %sign3A_47 = arith.constant 0 : i32
    %sign3A_48 = arith.cmpi slt, %jit3A_37, %sign3A_47 : i32
    %sign3A_49 = arith.extui %sign3A_48 : i1 to i32
    %sign3A_50 = arith.subi %sign3A_46, %sign3A_49 : i32
    %ne3A = arith.cmpi ne, %sign3A_43, %sign3A_50 : i32
    %rem3A = arith.remsi %select_n3A, %jit3A_37 : i32
    %ne3A_51 = arith.constant 0 : i32
    %ne3A_52 = arith.cmpi ne, %rem3A, %ne3A_51 : i32
    %and3A = arith.andi %ne3A, %ne3A_52 : i1
    %sub3A = arith.constant 1 : i32
    %sub3A_53 = arith.subi %div3A, %sub3A : i32
    %select_n3A_54 = arith.select %and3A, %sub3A_53, %div3A : i32
    %while3A = arith.constant 0 : i32
    %while3A_55 = arith.constant 0 : i32
    %while3A_56 = arith.subi %select_n3A_54, %while3A_55 : i32
    %while3A_57 = arith.addi %while3A_55, %while3A_56 : i32
    %while3A_58 = arith.constant 1 : i32
    %while3A_59 = arith.divsi %while3A_56, %while3A_58 : i32
    %while3A_60 = arith.muli %while3A_59, %while3A_58 : i32
    %while3A_61 = arith.addi %while3A_55, %while3A_60 : i32
    %while3A_62 = arith.constant 1 : i32
    scf.for %while3A_65 = %while3A_55 to %while3A_61 step %while3A_62  : i32 {
      %mul3A_66 = arith.constant 2 : i32
      %mul3A_67 = arith.muli %mul3A_66, %while3A_65 : i32
      %add3A_68 = arith.constant 0 : i32
      %add3A_69 = arith.addi %mul3A_67, %add3A_68 : i32
      %dma_wait3A = arith.constant 0 : i32
      %dma_wait3A_70 = arith.constant 0 : i32
      %dma_wait3A_71 = arith.constant 0 : i32
      %dma_wait3A_72 = arith.constant 0 : i32
      %dma_wait3A_73 = arith.constant 0 : i32
      %dma_wait3A_74 = tpu.memref_slice %arg9[%dma_wait3A_71, %dma_wait3A_72, %dma_wait3A_73] : memref<2x128x128xf32, #tpu.memory_space<vmem>> -> memref<1x128x128xf32, #tpu.memory_space<vmem>>
      %dma_wait3A_75 = tpu.memref_squeeze %dma_wait3A_74 : memref<1x128x128xf32, #tpu.memory_space<vmem>> -> memref<128x128xf32, #tpu.memory_space<vmem>>
      %dma_wait3A_76 = arith.constant 0 : i32
      %dma_wait3A_77 = tpu.memref_slice %arg7[%dma_wait3A, %dma_wait3A_70, %dma_wait3A_76] : memref<2x8x128xi32, #tpu.memory_space<vmem>> -> memref<1x1x128xi32, #tpu.memory_space<vmem>>
      %dma_wait3A_78 = tpu.memref_squeeze %dma_wait3A_77 : memref<1x1x128xi32, #tpu.memory_space<vmem>> -> memref<128xi32, #tpu.memory_space<vmem>>
      %dma_wait3A_79 = arith.constant 0 : i32
      %dma_wait3A_80 = arith.constant 0 : i32
      %dma_wait3A_81 = tpu.memref_slice %arg2[%dma_wait3A_79, %dma_wait3A_80] : memref<10240x128xf32, #tpu.memory_space<hbm>> -> memref<10240x128xf32, #tpu.memory_space<hbm>>
      tpu.wait_indirect_dma semaphore(%arg11 : memref<!tpu.dma_semaphore, #tpu.memory_space<semaphore_mem>>) src(%dma_wait3A_81 : memref<10240x128xf32, #tpu.memory_space<hbm>>) dst(%dma_wait3A_75 : memref<128x128xf32, #tpu.memory_space<vmem>>)
      %jit3A_82 = arith.constant 8 : i32
      %div3A_83 = arith.divsi %add3A_69, %jit3A_82 : i32
      %sign3A_84 = arith.constant 0 : i32
      %sign3A_85 = arith.cmpi sgt, %add3A_69, %sign3A_84 : i32
      %sign3A_86 = arith.extui %sign3A_85 : i1 to i32
      %sign3A_87 = arith.constant 0 : i32
      %sign3A_88 = arith.cmpi slt, %add3A_69, %sign3A_87 : i32
      %sign3A_89 = arith.extui %sign3A_88 : i1 to i32
      %sign3A_90 = arith.subi %sign3A_86, %sign3A_89 : i32
      %sign3A_91 = arith.constant 0 : i32
      %sign3A_92 = arith.cmpi sgt, %jit3A_82, %sign3A_91 : i32
      %sign3A_93 = arith.extui %sign3A_92 : i1 to i32
      %sign3A_94 = arith.constant 0 : i32
      %sign3A_95 = arith.cmpi slt, %jit3A_82, %sign3A_94 : i32
      %sign3A_96 = arith.extui %sign3A_95 : i1 to i32
      %sign3A_97 = arith.subi %sign3A_93, %sign3A_96 : i32
      %ne3A_98 = arith.cmpi ne, %sign3A_90, %sign3A_97 : i32
      %rem3A_99 = arith.remsi %add3A_69, %jit3A_82 : i32
      %ne3A_100 = arith.constant 0 : i32
      %ne3A_101 = arith.cmpi ne, %rem3A_99, %ne3A_100 : i32
      %and3A_102 = arith.andi %ne3A_98, %ne3A_101 : i1
      %sub3A_103 = arith.constant 1 : i32
      %sub3A_104 = arith.subi %div3A_83, %sub3A_103 : i32
      %select_n3A_105 = arith.select %and3A_102, %sub3A_104, %div3A_83 : i32
      %jit3A_106 = arith.constant 2 : i32
      %eq3A_107 = arith.constant 0 : i32
      %eq3A_108 = arith.cmpi eq, %jit3A_106, %eq3A_107 : i32
      %jit3A_109 = arith.constant 1 : i32
      %select_n3A_110 = arith.select %eq3A_108, %jit3A_109, %jit3A_106 : i32
      %rem3A_111 = arith.remsi %select_n3A_105, %select_n3A_110 : i32
      %ne3A_112 = arith.constant 0 : i32
      %ne3A_113 = arith.cmpi ne, %rem3A_111, %ne3A_112 : i32
      %lt3A = arith.constant 0 : i32
      %lt3A_114 = arith.cmpi slt, %rem3A_111, %lt3A : i32
      %lt3A_115 = arith.constant 0 : i32
      %lt3A_116 = arith.cmpi slt, %select_n3A_110, %lt3A_115 : i32
      %ne3A_117 = arith.xori %lt3A_114, %lt3A_116 : i1
      %and3A_118 = arith.andi %ne3A_117, %ne3A_113 : i1
      %add3A_119 = arith.addi %rem3A_111, %select_n3A_110 : i32
      %select_n3A_120 = arith.select %and3A_118, %add3A_119, %rem3A_111 : i32
      %jit3A_121 = arith.constant 8 : i32
      %eq3A_122 = arith.constant 0 : i32
      %eq3A_123 = arith.cmpi eq, %jit3A_121, %eq3A_122 : i32
      %jit3A_124 = arith.constant 1 : i32
      %select_n3A_125 = arith.select %eq3A_123, %jit3A_124, %jit3A_121 : i32
      %rem3A_126 = arith.remsi %add3A_69, %select_n3A_125 : i32
      %ne3A_127 = arith.constant 0 : i32
      %ne3A_128 = arith.cmpi ne, %rem3A_126, %ne3A_127 : i32
      %lt3A_129 = arith.constant 0 : i32
      %lt3A_130 = arith.cmpi slt, %rem3A_126, %lt3A_129 : i32
      %lt3A_131 = arith.constant 0 : i32
      %lt3A_132 = arith.cmpi slt, %select_n3A_125, %lt3A_131 : i32
      %ne3A_133 = arith.xori %lt3A_130, %lt3A_132 : i1
      %and3A_134 = arith.andi %ne3A_133, %ne3A_128 : i1
      %add3A_135 = arith.addi %rem3A_126, %select_n3A_125 : i32
      %select_n3A_136 = arith.select %and3A_134, %add3A_135, %rem3A_126 : i32
      %run_scoped3A_137 = arith.constant 0 : i32
      "tpu.region"() ({
        %run_scoped3A_245 = tpu.sem_alloc : memref<!tpu.dma_semaphore, #tpu.memory_space<semaphore_mem>>
        %dma_start3A_246 = arith.constant 0 : i32
        %dma_start3A_247 = arith.constant 0 : i32
        %dma_start3A_248 = tpu.memref_slice %arg9[%run_scoped3A_137, %dma_start3A_246, %dma_start3A_247] : memref<2x128x128xf32, #tpu.memory_space<vmem>> -> memref<1x128x128xf32, #tpu.memory_space<vmem>>
        %dma_start3A_249 = tpu.memref_squeeze %dma_start3A_248 : memref<1x128x128xf32, #tpu.memory_space<vmem>> -> memref<128x128xf32, #tpu.memory_space<vmem>>
        %dma_start3A_250 = arith.constant 0 : i32
        %dma_start3A_251 = tpu.memref_slice %arg8[%select_n3A_120, %select_n3A_136, %dma_start3A_250] : memref<2x8x128xi32, #tpu.memory_space<vmem>> -> memref<1x1x128xi32, #tpu.memory_space<vmem>>
        %dma_start3A_252 = tpu.memref_squeeze %dma_start3A_251 : memref<1x1x128xi32, #tpu.memory_space<vmem>> -> memref<128xi32, #tpu.memory_space<vmem>>
        %dma_start3A_253 = arith.constant 0 : i32
        %dma_start3A_254 = arith.constant 0 : i32
        %dma_start3A_255 = tpu.memref_slice %arg10[%dma_start3A_253, %dma_start3A_254] : memref<10240x128xf32, #tpu.memory_space<vmem_shared>> -> memref<10240x128xf32, #tpu.memory_space<vmem_shared>>
        tpu.enqueue_indirect_dma source(%dma_start3A_249 : memref<128x128xf32, #tpu.memory_space<vmem>>) target(%dma_start3A_255 : memref<10240x128xf32, #tpu.memory_space<vmem_shared>>) offsets(%dma_start3A_252 : memref<128xi32, #tpu.memory_space<vmem>>) semaphore(%run_scoped3A_245 : memref<!tpu.dma_semaphore, #tpu.memory_space<semaphore_mem>>) {add = true}
        %dma_wait3A_256 = arith.constant 0 : i32
        %dma_wait3A_257 = arith.constant 0 : i32
        %dma_wait3A_258 = tpu.memref_slice %arg9[%run_scoped3A_137, %dma_wait3A_256, %dma_wait3A_257] : memref<2x128x128xf32, #tpu.memory_space<vmem>> -> memref<1x128x128xf32, #tpu.memory_space<vmem>>
        %dma_wait3A_259 = tpu.memref_squeeze %dma_wait3A_258 : memref<1x128x128xf32, #tpu.memory_space<vmem>> -> memref<128x128xf32, #tpu.memory_space<vmem>>
        %dma_wait3A_260 = arith.constant 0 : i32
        %dma_wait3A_261 = tpu.memref_slice %arg8[%select_n3A_120, %select_n3A_136, %dma_wait3A_260] : memref<2x8x128xi32, #tpu.memory_space<vmem>> -> memref<1x1x128xi32, #tpu.memory_space<vmem>>
        %dma_wait3A_262 = tpu.memref_squeeze %dma_wait3A_261 : memref<1x1x128xi32, #tpu.memory_space<vmem>> -> memref<128xi32, #tpu.memory_space<vmem>>
        %dma_wait3A_263 = arith.constant 0 : i32
        %dma_wait3A_264 = arith.constant 0 : i32
        %dma_wait3A_265 = tpu.memref_slice %arg10[%dma_wait3A_263, %dma_wait3A_264] : memref<10240x128xf32, #tpu.memory_space<vmem_shared>> -> memref<10240x128xf32, #tpu.memory_space<vmem_shared>>
        tpu.wait_indirect_dma semaphore(%run_scoped3A_245 : memref<!tpu.dma_semaphore, #tpu.memory_space<semaphore_mem>>) src(%dma_wait3A_259 : memref<128x128xf32, #tpu.memory_space<vmem>>) dst(%dma_wait3A_265 : memref<10240x128xf32, #tpu.memory_space<vmem_shared>>)
        tpu.yield
      }) : () -> ()
      %add3A_138 = arith.constant 2 : i32
      %add3A_139 = arith.addi %add3A_69, %add3A_138 : i32
      %jit3A_140 = arith.constant 8 : i32
      %eq3A_141 = arith.constant 0 : i32
      %eq3A_142 = arith.cmpi eq, %jit3A_140, %eq3A_141 : i32
      %jit3A_143 = arith.constant 1 : i32
      %select_n3A_144 = arith.select %eq3A_142, %jit3A_143, %jit3A_140 : i32
      %rem3A_145 = arith.remsi %add3A_139, %select_n3A_144 : i32
      %ne3A_146 = arith.constant 0 : i32
      %ne3A_147 = arith.cmpi ne, %rem3A_145, %ne3A_146 : i32
      %lt3A_148 = arith.constant 0 : i32
      %lt3A_149 = arith.cmpi slt, %rem3A_145, %lt3A_148 : i32
      %lt3A_150 = arith.constant 0 : i32
      %lt3A_151 = arith.cmpi slt, %select_n3A_144, %lt3A_150 : i32
      %ne3A_152 = arith.xori %lt3A_149, %lt3A_151 : i1
      %and3A_153 = arith.andi %ne3A_152, %ne3A_147 : i1
      %add3A_154 = arith.addi %rem3A_145, %select_n3A_144 : i32
      %select_n3A_155 = arith.select %and3A_153, %add3A_154, %rem3A_145 : i32
      %eq3A_156 = arith.constant 0 : i32
      %eq3A_157 = arith.cmpi eq, %select_n3A_155, %eq3A_156 : i32
      %lt3A_158 = arith.cmpi slt, %add3A_139, %select_n3A : i32
      %and3A_159 = arith.andi %eq3A_157, %lt3A_158 : i1
      %convert_element_type3A = arith.extui %and3A_159 : i1 to i32
      %cond3A = arith.constant 0 : i32
      %cond3A_160 = arith.cmpi ne, %convert_element_type3A, %cond3A : i32
      scf.if %cond3A_160 {
        %jit3A_245 = arith.constant 8 : i32
        %div3A_246 = arith.divsi %add3A_139, %jit3A_245 : i32
        %sign3A_247 = arith.constant 0 : i32
        %sign3A_248 = arith.cmpi sgt, %add3A_139, %sign3A_247 : i32
        %sign3A_249 = arith.extui %sign3A_248 : i1 to i32
        %sign3A_250 = arith.constant 0 : i32
        %sign3A_251 = arith.cmpi slt, %add3A_139, %sign3A_250 : i32
        %sign3A_252 = arith.extui %sign3A_251 : i1 to i32
        %sign3A_253 = arith.subi %sign3A_249, %sign3A_252 : i32
        %sign3A_254 = arith.constant 0 : i32
        %sign3A_255 = arith.cmpi sgt, %jit3A_245, %sign3A_254 : i32
        %sign3A_256 = arith.extui %sign3A_255 : i1 to i32
        %sign3A_257 = arith.constant 0 : i32
        %sign3A_258 = arith.cmpi slt, %jit3A_245, %sign3A_257 : i32
        %sign3A_259 = arith.extui %sign3A_258 : i1 to i32
        %sign3A_260 = arith.subi %sign3A_256, %sign3A_259 : i32
        %ne3A_261 = arith.cmpi ne, %sign3A_253, %sign3A_260 : i32
        %rem3A_262 = arith.remsi %add3A_139, %jit3A_245 : i32
        %ne3A_263 = arith.constant 0 : i32
        %ne3A_264 = arith.cmpi ne, %rem3A_262, %ne3A_263 : i32
        %and3A_265 = arith.andi %ne3A_261, %ne3A_264 : i1
        %sub3A_266 = arith.constant 1 : i32
        %sub3A_267 = arith.subi %div3A_246, %sub3A_266 : i32
        %select_n3A_268 = arith.select %and3A_265, %sub3A_267, %div3A_246 : i32
        %mul3A_269 = arith.constant 8 : i32
        %mul3A_270 = arith.muli %select_n3A_268, %mul3A_269 : i32
        %add3A_271 = arith.addi %select_n3A_10, %mul3A_270 : i32
        %jit3A_272 = arith.constant 2 : i32
        %eq3A_273 = arith.constant 0 : i32
        %eq3A_274 = arith.cmpi eq, %jit3A_272, %eq3A_273 : i32
        %jit3A_275 = arith.constant 1 : i32
        %select_n3A_276 = arith.select %eq3A_274, %jit3A_275, %jit3A_272 : i32
        %rem3A_277 = arith.remsi %select_n3A_268, %select_n3A_276 : i32
        %ne3A_278 = arith.constant 0 : i32
        %ne3A_279 = arith.cmpi ne, %rem3A_277, %ne3A_278 : i32
        %lt3A_280 = arith.constant 0 : i32
        %lt3A_281 = arith.cmpi slt, %rem3A_277, %lt3A_280 : i32
        %lt3A_282 = arith.constant 0 : i32
        %lt3A_283 = arith.cmpi slt, %select_n3A_276, %lt3A_282 : i32
        %ne3A_284 = arith.xori %lt3A_281, %lt3A_283 : i1
        %and3A_285 = arith.andi %ne3A_284, %ne3A_279 : i1
        %add3A_286 = arith.addi %rem3A_277, %select_n3A_276 : i32
        %select_n3A_287 = arith.select %and3A_285, %add3A_286, %rem3A_277 : i32
        "tpu.region"() ({
          %run_scoped3A_307 = tpu.sem_alloc : memref<!tpu.dma_semaphore, #tpu.memory_space<semaphore_mem>>
          %dma_start3A_308 = arith.constant 0 : i32
          %dma_start3A_309 = arith.constant 0 : i32
          %dma_start3A_310 = tpu.memref_slice %arg7[%select_n3A_287, %dma_start3A_308, %dma_start3A_309] : memref<2x8x128xi32, #tpu.memory_space<vmem>> -> memref<1x8x128xi32, #tpu.memory_space<vmem>>
          %dma_start3A_311 = tpu.memref_squeeze %dma_start3A_310 : memref<1x8x128xi32, #tpu.memory_space<vmem>> -> memref<8x128xi32, #tpu.memory_space<vmem>>
          %dma_start3A_312 = arith.constant 0 : i32
          %dma_start3A_313 = tpu.memref_slice %arg3[%add3A_271, %dma_start3A_312] : memref<2560x128xi32, #tpu.memory_space<hbm>> -> memref<8x128xi32, #tpu.memory_space<hbm>>
          %dma_start3A_314 = arith.constant 0 : i32
          %dma_start3A_315 = arith.constant 0 : i32
          %dma_start3A_316 = tpu.memref_slice %arg7[%select_n3A_287, %dma_start3A_314, %dma_start3A_315] : memref<2x8x128xi32, #tpu.memory_space<vmem>> -> memref<1x8x128xi32, #tpu.memory_space<vmem>>
          %dma_start3A_317 = tpu.memref_squeeze %dma_start3A_316 : memref<1x8x128xi32, #tpu.memory_space<vmem>> -> memref<8x128xi32, #tpu.memory_space<vmem>>
          %dma_start3A_318 = arith.constant 0 : i32
          %dma_start3A_319 = tpu.memref_slice %arg3[%add3A_271, %dma_start3A_318] : memref<2560x128xi32, #tpu.memory_space<hbm>> -> memref<8x128xi32, #tpu.memory_space<hbm>>
          tpu.enqueue_dma source(%dma_start3A_319 : memref<8x128xi32, #tpu.memory_space<hbm>>) target(%dma_start3A_317 : memref<8x128xi32, #tpu.memory_space<vmem>>) target_semaphore(%run_scoped3A_307 : memref<!tpu.dma_semaphore, #tpu.memory_space<semaphore_mem>>)
          %dma_wait3A_320 = arith.constant 0 : i32
          %dma_wait3A_321 = arith.constant 0 : i32
          %dma_wait3A_322 = tpu.memref_slice %arg7[%select_n3A_287, %dma_wait3A_320, %dma_wait3A_321] : memref<2x8x128xi32, #tpu.memory_space<vmem>> -> memref<1x8x128xi32, #tpu.memory_space<vmem>>
          %dma_wait3A_323 = tpu.memref_squeeze %dma_wait3A_322 : memref<1x8x128xi32, #tpu.memory_space<vmem>> -> memref<8x128xi32, #tpu.memory_space<vmem>>
          %dma_wait3A_324 = arith.constant 0 : i32
          %dma_wait3A_325 = tpu.memref_slice %arg3[%add3A_271, %dma_wait3A_324] : memref<2560x128xi32, #tpu.memory_space<hbm>> -> memref<8x128xi32, #tpu.memory_space<hbm>>
          %dma_wait3A_326 = arith.constant 0 : i32
          %dma_wait3A_327 = arith.constant 0 : i32
          %dma_wait3A_328 = tpu.memref_slice %arg7[%select_n3A_287, %dma_wait3A_326, %dma_wait3A_327] : memref<2x8x128xi32, #tpu.memory_space<vmem>> -> memref<1x8x128xi32, #tpu.memory_space<vmem>>
          %dma_wait3A_329 = tpu.memref_squeeze %dma_wait3A_328 : memref<1x8x128xi32, #tpu.memory_space<vmem>> -> memref<8x128xi32, #tpu.memory_space<vmem>>
          %dma_wait3A_330 = arith.constant 0 : i32
          %dma_wait3A_331 = tpu.memref_slice %arg3[%add3A_271, %dma_wait3A_330] : memref<2560x128xi32, #tpu.memory_space<hbm>> -> memref<8x128xi32, #tpu.memory_space<hbm>>
          tpu.wait_dma2 semaphore(%run_scoped3A_307 : memref<!tpu.dma_semaphore, #tpu.memory_space<semaphore_mem>>) src(%dma_wait3A_331 : memref<8x128xi32, #tpu.memory_space<hbm>>) dst(%dma_wait3A_329 : memref<8x128xi32, #tpu.memory_space<vmem>>)
          tpu.yield
        }) : () -> ()
        %mul3A_288 = arith.constant 8 : i32
        %mul3A_289 = arith.muli %select_n3A_268, %mul3A_288 : i32
        %add3A_290 = arith.addi %select_n3A_10, %mul3A_289 : i32
        %jit3A_291 = arith.constant 2 : i32
        %eq3A_292 = arith.constant 0 : i32
        %eq3A_293 = arith.cmpi eq, %jit3A_291, %eq3A_292 : i32
        %jit3A_294 = arith.constant 1 : i32
        %select_n3A_295 = arith.select %eq3A_293, %jit3A_294, %jit3A_291 : i32
        %rem3A_296 = arith.remsi %select_n3A_268, %select_n3A_295 : i32
        %ne3A_297 = arith.constant 0 : i32
        %ne3A_298 = arith.cmpi ne, %rem3A_296, %ne3A_297 : i32
        %lt3A_299 = arith.constant 0 : i32
        %lt3A_300 = arith.cmpi slt, %rem3A_296, %lt3A_299 : i32
        %lt3A_301 = arith.constant 0 : i32
        %lt3A_302 = arith.cmpi slt, %select_n3A_295, %lt3A_301 : i32
        %ne3A_303 = arith.xori %lt3A_300, %lt3A_302 : i1
        %and3A_304 = arith.andi %ne3A_303, %ne3A_298 : i1
        %add3A_305 = arith.addi %rem3A_296, %select_n3A_295 : i32
        %select_n3A_306 = arith.select %and3A_304, %add3A_305, %rem3A_296 : i32
        "tpu.region"() ({
          %run_scoped3A_307 = tpu.sem_alloc : memref<!tpu.dma_semaphore, #tpu.memory_space<semaphore_mem>>
          %dma_start3A_308 = arith.constant 0 : i32
          %dma_start3A_309 = arith.constant 0 : i32
          %dma_start3A_310 = tpu.memref_slice %arg8[%select_n3A_306, %dma_start3A_308, %dma_start3A_309] : memref<2x8x128xi32, #tpu.memory_space<vmem>> -> memref<1x8x128xi32, #tpu.memory_space<vmem>>
          %dma_start3A_311 = tpu.memref_squeeze %dma_start3A_310 : memref<1x8x128xi32, #tpu.memory_space<vmem>> -> memref<8x128xi32, #tpu.memory_space<vmem>>
          %dma_start3A_312 = arith.constant 0 : i32
          %dma_start3A_313 = tpu.memref_slice %arg4[%add3A_290, %dma_start3A_312] : memref<2560x128xi32, #tpu.memory_space<hbm>> -> memref<8x128xi32, #tpu.memory_space<hbm>>
          %dma_start3A_314 = arith.constant 0 : i32
          %dma_start3A_315 = arith.constant 0 : i32
          %dma_start3A_316 = tpu.memref_slice %arg8[%select_n3A_306, %dma_start3A_314, %dma_start3A_315] : memref<2x8x128xi32, #tpu.memory_space<vmem>> -> memref<1x8x128xi32, #tpu.memory_space<vmem>>
          %dma_start3A_317 = tpu.memref_squeeze %dma_start3A_316 : memref<1x8x128xi32, #tpu.memory_space<vmem>> -> memref<8x128xi32, #tpu.memory_space<vmem>>
          %dma_start3A_318 = arith.constant 0 : i32
          %dma_start3A_319 = tpu.memref_slice %arg4[%add3A_290, %dma_start3A_318] : memref<2560x128xi32, #tpu.memory_space<hbm>> -> memref<8x128xi32, #tpu.memory_space<hbm>>
          tpu.enqueue_dma source(%dma_start3A_319 : memref<8x128xi32, #tpu.memory_space<hbm>>) target(%dma_start3A_317 : memref<8x128xi32, #tpu.memory_space<vmem>>) target_semaphore(%run_scoped3A_307 : memref<!tpu.dma_semaphore, #tpu.memory_space<semaphore_mem>>)
          %dma_wait3A_320 = arith.constant 0 : i32
          %dma_wait3A_321 = arith.constant 0 : i32
          %dma_wait3A_322 = tpu.memref_slice %arg8[%select_n3A_306, %dma_wait3A_320, %dma_wait3A_321] : memref<2x8x128xi32, #tpu.memory_space<vmem>> -> memref<1x8x128xi32, #tpu.memory_space<vmem>>
          %dma_wait3A_323 = tpu.memref_squeeze %dma_wait3A_322 : memref<1x8x128xi32, #tpu.memory_space<vmem>> -> memref<8x128xi32, #tpu.memory_space<vmem>>
          %dma_wait3A_324 = arith.constant 0 : i32
          %dma_wait3A_325 = tpu.memref_slice %arg4[%add3A_290, %dma_wait3A_324] : memref<2560x128xi32, #tpu.memory_space<hbm>> -> memref<8x128xi32, #tpu.memory_space<hbm>>
          %dma_wait3A_326 = arith.constant 0 : i32
          %dma_wait3A_327 = arith.constant 0 : i32
          %dma_wait3A_328 = tpu.memref_slice %arg8[%select_n3A_306, %dma_wait3A_326, %dma_wait3A_327] : memref<2x8x128xi32, #tpu.memory_space<vmem>> -> memref<1x8x128xi32, #tpu.memory_space<vmem>>
          %dma_wait3A_329 = tpu.memref_squeeze %dma_wait3A_328 : memref<1x8x128xi32, #tpu.memory_space<vmem>> -> memref<8x128xi32, #tpu.memory_space<vmem>>
          %dma_wait3A_330 = arith.constant 0 : i32
          %dma_wait3A_331 = tpu.memref_slice %arg4[%add3A_290, %dma_wait3A_330] : memref<2560x128xi32, #tpu.memory_space<hbm>> -> memref<8x128xi32, #tpu.memory_space<hbm>>
          tpu.wait_dma2 semaphore(%run_scoped3A_307 : memref<!tpu.dma_semaphore, #tpu.memory_space<semaphore_mem>>) src(%dma_wait3A_331 : memref<8x128xi32, #tpu.memory_space<hbm>>) dst(%dma_wait3A_329 : memref<8x128xi32, #tpu.memory_space<vmem>>)
          tpu.yield
        }) : () -> ()
      } else {
      }
      %lt3A_161 = arith.cmpi slt, %add3A_139, %select_n3A : i32
      %convert_element_type3A_162 = arith.extui %lt3A_161 : i1 to i32
      %cond3A_163 = arith.constant 0 : i32
      %cond3A_164 = arith.cmpi ne, %convert_element_type3A_162, %cond3A_163 : i32
      scf.if %cond3A_164 {
        %jit3A_245 = arith.constant 8 : i32
        %div3A_246 = arith.divsi %add3A_139, %jit3A_245 : i32
        %sign3A_247 = arith.constant 0 : i32
        %sign3A_248 = arith.cmpi sgt, %add3A_139, %sign3A_247 : i32
        %sign3A_249 = arith.extui %sign3A_248 : i1 to i32
        %sign3A_250 = arith.constant 0 : i32
        %sign3A_251 = arith.cmpi slt, %add3A_139, %sign3A_250 : i32
        %sign3A_252 = arith.extui %sign3A_251 : i1 to i32
        %sign3A_253 = arith.subi %sign3A_249, %sign3A_252 : i32
        %sign3A_254 = arith.constant 0 : i32
        %sign3A_255 = arith.cmpi sgt, %jit3A_245, %sign3A_254 : i32
        %sign3A_256 = arith.extui %sign3A_255 : i1 to i32
        %sign3A_257 = arith.constant 0 : i32
        %sign3A_258 = arith.cmpi slt, %jit3A_245, %sign3A_257 : i32
        %sign3A_259 = arith.extui %sign3A_258 : i1 to i32
        %sign3A_260 = arith.subi %sign3A_256, %sign3A_259 : i32
        %ne3A_261 = arith.cmpi ne, %sign3A_253, %sign3A_260 : i32
        %rem3A_262 = arith.remsi %add3A_139, %jit3A_245 : i32
        %ne3A_263 = arith.constant 0 : i32
        %ne3A_264 = arith.cmpi ne, %rem3A_262, %ne3A_263 : i32
        %and3A_265 = arith.andi %ne3A_261, %ne3A_264 : i1
        %sub3A_266 = arith.constant 1 : i32
        %sub3A_267 = arith.subi %div3A_246, %sub3A_266 : i32
        %select_n3A_268 = arith.select %and3A_265, %sub3A_267, %div3A_246 : i32
        %jit3A_269 = arith.constant 2 : i32
        %eq3A_270 = arith.constant 0 : i32
        %eq3A_271 = arith.cmpi eq, %jit3A_269, %eq3A_270 : i32
        %jit3A_272 = arith.constant 1 : i32
        %select_n3A_273 = arith.select %eq3A_271, %jit3A_272, %jit3A_269 : i32
        %rem3A_274 = arith.remsi %select_n3A_268, %select_n3A_273 : i32
        %ne3A_275 = arith.constant 0 : i32
        %ne3A_276 = arith.cmpi ne, %rem3A_274, %ne3A_275 : i32
        %lt3A_277 = arith.constant 0 : i32
        %lt3A_278 = arith.cmpi slt, %rem3A_274, %lt3A_277 : i32
        %lt3A_279 = arith.constant 0 : i32
        %lt3A_280 = arith.cmpi slt, %select_n3A_273, %lt3A_279 : i32
        %ne3A_281 = arith.xori %lt3A_278, %lt3A_280 : i1
        %and3A_282 = arith.andi %ne3A_281, %ne3A_276 : i1
        %add3A_283 = arith.addi %rem3A_274, %select_n3A_273 : i32
        %select_n3A_284 = arith.select %and3A_282, %add3A_283, %rem3A_274 : i32
        %jit3A_285 = arith.constant 8 : i32
        %eq3A_286 = arith.constant 0 : i32
        %eq3A_287 = arith.cmpi eq, %jit3A_285, %eq3A_286 : i32
        %jit3A_288 = arith.constant 1 : i32
        %select_n3A_289 = arith.select %eq3A_287, %jit3A_288, %jit3A_285 : i32
        %rem3A_290 = arith.remsi %add3A_139, %select_n3A_289 : i32
        %ne3A_291 = arith.constant 0 : i32
        %ne3A_292 = arith.cmpi ne, %rem3A_290, %ne3A_291 : i32
        %lt3A_293 = arith.constant 0 : i32
        %lt3A_294 = arith.cmpi slt, %rem3A_290, %lt3A_293 : i32
        %lt3A_295 = arith.constant 0 : i32
        %lt3A_296 = arith.cmpi slt, %select_n3A_289, %lt3A_295 : i32
        %ne3A_297 = arith.xori %lt3A_294, %lt3A_296 : i1
        %and3A_298 = arith.andi %ne3A_297, %ne3A_292 : i1
        %add3A_299 = arith.addi %rem3A_290, %select_n3A_289 : i32
        %select_n3A_300 = arith.select %and3A_298, %add3A_299, %rem3A_290 : i32
        %dma_start3A_301 = arith.constant 0 : i32
        %dma_start3A_302 = arith.constant 0 : i32
        %dma_start3A_303 = arith.constant 0 : i32
        %dma_start3A_304 = tpu.memref_slice %arg9[%dma_start3A_301, %dma_start3A_302, %dma_start3A_303] : memref<2x128x128xf32, #tpu.memory_space<vmem>> -> memref<1x128x128xf32, #tpu.memory_space<vmem>>
        %dma_start3A_305 = tpu.memref_squeeze %dma_start3A_304 : memref<1x128x128xf32, #tpu.memory_space<vmem>> -> memref<128x128xf32, #tpu.memory_space<vmem>>
        %dma_start3A_306 = arith.constant 0 : i32
        %dma_start3A_307 = tpu.memref_slice %arg7[%select_n3A_284, %select_n3A_300, %dma_start3A_306] : memref<2x8x128xi32, #tpu.memory_space<vmem>> -> memref<1x1x128xi32, #tpu.memory_space<vmem>>
        %dma_start3A_308 = tpu.memref_squeeze %dma_start3A_307 : memref<1x1x128xi32, #tpu.memory_space<vmem>> -> memref<128xi32, #tpu.memory_space<vmem>>
        %dma_start3A_309 = arith.constant 0 : i32
        %dma_start3A_310 = arith.constant 0 : i32
        %dma_start3A_311 = tpu.memref_slice %arg2[%dma_start3A_309, %dma_start3A_310] : memref<10240x128xf32, #tpu.memory_space<hbm>> -> memref<10240x128xf32, #tpu.memory_space<hbm>>
        tpu.enqueue_indirect_dma source(%dma_start3A_311 : memref<10240x128xf32, #tpu.memory_space<hbm>>) target(%dma_start3A_305 : memref<128x128xf32, #tpu.memory_space<vmem>>) offsets(%dma_start3A_308 : memref<128xi32, #tpu.memory_space<vmem>>) semaphore(%arg11 : memref<!tpu.dma_semaphore, #tpu.memory_space<semaphore_mem>>)
      } else {
      }
      %mul3A_165 = arith.constant 2 : i32
      %mul3A_166 = arith.muli %mul3A_165, %while3A_65 : i32
      %add3A_167 = arith.constant 1 : i32
      %add3A_168 = arith.addi %mul3A_166, %add3A_167 : i32
      %dma_wait3A_169 = arith.constant 0 : i32
      %dma_wait3A_170 = arith.constant 0 : i32
      %dma_wait3A_171 = arith.constant 1 : i32
      %dma_wait3A_172 = arith.constant 0 : i32
      %dma_wait3A_173 = arith.constant 0 : i32
      %dma_wait3A_174 = tpu.memref_slice %arg9[%dma_wait3A_171, %dma_wait3A_172, %dma_wait3A_173] : memref<2x128x128xf32, #tpu.memory_space<vmem>> -> memref<1x128x128xf32, #tpu.memory_space<vmem>>
      %dma_wait3A_175 = tpu.memref_squeeze %dma_wait3A_174 : memref<1x128x128xf32, #tpu.memory_space<vmem>> -> memref<128x128xf32, #tpu.memory_space<vmem>>
      %dma_wait3A_176 = arith.constant 0 : i32
      %dma_wait3A_177 = tpu.memref_slice %arg7[%dma_wait3A_169, %dma_wait3A_170, %dma_wait3A_176] : memref<2x8x128xi32, #tpu.memory_space<vmem>> -> memref<1x1x128xi32, #tpu.memory_space<vmem>>
      %dma_wait3A_178 = tpu.memref_squeeze %dma_wait3A_177 : memref<1x1x128xi32, #tpu.memory_space<vmem>> -> memref<128xi32, #tpu.memory_space<vmem>>
      %dma_wait3A_179 = arith.constant 0 : i32
      %dma_wait3A_180 = arith.constant 0 : i32
      %dma_wait3A_181 = tpu.memref_slice %arg2[%dma_wait3A_179, %dma_wait3A_180] : memref<10240x128xf32, #tpu.memory_space<hbm>> -> memref<10240x128xf32, #tpu.memory_space<hbm>>
      tpu.wait_indirect_dma semaphore(%arg12 : memref<!tpu.dma_semaphore, #tpu.memory_space<semaphore_mem>>) src(%dma_wait3A_181 : memref<10240x128xf32, #tpu.memory_space<hbm>>) dst(%dma_wait3A_175 : memref<128x128xf32, #tpu.memory_space<vmem>>)
      %jit3A_182 = arith.constant 8 : i32
      %div3A_183 = arith.divsi %add3A_168, %jit3A_182 : i32
      %sign3A_184 = arith.constant 0 : i32
      %sign3A_185 = arith.cmpi sgt, %add3A_168, %sign3A_184 : i32
      %sign3A_186 = arith.extui %sign3A_185 : i1 to i32
      %sign3A_187 = arith.constant 0 : i32
      %sign3A_188 = arith.cmpi slt, %add3A_168, %sign3A_187 : i32
      %sign3A_189 = arith.extui %sign3A_188 : i1 to i32
      %sign3A_190 = arith.subi %sign3A_186, %sign3A_189 : i32
      %sign3A_191 = arith.constant 0 : i32
      %sign3A_192 = arith.cmpi sgt, %jit3A_182, %sign3A_191 : i32
      %sign3A_193 = arith.extui %sign3A_192 : i1 to i32
      %sign3A_194 = arith.constant 0 : i32
      %sign3A_195 = arith.cmpi slt, %jit3A_182, %sign3A_194 : i32
      %sign3A_196 = arith.extui %sign3A_195 : i1 to i32
      %sign3A_197 = arith.subi %sign3A_193, %sign3A_196 : i32
      %ne3A_198 = arith.cmpi ne, %sign3A_190, %sign3A_197 : i32
      %rem3A_199 = arith.remsi %add3A_168, %jit3A_182 : i32
      %ne3A_200 = arith.constant 0 : i32
      %ne3A_201 = arith.cmpi ne, %rem3A_199, %ne3A_200 : i32
      %and3A_202 = arith.andi %ne3A_198, %ne3A_201 : i1
      %sub3A_203 = arith.constant 1 : i32
      %sub3A_204 = arith.subi %div3A_183, %sub3A_203 : i32
      %select_n3A_205 = arith.select %and3A_202, %sub3A_204, %div3A_183 : i32
      %jit3A_206 = arith.constant 2 : i32
      %eq3A_207 = arith.constant 0 : i32
      %eq3A_208 = arith.cmpi eq, %jit3A_206, %eq3A_207 : i32
      %jit3A_209 = arith.constant 1 : i32
      %select_n3A_210 = arith.select %eq3A_208, %jit3A_209, %jit3A_206 : i32
      %rem3A_211 = arith.remsi %select_n3A_205, %select_n3A_210 : i32
      %ne3A_212 = arith.constant 0 : i32
      %ne3A_213 = arith.cmpi ne, %rem3A_211, %ne3A_212 : i32
      %lt3A_214 = arith.constant 0 : i32
      %lt3A_215 = arith.cmpi slt, %rem3A_211, %lt3A_214 : i32
      %lt3A_216 = arith.constant 0 : i32
      %lt3A_217 = arith.cmpi slt, %select_n3A_210, %lt3A_216 : i32
      %ne3A_218 = arith.xori %lt3A_215, %lt3A_217 : i1
      %and3A_219 = arith.andi %ne3A_218, %ne3A_213 : i1
      %add3A_220 = arith.addi %rem3A_211, %select_n3A_210 : i32
      %select_n3A_221 = arith.select %and3A_219, %add3A_220, %rem3A_211 : i32
      %jit3A_222 = arith.constant 8 : i32
      %eq3A_223 = arith.constant 0 : i32
      %eq3A_224 = arith.cmpi eq, %jit3A_222, %eq3A_223 : i32
      %jit3A_225 = arith.constant 1 : i32
      %select_n3A_226 = arith.select %eq3A_224, %jit3A_225, %jit3A_222 : i32
      %rem3A_227 = arith.remsi %add3A_168, %select_n3A_226 : i32
      %ne3A_228 = arith.constant 0 : i32
      %ne3A_229 = arith.cmpi ne, %rem3A_227, %ne3A_228 : i32
      %lt3A_230 = arith.constant 0 : i32
      %lt3A_231 = arith.cmpi slt, %rem3A_227, %lt3A_230 : i32
      %lt3A_232 = arith.constant 0 : i32
      %lt3A_233 = arith.cmpi slt, %select_n3A_226, %lt3A_232 : i32
      %ne3A_234 = arith.xori %lt3A_231, %lt3A_233 : i1
      %and3A_235 = arith.andi %ne3A_234, %ne3A_229 : i1
      %add3A_236 = arith.addi %rem3A_227, %select_n3A_226 : i32
      %select_n3A_237 = arith.select %and3A_235, %add3A_236, %rem3A_227 : i32
      %run_scoped3A_238 = arith.constant 1 : i32
      "tpu.region"() ({
        %run_scoped3A_245 = tpu.sem_alloc : memref<!tpu.dma_semaphore, #tpu.memory_space<semaphore_mem>>
        %dma_start3A_246 = arith.constant 0 : i32
        %dma_start3A_247 = arith.constant 0 : i32
        %dma_start3A_248 = tpu.memref_slice %arg9[%run_scoped3A_238, %dma_start3A_246, %dma_start3A_247] : memref<2x128x128xf32, #tpu.memory_space<vmem>> -> memref<1x128x128xf32, #tpu.memory_space<vmem>>
        %dma_start3A_249 = tpu.memref_squeeze %dma_start3A_248 : memref<1x128x128xf32, #tpu.memory_space<vmem>> -> memref<128x128xf32, #tpu.memory_space<vmem>>
        %dma_start3A_250 = arith.constant 0 : i32
        %dma_start3A_251 = tpu.memref_slice %arg8[%select_n3A_221, %select_n3A_237, %dma_start3A_250] : memref<2x8x128xi32, #tpu.memory_space<vmem>> -> memref<1x1x128xi32, #tpu.memory_space<vmem>>
        %dma_start3A_252 = tpu.memref_squeeze %dma_start3A_251 : memref<1x1x128xi32, #tpu.memory_space<vmem>> -> memref<128xi32, #tpu.memory_space<vmem>>
        %dma_start3A_253 = arith.constant 0 : i32
        %dma_start3A_254 = arith.constant 0 : i32
        %dma_start3A_255 = tpu.memref_slice %arg10[%dma_start3A_253, %dma_start3A_254] : memref<10240x128xf32, #tpu.memory_space<vmem_shared>> -> memref<10240x128xf32, #tpu.memory_space<vmem_shared>>
        tpu.enqueue_indirect_dma source(%dma_start3A_249 : memref<128x128xf32, #tpu.memory_space<vmem>>) target(%dma_start3A_255 : memref<10240x128xf32, #tpu.memory_space<vmem_shared>>) offsets(%dma_start3A_252 : memref<128xi32, #tpu.memory_space<vmem>>) semaphore(%run_scoped3A_245 : memref<!tpu.dma_semaphore, #tpu.memory_space<semaphore_mem>>) {add = true}
        %dma_wait3A_256 = arith.constant 0 : i32
        %dma_wait3A_257 = arith.constant 0 : i32
        %dma_wait3A_258 = tpu.memref_slice %arg9[%run_scoped3A_238, %dma_wait3A_256, %dma_wait3A_257] : memref<2x128x128xf32, #tpu.memory_space<vmem>> -> memref<1x128x128xf32, #tpu.memory_space<vmem>>
        %dma_wait3A_259 = tpu.memref_squeeze %dma_wait3A_258 : memref<1x128x128xf32, #tpu.memory_space<vmem>> -> memref<128x128xf32, #tpu.memory_space<vmem>>
        %dma_wait3A_260 = arith.constant 0 : i32
        %dma_wait3A_261 = tpu.memref_slice %arg8[%select_n3A_221, %select_n3A_237, %dma_wait3A_260] : memref<2x8x128xi32, #tpu.memory_space<vmem>> -> memref<1x1x128xi32, #tpu.memory_space<vmem>>
        %dma_wait3A_262 = tpu.memref_squeeze %dma_wait3A_261 : memref<1x1x128xi32, #tpu.memory_space<vmem>> -> memref<128xi32, #tpu.memory_space<vmem>>
        %dma_wait3A_263 = arith.constant 0 : i32
        %dma_wait3A_264 = arith.constant 0 : i32
        %dma_wait3A_265 = tpu.memref_slice %arg10[%dma_wait3A_263, %dma_wait3A_264] : memref<10240x128xf32, #tpu.memory_space<vmem_shared>> -> memref<10240x128xf32, #tpu.memory_space<vmem_shared>>
        tpu.wait_indirect_dma semaphore(%run_scoped3A_245 : memref<!tpu.dma_semaphore, #tpu.memory_space<semaphore_mem>>) src(%dma_wait3A_259 : memref<128x128xf32, #tpu.memory_space<vmem>>) dst(%dma_wait3A_265 : memref<10240x128xf32, #tpu.memory_space<vmem_shared>>)
        tpu.yield
      }) : () -> ()
      %add3A_239 = arith.constant 2 : i32
      %add3A_240 = arith.addi %add3A_168, %add3A_239 : i32
      %lt3A_241 = arith.cmpi slt, %add3A_240, %select_n3A : i32
      %convert_element_type3A_242 = arith.extui %lt3A_241 : i1 to i32
      %cond3A_243 = arith.constant 0 : i32
      %cond3A_244 = arith.cmpi ne, %convert_element_type3A_242, %cond3A_243 : i32
      scf.if %cond3A_244 {
        %jit3A_245 = arith.constant 8 : i32
        %div3A_246 = arith.divsi %add3A_240, %jit3A_245 : i32
        %sign3A_247 = arith.constant 0 : i32
        %sign3A_248 = arith.cmpi sgt, %add3A_240, %sign3A_247 : i32
        %sign3A_249 = arith.extui %sign3A_248 : i1 to i32
        %sign3A_250 = arith.constant 0 : i32
        %sign3A_251 = arith.cmpi slt, %add3A_240, %sign3A_250 : i32
        %sign3A_252 = arith.extui %sign3A_251 : i1 to i32
        %sign3A_253 = arith.subi %sign3A_249, %sign3A_252 : i32
        %sign3A_254 = arith.constant 0 : i32
        %sign3A_255 = arith.cmpi sgt, %jit3A_245, %sign3A_254 : i32
        %sign3A_256 = arith.extui %sign3A_255 : i1 to i32
        %sign3A_257 = arith.constant 0 : i32
        %sign3A_258 = arith.cmpi slt, %jit3A_245, %sign3A_257 : i32
        %sign3A_259 = arith.extui %sign3A_258 : i1 to i32
        %sign3A_260 = arith.subi %sign3A_256, %sign3A_259 : i32
        %ne3A_261 = arith.cmpi ne, %sign3A_253, %sign3A_260 : i32
        %rem3A_262 = arith.remsi %add3A_240, %jit3A_245 : i32
        %ne3A_263 = arith.constant 0 : i32
        %ne3A_264 = arith.cmpi ne, %rem3A_262, %ne3A_263 : i32
        %and3A_265 = arith.andi %ne3A_261, %ne3A_264 : i1
        %sub3A_266 = arith.constant 1 : i32
        %sub3A_267 = arith.subi %div3A_246, %sub3A_266 : i32
        %select_n3A_268 = arith.select %and3A_265, %sub3A_267, %div3A_246 : i32
        %jit3A_269 = arith.constant 2 : i32
        %eq3A_270 = arith.constant 0 : i32
        %eq3A_271 = arith.cmpi eq, %jit3A_269, %eq3A_270 : i32
        %jit3A_272 = arith.constant 1 : i32
        %select_n3A_273 = arith.select %eq3A_271, %jit3A_272, %jit3A_269 : i32
        %rem3A_274 = arith.remsi %select_n3A_268, %select_n3A_273 : i32
        %ne3A_275 = arith.constant 0 : i32
        %ne3A_276 = arith.cmpi ne, %rem3A_274, %ne3A_275 : i32
        %lt3A_277 = arith.constant 0 : i32
        %lt3A_278 = arith.cmpi slt, %rem3A_274, %lt3A_277 : i32
        %lt3A_279 = arith.constant 0 : i32
        %lt3A_280 = arith.cmpi slt, %select_n3A_273, %lt3A_279 : i32
        %ne3A_281 = arith.xori %lt3A_278, %lt3A_280 : i1
        %and3A_282 = arith.andi %ne3A_281, %ne3A_276 : i1
        %add3A_283 = arith.addi %rem3A_274, %select_n3A_273 : i32
        %select_n3A_284 = arith.select %and3A_282, %add3A_283, %rem3A_274 : i32
        %jit3A_285 = arith.constant 8 : i32
        %eq3A_286 = arith.constant 0 : i32
        %eq3A_287 = arith.cmpi eq, %jit3A_285, %eq3A_286 : i32
        %jit3A_288 = arith.constant 1 : i32
        %select_n3A_289 = arith.select %eq3A_287, %jit3A_288, %jit3A_285 : i32
        %rem3A_290 = arith.remsi %add3A_240, %select_n3A_289 : i32
        %ne3A_291 = arith.constant 0 : i32
        %ne3A_292 = arith.cmpi ne, %rem3A_290, %ne3A_291 : i32
        %lt3A_293 = arith.constant 0 : i32
        %lt3A_294 = arith.cmpi slt, %rem3A_290, %lt3A_293 : i32
        %lt3A_295 = arith.constant 0 : i32
        %lt3A_296 = arith.cmpi slt, %select_n3A_289, %lt3A_295 : i32
        %ne3A_297 = arith.xori %lt3A_294, %lt3A_296 : i1
        %and3A_298 = arith.andi %ne3A_297, %ne3A_292 : i1
        %add3A_299 = arith.addi %rem3A_290, %select_n3A_289 : i32
        %select_n3A_300 = arith.select %and3A_298, %add3A_299, %rem3A_290 : i32
        %dma_start3A_301 = arith.constant 1 : i32
        %dma_start3A_302 = arith.constant 0 : i32
        %dma_start3A_303 = arith.constant 0 : i32
        %dma_start3A_304 = tpu.memref_slice %arg9[%dma_start3A_301, %dma_start3A_302, %dma_start3A_303] : memref<2x128x128xf32, #tpu.memory_space<vmem>> -> memref<1x128x128xf32, #tpu.memory_space<vmem>>
        %dma_start3A_305 = tpu.memref_squeeze %dma_start3A_304 : memref<1x128x128xf32, #tpu.memory_space<vmem>> -> memref<128x128xf32, #tpu.memory_space<vmem>>
        %dma_start3A_306 = arith.constant 0 : i32
        %dma_start3A_307 = tpu.memref_slice %arg7[%select_n3A_284, %select_n3A_300, %dma_start3A_306] : memref<2x8x128xi32, #tpu.memory_space<vmem>> -> memref<1x1x128xi32, #tpu.memory_space<vmem>>
        %dma_start3A_308 = tpu.memref_squeeze %dma_start3A_307 : memref<1x1x128xi32, #tpu.memory_space<vmem>> -> memref<128xi32, #tpu.memory_space<vmem>>
        %dma_start3A_309 = arith.constant 0 : i32
        %dma_start3A_310 = arith.constant 0 : i32
        %dma_start3A_311 = tpu.memref_slice %arg2[%dma_start3A_309, %dma_start3A_310] : memref<10240x128xf32, #tpu.memory_space<hbm>> -> memref<10240x128xf32, #tpu.memory_space<hbm>>
        tpu.enqueue_indirect_dma source(%dma_start3A_311 : memref<10240x128xf32, #tpu.memory_space<hbm>>) target(%dma_start3A_305 : memref<128x128xf32, #tpu.memory_space<vmem>>) offsets(%dma_start3A_308 : memref<128xi32, #tpu.memory_space<vmem>>) semaphore(%arg12 : memref<!tpu.dma_semaphore, #tpu.memory_space<semaphore_mem>>)
      } else {
      }
    }
    %while3A_63 = arith.constant 1 : i32
    scf.for %while3A_65 = %while3A_61 to %while3A_57 step %while3A_63  : i32 {
      %mul3A_66 = arith.constant 2 : i32
      %mul3A_67 = arith.muli %mul3A_66, %while3A_65 : i32
      %add3A_68 = arith.constant 0 : i32
      %add3A_69 = arith.addi %mul3A_67, %add3A_68 : i32
      %dma_wait3A = arith.constant 0 : i32
      %dma_wait3A_70 = arith.constant 0 : i32
      %dma_wait3A_71 = arith.constant 0 : i32
      %dma_wait3A_72 = arith.constant 0 : i32
      %dma_wait3A_73 = arith.constant 0 : i32
      %dma_wait3A_74 = tpu.memref_slice %arg9[%dma_wait3A_71, %dma_wait3A_72, %dma_wait3A_73] : memref<2x128x128xf32, #tpu.memory_space<vmem>> -> memref<1x128x128xf32, #tpu.memory_space<vmem>>
      %dma_wait3A_75 = tpu.memref_squeeze %dma_wait3A_74 : memref<1x128x128xf32, #tpu.memory_space<vmem>> -> memref<128x128xf32, #tpu.memory_space<vmem>>
      %dma_wait3A_76 = arith.constant 0 : i32
      %dma_wait3A_77 = tpu.memref_slice %arg7[%dma_wait3A, %dma_wait3A_70, %dma_wait3A_76] : memref<2x8x128xi32, #tpu.memory_space<vmem>> -> memref<1x1x128xi32, #tpu.memory_space<vmem>>
      %dma_wait3A_78 = tpu.memref_squeeze %dma_wait3A_77 : memref<1x1x128xi32, #tpu.memory_space<vmem>> -> memref<128xi32, #tpu.memory_space<vmem>>
      %dma_wait3A_79 = arith.constant 0 : i32
      %dma_wait3A_80 = arith.constant 0 : i32
      %dma_wait3A_81 = tpu.memref_slice %arg2[%dma_wait3A_79, %dma_wait3A_80] : memref<10240x128xf32, #tpu.memory_space<hbm>> -> memref<10240x128xf32, #tpu.memory_space<hbm>>
      tpu.wait_indirect_dma semaphore(%arg11 : memref<!tpu.dma_semaphore, #tpu.memory_space<semaphore_mem>>) src(%dma_wait3A_81 : memref<10240x128xf32, #tpu.memory_space<hbm>>) dst(%dma_wait3A_75 : memref<128x128xf32, #tpu.memory_space<vmem>>)
      %jit3A_82 = arith.constant 8 : i32
      %div3A_83 = arith.divsi %add3A_69, %jit3A_82 : i32
      %sign3A_84 = arith.constant 0 : i32
      %sign3A_85 = arith.cmpi sgt, %add3A_69, %sign3A_84 : i32
      %sign3A_86 = arith.extui %sign3A_85 : i1 to i32
      %sign3A_87 = arith.constant 0 : i32
      %sign3A_88 = arith.cmpi slt, %add3A_69, %sign3A_87 : i32
      %sign3A_89 = arith.extui %sign3A_88 : i1 to i32
      %sign3A_90 = arith.subi %sign3A_86, %sign3A_89 : i32
      %sign3A_91 = arith.constant 0 : i32
      %sign3A_92 = arith.cmpi sgt, %jit3A_82, %sign3A_91 : i32
      %sign3A_93 = arith.extui %sign3A_92 : i1 to i32
      %sign3A_94 = arith.constant 0 : i32
      %sign3A_95 = arith.cmpi slt, %jit3A_82, %sign3A_94 : i32
      %sign3A_96 = arith.extui %sign3A_95 : i1 to i32
      %sign3A_97 = arith.subi %sign3A_93, %sign3A_96 : i32
      %ne3A_98 = arith.cmpi ne, %sign3A_90, %sign3A_97 : i32
      %rem3A_99 = arith.remsi %add3A_69, %jit3A_82 : i32
      %ne3A_100 = arith.constant 0 : i32
      %ne3A_101 = arith.cmpi ne, %rem3A_99, %ne3A_100 : i32
      %and3A_102 = arith.andi %ne3A_98, %ne3A_101 : i1
      %sub3A_103 = arith.constant 1 : i32
      %sub3A_104 = arith.subi %div3A_83, %sub3A_103 : i32
      %select_n3A_105 = arith.select %and3A_102, %sub3A_104, %div3A_83 : i32
      %jit3A_106 = arith.constant 2 : i32
      %eq3A_107 = arith.constant 0 : i32
      %eq3A_108 = arith.cmpi eq, %jit3A_106, %eq3A_107 : i32
      %jit3A_109 = arith.constant 1 : i32
      %select_n3A_110 = arith.select %eq3A_108, %jit3A_109, %jit3A_106 : i32
      %rem3A_111 = arith.remsi %select_n3A_105, %select_n3A_110 : i32
      %ne3A_112 = arith.constant 0 : i32
      %ne3A_113 = arith.cmpi ne, %rem3A_111, %ne3A_112 : i32
      %lt3A = arith.constant 0 : i32
      %lt3A_114 = arith.cmpi slt, %rem3A_111, %lt3A : i32
      %lt3A_115 = arith.constant 0 : i32
      %lt3A_116 = arith.cmpi slt, %select_n3A_110, %lt3A_115 : i32
      %ne3A_117 = arith.xori %lt3A_114, %lt3A_116 : i1
      %and3A_118 = arith.andi %ne3A_117, %ne3A_113 : i1
      %add3A_119 = arith.addi %rem3A_111, %select_n3A_110 : i32
      %select_n3A_120 = arith.select %and3A_118, %add3A_119, %rem3A_111 : i32
      %jit3A_121 = arith.constant 8 : i32
      %eq3A_122 = arith.constant 0 : i32
      %eq3A_123 = arith.cmpi eq, %jit3A_121, %eq3A_122 : i32
      %jit3A_124 = arith.constant 1 : i32
      %select_n3A_125 = arith.select %eq3A_123, %jit3A_124, %jit3A_121 : i32
      %rem3A_126 = arith.remsi %add3A_69, %select_n3A_125 : i32
      %ne3A_127 = arith.constant 0 : i32
      %ne3A_128 = arith.cmpi ne, %rem3A_126, %ne3A_127 : i32
      %lt3A_129 = arith.constant 0 : i32
      %lt3A_130 = arith.cmpi slt, %rem3A_126, %lt3A_129 : i32
      %lt3A_131 = arith.constant 0 : i32
      %lt3A_132 = arith.cmpi slt, %select_n3A_125, %lt3A_131 : i32
      %ne3A_133 = arith.xori %lt3A_130, %lt3A_132 : i1
      %and3A_134 = arith.andi %ne3A_133, %ne3A_128 : i1
      %add3A_135 = arith.addi %rem3A_126, %select_n3A_125 : i32
      %select_n3A_136 = arith.select %and3A_134, %add3A_135, %rem3A_126 : i32
      %run_scoped3A_137 = arith.constant 0 : i32
      "tpu.region"() ({
        %run_scoped3A_245 = tpu.sem_alloc : memref<!tpu.dma_semaphore, #tpu.memory_space<semaphore_mem>>
        %dma_start3A_246 = arith.constant 0 : i32
        %dma_start3A_247 = arith.constant 0 : i32
        %dma_start3A_248 = tpu.memref_slice %arg9[%run_scoped3A_137, %dma_start3A_246, %dma_start3A_247] : memref<2x128x128xf32, #tpu.memory_space<vmem>> -> memref<1x128x128xf32, #tpu.memory_space<vmem>>
        %dma_start3A_249 = tpu.memref_squeeze %dma_start3A_248 : memref<1x128x128xf32, #tpu.memory_space<vmem>> -> memref<128x128xf32, #tpu.memory_space<vmem>>
        %dma_start3A_250 = arith.constant 0 : i32
        %dma_start3A_251 = tpu.memref_slice %arg8[%select_n3A_120, %select_n3A_136, %dma_start3A_250] : memref<2x8x128xi32, #tpu.memory_space<vmem>> -> memref<1x1x128xi32, #tpu.memory_space<vmem>>
        %dma_start3A_252 = tpu.memref_squeeze %dma_start3A_251 : memref<1x1x128xi32, #tpu.memory_space<vmem>> -> memref<128xi32, #tpu.memory_space<vmem>>
        %dma_start3A_253 = arith.constant 0 : i32
        %dma_start3A_254 = arith.constant 0 : i32
        %dma_start3A_255 = tpu.memref_slice %arg10[%dma_start3A_253, %dma_start3A_254] : memref<10240x128xf32, #tpu.memory_space<vmem_shared>> -> memref<10240x128xf32, #tpu.memory_space<vmem_shared>>
        tpu.enqueue_indirect_dma source(%dma_start3A_249 : memref<128x128xf32, #tpu.memory_space<vmem>>) target(%dma_start3A_255 : memref<10240x128xf32, #tpu.memory_space<vmem_shared>>) offsets(%dma_start3A_252 : memref<128xi32, #tpu.memory_space<vmem>>) semaphore(%run_scoped3A_245 : memref<!tpu.dma_semaphore, #tpu.memory_space<semaphore_mem>>) {add = true}
        %dma_wait3A_256 = arith.constant 0 : i32
        %dma_wait3A_257 = arith.constant 0 : i32
        %dma_wait3A_258 = tpu.memref_slice %arg9[%run_scoped3A_137, %dma_wait3A_256, %dma_wait3A_257] : memref<2x128x128xf32, #tpu.memory_space<vmem>> -> memref<1x128x128xf32, #tpu.memory_space<vmem>>
        %dma_wait3A_259 = tpu.memref_squeeze %dma_wait3A_258 : memref<1x128x128xf32, #tpu.memory_space<vmem>> -> memref<128x128xf32, #tpu.memory_space<vmem>>
        %dma_wait3A_260 = arith.constant 0 : i32
        %dma_wait3A_261 = tpu.memref_slice %arg8[%select_n3A_120, %select_n3A_136, %dma_wait3A_260] : memref<2x8x128xi32, #tpu.memory_space<vmem>> -> memref<1x1x128xi32, #tpu.memory_space<vmem>>
        %dma_wait3A_262 = tpu.memref_squeeze %dma_wait3A_261 : memref<1x1x128xi32, #tpu.memory_space<vmem>> -> memref<128xi32, #tpu.memory_space<vmem>>
        %dma_wait3A_263 = arith.constant 0 : i32
        %dma_wait3A_264 = arith.constant 0 : i32
        %dma_wait3A_265 = tpu.memref_slice %arg10[%dma_wait3A_263, %dma_wait3A_264] : memref<10240x128xf32, #tpu.memory_space<vmem_shared>> -> memref<10240x128xf32, #tpu.memory_space<vmem_shared>>
        tpu.wait_indirect_dma semaphore(%run_scoped3A_245 : memref<!tpu.dma_semaphore, #tpu.memory_space<semaphore_mem>>) src(%dma_wait3A_259 : memref<128x128xf32, #tpu.memory_space<vmem>>) dst(%dma_wait3A_265 : memref<10240x128xf32, #tpu.memory_space<vmem_shared>>)
        tpu.yield
      }) : () -> ()
      %add3A_138 = arith.constant 2 : i32
      %add3A_139 = arith.addi %add3A_69, %add3A_138 : i32
      %jit3A_140 = arith.constant 8 : i32
      %eq3A_141 = arith.constant 0 : i32
      %eq3A_142 = arith.cmpi eq, %jit3A_140, %eq3A_141 : i32
      %jit3A_143 = arith.constant 1 : i32
      %select_n3A_144 = arith.select %eq3A_142, %jit3A_143, %jit3A_140 : i32
      %rem3A_145 = arith.remsi %add3A_139, %select_n3A_144 : i32
      %ne3A_146 = arith.constant 0 : i32
      %ne3A_147 = arith.cmpi ne, %rem3A_145, %ne3A_146 : i32
      %lt3A_148 = arith.constant 0 : i32
      %lt3A_149 = arith.cmpi slt, %rem3A_145, %lt3A_148 : i32
      %lt3A_150 = arith.constant 0 : i32
      %lt3A_151 = arith.cmpi slt, %select_n3A_144, %lt3A_150 : i32
      %ne3A_152 = arith.xori %lt3A_149, %lt3A_151 : i1
      %and3A_153 = arith.andi %ne3A_152, %ne3A_147 : i1
      %add3A_154 = arith.addi %rem3A_145, %select_n3A_144 : i32
      %select_n3A_155 = arith.select %and3A_153, %add3A_154, %rem3A_145 : i32
      %eq3A_156 = arith.constant 0 : i32
      %eq3A_157 = arith.cmpi eq, %select_n3A_155, %eq3A_156 : i32
      %lt3A_158 = arith.cmpi slt, %add3A_139, %select_n3A : i32
      %and3A_159 = arith.andi %eq3A_157, %lt3A_158 : i1
      %convert_element_type3A = arith.extui %and3A_159 : i1 to i32
      %cond3A = arith.constant 0 : i32
      %cond3A_160 = arith.cmpi ne, %convert_element_type3A, %cond3A : i32
      scf.if %cond3A_160 {
        %jit3A_245 = arith.constant 8 : i32
        %div3A_246 = arith.divsi %add3A_139, %jit3A_245 : i32
        %sign3A_247 = arith.constant 0 : i32
        %sign3A_248 = arith.cmpi sgt, %add3A_139, %sign3A_247 : i32
        %sign3A_249 = arith.extui %sign3A_248 : i1 to i32
        %sign3A_250 = arith.constant 0 : i32
        %sign3A_251 = arith.cmpi slt, %add3A_139, %sign3A_250 : i32
        %sign3A_252 = arith.extui %sign3A_251 : i1 to i32
        %sign3A_253 = arith.subi %sign3A_249, %sign3A_252 : i32
        %sign3A_254 = arith.constant 0 : i32
        %sign3A_255 = arith.cmpi sgt, %jit3A_245, %sign3A_254 : i32
        %sign3A_256 = arith.extui %sign3A_255 : i1 to i32
        %sign3A_257 = arith.constant 0 : i32
        %sign3A_258 = arith.cmpi slt, %jit3A_245, %sign3A_257 : i32
        %sign3A_259 = arith.extui %sign3A_258 : i1 to i32
        %sign3A_260 = arith.subi %sign3A_256, %sign3A_259 : i32
        %ne3A_261 = arith.cmpi ne, %sign3A_253, %sign3A_260 : i32
        %rem3A_262 = arith.remsi %add3A_139, %jit3A_245 : i32
        %ne3A_263 = arith.constant 0 : i32
        %ne3A_264 = arith.cmpi ne, %rem3A_262, %ne3A_263 : i32
        %and3A_265 = arith.andi %ne3A_261, %ne3A_264 : i1
        %sub3A_266 = arith.constant 1 : i32
        %sub3A_267 = arith.subi %div3A_246, %sub3A_266 : i32
        %select_n3A_268 = arith.select %and3A_265, %sub3A_267, %div3A_246 : i32
        %mul3A_269 = arith.constant 8 : i32
        %mul3A_270 = arith.muli %select_n3A_268, %mul3A_269 : i32
        %add3A_271 = arith.addi %select_n3A_10, %mul3A_270 : i32
        %jit3A_272 = arith.constant 2 : i32
        %eq3A_273 = arith.constant 0 : i32
        %eq3A_274 = arith.cmpi eq, %jit3A_272, %eq3A_273 : i32
        %jit3A_275 = arith.constant 1 : i32
        %select_n3A_276 = arith.select %eq3A_274, %jit3A_275, %jit3A_272 : i32
        %rem3A_277 = arith.remsi %select_n3A_268, %select_n3A_276 : i32
        %ne3A_278 = arith.constant 0 : i32
        %ne3A_279 = arith.cmpi ne, %rem3A_277, %ne3A_278 : i32
        %lt3A_280 = arith.constant 0 : i32
        %lt3A_281 = arith.cmpi slt, %rem3A_277, %lt3A_280 : i32
        %lt3A_282 = arith.constant 0 : i32
        %lt3A_283 = arith.cmpi slt, %select_n3A_276, %lt3A_282 : i32
        %ne3A_284 = arith.xori %lt3A_281, %lt3A_283 : i1
        %and3A_285 = arith.andi %ne3A_284, %ne3A_279 : i1
        %add3A_286 = arith.addi %rem3A_277, %select_n3A_276 : i32
        %select_n3A_287 = arith.select %and3A_285, %add3A_286, %rem3A_277 : i32
        "tpu.region"() ({
          %run_scoped3A_307 = tpu.sem_alloc : memref<!tpu.dma_semaphore, #tpu.memory_space<semaphore_mem>>
          %dma_start3A_308 = arith.constant 0 : i32
          %dma_start3A_309 = arith.constant 0 : i32
          %dma_start3A_310 = tpu.memref_slice %arg7[%select_n3A_287, %dma_start3A_308, %dma_start3A_309] : memref<2x8x128xi32, #tpu.memory_space<vmem>> -> memref<1x8x128xi32, #tpu.memory_space<vmem>>
          %dma_start3A_311 = tpu.memref_squeeze %dma_start3A_310 : memref<1x8x128xi32, #tpu.memory_space<vmem>> -> memref<8x128xi32, #tpu.memory_space<vmem>>
          %dma_start3A_312 = arith.constant 0 : i32
          %dma_start3A_313 = tpu.memref_slice %arg3[%add3A_271, %dma_start3A_312] : memref<2560x128xi32, #tpu.memory_space<hbm>> -> memref<8x128xi32, #tpu.memory_space<hbm>>
          %dma_start3A_314 = arith.constant 0 : i32
          %dma_start3A_315 = arith.constant 0 : i32
          %dma_start3A_316 = tpu.memref_slice %arg7[%select_n3A_287, %dma_start3A_314, %dma_start3A_315] : memref<2x8x128xi32, #tpu.memory_space<vmem>> -> memref<1x8x128xi32, #tpu.memory_space<vmem>>
          %dma_start3A_317 = tpu.memref_squeeze %dma_start3A_316 : memref<1x8x128xi32, #tpu.memory_space<vmem>> -> memref<8x128xi32, #tpu.memory_space<vmem>>
          %dma_start3A_318 = arith.constant 0 : i32
          %dma_start3A_319 = tpu.memref_slice %arg3[%add3A_271, %dma_start3A_318] : memref<2560x128xi32, #tpu.memory_space<hbm>> -> memref<8x128xi32, #tpu.memory_space<hbm>>
          tpu.enqueue_dma source(%dma_start3A_319 : memref<8x128xi32, #tpu.memory_space<hbm>>) target(%dma_start3A_317 : memref<8x128xi32, #tpu.memory_space<vmem>>) target_semaphore(%run_scoped3A_307 : memref<!tpu.dma_semaphore, #tpu.memory_space<semaphore_mem>>)
          %dma_wait3A_320 = arith.constant 0 : i32
          %dma_wait3A_321 = arith.constant 0 : i32
          %dma_wait3A_322 = tpu.memref_slice %arg7[%select_n3A_287, %dma_wait3A_320, %dma_wait3A_321] : memref<2x8x128xi32, #tpu.memory_space<vmem>> -> memref<1x8x128xi32, #tpu.memory_space<vmem>>
          %dma_wait3A_323 = tpu.memref_squeeze %dma_wait3A_322 : memref<1x8x128xi32, #tpu.memory_space<vmem>> -> memref<8x128xi32, #tpu.memory_space<vmem>>
          %dma_wait3A_324 = arith.constant 0 : i32
          %dma_wait3A_325 = tpu.memref_slice %arg3[%add3A_271, %dma_wait3A_324] : memref<2560x128xi32, #tpu.memory_space<hbm>> -> memref<8x128xi32, #tpu.memory_space<hbm>>
          %dma_wait3A_326 = arith.constant 0 : i32
          %dma_wait3A_327 = arith.constant 0 : i32
          %dma_wait3A_328 = tpu.memref_slice %arg7[%select_n3A_287, %dma_wait3A_326, %dma_wait3A_327] : memref<2x8x128xi32, #tpu.memory_space<vmem>> -> memref<1x8x128xi32, #tpu.memory_space<vmem>>
          %dma_wait3A_329 = tpu.memref_squeeze %dma_wait3A_328 : memref<1x8x128xi32, #tpu.memory_space<vmem>> -> memref<8x128xi32, #tpu.memory_space<vmem>>
          %dma_wait3A_330 = arith.constant 0 : i32
          %dma_wait3A_331 = tpu.memref_slice %arg3[%add3A_271, %dma_wait3A_330] : memref<2560x128xi32, #tpu.memory_space<hbm>> -> memref<8x128xi32, #tpu.memory_space<hbm>>
          tpu.wait_dma2 semaphore(%run_scoped3A_307 : memref<!tpu.dma_semaphore, #tpu.memory_space<semaphore_mem>>) src(%dma_wait3A_331 : memref<8x128xi32, #tpu.memory_space<hbm>>) dst(%dma_wait3A_329 : memref<8x128xi32, #tpu.memory_space<vmem>>)
          tpu.yield
        }) : () -> ()
        %mul3A_288 = arith.constant 8 : i32
        %mul3A_289 = arith.muli %select_n3A_268, %mul3A_288 : i32
        %add3A_290 = arith.addi %select_n3A_10, %mul3A_289 : i32
        %jit3A_291 = arith.constant 2 : i32
        %eq3A_292 = arith.constant 0 : i32
        %eq3A_293 = arith.cmpi eq, %jit3A_291, %eq3A_292 : i32
        %jit3A_294 = arith.constant 1 : i32
        %select_n3A_295 = arith.select %eq3A_293, %jit3A_294, %jit3A_291 : i32
        %rem3A_296 = arith.remsi %select_n3A_268, %select_n3A_295 : i32
        %ne3A_297 = arith.constant 0 : i32
        %ne3A_298 = arith.cmpi ne, %rem3A_296, %ne3A_297 : i32
        %lt3A_299 = arith.constant 0 : i32
        %lt3A_300 = arith.cmpi slt, %rem3A_296, %lt3A_299 : i32
        %lt3A_301 = arith.constant 0 : i32
        %lt3A_302 = arith.cmpi slt, %select_n3A_295, %lt3A_301 : i32
        %ne3A_303 = arith.xori %lt3A_300, %lt3A_302 : i1
        %and3A_304 = arith.andi %ne3A_303, %ne3A_298 : i1
        %add3A_305 = arith.addi %rem3A_296, %select_n3A_295 : i32
        %select_n3A_306 = arith.select %and3A_304, %add3A_305, %rem3A_296 : i32
        "tpu.region"() ({
          %run_scoped3A_307 = tpu.sem_alloc : memref<!tpu.dma_semaphore, #tpu.memory_space<semaphore_mem>>
          %dma_start3A_308 = arith.constant 0 : i32
          %dma_start3A_309 = arith.constant 0 : i32
          %dma_start3A_310 = tpu.memref_slice %arg8[%select_n3A_306, %dma_start3A_308, %dma_start3A_309] : memref<2x8x128xi32, #tpu.memory_space<vmem>> -> memref<1x8x128xi32, #tpu.memory_space<vmem>>
          %dma_start3A_311 = tpu.memref_squeeze %dma_start3A_310 : memref<1x8x128xi32, #tpu.memory_space<vmem>> -> memref<8x128xi32, #tpu.memory_space<vmem>>
          %dma_start3A_312 = arith.constant 0 : i32
          %dma_start3A_313 = tpu.memref_slice %arg4[%add3A_290, %dma_start3A_312] : memref<2560x128xi32, #tpu.memory_space<hbm>> -> memref<8x128xi32, #tpu.memory_space<hbm>>
          %dma_start3A_314 = arith.constant 0 : i32
          %dma_start3A_315 = arith.constant 0 : i32
          %dma_start3A_316 = tpu.memref_slice %arg8[%select_n3A_306, %dma_start3A_314, %dma_start3A_315] : memref<2x8x128xi32, #tpu.memory_space<vmem>> -> memref<1x8x128xi32, #tpu.memory_space<vmem>>
          %dma_start3A_317 = tpu.memref_squeeze %dma_start3A_316 : memref<1x8x128xi32, #tpu.memory_space<vmem>> -> memref<8x128xi32, #tpu.memory_space<vmem>>
          %dma_start3A_318 = arith.constant 0 : i32
          %dma_start3A_319 = tpu.memref_slice %arg4[%add3A_290, %dma_start3A_318] : memref<2560x128xi32, #tpu.memory_space<hbm>> -> memref<8x128xi32, #tpu.memory_space<hbm>>
          tpu.enqueue_dma source(%dma_start3A_319 : memref<8x128xi32, #tpu.memory_space<hbm>>) target(%dma_start3A_317 : memref<8x128xi32, #tpu.memory_space<vmem>>) target_semaphore(%run_scoped3A_307 : memref<!tpu.dma_semaphore, #tpu.memory_space<semaphore_mem>>)
          %dma_wait3A_320 = arith.constant 0 : i32
          %dma_wait3A_321 = arith.constant 0 : i32
          %dma_wait3A_322 = tpu.memref_slice %arg8[%select_n3A_306, %dma_wait3A_320, %dma_wait3A_321] : memref<2x8x128xi32, #tpu.memory_space<vmem>> -> memref<1x8x128xi32, #tpu.memory_space<vmem>>
          %dma_wait3A_323 = tpu.memref_squeeze %dma_wait3A_322 : memref<1x8x128xi32, #tpu.memory_space<vmem>> -> memref<8x128xi32, #tpu.memory_space<vmem>>
          %dma_wait3A_324 = arith.constant 0 : i32
          %dma_wait3A_325 = tpu.memref_slice %arg4[%add3A_290, %dma_wait3A_324] : memref<2560x128xi32, #tpu.memory_space<hbm>> -> memref<8x128xi32, #tpu.memory_space<hbm>>
          %dma_wait3A_326 = arith.constant 0 : i32
          %dma_wait3A_327 = arith.constant 0 : i32
          %dma_wait3A_328 = tpu.memref_slice %arg8[%select_n3A_306, %dma_wait3A_326, %dma_wait3A_327] : memref<2x8x128xi32, #tpu.memory_space<vmem>> -> memref<1x8x128xi32, #tpu.memory_space<vmem>>
          %dma_wait3A_329 = tpu.memref_squeeze %dma_wait3A_328 : memref<1x8x128xi32, #tpu.memory_space<vmem>> -> memref<8x128xi32, #tpu.memory_space<vmem>>
          %dma_wait3A_330 = arith.constant 0 : i32
          %dma_wait3A_331 = tpu.memref_slice %arg4[%add3A_290, %dma_wait3A_330] : memref<2560x128xi32, #tpu.memory_space<hbm>> -> memref<8x128xi32, #tpu.memory_space<hbm>>
          tpu.wait_dma2 semaphore(%run_scoped3A_307 : memref<!tpu.dma_semaphore, #tpu.memory_space<semaphore_mem>>) src(%dma_wait3A_331 : memref<8x128xi32, #tpu.memory_space<hbm>>) dst(%dma_wait3A_329 : memref<8x128xi32, #tpu.memory_space<vmem>>)
          tpu.yield
        }) : () -> ()
      } else {
      }
      %lt3A_161 = arith.cmpi slt, %add3A_139, %select_n3A : i32
      %convert_element_type3A_162 = arith.extui %lt3A_161 : i1 to i32
      %cond3A_163 = arith.constant 0 : i32
      %cond3A_164 = arith.cmpi ne, %convert_element_type3A_162, %cond3A_163 : i32
      scf.if %cond3A_164 {
        %jit3A_245 = arith.constant 8 : i32
        %div3A_246 = arith.divsi %add3A_139, %jit3A_245 : i32
        %sign3A_247 = arith.constant 0 : i32
        %sign3A_248 = arith.cmpi sgt, %add3A_139, %sign3A_247 : i32
        %sign3A_249 = arith.extui %sign3A_248 : i1 to i32
        %sign3A_250 = arith.constant 0 : i32
        %sign3A_251 = arith.cmpi slt, %add3A_139, %sign3A_250 : i32
        %sign3A_252 = arith.extui %sign3A_251 : i1 to i32
        %sign3A_253 = arith.subi %sign3A_249, %sign3A_252 : i32
        %sign3A_254 = arith.constant 0 : i32
        %sign3A_255 = arith.cmpi sgt, %jit3A_245, %sign3A_254 : i32
        %sign3A_256 = arith.extui %sign3A_255 : i1 to i32
        %sign3A_257 = arith.constant 0 : i32
        %sign3A_258 = arith.cmpi slt, %jit3A_245, %sign3A_257 : i32
        %sign3A_259 = arith.extui %sign3A_258 : i1 to i32
        %sign3A_260 = arith.subi %sign3A_256, %sign3A_259 : i32
        %ne3A_261 = arith.cmpi ne, %sign3A_253, %sign3A_260 : i32
        %rem3A_262 = arith.remsi %add3A_139, %jit3A_245 : i32
        %ne3A_263 = arith.constant 0 : i32
        %ne3A_264 = arith.cmpi ne, %rem3A_262, %ne3A_263 : i32
        %and3A_265 = arith.andi %ne3A_261, %ne3A_264 : i1
        %sub3A_266 = arith.constant 1 : i32
        %sub3A_267 = arith.subi %div3A_246, %sub3A_266 : i32
        %select_n3A_268 = arith.select %and3A_265, %sub3A_267, %div3A_246 : i32
        %jit3A_269 = arith.constant 2 : i32
        %eq3A_270 = arith.constant 0 : i32
        %eq3A_271 = arith.cmpi eq, %jit3A_269, %eq3A_270 : i32
        %jit3A_272 = arith.constant 1 : i32
        %select_n3A_273 = arith.select %eq3A_271, %jit3A_272, %jit3A_269 : i32
        %rem3A_274 = arith.remsi %select_n3A_268, %select_n3A_273 : i32
        %ne3A_275 = arith.constant 0 : i32
        %ne3A_276 = arith.cmpi ne, %rem3A_274, %ne3A_275 : i32
        %lt3A_277 = arith.constant 0 : i32
        %lt3A_278 = arith.cmpi slt, %rem3A_274, %lt3A_277 : i32
        %lt3A_279 = arith.constant 0 : i32
        %lt3A_280 = arith.cmpi slt, %select_n3A_273, %lt3A_279 : i32
        %ne3A_281 = arith.xori %lt3A_278, %lt3A_280 : i1
        %and3A_282 = arith.andi %ne3A_281, %ne3A_276 : i1
        %add3A_283 = arith.addi %rem3A_274, %select_n3A_273 : i32
        %select_n3A_284 = arith.select %and3A_282, %add3A_283, %rem3A_274 : i32
        %jit3A_285 = arith.constant 8 : i32
        %eq3A_286 = arith.constant 0 : i32
        %eq3A_287 = arith.cmpi eq, %jit3A_285, %eq3A_286 : i32
        %jit3A_288 = arith.constant 1 : i32
        %select_n3A_289 = arith.select %eq3A_287, %jit3A_288, %jit3A_285 : i32
        %rem3A_290 = arith.remsi %add3A_139, %select_n3A_289 : i32
        %ne3A_291 = arith.constant 0 : i32
        %ne3A_292 = arith.cmpi ne, %rem3A_290, %ne3A_291 : i32
        %lt3A_293 = arith.constant 0 : i32
        %lt3A_294 = arith.cmpi slt, %rem3A_290, %lt3A_293 : i32
        %lt3A_295 = arith.constant 0 : i32
        %lt3A_296 = arith.cmpi slt, %select_n3A_289, %lt3A_295 : i32
        %ne3A_297 = arith.xori %lt3A_294, %lt3A_296 : i1
        %and3A_298 = arith.andi %ne3A_297, %ne3A_292 : i1
        %add3A_299 = arith.addi %rem3A_290, %select_n3A_289 : i32
        %select_n3A_300 = arith.select %and3A_298, %add3A_299, %rem3A_290 : i32
        %dma_start3A_301 = arith.constant 0 : i32
        %dma_start3A_302 = arith.constant 0 : i32
        %dma_start3A_303 = arith.constant 0 : i32
        %dma_start3A_304 = tpu.memref_slice %arg9[%dma_start3A_301, %dma_start3A_302, %dma_start3A_303] : memref<2x128x128xf32, #tpu.memory_space<vmem>> -> memref<1x128x128xf32, #tpu.memory_space<vmem>>
        %dma_start3A_305 = tpu.memref_squeeze %dma_start3A_304 : memref<1x128x128xf32, #tpu.memory_space<vmem>> -> memref<128x128xf32, #tpu.memory_space<vmem>>
        %dma_start3A_306 = arith.constant 0 : i32
        %dma_start3A_307 = tpu.memref_slice %arg7[%select_n3A_284, %select_n3A_300, %dma_start3A_306] : memref<2x8x128xi32, #tpu.memory_space<vmem>> -> memref<1x1x128xi32, #tpu.memory_space<vmem>>
        %dma_start3A_308 = tpu.memref_squeeze %dma_start3A_307 : memref<1x1x128xi32, #tpu.memory_space<vmem>> -> memref<128xi32, #tpu.memory_space<vmem>>
        %dma_start3A_309 = arith.constant 0 : i32
        %dma_start3A_310 = arith.constant 0 : i32
        %dma_start3A_311 = tpu.memref_slice %arg2[%dma_start3A_309, %dma_start3A_310] : memref<10240x128xf32, #tpu.memory_space<hbm>> -> memref<10240x128xf32, #tpu.memory_space<hbm>>
        tpu.enqueue_indirect_dma source(%dma_start3A_311 : memref<10240x128xf32, #tpu.memory_space<hbm>>) target(%dma_start3A_305 : memref<128x128xf32, #tpu.memory_space<vmem>>) offsets(%dma_start3A_308 : memref<128xi32, #tpu.memory_space<vmem>>) semaphore(%arg11 : memref<!tpu.dma_semaphore, #tpu.memory_space<semaphore_mem>>)
      } else {
      }
      %mul3A_165 = arith.constant 2 : i32
      %mul3A_166 = arith.muli %mul3A_165, %while3A_65 : i32
      %add3A_167 = arith.constant 1 : i32
      %add3A_168 = arith.addi %mul3A_166, %add3A_167 : i32
      %dma_wait3A_169 = arith.constant 0 : i32
      %dma_wait3A_170 = arith.constant 0 : i32
      %dma_wait3A_171 = arith.constant 1 : i32
      %dma_wait3A_172 = arith.constant 0 : i32
      %dma_wait3A_173 = arith.constant 0 : i32
      %dma_wait3A_174 = tpu.memref_slice %arg9[%dma_wait3A_171, %dma_wait3A_172, %dma_wait3A_173] : memref<2x128x128xf32, #tpu.memory_space<vmem>> -> memref<1x128x128xf32, #tpu.memory_space<vmem>>
      %dma_wait3A_175 = tpu.memref_squeeze %dma_wait3A_174 : memref<1x128x128xf32, #tpu.memory_space<vmem>> -> memref<128x128xf32, #tpu.memory_space<vmem>>
      %dma_wait3A_176 = arith.constant 0 : i32
      %dma_wait3A_177 = tpu.memref_slice %arg7[%dma_wait3A_169, %dma_wait3A_170, %dma_wait3A_176] : memref<2x8x128xi32, #tpu.memory_space<vmem>> -> memref<1x1x128xi32, #tpu.memory_space<vmem>>
      %dma_wait3A_178 = tpu.memref_squeeze %dma_wait3A_177 : memref<1x1x128xi32, #tpu.memory_space<vmem>> -> memref<128xi32, #tpu.memory_space<vmem>>
      %dma_wait3A_179 = arith.constant 0 : i32
      %dma_wait3A_180 = arith.constant 0 : i32
      %dma_wait3A_181 = tpu.memref_slice %arg2[%dma_wait3A_179, %dma_wait3A_180] : memref<10240x128xf32, #tpu.memory_space<hbm>> -> memref<10240x128xf32, #tpu.memory_space<hbm>>
      tpu.wait_indirect_dma semaphore(%arg12 : memref<!tpu.dma_semaphore, #tpu.memory_space<semaphore_mem>>) src(%dma_wait3A_181 : memref<10240x128xf32, #tpu.memory_space<hbm>>) dst(%dma_wait3A_175 : memref<128x128xf32, #tpu.memory_space<vmem>>)
      %jit3A_182 = arith.constant 8 : i32
      %div3A_183 = arith.divsi %add3A_168, %jit3A_182 : i32
      %sign3A_184 = arith.constant 0 : i32
      %sign3A_185 = arith.cmpi sgt, %add3A_168, %sign3A_184 : i32
      %sign3A_186 = arith.extui %sign3A_185 : i1 to i32
      %sign3A_187 = arith.constant 0 : i32
      %sign3A_188 = arith.cmpi slt, %add3A_168, %sign3A_187 : i32
      %sign3A_189 = arith.extui %sign3A_188 : i1 to i32
      %sign3A_190 = arith.subi %sign3A_186, %sign3A_189 : i32
      %sign3A_191 = arith.constant 0 : i32
      %sign3A_192 = arith.cmpi sgt, %jit3A_182, %sign3A_191 : i32
      %sign3A_193 = arith.extui %sign3A_192 : i1 to i32
      %sign3A_194 = arith.constant 0 : i32
      %sign3A_195 = arith.cmpi slt, %jit3A_182, %sign3A_194 : i32
      %sign3A_196 = arith.extui %sign3A_195 : i1 to i32
      %sign3A_197 = arith.subi %sign3A_193, %sign3A_196 : i32
      %ne3A_198 = arith.cmpi ne, %sign3A_190, %sign3A_197 : i32
      %rem3A_199 = arith.remsi %add3A_168, %jit3A_182 : i32
      %ne3A_200 = arith.constant 0 : i32
      %ne3A_201 = arith.cmpi ne, %rem3A_199, %ne3A_200 : i32
      %and3A_202 = arith.andi %ne3A_198, %ne3A_201 : i1
      %sub3A_203 = arith.constant 1 : i32
      %sub3A_204 = arith.subi %div3A_183, %sub3A_203 : i32
      %select_n3A_205 = arith.select %and3A_202, %sub3A_204, %div3A_183 : i32
      %jit3A_206 = arith.constant 2 : i32
      %eq3A_207 = arith.constant 0 : i32
      %eq3A_208 = arith.cmpi eq, %jit3A_206, %eq3A_207 : i32
      %jit3A_209 = arith.constant 1 : i32
      %select_n3A_210 = arith.select %eq3A_208, %jit3A_209, %jit3A_206 : i32
      %rem3A_211 = arith.remsi %select_n3A_205, %select_n3A_210 : i32
      %ne3A_212 = arith.constant 0 : i32
      %ne3A_213 = arith.cmpi ne, %rem3A_211, %ne3A_212 : i32
      %lt3A_214 = arith.constant 0 : i32
      %lt3A_215 = arith.cmpi slt, %rem3A_211, %lt3A_214 : i32
      %lt3A_216 = arith.constant 0 : i32
      %lt3A_217 = arith.cmpi slt, %select_n3A_210, %lt3A_216 : i32
      %ne3A_218 = arith.xori %lt3A_215, %lt3A_217 : i1
      %and3A_219 = arith.andi %ne3A_218, %ne3A_213 : i1
      %add3A_220 = arith.addi %rem3A_211, %select_n3A_210 : i32
      %select_n3A_221 = arith.select %and3A_219, %add3A_220, %rem3A_211 : i32
      %jit3A_222 = arith.constant 8 : i32
      %eq3A_223 = arith.constant 0 : i32
      %eq3A_224 = arith.cmpi eq, %jit3A_222, %eq3A_223 : i32
      %jit3A_225 = arith.constant 1 : i32
      %select_n3A_226 = arith.select %eq3A_224, %jit3A_225, %jit3A_222 : i32
      %rem3A_227 = arith.remsi %add3A_168, %select_n3A_226 : i32
      %ne3A_228 = arith.constant 0 : i32
      %ne3A_229 = arith.cmpi ne, %rem3A_227, %ne3A_228 : i32
      %lt3A_230 = arith.constant 0 : i32
      %lt3A_231 = arith.cmpi slt, %rem3A_227, %lt3A_230 : i32
      %lt3A_232 = arith.constant 0 : i32
      %lt3A_233 = arith.cmpi slt, %select_n3A_226, %lt3A_232 : i32
      %ne3A_234 = arith.xori %lt3A_231, %lt3A_233 : i1
      %and3A_235 = arith.andi %ne3A_234, %ne3A_229 : i1
      %add3A_236 = arith.addi %rem3A_227, %select_n3A_226 : i32
      %select_n3A_237 = arith.select %and3A_235, %add3A_236, %rem3A_227 : i32
      %run_scoped3A_238 = arith.constant 1 : i32
      "tpu.region"() ({
        %run_scoped3A_245 = tpu.sem_alloc : memref<!tpu.dma_semaphore, #tpu.memory_space<semaphore_mem>>
        %dma_start3A_246 = arith.constant 0 : i32
        %dma_start3A_247 = arith.constant 0 : i32
        %dma_start3A_248 = tpu.memref_slice %arg9[%run_scoped3A_238, %dma_start3A_246, %dma_start3A_247] : memref<2x128x128xf32, #tpu.memory_space<vmem>> -> memref<1x128x128xf32, #tpu.memory_space<vmem>>
        %dma_start3A_249 = tpu.memref_squeeze %dma_start3A_248 : memref<1x128x128xf32, #tpu.memory_space<vmem>> -> memref<128x128xf32, #tpu.memory_space<vmem>>
        %dma_start3A_250 = arith.constant 0 : i32
        %dma_start3A_251 = tpu.memref_slice %arg8[%select_n3A_221, %select_n3A_237, %dma_start3A_250] : memref<2x8x128xi32, #tpu.memory_space<vmem>> -> memref<1x1x128xi32, #tpu.memory_space<vmem>>
        %dma_start3A_252 = tpu.memref_squeeze %dma_start3A_251 : memref<1x1x128xi32, #tpu.memory_space<vmem>> -> memref<128xi32, #tpu.memory_space<vmem>>
        %dma_start3A_253 = arith.constant 0 : i32
        %dma_start3A_254 = arith.constant 0 : i32
        %dma_start3A_255 = tpu.memref_slice %arg10[%dma_start3A_253, %dma_start3A_254] : memref<10240x128xf32, #tpu.memory_space<vmem_shared>> -> memref<10240x128xf32, #tpu.memory_space<vmem_shared>>
        tpu.enqueue_indirect_dma source(%dma_start3A_249 : memref<128x128xf32, #tpu.memory_space<vmem>>) target(%dma_start3A_255 : memref<10240x128xf32, #tpu.memory_space<vmem_shared>>) offsets(%dma_start3A_252 : memref<128xi32, #tpu.memory_space<vmem>>) semaphore(%run_scoped3A_245 : memref<!tpu.dma_semaphore, #tpu.memory_space<semaphore_mem>>) {add = true}
        %dma_wait3A_256 = arith.constant 0 : i32
        %dma_wait3A_257 = arith.constant 0 : i32
        %dma_wait3A_258 = tpu.memref_slice %arg9[%run_scoped3A_238, %dma_wait3A_256, %dma_wait3A_257] : memref<2x128x128xf32, #tpu.memory_space<vmem>> -> memref<1x128x128xf32, #tpu.memory_space<vmem>>
        %dma_wait3A_259 = tpu.memref_squeeze %dma_wait3A_258 : memref<1x128x128xf32, #tpu.memory_space<vmem>> -> memref<128x128xf32, #tpu.memory_space<vmem>>
        %dma_wait3A_260 = arith.constant 0 : i32
        %dma_wait3A_261 = tpu.memref_slice %arg8[%select_n3A_221, %select_n3A_237, %dma_wait3A_260] : memref<2x8x128xi32, #tpu.memory_space<vmem>> -> memref<1x1x128xi32, #tpu.memory_space<vmem>>
        %dma_wait3A_262 = tpu.memref_squeeze %dma_wait3A_261 : memref<1x1x128xi32, #tpu.memory_space<vmem>> -> memref<128xi32, #tpu.memory_space<vmem>>
        %dma_wait3A_263 = arith.constant 0 : i32
        %dma_wait3A_264 = arith.constant 0 : i32
        %dma_wait3A_265 = tpu.memref_slice %arg10[%dma_wait3A_263, %dma_wait3A_264] : memref<10240x128xf32, #tpu.memory_space<vmem_shared>> -> memref<10240x128xf32, #tpu.memory_space<vmem_shared>>
        tpu.wait_indirect_dma semaphore(%run_scoped3A_245 : memref<!tpu.dma_semaphore, #tpu.memory_space<semaphore_mem>>) src(%dma_wait3A_259 : memref<128x128xf32, #tpu.memory_space<vmem>>) dst(%dma_wait3A_265 : memref<10240x128xf32, #tpu.memory_space<vmem_shared>>)
        tpu.yield
      }) : () -> ()
      %add3A_239 = arith.constant 2 : i32
      %add3A_240 = arith.addi %add3A_168, %add3A_239 : i32
      %lt3A_241 = arith.cmpi slt, %add3A_240, %select_n3A : i32
      %convert_element_type3A_242 = arith.extui %lt3A_241 : i1 to i32
      %cond3A_243 = arith.constant 0 : i32
      %cond3A_244 = arith.cmpi ne, %convert_element_type3A_242, %cond3A_243 : i32
      scf.if %cond3A_244 {
        %jit3A_245 = arith.constant 8 : i32
        %div3A_246 = arith.divsi %add3A_240, %jit3A_245 : i32
        %sign3A_247 = arith.constant 0 : i32
        %sign3A_248 = arith.cmpi sgt, %add3A_240, %sign3A_247 : i32
        %sign3A_249 = arith.extui %sign3A_248 : i1 to i32
        %sign3A_250 = arith.constant 0 : i32
        %sign3A_251 = arith.cmpi slt, %add3A_240, %sign3A_250 : i32
        %sign3A_252 = arith.extui %sign3A_251 : i1 to i32
        %sign3A_253 = arith.subi %sign3A_249, %sign3A_252 : i32
        %sign3A_254 = arith.constant 0 : i32
        %sign3A_255 = arith.cmpi sgt, %jit3A_245, %sign3A_254 : i32
        %sign3A_256 = arith.extui %sign3A_255 : i1 to i32
        %sign3A_257 = arith.constant 0 : i32
        %sign3A_258 = arith.cmpi slt, %jit3A_245, %sign3A_257 : i32
        %sign3A_259 = arith.extui %sign3A_258 : i1 to i32
        %sign3A_260 = arith.subi %sign3A_256, %sign3A_259 : i32
        %ne3A_261 = arith.cmpi ne, %sign3A_253, %sign3A_260 : i32
        %rem3A_262 = arith.remsi %add3A_240, %jit3A_245 : i32
        %ne3A_263 = arith.constant 0 : i32
        %ne3A_264 = arith.cmpi ne, %rem3A_262, %ne3A_263 : i32
        %and3A_265 = arith.andi %ne3A_261, %ne3A_264 : i1
        %sub3A_266 = arith.constant 1 : i32
        %sub3A_267 = arith.subi %div3A_246, %sub3A_266 : i32
        %select_n3A_268 = arith.select %and3A_265, %sub3A_267, %div3A_246 : i32
        %jit3A_269 = arith.constant 2 : i32
        %eq3A_270 = arith.constant 0 : i32
        %eq3A_271 = arith.cmpi eq, %jit3A_269, %eq3A_270 : i32
        %jit3A_272 = arith.constant 1 : i32
        %select_n3A_273 = arith.select %eq3A_271, %jit3A_272, %jit3A_269 : i32
        %rem3A_274 = arith.remsi %select_n3A_268, %select_n3A_273 : i32
        %ne3A_275 = arith.constant 0 : i32
        %ne3A_276 = arith.cmpi ne, %rem3A_274, %ne3A_275 : i32
        %lt3A_277 = arith.constant 0 : i32
        %lt3A_278 = arith.cmpi slt, %rem3A_274, %lt3A_277 : i32
        %lt3A_279 = arith.constant 0 : i32
        %lt3A_280 = arith.cmpi slt, %select_n3A_273, %lt3A_279 : i32
        %ne3A_281 = arith.xori %lt3A_278, %lt3A_280 : i1
        %and3A_282 = arith.andi %ne3A_281, %ne3A_276 : i1
        %add3A_283 = arith.addi %rem3A_274, %select_n3A_273 : i32
        %select_n3A_284 = arith.select %and3A_282, %add3A_283, %rem3A_274 : i32
        %jit3A_285 = arith.constant 8 : i32
        %eq3A_286 = arith.constant 0 : i32
        %eq3A_287 = arith.cmpi eq, %jit3A_285, %eq3A_286 : i32
        %jit3A_288 = arith.constant 1 : i32
        %select_n3A_289 = arith.select %eq3A_287, %jit3A_288, %jit3A_285 : i32
        %rem3A_290 = arith.remsi %add3A_240, %select_n3A_289 : i32
        %ne3A_291 = arith.constant 0 : i32
        %ne3A_292 = arith.cmpi ne, %rem3A_290, %ne3A_291 : i32
        %lt3A_293 = arith.constant 0 : i32
        %lt3A_294 = arith.cmpi slt, %rem3A_290, %lt3A_293 : i32
        %lt3A_295 = arith.constant 0 : i32
        %lt3A_296 = arith.cmpi slt, %select_n3A_289, %lt3A_295 : i32
        %ne3A_297 = arith.xori %lt3A_294, %lt3A_296 : i1
        %and3A_298 = arith.andi %ne3A_297, %ne3A_292 : i1
        %add3A_299 = arith.addi %rem3A_290, %select_n3A_289 : i32
        %select_n3A_300 = arith.select %and3A_298, %add3A_299, %rem3A_290 : i32
        %dma_start3A_301 = arith.constant 1 : i32
        %dma_start3A_302 = arith.constant 0 : i32
        %dma_start3A_303 = arith.constant 0 : i32
        %dma_start3A_304 = tpu.memref_slice %arg9[%dma_start3A_301, %dma_start3A_302, %dma_start3A_303] : memref<2x128x128xf32, #tpu.memory_space<vmem>> -> memref<1x128x128xf32, #tpu.memory_space<vmem>>
        %dma_start3A_305 = tpu.memref_squeeze %dma_start3A_304 : memref<1x128x128xf32, #tpu.memory_space<vmem>> -> memref<128x128xf32, #tpu.memory_space<vmem>>
        %dma_start3A_306 = arith.constant 0 : i32
        %dma_start3A_307 = tpu.memref_slice %arg7[%select_n3A_284, %select_n3A_300, %dma_start3A_306] : memref<2x8x128xi32, #tpu.memory_space<vmem>> -> memref<1x1x128xi32, #tpu.memory_space<vmem>>
        %dma_start3A_308 = tpu.memref_squeeze %dma_start3A_307 : memref<1x1x128xi32, #tpu.memory_space<vmem>> -> memref<128xi32, #tpu.memory_space<vmem>>
        %dma_start3A_309 = arith.constant 0 : i32
        %dma_start3A_310 = arith.constant 0 : i32
        %dma_start3A_311 = tpu.memref_slice %arg2[%dma_start3A_309, %dma_start3A_310] : memref<10240x128xf32, #tpu.memory_space<hbm>> -> memref<10240x128xf32, #tpu.memory_space<hbm>>
        tpu.enqueue_indirect_dma source(%dma_start3A_311 : memref<10240x128xf32, #tpu.memory_space<hbm>>) target(%dma_start3A_305 : memref<128x128xf32, #tpu.memory_space<vmem>>) offsets(%dma_start3A_308 : memref<128xi32, #tpu.memory_space<vmem>>) semaphore(%arg12 : memref<!tpu.dma_semaphore, #tpu.memory_space<semaphore_mem>>)
      } else {
      }
    }
    %barrier3A_64 = arith.constant 0 : index
    tpu.barrier barrier_id(%barrier3A_64)
    "tpu.region"() ({
      %run_scoped3A_65 = tpu.sem_alloc : memref<!tpu.dma_semaphore, #tpu.memory_space<semaphore_mem>>
      %dma_start3A_66 = arith.constant 0 : i32
      %dma_start3A_67 = tpu.memref_slice %arg6[%arg0, %mul3A_0, %dma_start3A_66] : memref<2x10240x128xf32, #tpu.memory_space<hbm>> -> memref<1x640x128xf32, #tpu.memory_space<hbm>>
      %dma_start3A_68 = tpu.memref_squeeze %dma_start3A_67 : memref<1x640x128xf32, #tpu.memory_space<hbm>> -> memref<640x128xf32, #tpu.memory_space<hbm>>
      %dma_start3A_69 = arith.constant 0 : i32
      %dma_start3A_70 = tpu.memref_slice %arg10[%mul3A_0, %dma_start3A_69] : memref<10240x128xf32, #tpu.memory_space<vmem_shared>> -> memref<640x128xf32, #tpu.memory_space<vmem_shared>>
      tpu.enqueue_dma source(%dma_start3A_70 : memref<640x128xf32, #tpu.memory_space<vmem_shared>>) target(%dma_start3A_68 : memref<640x128xf32, #tpu.memory_space<hbm>>) target_semaphore(%run_scoped3A_65 : memref<!tpu.dma_semaphore, #tpu.memory_space<semaphore_mem>>)
      %dma_wait3A = arith.constant 0 : i32
      %dma_wait3A_71 = tpu.memref_slice %arg6[%arg0, %mul3A_0, %dma_wait3A] : memref<2x10240x128xf32, #tpu.memory_space<hbm>> -> memref<1x640x128xf32, #tpu.memory_space<hbm>>
      %dma_wait3A_72 = tpu.memref_squeeze %dma_wait3A_71 : memref<1x640x128xf32, #tpu.memory_space<hbm>> -> memref<640x128xf32, #tpu.memory_space<hbm>>
      %dma_wait3A_73 = arith.constant 0 : i32
      %dma_wait3A_74 = tpu.memref_slice %arg10[%mul3A_0, %dma_wait3A_73] : memref<10240x128xf32, #tpu.memory_space<vmem_shared>> -> memref<640x128xf32, #tpu.memory_space<vmem_shared>>
      tpu.wait_dma2 semaphore(%run_scoped3A_65 : memref<!tpu.dma_semaphore, #tpu.memory_space<semaphore_mem>>) src(%dma_wait3A_74 : memref<640x128xf32, #tpu.memory_space<vmem_shared>>) dst(%dma_wait3A_72 : memref<640x128xf32, #tpu.memory_space<hbm>>)
      tpu.yield
    }) : () -> ()
    return
  }
}

#map = affine_map<(d0, d1) -> (0, 0)>
#map1 = affine_map<(d0, d1) -> (0, 0, 0)>
module attributes {stable_mosaic.version = 14 : i64} {
  func.func @_sc_mp(%arg0: i32, %arg1: i32, %arg2: memref<10240x128xf32, #tpu.memory_space<hbm>>, %arg3: memref<2560x128xi32, #tpu.memory_space<hbm>>, %arg4: memref<2560x128xi32, #tpu.memory_space<hbm>>, %arg5: memref<640x128xf32, #tpu.memory_space<hbm>>, %arg6: memref<2x10240x128xf32, #tpu.memory_space<hbm>>, %arg7: memref<2x8x128xi32, #tpu.memory_space<vmem>>, %arg8: memref<2x8x128xi32, #tpu.memory_space<vmem>>, %arg9: memref<2x128x128xf32, #tpu.memory_space<vmem>>, %arg10: memref<10240x128xf32, #tpu.memory_space<vmem_shared>>, %arg11: memref<!tpu.dma_semaphore, #tpu.memory_space<semaphore_mem>>, %arg12: memref<!tpu.dma_semaphore, #tpu.memory_space<semaphore_mem>>) attributes {dimension_semantics = [#tpu.dimension_semantics<core_parallel>, #tpu.dimension_semantics<subcore_parallel>], iteration_bounds = array<i64: 2, 16>, scalar_prefetch = 0 : i64, scratch_operands = 6 : i64, tpu.core_type = #tpu.core_type<sc_vector_subcore>, window_params = [{transform_indices = #map}, {transform_indices = #map}, {transform_indices = #map}, {transform_indices = #map}, {transform_indices = #map1}]} {
    %mul3A = arith.constant 640 : i32
    %mul3A_0 = arith.muli %arg1, %mul3A : i32
    "tpu.region"() ({
      %run_scoped3A_65 = tpu.sem_alloc : memref<!tpu.dma_semaphore, #tpu.memory_space<semaphore_mem>>
      %dma_start3A_66 = arith.constant 0 : i32
      %dma_start3A_67 = tpu.memref_slice %arg10[%mul3A_0, %dma_start3A_66] : memref<10240x128xf32, #tpu.memory_space<vmem_shared>> -> memref<640x128xf32, #tpu.memory_space<vmem_shared>>
      tpu.enqueue_dma source(%arg5 : memref<640x128xf32, #tpu.memory_space<hbm>>) target(%dma_start3A_67 : memref<640x128xf32, #tpu.memory_space<vmem_shared>>) target_semaphore(%run_scoped3A_65 : memref<!tpu.dma_semaphore, #tpu.memory_space<semaphore_mem>>)
      %dma_wait3A = arith.constant 0 : i32
      %dma_wait3A_68 = tpu.memref_slice %arg10[%mul3A_0, %dma_wait3A] : memref<10240x128xf32, #tpu.memory_space<vmem_shared>> -> memref<640x128xf32, #tpu.memory_space<vmem_shared>>
      tpu.wait_dma2 semaphore(%run_scoped3A_65 : memref<!tpu.dma_semaphore, #tpu.memory_space<semaphore_mem>>) src(%arg5 : memref<640x128xf32, #tpu.memory_space<hbm>>) dst(%dma_wait3A_68 : memref<640x128xf32, #tpu.memory_space<vmem_shared>>)
      tpu.yield
    }) : () -> ()
    %barrier3A = arith.constant 0 : index
    tpu.barrier barrier_id(%barrier3A)
    %eq3A = arith.constant 0 : i32
    %eq3A_1 = arith.cmpi eq, %arg0, %eq3A : i32
    %jit3A = arith.constant 120 : i32
    %jit3A_2 = arith.constant 40 : i32
    %select_n3A = arith.select %eq3A_1, %jit3A, %jit3A_2 : i32
    %eq3A_3 = arith.constant 0 : i32
    %eq3A_4 = arith.cmpi eq, %arg0, %eq3A_3 : i32
    %mul3A_5 = arith.constant 120 : i32
    %mul3A_6 = arith.muli %arg1, %mul3A_5 : i32
    %mul3A_7 = arith.constant 40 : i32
    %mul3A_8 = arith.muli %arg1, %mul3A_7 : i32
    %add3A = arith.constant 1920 : i32
    %add3A_9 = arith.addi %add3A, %mul3A_8 : i32
    %select_n3A_10 = arith.select %eq3A_4, %mul3A_6, %add3A_9 : i32
    %run_scoped3A = arith.constant 0 : i32
    "tpu.region"() ({
      %run_scoped3A_65 = tpu.sem_alloc : memref<!tpu.dma_semaphore, #tpu.memory_space<semaphore_mem>>
      %dma_start3A_66 = arith.constant 0 : i32
      %dma_start3A_67 = arith.constant 0 : i32
      %dma_start3A_68 = tpu.memref_slice %arg7[%run_scoped3A, %dma_start3A_66, %dma_start3A_67] : memref<2x8x128xi32, #tpu.memory_space<vmem>> -> memref<1x8x128xi32, #tpu.memory_space<vmem>>
      %dma_start3A_69 = tpu.memref_squeeze %dma_start3A_68 : memref<1x8x128xi32, #tpu.memory_space<vmem>> -> memref<8x128xi32, #tpu.memory_space<vmem>>
      %dma_start3A_70 = arith.constant 0 : i32
      %dma_start3A_71 = tpu.memref_slice %arg3[%select_n3A_10, %dma_start3A_70] : memref<2560x128xi32, #tpu.memory_space<hbm>> -> memref<8x128xi32, #tpu.memory_space<hbm>>
      %dma_start3A_72 = arith.constant 0 : i32
      %dma_start3A_73 = arith.constant 0 : i32
      %dma_start3A_74 = tpu.memref_slice %arg7[%run_scoped3A, %dma_start3A_72, %dma_start3A_73] : memref<2x8x128xi32, #tpu.memory_space<vmem>> -> memref<1x8x128xi32, #tpu.memory_space<vmem>>
      %dma_start3A_75 = tpu.memref_squeeze %dma_start3A_74 : memref<1x8x128xi32, #tpu.memory_space<vmem>> -> memref<8x128xi32, #tpu.memory_space<vmem>>
      %dma_start3A_76 = arith.constant 0 : i32
      %dma_start3A_77 = tpu.memref_slice %arg3[%select_n3A_10, %dma_start3A_76] : memref<2560x128xi32, #tpu.memory_space<hbm>> -> memref<8x128xi32, #tpu.memory_space<hbm>>
      tpu.enqueue_dma source(%dma_start3A_77 : memref<8x128xi32, #tpu.memory_space<hbm>>) target(%dma_start3A_75 : memref<8x128xi32, #tpu.memory_space<vmem>>) target_semaphore(%run_scoped3A_65 : memref<!tpu.dma_semaphore, #tpu.memory_space<semaphore_mem>>)
      %dma_wait3A = arith.constant 0 : i32
      %dma_wait3A_78 = arith.constant 0 : i32
      %dma_wait3A_79 = tpu.memref_slice %arg7[%run_scoped3A, %dma_wait3A, %dma_wait3A_78] : memref<2x8x128xi32, #tpu.memory_space<vmem>> -> memref<1x8x128xi32, #tpu.memory_space<vmem>>
      %dma_wait3A_80 = tpu.memref_squeeze %dma_wait3A_79 : memref<1x8x128xi32, #tpu.memory_space<vmem>> -> memref<8x128xi32, #tpu.memory_space<vmem>>
      %dma_wait3A_81 = arith.constant 0 : i32
      %dma_wait3A_82 = tpu.memref_slice %arg3[%select_n3A_10, %dma_wait3A_81] : memref<2560x128xi32, #tpu.memory_space<hbm>> -> memref<8x128xi32, #tpu.memory_space<hbm>>
      %dma_wait3A_83 = arith.constant 0 : i32
      %dma_wait3A_84 = arith.constant 0 : i32
      %dma_wait3A_85 = tpu.memref_slice %arg7[%run_scoped3A, %dma_wait3A_83, %dma_wait3A_84] : memref<2x8x128xi32, #tpu.memory_space<vmem>> -> memref<1x8x128xi32, #tpu.memory_space<vmem>>
      %dma_wait3A_86 = tpu.memref_squeeze %dma_wait3A_85 : memref<1x8x128xi32, #tpu.memory_space<vmem>> -> memref<8x128xi32, #tpu.memory_space<vmem>>
      %dma_wait3A_87 = arith.constant 0 : i32
      %dma_wait3A_88 = tpu.memref_slice %arg3[%select_n3A_10, %dma_wait3A_87] : memref<2560x128xi32, #tpu.memory_space<hbm>> -> memref<8x128xi32, #tpu.memory_space<hbm>>
      tpu.wait_dma2 semaphore(%run_scoped3A_65 : memref<!tpu.dma_semaphore, #tpu.memory_space<semaphore_mem>>) src(%dma_wait3A_88 : memref<8x128xi32, #tpu.memory_space<hbm>>) dst(%dma_wait3A_86 : memref<8x128xi32, #tpu.memory_space<vmem>>)
      tpu.yield
    }) : () -> ()
    %run_scoped3A_11 = arith.constant 0 : i32
    "tpu.region"() ({
      %run_scoped3A_65 = tpu.sem_alloc : memref<!tpu.dma_semaphore, #tpu.memory_space<semaphore_mem>>
      %dma_start3A_66 = arith.constant 0 : i32
      %dma_start3A_67 = arith.constant 0 : i32
      %dma_start3A_68 = tpu.memref_slice %arg8[%run_scoped3A_11, %dma_start3A_66, %dma_start3A_67] : memref<2x8x128xi32, #tpu.memory_space<vmem>> -> memref<1x8x128xi32, #tpu.memory_space<vmem>>
      %dma_start3A_69 = tpu.memref_squeeze %dma_start3A_68 : memref<1x8x128xi32, #tpu.memory_space<vmem>> -> memref<8x128xi32, #tpu.memory_space<vmem>>
      %dma_start3A_70 = arith.constant 0 : i32
      %dma_start3A_71 = tpu.memref_slice %arg4[%select_n3A_10, %dma_start3A_70] : memref<2560x128xi32, #tpu.memory_space<hbm>> -> memref<8x128xi32, #tpu.memory_space<hbm>>
      %dma_start3A_72 = arith.constant 0 : i32
      %dma_start3A_73 = arith.constant 0 : i32
      %dma_start3A_74 = tpu.memref_slice %arg8[%run_scoped3A_11, %dma_start3A_72, %dma_start3A_73] : memref<2x8x128xi32, #tpu.memory_space<vmem>> -> memref<1x8x128xi32, #tpu.memory_space<vmem>>
      %dma_start3A_75 = tpu.memref_squeeze %dma_start3A_74 : memref<1x8x128xi32, #tpu.memory_space<vmem>> -> memref<8x128xi32, #tpu.memory_space<vmem>>
      %dma_start3A_76 = arith.constant 0 : i32
      %dma_start3A_77 = tpu.memref_slice %arg4[%select_n3A_10, %dma_start3A_76] : memref<2560x128xi32, #tpu.memory_space<hbm>> -> memref<8x128xi32, #tpu.memory_space<hbm>>
      tpu.enqueue_dma source(%dma_start3A_77 : memref<8x128xi32, #tpu.memory_space<hbm>>) target(%dma_start3A_75 : memref<8x128xi32, #tpu.memory_space<vmem>>) target_semaphore(%run_scoped3A_65 : memref<!tpu.dma_semaphore, #tpu.memory_space<semaphore_mem>>)
      %dma_wait3A = arith.constant 0 : i32
      %dma_wait3A_78 = arith.constant 0 : i32
      %dma_wait3A_79 = tpu.memref_slice %arg8[%run_scoped3A_11, %dma_wait3A, %dma_wait3A_78] : memref<2x8x128xi32, #tpu.memory_space<vmem>> -> memref<1x8x128xi32, #tpu.memory_space<vmem>>
      %dma_wait3A_80 = tpu.memref_squeeze %dma_wait3A_79 : memref<1x8x128xi32, #tpu.memory_space<vmem>> -> memref<8x128xi32, #tpu.memory_space<vmem>>
      %dma_wait3A_81 = arith.constant 0 : i32
      %dma_wait3A_82 = tpu.memref_slice %arg4[%select_n3A_10, %dma_wait3A_81] : memref<2560x128xi32, #tpu.memory_space<hbm>> -> memref<8x128xi32, #tpu.memory_space<hbm>>
      %dma_wait3A_83 = arith.constant 0 : i32
      %dma_wait3A_84 = arith.constant 0 : i32
      %dma_wait3A_85 = tpu.memref_slice %arg8[%run_scoped3A_11, %dma_wait3A_83, %dma_wait3A_84] : memref<2x8x128xi32, #tpu.memory_space<vmem>> -> memref<1x8x128xi32, #tpu.memory_space<vmem>>
      %dma_wait3A_86 = tpu.memref_squeeze %dma_wait3A_85 : memref<1x8x128xi32, #tpu.memory_space<vmem>> -> memref<8x128xi32, #tpu.memory_space<vmem>>
      %dma_wait3A_87 = arith.constant 0 : i32
      %dma_wait3A_88 = tpu.memref_slice %arg4[%select_n3A_10, %dma_wait3A_87] : memref<2560x128xi32, #tpu.memory_space<hbm>> -> memref<8x128xi32, #tpu.memory_space<hbm>>
      tpu.wait_dma2 semaphore(%run_scoped3A_65 : memref<!tpu.dma_semaphore, #tpu.memory_space<semaphore_mem>>) src(%dma_wait3A_88 : memref<8x128xi32, #tpu.memory_space<hbm>>) dst(%dma_wait3A_86 : memref<8x128xi32, #tpu.memory_space<vmem>>)
      tpu.yield
    }) : () -> ()
    %dma_start3A = arith.constant 0 : i32
    %dma_start3A_12 = arith.constant 0 : i32
    %dma_start3A_13 = arith.constant 0 : i32
    %dma_start3A_14 = arith.constant 0 : i32
    %dma_start3A_15 = arith.constant 0 : i32
    %dma_start3A_16 = tpu.memref_slice %arg9[%dma_start3A_13, %dma_start3A_14, %dma_start3A_15] : memref<2x128x128xf32, #tpu.memory_space<vmem>> -> memref<1x128x128xf32, #tpu.memory_space<vmem>>
    %dma_start3A_17 = tpu.memref_squeeze %dma_start3A_16 : memref<1x128x128xf32, #tpu.memory_space<vmem>> -> memref<128x128xf32, #tpu.memory_space<vmem>>
    %dma_start3A_18 = arith.constant 0 : i32
    %dma_start3A_19 = tpu.memref_slice %arg7[%dma_start3A, %dma_start3A_12, %dma_start3A_18] : memref<2x8x128xi32, #tpu.memory_space<vmem>> -> memref<1x1x128xi32, #tpu.memory_space<vmem>>
    %dma_start3A_20 = tpu.memref_squeeze %dma_start3A_19 : memref<1x1x128xi32, #tpu.memory_space<vmem>> -> memref<128xi32, #tpu.memory_space<vmem>>
    %dma_start3A_21 = arith.constant 0 : i32
    %dma_start3A_22 = arith.constant 0 : i32
    %dma_start3A_23 = tpu.memref_slice %arg2[%dma_start3A_21, %dma_start3A_22] : memref<10240x128xf32, #tpu.memory_space<hbm>> -> memref<10240x128xf32, #tpu.memory_space<hbm>>
    tpu.enqueue_indirect_dma source(%dma_start3A_23 : memref<10240x128xf32, #tpu.memory_space<hbm>>) target(%dma_start3A_17 : memref<128x128xf32, #tpu.memory_space<vmem>>) offsets(%dma_start3A_20 : memref<128xi32, #tpu.memory_space<vmem>>) semaphore(%arg11 : memref<!tpu.dma_semaphore, #tpu.memory_space<semaphore_mem>>)
    %dma_start3A_24 = arith.constant 0 : i32
    %dma_start3A_25 = arith.constant 1 : i32
    %dma_start3A_26 = arith.constant 1 : i32
    %dma_start3A_27 = arith.constant 0 : i32
    %dma_start3A_28 = arith.constant 0 : i32
    %dma_start3A_29 = tpu.memref_slice %arg9[%dma_start3A_26, %dma_start3A_27, %dma_start3A_28] : memref<2x128x128xf32, #tpu.memory_space<vmem>> -> memref<1x128x128xf32, #tpu.memory_space<vmem>>
    %dma_start3A_30 = tpu.memref_squeeze %dma_start3A_29 : memref<1x128x128xf32, #tpu.memory_space<vmem>> -> memref<128x128xf32, #tpu.memory_space<vmem>>
    %dma_start3A_31 = arith.constant 0 : i32
    %dma_start3A_32 = tpu.memref_slice %arg7[%dma_start3A_24, %dma_start3A_25, %dma_start3A_31] : memref<2x8x128xi32, #tpu.memory_space<vmem>> -> memref<1x1x128xi32, #tpu.memory_space<vmem>>
    %dma_start3A_33 = tpu.memref_squeeze %dma_start3A_32 : memref<1x1x128xi32, #tpu.memory_space<vmem>> -> memref<128xi32, #tpu.memory_space<vmem>>
    %dma_start3A_34 = arith.constant 0 : i32
    %dma_start3A_35 = arith.constant 0 : i32
    %dma_start3A_36 = tpu.memref_slice %arg2[%dma_start3A_34, %dma_start3A_35] : memref<10240x128xf32, #tpu.memory_space<hbm>> -> memref<10240x128xf32, #tpu.memory_space<hbm>>
    tpu.enqueue_indirect_dma source(%dma_start3A_36 : memref<10240x128xf32, #tpu.memory_space<hbm>>) target(%dma_start3A_30 : memref<128x128xf32, #tpu.memory_space<vmem>>) offsets(%dma_start3A_33 : memref<128xi32, #tpu.memory_space<vmem>>) semaphore(%arg12 : memref<!tpu.dma_semaphore, #tpu.memory_space<semaphore_mem>>)
    %jit3A_37 = arith.constant 2 : i32
    %div3A = arith.divsi %select_n3A, %jit3A_37 : i32
    %sign3A = arith.constant 0 : i32
    %sign3A_38 = arith.cmpi sgt, %select_n3A, %sign3A : i32
    %sign3A_39 = arith.extui %sign3A_38 : i1 to i32
    %sign3A_40 = arith.constant 0 : i32
    %sign3A_41 = arith.cmpi slt, %select_n3A, %sign3A_40 : i32
    %sign3A_42 = arith.extui %sign3A_41 : i1 to i32
    %sign3A_43 = arith.subi %sign3A_39, %sign3A_42 : i32
    %sign3A_44 = arith.constant 0 : i32
    %sign3A_45 = arith.cmpi sgt, %jit3A_37, %sign3A_44 : i32
    %sign3A_46 = arith.extui %sign3A_45 : i1 to i32
    %sign3A_47 = arith.constant 0 : i32
    %sign3A_48 = arith.cmpi slt, %jit3A_37, %sign3A_47 : i32
    %sign3A_49 = arith.extui %sign3A_48 : i1 to i32
    %sign3A_50 = arith.subi %sign3A_46, %sign3A_49 : i32
    %ne3A = arith.cmpi ne, %sign3A_43, %sign3A_50 : i32
    %rem3A = arith.remsi %select_n3A, %jit3A_37 : i32
    %ne3A_51 = arith.constant 0 : i32
    %ne3A_52 = arith.cmpi ne, %rem3A, %ne3A_51 : i32
    %and3A = arith.andi %ne3A, %ne3A_52 : i1
    %sub3A = arith.constant 1 : i32
    %sub3A_53 = arith.subi %div3A, %sub3A : i32
    %select_n3A_54 = arith.select %and3A, %sub3A_53, %div3A : i32
    %while3A = arith.constant 0 : i32
    %while3A_55 = arith.constant 0 : i32
    %while3A_56 = arith.subi %select_n3A_54, %while3A_55 : i32
    %while3A_57 = arith.addi %while3A_55, %while3A_56 : i32
    %while3A_58 = arith.constant 1 : i32
    %while3A_59 = arith.divsi %while3A_56, %while3A_58 : i32
    %while3A_60 = arith.muli %while3A_59, %while3A_58 : i32
    %while3A_61 = arith.addi %while3A_55, %while3A_60 : i32
    %while3A_62 = arith.constant 1 : i32
    scf.for %while3A_65 = %while3A_55 to %while3A_61 step %while3A_62  : i32 {
      %mul3A_66 = arith.constant 2 : i32
      %mul3A_67 = arith.muli %mul3A_66, %while3A_65 : i32
      %add3A_68 = arith.constant 0 : i32
      %add3A_69 = arith.addi %mul3A_67, %add3A_68 : i32
      %dma_wait3A = arith.constant 0 : i32
      %dma_wait3A_70 = arith.constant 0 : i32
      %dma_wait3A_71 = arith.constant 0 : i32
      %dma_wait3A_72 = arith.constant 0 : i32
      %dma_wait3A_73 = arith.constant 0 : i32
      %dma_wait3A_74 = tpu.memref_slice %arg9[%dma_wait3A_71, %dma_wait3A_72, %dma_wait3A_73] : memref<2x128x128xf32, #tpu.memory_space<vmem>> -> memref<1x128x128xf32, #tpu.memory_space<vmem>>
      %dma_wait3A_75 = tpu.memref_squeeze %dma_wait3A_74 : memref<1x128x128xf32, #tpu.memory_space<vmem>> -> memref<128x128xf32, #tpu.memory_space<vmem>>
      %dma_wait3A_76 = arith.constant 0 : i32
      %dma_wait3A_77 = tpu.memref_slice %arg7[%dma_wait3A, %dma_wait3A_70, %dma_wait3A_76] : memref<2x8x128xi32, #tpu.memory_space<vmem>> -> memref<1x1x128xi32, #tpu.memory_space<vmem>>
      %dma_wait3A_78 = tpu.memref_squeeze %dma_wait3A_77 : memref<1x1x128xi32, #tpu.memory_space<vmem>> -> memref<128xi32, #tpu.memory_space<vmem>>
      %dma_wait3A_79 = arith.constant 0 : i32
      %dma_wait3A_80 = arith.constant 0 : i32
      %dma_wait3A_81 = tpu.memref_slice %arg2[%dma_wait3A_79, %dma_wait3A_80] : memref<10240x128xf32, #tpu.memory_space<hbm>> -> memref<10240x128xf32, #tpu.memory_space<hbm>>
      tpu.wait_indirect_dma semaphore(%arg11 : memref<!tpu.dma_semaphore, #tpu.memory_space<semaphore_mem>>) src(%dma_wait3A_81 : memref<10240x128xf32, #tpu.memory_space<hbm>>) dst(%dma_wait3A_75 : memref<128x128xf32, #tpu.memory_space<vmem>>)
      %jit3A_82 = arith.constant 8 : i32
      %div3A_83 = arith.divsi %add3A_69, %jit3A_82 : i32
      %sign3A_84 = arith.constant 0 : i32
      %sign3A_85 = arith.cmpi sgt, %add3A_69, %sign3A_84 : i32
      %sign3A_86 = arith.extui %sign3A_85 : i1 to i32
      %sign3A_87 = arith.constant 0 : i32
      %sign3A_88 = arith.cmpi slt, %add3A_69, %sign3A_87 : i32
      %sign3A_89 = arith.extui %sign3A_88 : i1 to i32
      %sign3A_90 = arith.subi %sign3A_86, %sign3A_89 : i32
      %sign3A_91 = arith.constant 0 : i32
      %sign3A_92 = arith.cmpi sgt, %jit3A_82, %sign3A_91 : i32
      %sign3A_93 = arith.extui %sign3A_92 : i1 to i32
      %sign3A_94 = arith.constant 0 : i32
      %sign3A_95 = arith.cmpi slt, %jit3A_82, %sign3A_94 : i32
      %sign3A_96 = arith.extui %sign3A_95 : i1 to i32
      %sign3A_97 = arith.subi %sign3A_93, %sign3A_96 : i32
      %ne3A_98 = arith.cmpi ne, %sign3A_90, %sign3A_97 : i32
      %rem3A_99 = arith.remsi %add3A_69, %jit3A_82 : i32
      %ne3A_100 = arith.constant 0 : i32
      %ne3A_101 = arith.cmpi ne, %rem3A_99, %ne3A_100 : i32
      %and3A_102 = arith.andi %ne3A_98, %ne3A_101 : i1
      %sub3A_103 = arith.constant 1 : i32
      %sub3A_104 = arith.subi %div3A_83, %sub3A_103 : i32
      %select_n3A_105 = arith.select %and3A_102, %sub3A_104, %div3A_83 : i32
      %jit3A_106 = arith.constant 2 : i32
      %eq3A_107 = arith.constant 0 : i32
      %eq3A_108 = arith.cmpi eq, %jit3A_106, %eq3A_107 : i32
      %jit3A_109 = arith.constant 1 : i32
      %select_n3A_110 = arith.select %eq3A_108, %jit3A_109, %jit3A_106 : i32
      %rem3A_111 = arith.remsi %select_n3A_105, %select_n3A_110 : i32
      %ne3A_112 = arith.constant 0 : i32
      %ne3A_113 = arith.cmpi ne, %rem3A_111, %ne3A_112 : i32
      %lt3A = arith.constant 0 : i32
      %lt3A_114 = arith.cmpi slt, %rem3A_111, %lt3A : i32
      %lt3A_115 = arith.constant 0 : i32
      %lt3A_116 = arith.cmpi slt, %select_n3A_110, %lt3A_115 : i32
      %ne3A_117 = arith.xori %lt3A_114, %lt3A_116 : i1
      %and3A_118 = arith.andi %ne3A_117, %ne3A_113 : i1
      %add3A_119 = arith.addi %rem3A_111, %select_n3A_110 : i32
      %select_n3A_120 = arith.select %and3A_118, %add3A_119, %rem3A_111 : i32
      %jit3A_121 = arith.constant 8 : i32
      %eq3A_122 = arith.constant 0 : i32
      %eq3A_123 = arith.cmpi eq, %jit3A_121, %eq3A_122 : i32
      %jit3A_124 = arith.constant 1 : i32
      %select_n3A_125 = arith.select %eq3A_123, %jit3A_124, %jit3A_121 : i32
      %rem3A_126 = arith.remsi %add3A_69, %select_n3A_125 : i32
      %ne3A_127 = arith.constant 0 : i32
      %ne3A_128 = arith.cmpi ne, %rem3A_126, %ne3A_127 : i32
      %lt3A_129 = arith.constant 0 : i32
      %lt3A_130 = arith.cmpi slt, %rem3A_126, %lt3A_129 : i32
      %lt3A_131 = arith.constant 0 : i32
      %lt3A_132 = arith.cmpi slt, %select_n3A_125, %lt3A_131 : i32
      %ne3A_133 = arith.xori %lt3A_130, %lt3A_132 : i1
      %and3A_134 = arith.andi %ne3A_133, %ne3A_128 : i1
      %add3A_135 = arith.addi %rem3A_126, %select_n3A_125 : i32
      %select_n3A_136 = arith.select %and3A_134, %add3A_135, %rem3A_126 : i32
      %run_scoped3A_137 = arith.constant 0 : i32
      "tpu.region"() ({
        %run_scoped3A_245 = tpu.sem_alloc : memref<!tpu.dma_semaphore, #tpu.memory_space<semaphore_mem>>
        %dma_start3A_246 = arith.constant 0 : i32
        %dma_start3A_247 = arith.constant 0 : i32
        %dma_start3A_248 = tpu.memref_slice %arg9[%run_scoped3A_137, %dma_start3A_246, %dma_start3A_247] : memref<2x128x128xf32, #tpu.memory_space<vmem>> -> memref<1x128x128xf32, #tpu.memory_space<vmem>>
        %dma_start3A_249 = tpu.memref_squeeze %dma_start3A_248 : memref<1x128x128xf32, #tpu.memory_space<vmem>> -> memref<128x128xf32, #tpu.memory_space<vmem>>
        %dma_start3A_250 = arith.constant 0 : i32
        %dma_start3A_251 = tpu.memref_slice %arg8[%select_n3A_120, %select_n3A_136, %dma_start3A_250] : memref<2x8x128xi32, #tpu.memory_space<vmem>> -> memref<1x1x128xi32, #tpu.memory_space<vmem>>
        %dma_start3A_252 = tpu.memref_squeeze %dma_start3A_251 : memref<1x1x128xi32, #tpu.memory_space<vmem>> -> memref<128xi32, #tpu.memory_space<vmem>>
        %dma_start3A_253 = arith.constant 0 : i32
        %dma_start3A_254 = arith.constant 0 : i32
        %dma_start3A_255 = tpu.memref_slice %arg10[%dma_start3A_253, %dma_start3A_254] : memref<10240x128xf32, #tpu.memory_space<vmem_shared>> -> memref<10240x128xf32, #tpu.memory_space<vmem_shared>>
        tpu.enqueue_indirect_dma source(%dma_start3A_249 : memref<128x128xf32, #tpu.memory_space<vmem>>) target(%dma_start3A_255 : memref<10240x128xf32, #tpu.memory_space<vmem_shared>>) offsets(%dma_start3A_252 : memref<128xi32, #tpu.memory_space<vmem>>) semaphore(%run_scoped3A_245 : memref<!tpu.dma_semaphore, #tpu.memory_space<semaphore_mem>>) {add = true}
        %dma_wait3A_256 = arith.constant 0 : i32
        %dma_wait3A_257 = arith.constant 0 : i32
        %dma_wait3A_258 = tpu.memref_slice %arg9[%run_scoped3A_137, %dma_wait3A_256, %dma_wait3A_257] : memref<2x128x128xf32, #tpu.memory_space<vmem>> -> memref<1x128x128xf32, #tpu.memory_space<vmem>>
        %dma_wait3A_259 = tpu.memref_squeeze %dma_wait3A_258 : memref<1x128x128xf32, #tpu.memory_space<vmem>> -> memref<128x128xf32, #tpu.memory_space<vmem>>
        %dma_wait3A_260 = arith.constant 0 : i32
        %dma_wait3A_261 = tpu.memref_slice %arg8[%select_n3A_120, %select_n3A_136, %dma_wait3A_260] : memref<2x8x128xi32, #tpu.memory_space<vmem>> -> memref<1x1x128xi32, #tpu.memory_space<vmem>>
        %dma_wait3A_262 = tpu.memref_squeeze %dma_wait3A_261 : memref<1x1x128xi32, #tpu.memory_space<vmem>> -> memref<128xi32, #tpu.memory_space<vmem>>
        %dma_wait3A_263 = arith.constant 0 : i32
        %dma_wait3A_264 = arith.constant 0 : i32
        %dma_wait3A_265 = tpu.memref_slice %arg10[%dma_wait3A_263, %dma_wait3A_264] : memref<10240x128xf32, #tpu.memory_space<vmem_shared>> -> memref<10240x128xf32, #tpu.memory_space<vmem_shared>>
        tpu.wait_indirect_dma semaphore(%run_scoped3A_245 : memref<!tpu.dma_semaphore, #tpu.memory_space<semaphore_mem>>) src(%dma_wait3A_259 : memref<128x128xf32, #tpu.memory_space<vmem>>) dst(%dma_wait3A_265 : memref<10240x128xf32, #tpu.memory_space<vmem_shared>>)
        tpu.yield
      }) : () -> ()
      %add3A_138 = arith.constant 2 : i32
      %add3A_139 = arith.addi %add3A_69, %add3A_138 : i32
      %jit3A_140 = arith.constant 8 : i32
      %eq3A_141 = arith.constant 0 : i32
      %eq3A_142 = arith.cmpi eq, %jit3A_140, %eq3A_141 : i32
      %jit3A_143 = arith.constant 1 : i32
      %select_n3A_144 = arith.select %eq3A_142, %jit3A_143, %jit3A_140 : i32
      %rem3A_145 = arith.remsi %add3A_139, %select_n3A_144 : i32
      %ne3A_146 = arith.constant 0 : i32
      %ne3A_147 = arith.cmpi ne, %rem3A_145, %ne3A_146 : i32
      %lt3A_148 = arith.constant 0 : i32
      %lt3A_149 = arith.cmpi slt, %rem3A_145, %lt3A_148 : i32
      %lt3A_150 = arith.constant 0 : i32
      %lt3A_151 = arith.cmpi slt, %select_n3A_144, %lt3A_150 : i32
      %ne3A_152 = arith.xori %lt3A_149, %lt3A_151 : i1
      %and3A_153 = arith.andi %ne3A_152, %ne3A_147 : i1
      %add3A_154 = arith.addi %rem3A_145, %select_n3A_144 : i32
      %select_n3A_155 = arith.select %and3A_153, %add3A_154, %rem3A_145 : i32
      %eq3A_156 = arith.constant 0 : i32
      %eq3A_157 = arith.cmpi eq, %select_n3A_155, %eq3A_156 : i32
      %lt3A_158 = arith.cmpi slt, %add3A_139, %select_n3A : i32
      %and3A_159 = arith.andi %eq3A_157, %lt3A_158 : i1
      %convert_element_type3A = arith.extui %and3A_159 : i1 to i32
      %cond3A = arith.constant 0 : i32
      %cond3A_160 = arith.cmpi ne, %convert_element_type3A, %cond3A : i32
      scf.if %cond3A_160 {
        %jit3A_245 = arith.constant 8 : i32
        %div3A_246 = arith.divsi %add3A_139, %jit3A_245 : i32
        %sign3A_247 = arith.constant 0 : i32
        %sign3A_248 = arith.cmpi sgt, %add3A_139, %sign3A_247 : i32
        %sign3A_249 = arith.extui %sign3A_248 : i1 to i32
        %sign3A_250 = arith.constant 0 : i32
        %sign3A_251 = arith.cmpi slt, %add3A_139, %sign3A_250 : i32
        %sign3A_252 = arith.extui %sign3A_251 : i1 to i32
        %sign3A_253 = arith.subi %sign3A_249, %sign3A_252 : i32
        %sign3A_254 = arith.constant 0 : i32
        %sign3A_255 = arith.cmpi sgt, %jit3A_245, %sign3A_254 : i32
        %sign3A_256 = arith.extui %sign3A_255 : i1 to i32
        %sign3A_257 = arith.constant 0 : i32
        %sign3A_258 = arith.cmpi slt, %jit3A_245, %sign3A_257 : i32
        %sign3A_259 = arith.extui %sign3A_258 : i1 to i32
        %sign3A_260 = arith.subi %sign3A_256, %sign3A_259 : i32
        %ne3A_261 = arith.cmpi ne, %sign3A_253, %sign3A_260 : i32
        %rem3A_262 = arith.remsi %add3A_139, %jit3A_245 : i32
        %ne3A_263 = arith.constant 0 : i32
        %ne3A_264 = arith.cmpi ne, %rem3A_262, %ne3A_263 : i32
        %and3A_265 = arith.andi %ne3A_261, %ne3A_264 : i1
        %sub3A_266 = arith.constant 1 : i32
        %sub3A_267 = arith.subi %div3A_246, %sub3A_266 : i32
        %select_n3A_268 = arith.select %and3A_265, %sub3A_267, %div3A_246 : i32
        %mul3A_269 = arith.constant 8 : i32
        %mul3A_270 = arith.muli %select_n3A_268, %mul3A_269 : i32
        %add3A_271 = arith.addi %select_n3A_10, %mul3A_270 : i32
        %jit3A_272 = arith.constant 2 : i32
        %eq3A_273 = arith.constant 0 : i32
        %eq3A_274 = arith.cmpi eq, %jit3A_272, %eq3A_273 : i32
        %jit3A_275 = arith.constant 1 : i32
        %select_n3A_276 = arith.select %eq3A_274, %jit3A_275, %jit3A_272 : i32
        %rem3A_277 = arith.remsi %select_n3A_268, %select_n3A_276 : i32
        %ne3A_278 = arith.constant 0 : i32
        %ne3A_279 = arith.cmpi ne, %rem3A_277, %ne3A_278 : i32
        %lt3A_280 = arith.constant 0 : i32
        %lt3A_281 = arith.cmpi slt, %rem3A_277, %lt3A_280 : i32
        %lt3A_282 = arith.constant 0 : i32
        %lt3A_283 = arith.cmpi slt, %select_n3A_276, %lt3A_282 : i32
        %ne3A_284 = arith.xori %lt3A_281, %lt3A_283 : i1
        %and3A_285 = arith.andi %ne3A_284, %ne3A_279 : i1
        %add3A_286 = arith.addi %rem3A_277, %select_n3A_276 : i32
        %select_n3A_287 = arith.select %and3A_285, %add3A_286, %rem3A_277 : i32
        "tpu.region"() ({
          %run_scoped3A_307 = tpu.sem_alloc : memref<!tpu.dma_semaphore, #tpu.memory_space<semaphore_mem>>
          %dma_start3A_308 = arith.constant 0 : i32
          %dma_start3A_309 = arith.constant 0 : i32
          %dma_start3A_310 = tpu.memref_slice %arg7[%select_n3A_287, %dma_start3A_308, %dma_start3A_309] : memref<2x8x128xi32, #tpu.memory_space<vmem>> -> memref<1x8x128xi32, #tpu.memory_space<vmem>>
          %dma_start3A_311 = tpu.memref_squeeze %dma_start3A_310 : memref<1x8x128xi32, #tpu.memory_space<vmem>> -> memref<8x128xi32, #tpu.memory_space<vmem>>
          %dma_start3A_312 = arith.constant 0 : i32
          %dma_start3A_313 = tpu.memref_slice %arg3[%add3A_271, %dma_start3A_312] : memref<2560x128xi32, #tpu.memory_space<hbm>> -> memref<8x128xi32, #tpu.memory_space<hbm>>
          %dma_start3A_314 = arith.constant 0 : i32
          %dma_start3A_315 = arith.constant 0 : i32
          %dma_start3A_316 = tpu.memref_slice %arg7[%select_n3A_287, %dma_start3A_314, %dma_start3A_315] : memref<2x8x128xi32, #tpu.memory_space<vmem>> -> memref<1x8x128xi32, #tpu.memory_space<vmem>>
          %dma_start3A_317 = tpu.memref_squeeze %dma_start3A_316 : memref<1x8x128xi32, #tpu.memory_space<vmem>> -> memref<8x128xi32, #tpu.memory_space<vmem>>
          %dma_start3A_318 = arith.constant 0 : i32
          %dma_start3A_319 = tpu.memref_slice %arg3[%add3A_271, %dma_start3A_318] : memref<2560x128xi32, #tpu.memory_space<hbm>> -> memref<8x128xi32, #tpu.memory_space<hbm>>
          tpu.enqueue_dma source(%dma_start3A_319 : memref<8x128xi32, #tpu.memory_space<hbm>>) target(%dma_start3A_317 : memref<8x128xi32, #tpu.memory_space<vmem>>) target_semaphore(%run_scoped3A_307 : memref<!tpu.dma_semaphore, #tpu.memory_space<semaphore_mem>>)
          %dma_wait3A_320 = arith.constant 0 : i32
          %dma_wait3A_321 = arith.constant 0 : i32
          %dma_wait3A_322 = tpu.memref_slice %arg7[%select_n3A_287, %dma_wait3A_320, %dma_wait3A_321] : memref<2x8x128xi32, #tpu.memory_space<vmem>> -> memref<1x8x128xi32, #tpu.memory_space<vmem>>
          %dma_wait3A_323 = tpu.memref_squeeze %dma_wait3A_322 : memref<1x8x128xi32, #tpu.memory_space<vmem>> -> memref<8x128xi32, #tpu.memory_space<vmem>>
          %dma_wait3A_324 = arith.constant 0 : i32
          %dma_wait3A_325 = tpu.memref_slice %arg3[%add3A_271, %dma_wait3A_324] : memref<2560x128xi32, #tpu.memory_space<hbm>> -> memref<8x128xi32, #tpu.memory_space<hbm>>
          %dma_wait3A_326 = arith.constant 0 : i32
          %dma_wait3A_327 = arith.constant 0 : i32
          %dma_wait3A_328 = tpu.memref_slice %arg7[%select_n3A_287, %dma_wait3A_326, %dma_wait3A_327] : memref<2x8x128xi32, #tpu.memory_space<vmem>> -> memref<1x8x128xi32, #tpu.memory_space<vmem>>
          %dma_wait3A_329 = tpu.memref_squeeze %dma_wait3A_328 : memref<1x8x128xi32, #tpu.memory_space<vmem>> -> memref<8x128xi32, #tpu.memory_space<vmem>>
          %dma_wait3A_330 = arith.constant 0 : i32
          %dma_wait3A_331 = tpu.memref_slice %arg3[%add3A_271, %dma_wait3A_330] : memref<2560x128xi32, #tpu.memory_space<hbm>> -> memref<8x128xi32, #tpu.memory_space<hbm>>
          tpu.wait_dma2 semaphore(%run_scoped3A_307 : memref<!tpu.dma_semaphore, #tpu.memory_space<semaphore_mem>>) src(%dma_wait3A_331 : memref<8x128xi32, #tpu.memory_space<hbm>>) dst(%dma_wait3A_329 : memref<8x128xi32, #tpu.memory_space<vmem>>)
          tpu.yield
        }) : () -> ()
        %mul3A_288 = arith.constant 8 : i32
        %mul3A_289 = arith.muli %select_n3A_268, %mul3A_288 : i32
        %add3A_290 = arith.addi %select_n3A_10, %mul3A_289 : i32
        %jit3A_291 = arith.constant 2 : i32
        %eq3A_292 = arith.constant 0 : i32
        %eq3A_293 = arith.cmpi eq, %jit3A_291, %eq3A_292 : i32
        %jit3A_294 = arith.constant 1 : i32
        %select_n3A_295 = arith.select %eq3A_293, %jit3A_294, %jit3A_291 : i32
        %rem3A_296 = arith.remsi %select_n3A_268, %select_n3A_295 : i32
        %ne3A_297 = arith.constant 0 : i32
        %ne3A_298 = arith.cmpi ne, %rem3A_296, %ne3A_297 : i32
        %lt3A_299 = arith.constant 0 : i32
        %lt3A_300 = arith.cmpi slt, %rem3A_296, %lt3A_299 : i32
        %lt3A_301 = arith.constant 0 : i32
        %lt3A_302 = arith.cmpi slt, %select_n3A_295, %lt3A_301 : i32
        %ne3A_303 = arith.xori %lt3A_300, %lt3A_302 : i1
        %and3A_304 = arith.andi %ne3A_303, %ne3A_298 : i1
        %add3A_305 = arith.addi %rem3A_296, %select_n3A_295 : i32
        %select_n3A_306 = arith.select %and3A_304, %add3A_305, %rem3A_296 : i32
        "tpu.region"() ({
          %run_scoped3A_307 = tpu.sem_alloc : memref<!tpu.dma_semaphore, #tpu.memory_space<semaphore_mem>>
          %dma_start3A_308 = arith.constant 0 : i32
          %dma_start3A_309 = arith.constant 0 : i32
          %dma_start3A_310 = tpu.memref_slice %arg8[%select_n3A_306, %dma_start3A_308, %dma_start3A_309] : memref<2x8x128xi32, #tpu.memory_space<vmem>> -> memref<1x8x128xi32, #tpu.memory_space<vmem>>
          %dma_start3A_311 = tpu.memref_squeeze %dma_start3A_310 : memref<1x8x128xi32, #tpu.memory_space<vmem>> -> memref<8x128xi32, #tpu.memory_space<vmem>>
          %dma_start3A_312 = arith.constant 0 : i32
          %dma_start3A_313 = tpu.memref_slice %arg4[%add3A_290, %dma_start3A_312] : memref<2560x128xi32, #tpu.memory_space<hbm>> -> memref<8x128xi32, #tpu.memory_space<hbm>>
          %dma_start3A_314 = arith.constant 0 : i32
          %dma_start3A_315 = arith.constant 0 : i32
          %dma_start3A_316 = tpu.memref_slice %arg8[%select_n3A_306, %dma_start3A_314, %dma_start3A_315] : memref<2x8x128xi32, #tpu.memory_space<vmem>> -> memref<1x8x128xi32, #tpu.memory_space<vmem>>
          %dma_start3A_317 = tpu.memref_squeeze %dma_start3A_316 : memref<1x8x128xi32, #tpu.memory_space<vmem>> -> memref<8x128xi32, #tpu.memory_space<vmem>>
          %dma_start3A_318 = arith.constant 0 : i32
          %dma_start3A_319 = tpu.memref_slice %arg4[%add3A_290, %dma_start3A_318] : memref<2560x128xi32, #tpu.memory_space<hbm>> -> memref<8x128xi32, #tpu.memory_space<hbm>>
          tpu.enqueue_dma source(%dma_start3A_319 : memref<8x128xi32, #tpu.memory_space<hbm>>) target(%dma_start3A_317 : memref<8x128xi32, #tpu.memory_space<vmem>>) target_semaphore(%run_scoped3A_307 : memref<!tpu.dma_semaphore, #tpu.memory_space<semaphore_mem>>)
          %dma_wait3A_320 = arith.constant 0 : i32
          %dma_wait3A_321 = arith.constant 0 : i32
          %dma_wait3A_322 = tpu.memref_slice %arg8[%select_n3A_306, %dma_wait3A_320, %dma_wait3A_321] : memref<2x8x128xi32, #tpu.memory_space<vmem>> -> memref<1x8x128xi32, #tpu.memory_space<vmem>>
          %dma_wait3A_323 = tpu.memref_squeeze %dma_wait3A_322 : memref<1x8x128xi32, #tpu.memory_space<vmem>> -> memref<8x128xi32, #tpu.memory_space<vmem>>
          %dma_wait3A_324 = arith.constant 0 : i32
          %dma_wait3A_325 = tpu.memref_slice %arg4[%add3A_290, %dma_wait3A_324] : memref<2560x128xi32, #tpu.memory_space<hbm>> -> memref<8x128xi32, #tpu.memory_space<hbm>>
          %dma_wait3A_326 = arith.constant 0 : i32
          %dma_wait3A_327 = arith.constant 0 : i32
          %dma_wait3A_328 = tpu.memref_slice %arg8[%select_n3A_306, %dma_wait3A_326, %dma_wait3A_327] : memref<2x8x128xi32, #tpu.memory_space<vmem>> -> memref<1x8x128xi32, #tpu.memory_space<vmem>>
          %dma_wait3A_329 = tpu.memref_squeeze %dma_wait3A_328 : memref<1x8x128xi32, #tpu.memory_space<vmem>> -> memref<8x128xi32, #tpu.memory_space<vmem>>
          %dma_wait3A_330 = arith.constant 0 : i32
          %dma_wait3A_331 = tpu.memref_slice %arg4[%add3A_290, %dma_wait3A_330] : memref<2560x128xi32, #tpu.memory_space<hbm>> -> memref<8x128xi32, #tpu.memory_space<hbm>>
          tpu.wait_dma2 semaphore(%run_scoped3A_307 : memref<!tpu.dma_semaphore, #tpu.memory_space<semaphore_mem>>) src(%dma_wait3A_331 : memref<8x128xi32, #tpu.memory_space<hbm>>) dst(%dma_wait3A_329 : memref<8x128xi32, #tpu.memory_space<vmem>>)
          tpu.yield
        }) : () -> ()
      } else {
      }
      %lt3A_161 = arith.cmpi slt, %add3A_139, %select_n3A : i32
      %convert_element_type3A_162 = arith.extui %lt3A_161 : i1 to i32
      %cond3A_163 = arith.constant 0 : i32
      %cond3A_164 = arith.cmpi ne, %convert_element_type3A_162, %cond3A_163 : i32
      scf.if %cond3A_164 {
        %jit3A_245 = arith.constant 8 : i32
        %div3A_246 = arith.divsi %add3A_139, %jit3A_245 : i32
        %sign3A_247 = arith.constant 0 : i32
        %sign3A_248 = arith.cmpi sgt, %add3A_139, %sign3A_247 : i32
        %sign3A_249 = arith.extui %sign3A_248 : i1 to i32
        %sign3A_250 = arith.constant 0 : i32
        %sign3A_251 = arith.cmpi slt, %add3A_139, %sign3A_250 : i32
        %sign3A_252 = arith.extui %sign3A_251 : i1 to i32
        %sign3A_253 = arith.subi %sign3A_249, %sign3A_252 : i32
        %sign3A_254 = arith.constant 0 : i32
        %sign3A_255 = arith.cmpi sgt, %jit3A_245, %sign3A_254 : i32
        %sign3A_256 = arith.extui %sign3A_255 : i1 to i32
        %sign3A_257 = arith.constant 0 : i32
        %sign3A_258 = arith.cmpi slt, %jit3A_245, %sign3A_257 : i32
        %sign3A_259 = arith.extui %sign3A_258 : i1 to i32
        %sign3A_260 = arith.subi %sign3A_256, %sign3A_259 : i32
        %ne3A_261 = arith.cmpi ne, %sign3A_253, %sign3A_260 : i32
        %rem3A_262 = arith.remsi %add3A_139, %jit3A_245 : i32
        %ne3A_263 = arith.constant 0 : i32
        %ne3A_264 = arith.cmpi ne, %rem3A_262, %ne3A_263 : i32
        %and3A_265 = arith.andi %ne3A_261, %ne3A_264 : i1
        %sub3A_266 = arith.constant 1 : i32
        %sub3A_267 = arith.subi %div3A_246, %sub3A_266 : i32
        %select_n3A_268 = arith.select %and3A_265, %sub3A_267, %div3A_246 : i32
        %jit3A_269 = arith.constant 2 : i32
        %eq3A_270 = arith.constant 0 : i32
        %eq3A_271 = arith.cmpi eq, %jit3A_269, %eq3A_270 : i32
        %jit3A_272 = arith.constant 1 : i32
        %select_n3A_273 = arith.select %eq3A_271, %jit3A_272, %jit3A_269 : i32
        %rem3A_274 = arith.remsi %select_n3A_268, %select_n3A_273 : i32
        %ne3A_275 = arith.constant 0 : i32
        %ne3A_276 = arith.cmpi ne, %rem3A_274, %ne3A_275 : i32
        %lt3A_277 = arith.constant 0 : i32
        %lt3A_278 = arith.cmpi slt, %rem3A_274, %lt3A_277 : i32
        %lt3A_279 = arith.constant 0 : i32
        %lt3A_280 = arith.cmpi slt, %select_n3A_273, %lt3A_279 : i32
        %ne3A_281 = arith.xori %lt3A_278, %lt3A_280 : i1
        %and3A_282 = arith.andi %ne3A_281, %ne3A_276 : i1
        %add3A_283 = arith.addi %rem3A_274, %select_n3A_273 : i32
        %select_n3A_284 = arith.select %and3A_282, %add3A_283, %rem3A_274 : i32
        %jit3A_285 = arith.constant 8 : i32
        %eq3A_286 = arith.constant 0 : i32
        %eq3A_287 = arith.cmpi eq, %jit3A_285, %eq3A_286 : i32
        %jit3A_288 = arith.constant 1 : i32
        %select_n3A_289 = arith.select %eq3A_287, %jit3A_288, %jit3A_285 : i32
        %rem3A_290 = arith.remsi %add3A_139, %select_n3A_289 : i32
        %ne3A_291 = arith.constant 0 : i32
        %ne3A_292 = arith.cmpi ne, %rem3A_290, %ne3A_291 : i32
        %lt3A_293 = arith.constant 0 : i32
        %lt3A_294 = arith.cmpi slt, %rem3A_290, %lt3A_293 : i32
        %lt3A_295 = arith.constant 0 : i32
        %lt3A_296 = arith.cmpi slt, %select_n3A_289, %lt3A_295 : i32
        %ne3A_297 = arith.xori %lt3A_294, %lt3A_296 : i1
        %and3A_298 = arith.andi %ne3A_297, %ne3A_292 : i1
        %add3A_299 = arith.addi %rem3A_290, %select_n3A_289 : i32
        %select_n3A_300 = arith.select %and3A_298, %add3A_299, %rem3A_290 : i32
        %dma_start3A_301 = arith.constant 0 : i32
        %dma_start3A_302 = arith.constant 0 : i32
        %dma_start3A_303 = arith.constant 0 : i32
        %dma_start3A_304 = tpu.memref_slice %arg9[%dma_start3A_301, %dma_start3A_302, %dma_start3A_303] : memref<2x128x128xf32, #tpu.memory_space<vmem>> -> memref<1x128x128xf32, #tpu.memory_space<vmem>>
        %dma_start3A_305 = tpu.memref_squeeze %dma_start3A_304 : memref<1x128x128xf32, #tpu.memory_space<vmem>> -> memref<128x128xf32, #tpu.memory_space<vmem>>
        %dma_start3A_306 = arith.constant 0 : i32
        %dma_start3A_307 = tpu.memref_slice %arg7[%select_n3A_284, %select_n3A_300, %dma_start3A_306] : memref<2x8x128xi32, #tpu.memory_space<vmem>> -> memref<1x1x128xi32, #tpu.memory_space<vmem>>
        %dma_start3A_308 = tpu.memref_squeeze %dma_start3A_307 : memref<1x1x128xi32, #tpu.memory_space<vmem>> -> memref<128xi32, #tpu.memory_space<vmem>>
        %dma_start3A_309 = arith.constant 0 : i32
        %dma_start3A_310 = arith.constant 0 : i32
        %dma_start3A_311 = tpu.memref_slice %arg2[%dma_start3A_309, %dma_start3A_310] : memref<10240x128xf32, #tpu.memory_space<hbm>> -> memref<10240x128xf32, #tpu.memory_space<hbm>>
        tpu.enqueue_indirect_dma source(%dma_start3A_311 : memref<10240x128xf32, #tpu.memory_space<hbm>>) target(%dma_start3A_305 : memref<128x128xf32, #tpu.memory_space<vmem>>) offsets(%dma_start3A_308 : memref<128xi32, #tpu.memory_space<vmem>>) semaphore(%arg11 : memref<!tpu.dma_semaphore, #tpu.memory_space<semaphore_mem>>)
      } else {
      }
      %mul3A_165 = arith.constant 2 : i32
      %mul3A_166 = arith.muli %mul3A_165, %while3A_65 : i32
      %add3A_167 = arith.constant 1 : i32
      %add3A_168 = arith.addi %mul3A_166, %add3A_167 : i32
      %dma_wait3A_169 = arith.constant 0 : i32
      %dma_wait3A_170 = arith.constant 0 : i32
      %dma_wait3A_171 = arith.constant 1 : i32
      %dma_wait3A_172 = arith.constant 0 : i32
      %dma_wait3A_173 = arith.constant 0 : i32
      %dma_wait3A_174 = tpu.memref_slice %arg9[%dma_wait3A_171, %dma_wait3A_172, %dma_wait3A_173] : memref<2x128x128xf32, #tpu.memory_space<vmem>> -> memref<1x128x128xf32, #tpu.memory_space<vmem>>
      %dma_wait3A_175 = tpu.memref_squeeze %dma_wait3A_174 : memref<1x128x128xf32, #tpu.memory_space<vmem>> -> memref<128x128xf32, #tpu.memory_space<vmem>>
      %dma_wait3A_176 = arith.constant 0 : i32
      %dma_wait3A_177 = tpu.memref_slice %arg7[%dma_wait3A_169, %dma_wait3A_170, %dma_wait3A_176] : memref<2x8x128xi32, #tpu.memory_space<vmem>> -> memref<1x1x128xi32, #tpu.memory_space<vmem>>
      %dma_wait3A_178 = tpu.memref_squeeze %dma_wait3A_177 : memref<1x1x128xi32, #tpu.memory_space<vmem>> -> memref<128xi32, #tpu.memory_space<vmem>>
      %dma_wait3A_179 = arith.constant 0 : i32
      %dma_wait3A_180 = arith.constant 0 : i32
      %dma_wait3A_181 = tpu.memref_slice %arg2[%dma_wait3A_179, %dma_wait3A_180] : memref<10240x128xf32, #tpu.memory_space<hbm>> -> memref<10240x128xf32, #tpu.memory_space<hbm>>
      tpu.wait_indirect_dma semaphore(%arg12 : memref<!tpu.dma_semaphore, #tpu.memory_space<semaphore_mem>>) src(%dma_wait3A_181 : memref<10240x128xf32, #tpu.memory_space<hbm>>) dst(%dma_wait3A_175 : memref<128x128xf32, #tpu.memory_space<vmem>>)
      %jit3A_182 = arith.constant 8 : i32
      %div3A_183 = arith.divsi %add3A_168, %jit3A_182 : i32
      %sign3A_184 = arith.constant 0 : i32
      %sign3A_185 = arith.cmpi sgt, %add3A_168, %sign3A_184 : i32
      %sign3A_186 = arith.extui %sign3A_185 : i1 to i32
      %sign3A_187 = arith.constant 0 : i32
      %sign3A_188 = arith.cmpi slt, %add3A_168, %sign3A_187 : i32
      %sign3A_189 = arith.extui %sign3A_188 : i1 to i32
      %sign3A_190 = arith.subi %sign3A_186, %sign3A_189 : i32
      %sign3A_191 = arith.constant 0 : i32
      %sign3A_192 = arith.cmpi sgt, %jit3A_182, %sign3A_191 : i32
      %sign3A_193 = arith.extui %sign3A_192 : i1 to i32
      %sign3A_194 = arith.constant 0 : i32
      %sign3A_195 = arith.cmpi slt, %jit3A_182, %sign3A_194 : i32
      %sign3A_196 = arith.extui %sign3A_195 : i1 to i32
      %sign3A_197 = arith.subi %sign3A_193, %sign3A_196 : i32
      %ne3A_198 = arith.cmpi ne, %sign3A_190, %sign3A_197 : i32
      %rem3A_199 = arith.remsi %add3A_168, %jit3A_182 : i32
      %ne3A_200 = arith.constant 0 : i32
      %ne3A_201 = arith.cmpi ne, %rem3A_199, %ne3A_200 : i32
      %and3A_202 = arith.andi %ne3A_198, %ne3A_201 : i1
      %sub3A_203 = arith.constant 1 : i32
      %sub3A_204 = arith.subi %div3A_183, %sub3A_203 : i32
      %select_n3A_205 = arith.select %and3A_202, %sub3A_204, %div3A_183 : i32
      %jit3A_206 = arith.constant 2 : i32
      %eq3A_207 = arith.constant 0 : i32
      %eq3A_208 = arith.cmpi eq, %jit3A_206, %eq3A_207 : i32
      %jit3A_209 = arith.constant 1 : i32
      %select_n3A_210 = arith.select %eq3A_208, %jit3A_209, %jit3A_206 : i32
      %rem3A_211 = arith.remsi %select_n3A_205, %select_n3A_210 : i32
      %ne3A_212 = arith.constant 0 : i32
      %ne3A_213 = arith.cmpi ne, %rem3A_211, %ne3A_212 : i32
      %lt3A_214 = arith.constant 0 : i32
      %lt3A_215 = arith.cmpi slt, %rem3A_211, %lt3A_214 : i32
      %lt3A_216 = arith.constant 0 : i32
      %lt3A_217 = arith.cmpi slt, %select_n3A_210, %lt3A_216 : i32
      %ne3A_218 = arith.xori %lt3A_215, %lt3A_217 : i1
      %and3A_219 = arith.andi %ne3A_218, %ne3A_213 : i1
      %add3A_220 = arith.addi %rem3A_211, %select_n3A_210 : i32
      %select_n3A_221 = arith.select %and3A_219, %add3A_220, %rem3A_211 : i32
      %jit3A_222 = arith.constant 8 : i32
      %eq3A_223 = arith.constant 0 : i32
      %eq3A_224 = arith.cmpi eq, %jit3A_222, %eq3A_223 : i32
      %jit3A_225 = arith.constant 1 : i32
      %select_n3A_226 = arith.select %eq3A_224, %jit3A_225, %jit3A_222 : i32
      %rem3A_227 = arith.remsi %add3A_168, %select_n3A_226 : i32
      %ne3A_228 = arith.constant 0 : i32
      %ne3A_229 = arith.cmpi ne, %rem3A_227, %ne3A_228 : i32
      %lt3A_230 = arith.constant 0 : i32
      %lt3A_231 = arith.cmpi slt, %rem3A_227, %lt3A_230 : i32
      %lt3A_232 = arith.constant 0 : i32
      %lt3A_233 = arith.cmpi slt, %select_n3A_226, %lt3A_232 : i32
      %ne3A_234 = arith.xori %lt3A_231, %lt3A_233 : i1
      %and3A_235 = arith.andi %ne3A_234, %ne3A_229 : i1
      %add3A_236 = arith.addi %rem3A_227, %select_n3A_226 : i32
      %select_n3A_237 = arith.select %and3A_235, %add3A_236, %rem3A_227 : i32
      %run_scoped3A_238 = arith.constant 1 : i32
      "tpu.region"() ({
        %run_scoped3A_245 = tpu.sem_alloc : memref<!tpu.dma_semaphore, #tpu.memory_space<semaphore_mem>>
        %dma_start3A_246 = arith.constant 0 : i32
        %dma_start3A_247 = arith.constant 0 : i32
        %dma_start3A_248 = tpu.memref_slice %arg9[%run_scoped3A_238, %dma_start3A_246, %dma_start3A_247] : memref<2x128x128xf32, #tpu.memory_space<vmem>> -> memref<1x128x128xf32, #tpu.memory_space<vmem>>
        %dma_start3A_249 = tpu.memref_squeeze %dma_start3A_248 : memref<1x128x128xf32, #tpu.memory_space<vmem>> -> memref<128x128xf32, #tpu.memory_space<vmem>>
        %dma_start3A_250 = arith.constant 0 : i32
        %dma_start3A_251 = tpu.memref_slice %arg8[%select_n3A_221, %select_n3A_237, %dma_start3A_250] : memref<2x8x128xi32, #tpu.memory_space<vmem>> -> memref<1x1x128xi32, #tpu.memory_space<vmem>>
        %dma_start3A_252 = tpu.memref_squeeze %dma_start3A_251 : memref<1x1x128xi32, #tpu.memory_space<vmem>> -> memref<128xi32, #tpu.memory_space<vmem>>
        %dma_start3A_253 = arith.constant 0 : i32
        %dma_start3A_254 = arith.constant 0 : i32
        %dma_start3A_255 = tpu.memref_slice %arg10[%dma_start3A_253, %dma_start3A_254] : memref<10240x128xf32, #tpu.memory_space<vmem_shared>> -> memref<10240x128xf32, #tpu.memory_space<vmem_shared>>
        tpu.enqueue_indirect_dma source(%dma_start3A_249 : memref<128x128xf32, #tpu.memory_space<vmem>>) target(%dma_start3A_255 : memref<10240x128xf32, #tpu.memory_space<vmem_shared>>) offsets(%dma_start3A_252 : memref<128xi32, #tpu.memory_space<vmem>>) semaphore(%run_scoped3A_245 : memref<!tpu.dma_semaphore, #tpu.memory_space<semaphore_mem>>) {add = true}
        %dma_wait3A_256 = arith.constant 0 : i32
        %dma_wait3A_257 = arith.constant 0 : i32
        %dma_wait3A_258 = tpu.memref_slice %arg9[%run_scoped3A_238, %dma_wait3A_256, %dma_wait3A_257] : memref<2x128x128xf32, #tpu.memory_space<vmem>> -> memref<1x128x128xf32, #tpu.memory_space<vmem>>
        %dma_wait3A_259 = tpu.memref_squeeze %dma_wait3A_258 : memref<1x128x128xf32, #tpu.memory_space<vmem>> -> memref<128x128xf32, #tpu.memory_space<vmem>>
        %dma_wait3A_260 = arith.constant 0 : i32
        %dma_wait3A_261 = tpu.memref_slice %arg8[%select_n3A_221, %select_n3A_237, %dma_wait3A_260] : memref<2x8x128xi32, #tpu.memory_space<vmem>> -> memref<1x1x128xi32, #tpu.memory_space<vmem>>
        %dma_wait3A_262 = tpu.memref_squeeze %dma_wait3A_261 : memref<1x1x128xi32, #tpu.memory_space<vmem>> -> memref<128xi32, #tpu.memory_space<vmem>>
        %dma_wait3A_263 = arith.constant 0 : i32
        %dma_wait3A_264 = arith.constant 0 : i32
        %dma_wait3A_265 = tpu.memref_slice %arg10[%dma_wait3A_263, %dma_wait3A_264] : memref<10240x128xf32, #tpu.memory_space<vmem_shared>> -> memref<10240x128xf32, #tpu.memory_space<vmem_shared>>
        tpu.wait_indirect_dma semaphore(%run_scoped3A_245 : memref<!tpu.dma_semaphore, #tpu.memory_space<semaphore_mem>>) src(%dma_wait3A_259 : memref<128x128xf32, #tpu.memory_space<vmem>>) dst(%dma_wait3A_265 : memref<10240x128xf32, #tpu.memory_space<vmem_shared>>)
        tpu.yield
      }) : () -> ()
      %add3A_239 = arith.constant 2 : i32
      %add3A_240 = arith.addi %add3A_168, %add3A_239 : i32
      %lt3A_241 = arith.cmpi slt, %add3A_240, %select_n3A : i32
      %convert_element_type3A_242 = arith.extui %lt3A_241 : i1 to i32
      %cond3A_243 = arith.constant 0 : i32
      %cond3A_244 = arith.cmpi ne, %convert_element_type3A_242, %cond3A_243 : i32
      scf.if %cond3A_244 {
        %jit3A_245 = arith.constant 8 : i32
        %div3A_246 = arith.divsi %add3A_240, %jit3A_245 : i32
        %sign3A_247 = arith.constant 0 : i32
        %sign3A_248 = arith.cmpi sgt, %add3A_240, %sign3A_247 : i32
        %sign3A_249 = arith.extui %sign3A_248 : i1 to i32
        %sign3A_250 = arith.constant 0 : i32
        %sign3A_251 = arith.cmpi slt, %add3A_240, %sign3A_250 : i32
        %sign3A_252 = arith.extui %sign3A_251 : i1 to i32
        %sign3A_253 = arith.subi %sign3A_249, %sign3A_252 : i32
        %sign3A_254 = arith.constant 0 : i32
        %sign3A_255 = arith.cmpi sgt, %jit3A_245, %sign3A_254 : i32
        %sign3A_256 = arith.extui %sign3A_255 : i1 to i32
        %sign3A_257 = arith.constant 0 : i32
        %sign3A_258 = arith.cmpi slt, %jit3A_245, %sign3A_257 : i32
        %sign3A_259 = arith.extui %sign3A_258 : i1 to i32
        %sign3A_260 = arith.subi %sign3A_256, %sign3A_259 : i32
        %ne3A_261 = arith.cmpi ne, %sign3A_253, %sign3A_260 : i32
        %rem3A_262 = arith.remsi %add3A_240, %jit3A_245 : i32
        %ne3A_263 = arith.constant 0 : i32
        %ne3A_264 = arith.cmpi ne, %rem3A_262, %ne3A_263 : i32
        %and3A_265 = arith.andi %ne3A_261, %ne3A_264 : i1
        %sub3A_266 = arith.constant 1 : i32
        %sub3A_267 = arith.subi %div3A_246, %sub3A_266 : i32
        %select_n3A_268 = arith.select %and3A_265, %sub3A_267, %div3A_246 : i32
        %jit3A_269 = arith.constant 2 : i32
        %eq3A_270 = arith.constant 0 : i32
        %eq3A_271 = arith.cmpi eq, %jit3A_269, %eq3A_270 : i32
        %jit3A_272 = arith.constant 1 : i32
        %select_n3A_273 = arith.select %eq3A_271, %jit3A_272, %jit3A_269 : i32
        %rem3A_274 = arith.remsi %select_n3A_268, %select_n3A_273 : i32
        %ne3A_275 = arith.constant 0 : i32
        %ne3A_276 = arith.cmpi ne, %rem3A_274, %ne3A_275 : i32
        %lt3A_277 = arith.constant 0 : i32
        %lt3A_278 = arith.cmpi slt, %rem3A_274, %lt3A_277 : i32
        %lt3A_279 = arith.constant 0 : i32
        %lt3A_280 = arith.cmpi slt, %select_n3A_273, %lt3A_279 : i32
        %ne3A_281 = arith.xori %lt3A_278, %lt3A_280 : i1
        %and3A_282 = arith.andi %ne3A_281, %ne3A_276 : i1
        %add3A_283 = arith.addi %rem3A_274, %select_n3A_273 : i32
        %select_n3A_284 = arith.select %and3A_282, %add3A_283, %rem3A_274 : i32
        %jit3A_285 = arith.constant 8 : i32
        %eq3A_286 = arith.constant 0 : i32
        %eq3A_287 = arith.cmpi eq, %jit3A_285, %eq3A_286 : i32
        %jit3A_288 = arith.constant 1 : i32
        %select_n3A_289 = arith.select %eq3A_287, %jit3A_288, %jit3A_285 : i32
        %rem3A_290 = arith.remsi %add3A_240, %select_n3A_289 : i32
        %ne3A_291 = arith.constant 0 : i32
        %ne3A_292 = arith.cmpi ne, %rem3A_290, %ne3A_291 : i32
        %lt3A_293 = arith.constant 0 : i32
        %lt3A_294 = arith.cmpi slt, %rem3A_290, %lt3A_293 : i32
        %lt3A_295 = arith.constant 0 : i32
        %lt3A_296 = arith.cmpi slt, %select_n3A_289, %lt3A_295 : i32
        %ne3A_297 = arith.xori %lt3A_294, %lt3A_296 : i1
        %and3A_298 = arith.andi %ne3A_297, %ne3A_292 : i1
        %add3A_299 = arith.addi %rem3A_290, %select_n3A_289 : i32
        %select_n3A_300 = arith.select %and3A_298, %add3A_299, %rem3A_290 : i32
        %dma_start3A_301 = arith.constant 1 : i32
        %dma_start3A_302 = arith.constant 0 : i32
        %dma_start3A_303 = arith.constant 0 : i32
        %dma_start3A_304 = tpu.memref_slice %arg9[%dma_start3A_301, %dma_start3A_302, %dma_start3A_303] : memref<2x128x128xf32, #tpu.memory_space<vmem>> -> memref<1x128x128xf32, #tpu.memory_space<vmem>>
        %dma_start3A_305 = tpu.memref_squeeze %dma_start3A_304 : memref<1x128x128xf32, #tpu.memory_space<vmem>> -> memref<128x128xf32, #tpu.memory_space<vmem>>
        %dma_start3A_306 = arith.constant 0 : i32
        %dma_start3A_307 = tpu.memref_slice %arg7[%select_n3A_284, %select_n3A_300, %dma_start3A_306] : memref<2x8x128xi32, #tpu.memory_space<vmem>> -> memref<1x1x128xi32, #tpu.memory_space<vmem>>
        %dma_start3A_308 = tpu.memref_squeeze %dma_start3A_307 : memref<1x1x128xi32, #tpu.memory_space<vmem>> -> memref<128xi32, #tpu.memory_space<vmem>>
        %dma_start3A_309 = arith.constant 0 : i32
        %dma_start3A_310 = arith.constant 0 : i32
        %dma_start3A_311 = tpu.memref_slice %arg2[%dma_start3A_309, %dma_start3A_310] : memref<10240x128xf32, #tpu.memory_space<hbm>> -> memref<10240x128xf32, #tpu.memory_space<hbm>>
        tpu.enqueue_indirect_dma source(%dma_start3A_311 : memref<10240x128xf32, #tpu.memory_space<hbm>>) target(%dma_start3A_305 : memref<128x128xf32, #tpu.memory_space<vmem>>) offsets(%dma_start3A_308 : memref<128xi32, #tpu.memory_space<vmem>>) semaphore(%arg12 : memref<!tpu.dma_semaphore, #tpu.memory_space<semaphore_mem>>)
      } else {
      }
    }
    %while3A_63 = arith.constant 1 : i32
    scf.for %while3A_65 = %while3A_61 to %while3A_57 step %while3A_63  : i32 {
      %mul3A_66 = arith.constant 2 : i32
      %mul3A_67 = arith.muli %mul3A_66, %while3A_65 : i32
      %add3A_68 = arith.constant 0 : i32
      %add3A_69 = arith.addi %mul3A_67, %add3A_68 : i32
      %dma_wait3A = arith.constant 0 : i32
      %dma_wait3A_70 = arith.constant 0 : i32
      %dma_wait3A_71 = arith.constant 0 : i32
      %dma_wait3A_72 = arith.constant 0 : i32
      %dma_wait3A_73 = arith.constant 0 : i32
      %dma_wait3A_74 = tpu.memref_slice %arg9[%dma_wait3A_71, %dma_wait3A_72, %dma_wait3A_73] : memref<2x128x128xf32, #tpu.memory_space<vmem>> -> memref<1x128x128xf32, #tpu.memory_space<vmem>>
      %dma_wait3A_75 = tpu.memref_squeeze %dma_wait3A_74 : memref<1x128x128xf32, #tpu.memory_space<vmem>> -> memref<128x128xf32, #tpu.memory_space<vmem>>
      %dma_wait3A_76 = arith.constant 0 : i32
      %dma_wait3A_77 = tpu.memref_slice %arg7[%dma_wait3A, %dma_wait3A_70, %dma_wait3A_76] : memref<2x8x128xi32, #tpu.memory_space<vmem>> -> memref<1x1x128xi32, #tpu.memory_space<vmem>>
      %dma_wait3A_78 = tpu.memref_squeeze %dma_wait3A_77 : memref<1x1x128xi32, #tpu.memory_space<vmem>> -> memref<128xi32, #tpu.memory_space<vmem>>
      %dma_wait3A_79 = arith.constant 0 : i32
      %dma_wait3A_80 = arith.constant 0 : i32
      %dma_wait3A_81 = tpu.memref_slice %arg2[%dma_wait3A_79, %dma_wait3A_80] : memref<10240x128xf32, #tpu.memory_space<hbm>> -> memref<10240x128xf32, #tpu.memory_space<hbm>>
      tpu.wait_indirect_dma semaphore(%arg11 : memref<!tpu.dma_semaphore, #tpu.memory_space<semaphore_mem>>) src(%dma_wait3A_81 : memref<10240x128xf32, #tpu.memory_space<hbm>>) dst(%dma_wait3A_75 : memref<128x128xf32, #tpu.memory_space<vmem>>)
      %jit3A_82 = arith.constant 8 : i32
      %div3A_83 = arith.divsi %add3A_69, %jit3A_82 : i32
      %sign3A_84 = arith.constant 0 : i32
      %sign3A_85 = arith.cmpi sgt, %add3A_69, %sign3A_84 : i32
      %sign3A_86 = arith.extui %sign3A_85 : i1 to i32
      %sign3A_87 = arith.constant 0 : i32
      %sign3A_88 = arith.cmpi slt, %add3A_69, %sign3A_87 : i32
      %sign3A_89 = arith.extui %sign3A_88 : i1 to i32
      %sign3A_90 = arith.subi %sign3A_86, %sign3A_89 : i32
      %sign3A_91 = arith.constant 0 : i32
      %sign3A_92 = arith.cmpi sgt, %jit3A_82, %sign3A_91 : i32
      %sign3A_93 = arith.extui %sign3A_92 : i1 to i32
      %sign3A_94 = arith.constant 0 : i32
      %sign3A_95 = arith.cmpi slt, %jit3A_82, %sign3A_94 : i32
      %sign3A_96 = arith.extui %sign3A_95 : i1 to i32
      %sign3A_97 = arith.subi %sign3A_93, %sign3A_96 : i32
      %ne3A_98 = arith.cmpi ne, %sign3A_90, %sign3A_97 : i32
      %rem3A_99 = arith.remsi %add3A_69, %jit3A_82 : i32
      %ne3A_100 = arith.constant 0 : i32
      %ne3A_101 = arith.cmpi ne, %rem3A_99, %ne3A_100 : i32
      %and3A_102 = arith.andi %ne3A_98, %ne3A_101 : i1
      %sub3A_103 = arith.constant 1 : i32
      %sub3A_104 = arith.subi %div3A_83, %sub3A_103 : i32
      %select_n3A_105 = arith.select %and3A_102, %sub3A_104, %div3A_83 : i32
      %jit3A_106 = arith.constant 2 : i32
      %eq3A_107 = arith.constant 0 : i32
      %eq3A_108 = arith.cmpi eq, %jit3A_106, %eq3A_107 : i32
      %jit3A_109 = arith.constant 1 : i32
      %select_n3A_110 = arith.select %eq3A_108, %jit3A_109, %jit3A_106 : i32
      %rem3A_111 = arith.remsi %select_n3A_105, %select_n3A_110 : i32
      %ne3A_112 = arith.constant 0 : i32
      %ne3A_113 = arith.cmpi ne, %rem3A_111, %ne3A_112 : i32
      %lt3A = arith.constant 0 : i32
      %lt3A_114 = arith.cmpi slt, %rem3A_111, %lt3A : i32
      %lt3A_115 = arith.constant 0 : i32
      %lt3A_116 = arith.cmpi slt, %select_n3A_110, %lt3A_115 : i32
      %ne3A_117 = arith.xori %lt3A_114, %lt3A_116 : i1
      %and3A_118 = arith.andi %ne3A_117, %ne3A_113 : i1
      %add3A_119 = arith.addi %rem3A_111, %select_n3A_110 : i32
      %select_n3A_120 = arith.select %and3A_118, %add3A_119, %rem3A_111 : i32
      %jit3A_121 = arith.constant 8 : i32
      %eq3A_122 = arith.constant 0 : i32
      %eq3A_123 = arith.cmpi eq, %jit3A_121, %eq3A_122 : i32
      %jit3A_124 = arith.constant 1 : i32
      %select_n3A_125 = arith.select %eq3A_123, %jit3A_124, %jit3A_121 : i32
      %rem3A_126 = arith.remsi %add3A_69, %select_n3A_125 : i32
      %ne3A_127 = arith.constant 0 : i32
      %ne3A_128 = arith.cmpi ne, %rem3A_126, %ne3A_127 : i32
      %lt3A_129 = arith.constant 0 : i32
      %lt3A_130 = arith.cmpi slt, %rem3A_126, %lt3A_129 : i32
      %lt3A_131 = arith.constant 0 : i32
      %lt3A_132 = arith.cmpi slt, %select_n3A_125, %lt3A_131 : i32
      %ne3A_133 = arith.xori %lt3A_130, %lt3A_132 : i1
      %and3A_134 = arith.andi %ne3A_133, %ne3A_128 : i1
      %add3A_135 = arith.addi %rem3A_126, %select_n3A_125 : i32
      %select_n3A_136 = arith.select %and3A_134, %add3A_135, %rem3A_126 : i32
      %run_scoped3A_137 = arith.constant 0 : i32
      "tpu.region"() ({
        %run_scoped3A_245 = tpu.sem_alloc : memref<!tpu.dma_semaphore, #tpu.memory_space<semaphore_mem>>
        %dma_start3A_246 = arith.constant 0 : i32
        %dma_start3A_247 = arith.constant 0 : i32
        %dma_start3A_248 = tpu.memref_slice %arg9[%run_scoped3A_137, %dma_start3A_246, %dma_start3A_247] : memref<2x128x128xf32, #tpu.memory_space<vmem>> -> memref<1x128x128xf32, #tpu.memory_space<vmem>>
        %dma_start3A_249 = tpu.memref_squeeze %dma_start3A_248 : memref<1x128x128xf32, #tpu.memory_space<vmem>> -> memref<128x128xf32, #tpu.memory_space<vmem>>
        %dma_start3A_250 = arith.constant 0 : i32
        %dma_start3A_251 = tpu.memref_slice %arg8[%select_n3A_120, %select_n3A_136, %dma_start3A_250] : memref<2x8x128xi32, #tpu.memory_space<vmem>> -> memref<1x1x128xi32, #tpu.memory_space<vmem>>
        %dma_start3A_252 = tpu.memref_squeeze %dma_start3A_251 : memref<1x1x128xi32, #tpu.memory_space<vmem>> -> memref<128xi32, #tpu.memory_space<vmem>>
        %dma_start3A_253 = arith.constant 0 : i32
        %dma_start3A_254 = arith.constant 0 : i32
        %dma_start3A_255 = tpu.memref_slice %arg10[%dma_start3A_253, %dma_start3A_254] : memref<10240x128xf32, #tpu.memory_space<vmem_shared>> -> memref<10240x128xf32, #tpu.memory_space<vmem_shared>>
        tpu.enqueue_indirect_dma source(%dma_start3A_249 : memref<128x128xf32, #tpu.memory_space<vmem>>) target(%dma_start3A_255 : memref<10240x128xf32, #tpu.memory_space<vmem_shared>>) offsets(%dma_start3A_252 : memref<128xi32, #tpu.memory_space<vmem>>) semaphore(%run_scoped3A_245 : memref<!tpu.dma_semaphore, #tpu.memory_space<semaphore_mem>>) {add = true}
        %dma_wait3A_256 = arith.constant 0 : i32
        %dma_wait3A_257 = arith.constant 0 : i32
        %dma_wait3A_258 = tpu.memref_slice %arg9[%run_scoped3A_137, %dma_wait3A_256, %dma_wait3A_257] : memref<2x128x128xf32, #tpu.memory_space<vmem>> -> memref<1x128x128xf32, #tpu.memory_space<vmem>>
        %dma_wait3A_259 = tpu.memref_squeeze %dma_wait3A_258 : memref<1x128x128xf32, #tpu.memory_space<vmem>> -> memref<128x128xf32, #tpu.memory_space<vmem>>
        %dma_wait3A_260 = arith.constant 0 : i32
        %dma_wait3A_261 = tpu.memref_slice %arg8[%select_n3A_120, %select_n3A_136, %dma_wait3A_260] : memref<2x8x128xi32, #tpu.memory_space<vmem>> -> memref<1x1x128xi32, #tpu.memory_space<vmem>>
        %dma_wait3A_262 = tpu.memref_squeeze %dma_wait3A_261 : memref<1x1x128xi32, #tpu.memory_space<vmem>> -> memref<128xi32, #tpu.memory_space<vmem>>
        %dma_wait3A_263 = arith.constant 0 : i32
        %dma_wait3A_264 = arith.constant 0 : i32
        %dma_wait3A_265 = tpu.memref_slice %arg10[%dma_wait3A_263, %dma_wait3A_264] : memref<10240x128xf32, #tpu.memory_space<vmem_shared>> -> memref<10240x128xf32, #tpu.memory_space<vmem_shared>>
        tpu.wait_indirect_dma semaphore(%run_scoped3A_245 : memref<!tpu.dma_semaphore, #tpu.memory_space<semaphore_mem>>) src(%dma_wait3A_259 : memref<128x128xf32, #tpu.memory_space<vmem>>) dst(%dma_wait3A_265 : memref<10240x128xf32, #tpu.memory_space<vmem_shared>>)
        tpu.yield
      }) : () -> ()
      %add3A_138 = arith.constant 2 : i32
      %add3A_139 = arith.addi %add3A_69, %add3A_138 : i32
      %jit3A_140 = arith.constant 8 : i32
      %eq3A_141 = arith.constant 0 : i32
      %eq3A_142 = arith.cmpi eq, %jit3A_140, %eq3A_141 : i32
      %jit3A_143 = arith.constant 1 : i32
      %select_n3A_144 = arith.select %eq3A_142, %jit3A_143, %jit3A_140 : i32
      %rem3A_145 = arith.remsi %add3A_139, %select_n3A_144 : i32
      %ne3A_146 = arith.constant 0 : i32
      %ne3A_147 = arith.cmpi ne, %rem3A_145, %ne3A_146 : i32
      %lt3A_148 = arith.constant 0 : i32
      %lt3A_149 = arith.cmpi slt, %rem3A_145, %lt3A_148 : i32
      %lt3A_150 = arith.constant 0 : i32
      %lt3A_151 = arith.cmpi slt, %select_n3A_144, %lt3A_150 : i32
      %ne3A_152 = arith.xori %lt3A_149, %lt3A_151 : i1
      %and3A_153 = arith.andi %ne3A_152, %ne3A_147 : i1
      %add3A_154 = arith.addi %rem3A_145, %select_n3A_144 : i32
      %select_n3A_155 = arith.select %and3A_153, %add3A_154, %rem3A_145 : i32
      %eq3A_156 = arith.constant 0 : i32
      %eq3A_157 = arith.cmpi eq, %select_n3A_155, %eq3A_156 : i32
      %lt3A_158 = arith.cmpi slt, %add3A_139, %select_n3A : i32
      %and3A_159 = arith.andi %eq3A_157, %lt3A_158 : i1
      %convert_element_type3A = arith.extui %and3A_159 : i1 to i32
      %cond3A = arith.constant 0 : i32
      %cond3A_160 = arith.cmpi ne, %convert_element_type3A, %cond3A : i32
      scf.if %cond3A_160 {
        %jit3A_245 = arith.constant 8 : i32
        %div3A_246 = arith.divsi %add3A_139, %jit3A_245 : i32
        %sign3A_247 = arith.constant 0 : i32
        %sign3A_248 = arith.cmpi sgt, %add3A_139, %sign3A_247 : i32
        %sign3A_249 = arith.extui %sign3A_248 : i1 to i32
        %sign3A_250 = arith.constant 0 : i32
        %sign3A_251 = arith.cmpi slt, %add3A_139, %sign3A_250 : i32
        %sign3A_252 = arith.extui %sign3A_251 : i1 to i32
        %sign3A_253 = arith.subi %sign3A_249, %sign3A_252 : i32
        %sign3A_254 = arith.constant 0 : i32
        %sign3A_255 = arith.cmpi sgt, %jit3A_245, %sign3A_254 : i32
        %sign3A_256 = arith.extui %sign3A_255 : i1 to i32
        %sign3A_257 = arith.constant 0 : i32
        %sign3A_258 = arith.cmpi slt, %jit3A_245, %sign3A_257 : i32
        %sign3A_259 = arith.extui %sign3A_258 : i1 to i32
        %sign3A_260 = arith.subi %sign3A_256, %sign3A_259 : i32
        %ne3A_261 = arith.cmpi ne, %sign3A_253, %sign3A_260 : i32
        %rem3A_262 = arith.remsi %add3A_139, %jit3A_245 : i32
        %ne3A_263 = arith.constant 0 : i32
        %ne3A_264 = arith.cmpi ne, %rem3A_262, %ne3A_263 : i32
        %and3A_265 = arith.andi %ne3A_261, %ne3A_264 : i1
        %sub3A_266 = arith.constant 1 : i32
        %sub3A_267 = arith.subi %div3A_246, %sub3A_266 : i32
        %select_n3A_268 = arith.select %and3A_265, %sub3A_267, %div3A_246 : i32
        %mul3A_269 = arith.constant 8 : i32
        %mul3A_270 = arith.muli %select_n3A_268, %mul3A_269 : i32
        %add3A_271 = arith.addi %select_n3A_10, %mul3A_270 : i32
        %jit3A_272 = arith.constant 2 : i32
        %eq3A_273 = arith.constant 0 : i32
        %eq3A_274 = arith.cmpi eq, %jit3A_272, %eq3A_273 : i32
        %jit3A_275 = arith.constant 1 : i32
        %select_n3A_276 = arith.select %eq3A_274, %jit3A_275, %jit3A_272 : i32
        %rem3A_277 = arith.remsi %select_n3A_268, %select_n3A_276 : i32
        %ne3A_278 = arith.constant 0 : i32
        %ne3A_279 = arith.cmpi ne, %rem3A_277, %ne3A_278 : i32
        %lt3A_280 = arith.constant 0 : i32
        %lt3A_281 = arith.cmpi slt, %rem3A_277, %lt3A_280 : i32
        %lt3A_282 = arith.constant 0 : i32
        %lt3A_283 = arith.cmpi slt, %select_n3A_276, %lt3A_282 : i32
        %ne3A_284 = arith.xori %lt3A_281, %lt3A_283 : i1
        %and3A_285 = arith.andi %ne3A_284, %ne3A_279 : i1
        %add3A_286 = arith.addi %rem3A_277, %select_n3A_276 : i32
        %select_n3A_287 = arith.select %and3A_285, %add3A_286, %rem3A_277 : i32
        "tpu.region"() ({
          %run_scoped3A_307 = tpu.sem_alloc : memref<!tpu.dma_semaphore, #tpu.memory_space<semaphore_mem>>
          %dma_start3A_308 = arith.constant 0 : i32
          %dma_start3A_309 = arith.constant 0 : i32
          %dma_start3A_310 = tpu.memref_slice %arg7[%select_n3A_287, %dma_start3A_308, %dma_start3A_309] : memref<2x8x128xi32, #tpu.memory_space<vmem>> -> memref<1x8x128xi32, #tpu.memory_space<vmem>>
          %dma_start3A_311 = tpu.memref_squeeze %dma_start3A_310 : memref<1x8x128xi32, #tpu.memory_space<vmem>> -> memref<8x128xi32, #tpu.memory_space<vmem>>
          %dma_start3A_312 = arith.constant 0 : i32
          %dma_start3A_313 = tpu.memref_slice %arg3[%add3A_271, %dma_start3A_312] : memref<2560x128xi32, #tpu.memory_space<hbm>> -> memref<8x128xi32, #tpu.memory_space<hbm>>
          %dma_start3A_314 = arith.constant 0 : i32
          %dma_start3A_315 = arith.constant 0 : i32
          %dma_start3A_316 = tpu.memref_slice %arg7[%select_n3A_287, %dma_start3A_314, %dma_start3A_315] : memref<2x8x128xi32, #tpu.memory_space<vmem>> -> memref<1x8x128xi32, #tpu.memory_space<vmem>>
          %dma_start3A_317 = tpu.memref_squeeze %dma_start3A_316 : memref<1x8x128xi32, #tpu.memory_space<vmem>> -> memref<8x128xi32, #tpu.memory_space<vmem>>
          %dma_start3A_318 = arith.constant 0 : i32
          %dma_start3A_319 = tpu.memref_slice %arg3[%add3A_271, %dma_start3A_318] : memref<2560x128xi32, #tpu.memory_space<hbm>> -> memref<8x128xi32, #tpu.memory_space<hbm>>
          tpu.enqueue_dma source(%dma_start3A_319 : memref<8x128xi32, #tpu.memory_space<hbm>>) target(%dma_start3A_317 : memref<8x128xi32, #tpu.memory_space<vmem>>) target_semaphore(%run_scoped3A_307 : memref<!tpu.dma_semaphore, #tpu.memory_space<semaphore_mem>>)
          %dma_wait3A_320 = arith.constant 0 : i32
          %dma_wait3A_321 = arith.constant 0 : i32
          %dma_wait3A_322 = tpu.memref_slice %arg7[%select_n3A_287, %dma_wait3A_320, %dma_wait3A_321] : memref<2x8x128xi32, #tpu.memory_space<vmem>> -> memref<1x8x128xi32, #tpu.memory_space<vmem>>
          %dma_wait3A_323 = tpu.memref_squeeze %dma_wait3A_322 : memref<1x8x128xi32, #tpu.memory_space<vmem>> -> memref<8x128xi32, #tpu.memory_space<vmem>>
          %dma_wait3A_324 = arith.constant 0 : i32
          %dma_wait3A_325 = tpu.memref_slice %arg3[%add3A_271, %dma_wait3A_324] : memref<2560x128xi32, #tpu.memory_space<hbm>> -> memref<8x128xi32, #tpu.memory_space<hbm>>
          %dma_wait3A_326 = arith.constant 0 : i32
          %dma_wait3A_327 = arith.constant 0 : i32
          %dma_wait3A_328 = tpu.memref_slice %arg7[%select_n3A_287, %dma_wait3A_326, %dma_wait3A_327] : memref<2x8x128xi32, #tpu.memory_space<vmem>> -> memref<1x8x128xi32, #tpu.memory_space<vmem>>
          %dma_wait3A_329 = tpu.memref_squeeze %dma_wait3A_328 : memref<1x8x128xi32, #tpu.memory_space<vmem>> -> memref<8x128xi32, #tpu.memory_space<vmem>>
          %dma_wait3A_330 = arith.constant 0 : i32
          %dma_wait3A_331 = tpu.memref_slice %arg3[%add3A_271, %dma_wait3A_330] : memref<2560x128xi32, #tpu.memory_space<hbm>> -> memref<8x128xi32, #tpu.memory_space<hbm>>
          tpu.wait_dma2 semaphore(%run_scoped3A_307 : memref<!tpu.dma_semaphore, #tpu.memory_space<semaphore_mem>>) src(%dma_wait3A_331 : memref<8x128xi32, #tpu.memory_space<hbm>>) dst(%dma_wait3A_329 : memref<8x128xi32, #tpu.memory_space<vmem>>)
          tpu.yield
        }) : () -> ()
        %mul3A_288 = arith.constant 8 : i32
        %mul3A_289 = arith.muli %select_n3A_268, %mul3A_288 : i32
        %add3A_290 = arith.addi %select_n3A_10, %mul3A_289 : i32
        %jit3A_291 = arith.constant 2 : i32
        %eq3A_292 = arith.constant 0 : i32
        %eq3A_293 = arith.cmpi eq, %jit3A_291, %eq3A_292 : i32
        %jit3A_294 = arith.constant 1 : i32
        %select_n3A_295 = arith.select %eq3A_293, %jit3A_294, %jit3A_291 : i32
        %rem3A_296 = arith.remsi %select_n3A_268, %select_n3A_295 : i32
        %ne3A_297 = arith.constant 0 : i32
        %ne3A_298 = arith.cmpi ne, %rem3A_296, %ne3A_297 : i32
        %lt3A_299 = arith.constant 0 : i32
        %lt3A_300 = arith.cmpi slt, %rem3A_296, %lt3A_299 : i32
        %lt3A_301 = arith.constant 0 : i32
        %lt3A_302 = arith.cmpi slt, %select_n3A_295, %lt3A_301 : i32
        %ne3A_303 = arith.xori %lt3A_300, %lt3A_302 : i1
        %and3A_304 = arith.andi %ne3A_303, %ne3A_298 : i1
        %add3A_305 = arith.addi %rem3A_296, %select_n3A_295 : i32
        %select_n3A_306 = arith.select %and3A_304, %add3A_305, %rem3A_296 : i32
        "tpu.region"() ({
          %run_scoped3A_307 = tpu.sem_alloc : memref<!tpu.dma_semaphore, #tpu.memory_space<semaphore_mem>>
          %dma_start3A_308 = arith.constant 0 : i32
          %dma_start3A_309 = arith.constant 0 : i32
          %dma_start3A_310 = tpu.memref_slice %arg8[%select_n3A_306, %dma_start3A_308, %dma_start3A_309] : memref<2x8x128xi32, #tpu.memory_space<vmem>> -> memref<1x8x128xi32, #tpu.memory_space<vmem>>
          %dma_start3A_311 = tpu.memref_squeeze %dma_start3A_310 : memref<1x8x128xi32, #tpu.memory_space<vmem>> -> memref<8x128xi32, #tpu.memory_space<vmem>>
          %dma_start3A_312 = arith.constant 0 : i32
          %dma_start3A_313 = tpu.memref_slice %arg4[%add3A_290, %dma_start3A_312] : memref<2560x128xi32, #tpu.memory_space<hbm>> -> memref<8x128xi32, #tpu.memory_space<hbm>>
          %dma_start3A_314 = arith.constant 0 : i32
          %dma_start3A_315 = arith.constant 0 : i32
          %dma_start3A_316 = tpu.memref_slice %arg8[%select_n3A_306, %dma_start3A_314, %dma_start3A_315] : memref<2x8x128xi32, #tpu.memory_space<vmem>> -> memref<1x8x128xi32, #tpu.memory_space<vmem>>
          %dma_start3A_317 = tpu.memref_squeeze %dma_start3A_316 : memref<1x8x128xi32, #tpu.memory_space<vmem>> -> memref<8x128xi32, #tpu.memory_space<vmem>>
          %dma_start3A_318 = arith.constant 0 : i32
          %dma_start3A_319 = tpu.memref_slice %arg4[%add3A_290, %dma_start3A_318] : memref<2560x128xi32, #tpu.memory_space<hbm>> -> memref<8x128xi32, #tpu.memory_space<hbm>>
          tpu.enqueue_dma source(%dma_start3A_319 : memref<8x128xi32, #tpu.memory_space<hbm>>) target(%dma_start3A_317 : memref<8x128xi32, #tpu.memory_space<vmem>>) target_semaphore(%run_scoped3A_307 : memref<!tpu.dma_semaphore, #tpu.memory_space<semaphore_mem>>)
          %dma_wait3A_320 = arith.constant 0 : i32
          %dma_wait3A_321 = arith.constant 0 : i32
          %dma_wait3A_322 = tpu.memref_slice %arg8[%select_n3A_306, %dma_wait3A_320, %dma_wait3A_321] : memref<2x8x128xi32, #tpu.memory_space<vmem>> -> memref<1x8x128xi32, #tpu.memory_space<vmem>>
          %dma_wait3A_323 = tpu.memref_squeeze %dma_wait3A_322 : memref<1x8x128xi32, #tpu.memory_space<vmem>> -> memref<8x128xi32, #tpu.memory_space<vmem>>
          %dma_wait3A_324 = arith.constant 0 : i32
          %dma_wait3A_325 = tpu.memref_slice %arg4[%add3A_290, %dma_wait3A_324] : memref<2560x128xi32, #tpu.memory_space<hbm>> -> memref<8x128xi32, #tpu.memory_space<hbm>>
          %dma_wait3A_326 = arith.constant 0 : i32
          %dma_wait3A_327 = arith.constant 0 : i32
          %dma_wait3A_328 = tpu.memref_slice %arg8[%select_n3A_306, %dma_wait3A_326, %dma_wait3A_327] : memref<2x8x128xi32, #tpu.memory_space<vmem>> -> memref<1x8x128xi32, #tpu.memory_space<vmem>>
          %dma_wait3A_329 = tpu.memref_squeeze %dma_wait3A_328 : memref<1x8x128xi32, #tpu.memory_space<vmem>> -> memref<8x128xi32, #tpu.memory_space<vmem>>
          %dma_wait3A_330 = arith.constant 0 : i32
          %dma_wait3A_331 = tpu.memref_slice %arg4[%add3A_290, %dma_wait3A_330] : memref<2560x128xi32, #tpu.memory_space<hbm>> -> memref<8x128xi32, #tpu.memory_space<hbm>>
          tpu.wait_dma2 semaphore(%run_scoped3A_307 : memref<!tpu.dma_semaphore, #tpu.memory_space<semaphore_mem>>) src(%dma_wait3A_331 : memref<8x128xi32, #tpu.memory_space<hbm>>) dst(%dma_wait3A_329 : memref<8x128xi32, #tpu.memory_space<vmem>>)
          tpu.yield
        }) : () -> ()
      } else {
      }
      %lt3A_161 = arith.cmpi slt, %add3A_139, %select_n3A : i32
      %convert_element_type3A_162 = arith.extui %lt3A_161 : i1 to i32
      %cond3A_163 = arith.constant 0 : i32
      %cond3A_164 = arith.cmpi ne, %convert_element_type3A_162, %cond3A_163 : i32
      scf.if %cond3A_164 {
        %jit3A_245 = arith.constant 8 : i32
        %div3A_246 = arith.divsi %add3A_139, %jit3A_245 : i32
        %sign3A_247 = arith.constant 0 : i32
        %sign3A_248 = arith.cmpi sgt, %add3A_139, %sign3A_247 : i32
        %sign3A_249 = arith.extui %sign3A_248 : i1 to i32
        %sign3A_250 = arith.constant 0 : i32
        %sign3A_251 = arith.cmpi slt, %add3A_139, %sign3A_250 : i32
        %sign3A_252 = arith.extui %sign3A_251 : i1 to i32
        %sign3A_253 = arith.subi %sign3A_249, %sign3A_252 : i32
        %sign3A_254 = arith.constant 0 : i32
        %sign3A_255 = arith.cmpi sgt, %jit3A_245, %sign3A_254 : i32
        %sign3A_256 = arith.extui %sign3A_255 : i1 to i32
        %sign3A_257 = arith.constant 0 : i32
        %sign3A_258 = arith.cmpi slt, %jit3A_245, %sign3A_257 : i32
        %sign3A_259 = arith.extui %sign3A_258 : i1 to i32
        %sign3A_260 = arith.subi %sign3A_256, %sign3A_259 : i32
        %ne3A_261 = arith.cmpi ne, %sign3A_253, %sign3A_260 : i32
        %rem3A_262 = arith.remsi %add3A_139, %jit3A_245 : i32
        %ne3A_263 = arith.constant 0 : i32
        %ne3A_264 = arith.cmpi ne, %rem3A_262, %ne3A_263 : i32
        %and3A_265 = arith.andi %ne3A_261, %ne3A_264 : i1
        %sub3A_266 = arith.constant 1 : i32
        %sub3A_267 = arith.subi %div3A_246, %sub3A_266 : i32
        %select_n3A_268 = arith.select %and3A_265, %sub3A_267, %div3A_246 : i32
        %jit3A_269 = arith.constant 2 : i32
        %eq3A_270 = arith.constant 0 : i32
        %eq3A_271 = arith.cmpi eq, %jit3A_269, %eq3A_270 : i32
        %jit3A_272 = arith.constant 1 : i32
        %select_n3A_273 = arith.select %eq3A_271, %jit3A_272, %jit3A_269 : i32
        %rem3A_274 = arith.remsi %select_n3A_268, %select_n3A_273 : i32
        %ne3A_275 = arith.constant 0 : i32
        %ne3A_276 = arith.cmpi ne, %rem3A_274, %ne3A_275 : i32
        %lt3A_277 = arith.constant 0 : i32
        %lt3A_278 = arith.cmpi slt, %rem3A_274, %lt3A_277 : i32
        %lt3A_279 = arith.constant 0 : i32
        %lt3A_280 = arith.cmpi slt, %select_n3A_273, %lt3A_279 : i32
        %ne3A_281 = arith.xori %lt3A_278, %lt3A_280 : i1
        %and3A_282 = arith.andi %ne3A_281, %ne3A_276 : i1
        %add3A_283 = arith.addi %rem3A_274, %select_n3A_273 : i32
        %select_n3A_284 = arith.select %and3A_282, %add3A_283, %rem3A_274 : i32
        %jit3A_285 = arith.constant 8 : i32
        %eq3A_286 = arith.constant 0 : i32
        %eq3A_287 = arith.cmpi eq, %jit3A_285, %eq3A_286 : i32
        %jit3A_288 = arith.constant 1 : i32
        %select_n3A_289 = arith.select %eq3A_287, %jit3A_288, %jit3A_285 : i32
        %rem3A_290 = arith.remsi %add3A_139, %select_n3A_289 : i32
        %ne3A_291 = arith.constant 0 : i32
        %ne3A_292 = arith.cmpi ne, %rem3A_290, %ne3A_291 : i32
        %lt3A_293 = arith.constant 0 : i32
        %lt3A_294 = arith.cmpi slt, %rem3A_290, %lt3A_293 : i32
        %lt3A_295 = arith.constant 0 : i32
        %lt3A_296 = arith.cmpi slt, %select_n3A_289, %lt3A_295 : i32
        %ne3A_297 = arith.xori %lt3A_294, %lt3A_296 : i1
        %and3A_298 = arith.andi %ne3A_297, %ne3A_292 : i1
        %add3A_299 = arith.addi %rem3A_290, %select_n3A_289 : i32
        %select_n3A_300 = arith.select %and3A_298, %add3A_299, %rem3A_290 : i32
        %dma_start3A_301 = arith.constant 0 : i32
        %dma_start3A_302 = arith.constant 0 : i32
        %dma_start3A_303 = arith.constant 0 : i32
        %dma_start3A_304 = tpu.memref_slice %arg9[%dma_start3A_301, %dma_start3A_302, %dma_start3A_303] : memref<2x128x128xf32, #tpu.memory_space<vmem>> -> memref<1x128x128xf32, #tpu.memory_space<vmem>>
        %dma_start3A_305 = tpu.memref_squeeze %dma_start3A_304 : memref<1x128x128xf32, #tpu.memory_space<vmem>> -> memref<128x128xf32, #tpu.memory_space<vmem>>
        %dma_start3A_306 = arith.constant 0 : i32
        %dma_start3A_307 = tpu.memref_slice %arg7[%select_n3A_284, %select_n3A_300, %dma_start3A_306] : memref<2x8x128xi32, #tpu.memory_space<vmem>> -> memref<1x1x128xi32, #tpu.memory_space<vmem>>
        %dma_start3A_308 = tpu.memref_squeeze %dma_start3A_307 : memref<1x1x128xi32, #tpu.memory_space<vmem>> -> memref<128xi32, #tpu.memory_space<vmem>>
        %dma_start3A_309 = arith.constant 0 : i32
        %dma_start3A_310 = arith.constant 0 : i32
        %dma_start3A_311 = tpu.memref_slice %arg2[%dma_start3A_309, %dma_start3A_310] : memref<10240x128xf32, #tpu.memory_space<hbm>> -> memref<10240x128xf32, #tpu.memory_space<hbm>>
        tpu.enqueue_indirect_dma source(%dma_start3A_311 : memref<10240x128xf32, #tpu.memory_space<hbm>>) target(%dma_start3A_305 : memref<128x128xf32, #tpu.memory_space<vmem>>) offsets(%dma_start3A_308 : memref<128xi32, #tpu.memory_space<vmem>>) semaphore(%arg11 : memref<!tpu.dma_semaphore, #tpu.memory_space<semaphore_mem>>)
      } else {
      }
      %mul3A_165 = arith.constant 2 : i32
      %mul3A_166 = arith.muli %mul3A_165, %while3A_65 : i32
      %add3A_167 = arith.constant 1 : i32
      %add3A_168 = arith.addi %mul3A_166, %add3A_167 : i32
      %dma_wait3A_169 = arith.constant 0 : i32
      %dma_wait3A_170 = arith.constant 0 : i32
      %dma_wait3A_171 = arith.constant 1 : i32
      %dma_wait3A_172 = arith.constant 0 : i32
      %dma_wait3A_173 = arith.constant 0 : i32
      %dma_wait3A_174 = tpu.memref_slice %arg9[%dma_wait3A_171, %dma_wait3A_172, %dma_wait3A_173] : memref<2x128x128xf32, #tpu.memory_space<vmem>> -> memref<1x128x128xf32, #tpu.memory_space<vmem>>
      %dma_wait3A_175 = tpu.memref_squeeze %dma_wait3A_174 : memref<1x128x128xf32, #tpu.memory_space<vmem>> -> memref<128x128xf32, #tpu.memory_space<vmem>>
      %dma_wait3A_176 = arith.constant 0 : i32
      %dma_wait3A_177 = tpu.memref_slice %arg7[%dma_wait3A_169, %dma_wait3A_170, %dma_wait3A_176] : memref<2x8x128xi32, #tpu.memory_space<vmem>> -> memref<1x1x128xi32, #tpu.memory_space<vmem>>
      %dma_wait3A_178 = tpu.memref_squeeze %dma_wait3A_177 : memref<1x1x128xi32, #tpu.memory_space<vmem>> -> memref<128xi32, #tpu.memory_space<vmem>>
      %dma_wait3A_179 = arith.constant 0 : i32
      %dma_wait3A_180 = arith.constant 0 : i32
      %dma_wait3A_181 = tpu.memref_slice %arg2[%dma_wait3A_179, %dma_wait3A_180] : memref<10240x128xf32, #tpu.memory_space<hbm>> -> memref<10240x128xf32, #tpu.memory_space<hbm>>
      tpu.wait_indirect_dma semaphore(%arg12 : memref<!tpu.dma_semaphore, #tpu.memory_space<semaphore_mem>>) src(%dma_wait3A_181 : memref<10240x128xf32, #tpu.memory_space<hbm>>) dst(%dma_wait3A_175 : memref<128x128xf32, #tpu.memory_space<vmem>>)
      %jit3A_182 = arith.constant 8 : i32
      %div3A_183 = arith.divsi %add3A_168, %jit3A_182 : i32
      %sign3A_184 = arith.constant 0 : i32
      %sign3A_185 = arith.cmpi sgt, %add3A_168, %sign3A_184 : i32
      %sign3A_186 = arith.extui %sign3A_185 : i1 to i32
      %sign3A_187 = arith.constant 0 : i32
      %sign3A_188 = arith.cmpi slt, %add3A_168, %sign3A_187 : i32
      %sign3A_189 = arith.extui %sign3A_188 : i1 to i32
      %sign3A_190 = arith.subi %sign3A_186, %sign3A_189 : i32
      %sign3A_191 = arith.constant 0 : i32
      %sign3A_192 = arith.cmpi sgt, %jit3A_182, %sign3A_191 : i32
      %sign3A_193 = arith.extui %sign3A_192 : i1 to i32
      %sign3A_194 = arith.constant 0 : i32
      %sign3A_195 = arith.cmpi slt, %jit3A_182, %sign3A_194 : i32
      %sign3A_196 = arith.extui %sign3A_195 : i1 to i32
      %sign3A_197 = arith.subi %sign3A_193, %sign3A_196 : i32
      %ne3A_198 = arith.cmpi ne, %sign3A_190, %sign3A_197 : i32
      %rem3A_199 = arith.remsi %add3A_168, %jit3A_182 : i32
      %ne3A_200 = arith.constant 0 : i32
      %ne3A_201 = arith.cmpi ne, %rem3A_199, %ne3A_200 : i32
      %and3A_202 = arith.andi %ne3A_198, %ne3A_201 : i1
      %sub3A_203 = arith.constant 1 : i32
      %sub3A_204 = arith.subi %div3A_183, %sub3A_203 : i32
      %select_n3A_205 = arith.select %and3A_202, %sub3A_204, %div3A_183 : i32
      %jit3A_206 = arith.constant 2 : i32
      %eq3A_207 = arith.constant 0 : i32
      %eq3A_208 = arith.cmpi eq, %jit3A_206, %eq3A_207 : i32
      %jit3A_209 = arith.constant 1 : i32
      %select_n3A_210 = arith.select %eq3A_208, %jit3A_209, %jit3A_206 : i32
      %rem3A_211 = arith.remsi %select_n3A_205, %select_n3A_210 : i32
      %ne3A_212 = arith.constant 0 : i32
      %ne3A_213 = arith.cmpi ne, %rem3A_211, %ne3A_212 : i32
      %lt3A_214 = arith.constant 0 : i32
      %lt3A_215 = arith.cmpi slt, %rem3A_211, %lt3A_214 : i32
      %lt3A_216 = arith.constant 0 : i32
      %lt3A_217 = arith.cmpi slt, %select_n3A_210, %lt3A_216 : i32
      %ne3A_218 = arith.xori %lt3A_215, %lt3A_217 : i1
      %and3A_219 = arith.andi %ne3A_218, %ne3A_213 : i1
      %add3A_220 = arith.addi %rem3A_211, %select_n3A_210 : i32
      %select_n3A_221 = arith.select %and3A_219, %add3A_220, %rem3A_211 : i32
      %jit3A_222 = arith.constant 8 : i32
      %eq3A_223 = arith.constant 0 : i32
      %eq3A_224 = arith.cmpi eq, %jit3A_222, %eq3A_223 : i32
      %jit3A_225 = arith.constant 1 : i32
      %select_n3A_226 = arith.select %eq3A_224, %jit3A_225, %jit3A_222 : i32
      %rem3A_227 = arith.remsi %add3A_168, %select_n3A_226 : i32
      %ne3A_228 = arith.constant 0 : i32
      %ne3A_229 = arith.cmpi ne, %rem3A_227, %ne3A_228 : i32
      %lt3A_230 = arith.constant 0 : i32
      %lt3A_231 = arith.cmpi slt, %rem3A_227, %lt3A_230 : i32
      %lt3A_232 = arith.constant 0 : i32
      %lt3A_233 = arith.cmpi slt, %select_n3A_226, %lt3A_232 : i32
      %ne3A_234 = arith.xori %lt3A_231, %lt3A_233 : i1
      %and3A_235 = arith.andi %ne3A_234, %ne3A_229 : i1
      %add3A_236 = arith.addi %rem3A_227, %select_n3A_226 : i32
      %select_n3A_237 = arith.select %and3A_235, %add3A_236, %rem3A_227 : i32
      %run_scoped3A_238 = arith.constant 1 : i32
      "tpu.region"() ({
        %run_scoped3A_245 = tpu.sem_alloc : memref<!tpu.dma_semaphore, #tpu.memory_space<semaphore_mem>>
        %dma_start3A_246 = arith.constant 0 : i32
        %dma_start3A_247 = arith.constant 0 : i32
        %dma_start3A_248 = tpu.memref_slice %arg9[%run_scoped3A_238, %dma_start3A_246, %dma_start3A_247] : memref<2x128x128xf32, #tpu.memory_space<vmem>> -> memref<1x128x128xf32, #tpu.memory_space<vmem>>
        %dma_start3A_249 = tpu.memref_squeeze %dma_start3A_248 : memref<1x128x128xf32, #tpu.memory_space<vmem>> -> memref<128x128xf32, #tpu.memory_space<vmem>>
        %dma_start3A_250 = arith.constant 0 : i32
        %dma_start3A_251 = tpu.memref_slice %arg8[%select_n3A_221, %select_n3A_237, %dma_start3A_250] : memref<2x8x128xi32, #tpu.memory_space<vmem>> -> memref<1x1x128xi32, #tpu.memory_space<vmem>>
        %dma_start3A_252 = tpu.memref_squeeze %dma_start3A_251 : memref<1x1x128xi32, #tpu.memory_space<vmem>> -> memref<128xi32, #tpu.memory_space<vmem>>
        %dma_start3A_253 = arith.constant 0 : i32
        %dma_start3A_254 = arith.constant 0 : i32
        %dma_start3A_255 = tpu.memref_slice %arg10[%dma_start3A_253, %dma_start3A_254] : memref<10240x128xf32, #tpu.memory_space<vmem_shared>> -> memref<10240x128xf32, #tpu.memory_space<vmem_shared>>
        tpu.enqueue_indirect_dma source(%dma_start3A_249 : memref<128x128xf32, #tpu.memory_space<vmem>>) target(%dma_start3A_255 : memref<10240x128xf32, #tpu.memory_space<vmem_shared>>) offsets(%dma_start3A_252 : memref<128xi32, #tpu.memory_space<vmem>>) semaphore(%run_scoped3A_245 : memref<!tpu.dma_semaphore, #tpu.memory_space<semaphore_mem>>) {add = true}
        %dma_wait3A_256 = arith.constant 0 : i32
        %dma_wait3A_257 = arith.constant 0 : i32
        %dma_wait3A_258 = tpu.memref_slice %arg9[%run_scoped3A_238, %dma_wait3A_256, %dma_wait3A_257] : memref<2x128x128xf32, #tpu.memory_space<vmem>> -> memref<1x128x128xf32, #tpu.memory_space<vmem>>
        %dma_wait3A_259 = tpu.memref_squeeze %dma_wait3A_258 : memref<1x128x128xf32, #tpu.memory_space<vmem>> -> memref<128x128xf32, #tpu.memory_space<vmem>>
        %dma_wait3A_260 = arith.constant 0 : i32
        %dma_wait3A_261 = tpu.memref_slice %arg8[%select_n3A_221, %select_n3A_237, %dma_wait3A_260] : memref<2x8x128xi32, #tpu.memory_space<vmem>> -> memref<1x1x128xi32, #tpu.memory_space<vmem>>
        %dma_wait3A_262 = tpu.memref_squeeze %dma_wait3A_261 : memref<1x1x128xi32, #tpu.memory_space<vmem>> -> memref<128xi32, #tpu.memory_space<vmem>>
        %dma_wait3A_263 = arith.constant 0 : i32
        %dma_wait3A_264 = arith.constant 0 : i32
        %dma_wait3A_265 = tpu.memref_slice %arg10[%dma_wait3A_263, %dma_wait3A_264] : memref<10240x128xf32, #tpu.memory_space<vmem_shared>> -> memref<10240x128xf32, #tpu.memory_space<vmem_shared>>
        tpu.wait_indirect_dma semaphore(%run_scoped3A_245 : memref<!tpu.dma_semaphore, #tpu.memory_space<semaphore_mem>>) src(%dma_wait3A_259 : memref<128x128xf32, #tpu.memory_space<vmem>>) dst(%dma_wait3A_265 : memref<10240x128xf32, #tpu.memory_space<vmem_shared>>)
        tpu.yield
      }) : () -> ()
      %add3A_239 = arith.constant 2 : i32
      %add3A_240 = arith.addi %add3A_168, %add3A_239 : i32
      %lt3A_241 = arith.cmpi slt, %add3A_240, %select_n3A : i32
      %convert_element_type3A_242 = arith.extui %lt3A_241 : i1 to i32
      %cond3A_243 = arith.constant 0 : i32
      %cond3A_244 = arith.cmpi ne, %convert_element_type3A_242, %cond3A_243 : i32
      scf.if %cond3A_244 {
        %jit3A_245 = arith.constant 8 : i32
        %div3A_246 = arith.divsi %add3A_240, %jit3A_245 : i32
        %sign3A_247 = arith.constant 0 : i32
        %sign3A_248 = arith.cmpi sgt, %add3A_240, %sign3A_247 : i32
        %sign3A_249 = arith.extui %sign3A_248 : i1 to i32
        %sign3A_250 = arith.constant 0 : i32
        %sign3A_251 = arith.cmpi slt, %add3A_240, %sign3A_250 : i32
        %sign3A_252 = arith.extui %sign3A_251 : i1 to i32
        %sign3A_253 = arith.subi %sign3A_249, %sign3A_252 : i32
        %sign3A_254 = arith.constant 0 : i32
        %sign3A_255 = arith.cmpi sgt, %jit3A_245, %sign3A_254 : i32
        %sign3A_256 = arith.extui %sign3A_255 : i1 to i32
        %sign3A_257 = arith.constant 0 : i32
        %sign3A_258 = arith.cmpi slt, %jit3A_245, %sign3A_257 : i32
        %sign3A_259 = arith.extui %sign3A_258 : i1 to i32
        %sign3A_260 = arith.subi %sign3A_256, %sign3A_259 : i32
        %ne3A_261 = arith.cmpi ne, %sign3A_253, %sign3A_260 : i32
        %rem3A_262 = arith.remsi %add3A_240, %jit3A_245 : i32
        %ne3A_263 = arith.constant 0 : i32
        %ne3A_264 = arith.cmpi ne, %rem3A_262, %ne3A_263 : i32
        %and3A_265 = arith.andi %ne3A_261, %ne3A_264 : i1
        %sub3A_266 = arith.constant 1 : i32
        %sub3A_267 = arith.subi %div3A_246, %sub3A_266 : i32
        %select_n3A_268 = arith.select %and3A_265, %sub3A_267, %div3A_246 : i32
        %jit3A_269 = arith.constant 2 : i32
        %eq3A_270 = arith.constant 0 : i32
        %eq3A_271 = arith.cmpi eq, %jit3A_269, %eq3A_270 : i32
        %jit3A_272 = arith.constant 1 : i32
        %select_n3A_273 = arith.select %eq3A_271, %jit3A_272, %jit3A_269 : i32
        %rem3A_274 = arith.remsi %select_n3A_268, %select_n3A_273 : i32
        %ne3A_275 = arith.constant 0 : i32
        %ne3A_276 = arith.cmpi ne, %rem3A_274, %ne3A_275 : i32
        %lt3A_277 = arith.constant 0 : i32
        %lt3A_278 = arith.cmpi slt, %rem3A_274, %lt3A_277 : i32
        %lt3A_279 = arith.constant 0 : i32
        %lt3A_280 = arith.cmpi slt, %select_n3A_273, %lt3A_279 : i32
        %ne3A_281 = arith.xori %lt3A_278, %lt3A_280 : i1
        %and3A_282 = arith.andi %ne3A_281, %ne3A_276 : i1
        %add3A_283 = arith.addi %rem3A_274, %select_n3A_273 : i32
        %select_n3A_284 = arith.select %and3A_282, %add3A_283, %rem3A_274 : i32
        %jit3A_285 = arith.constant 8 : i32
        %eq3A_286 = arith.constant 0 : i32
        %eq3A_287 = arith.cmpi eq, %jit3A_285, %eq3A_286 : i32
        %jit3A_288 = arith.constant 1 : i32
        %select_n3A_289 = arith.select %eq3A_287, %jit3A_288, %jit3A_285 : i32
        %rem3A_290 = arith.remsi %add3A_240, %select_n3A_289 : i32
        %ne3A_291 = arith.constant 0 : i32
        %ne3A_292 = arith.cmpi ne, %rem3A_290, %ne3A_291 : i32
        %lt3A_293 = arith.constant 0 : i32
        %lt3A_294 = arith.cmpi slt, %rem3A_290, %lt3A_293 : i32
        %lt3A_295 = arith.constant 0 : i32
        %lt3A_296 = arith.cmpi slt, %select_n3A_289, %lt3A_295 : i32
        %ne3A_297 = arith.xori %lt3A_294, %lt3A_296 : i1
        %and3A_298 = arith.andi %ne3A_297, %ne3A_292 : i1
        %add3A_299 = arith.addi %rem3A_290, %select_n3A_289 : i32
        %select_n3A_300 = arith.select %and3A_298, %add3A_299, %rem3A_290 : i32
        %dma_start3A_301 = arith.constant 1 : i32
        %dma_start3A_302 = arith.constant 0 : i32
        %dma_start3A_303 = arith.constant 0 : i32
        %dma_start3A_304 = tpu.memref_slice %arg9[%dma_start3A_301, %dma_start3A_302, %dma_start3A_303] : memref<2x128x128xf32, #tpu.memory_space<vmem>> -> memref<1x128x128xf32, #tpu.memory_space<vmem>>
        %dma_start3A_305 = tpu.memref_squeeze %dma_start3A_304 : memref<1x128x128xf32, #tpu.memory_space<vmem>> -> memref<128x128xf32, #tpu.memory_space<vmem>>
        %dma_start3A_306 = arith.constant 0 : i32
        %dma_start3A_307 = tpu.memref_slice %arg7[%select_n3A_284, %select_n3A_300, %dma_start3A_306] : memref<2x8x128xi32, #tpu.memory_space<vmem>> -> memref<1x1x128xi32, #tpu.memory_space<vmem>>
        %dma_start3A_308 = tpu.memref_squeeze %dma_start3A_307 : memref<1x1x128xi32, #tpu.memory_space<vmem>> -> memref<128xi32, #tpu.memory_space<vmem>>
        %dma_start3A_309 = arith.constant 0 : i32
        %dma_start3A_310 = arith.constant 0 : i32
        %dma_start3A_311 = tpu.memref_slice %arg2[%dma_start3A_309, %dma_start3A_310] : memref<10240x128xf32, #tpu.memory_space<hbm>> -> memref<10240x128xf32, #tpu.memory_space<hbm>>
        tpu.enqueue_indirect_dma source(%dma_start3A_311 : memref<10240x128xf32, #tpu.memory_space<hbm>>) target(%dma_start3A_305 : memref<128x128xf32, #tpu.memory_space<vmem>>) offsets(%dma_start3A_308 : memref<128xi32, #tpu.memory_space<vmem>>) semaphore(%arg12 : memref<!tpu.dma_semaphore, #tpu.memory_space<semaphore_mem>>)
      } else {
      }
    }
    %barrier3A_64 = arith.constant 0 : index
    tpu.barrier barrier_id(%barrier3A_64)
    "tpu.region"() ({
      %run_scoped3A_65 = tpu.sem_alloc : memref<!tpu.dma_semaphore, #tpu.memory_space<semaphore_mem>>
      %dma_start3A_66 = arith.constant 0 : i32
      %dma_start3A_67 = tpu.memref_slice %arg6[%arg0, %mul3A_0, %dma_start3A_66] : memref<2x10240x128xf32, #tpu.memory_space<hbm>> -> memref<1x640x128xf32, #tpu.memory_space<hbm>>
      %dma_start3A_68 = tpu.memref_squeeze %dma_start3A_67 : memref<1x640x128xf32, #tpu.memory_space<hbm>> -> memref<640x128xf32, #tpu.memory_space<hbm>>
      %dma_start3A_69 = arith.constant 0 : i32
      %dma_start3A_70 = tpu.memref_slice %arg10[%mul3A_0, %dma_start3A_69] : memref<10240x128xf32, #tpu.memory_space<vmem_shared>> -> memref<640x128xf32, #tpu.memory_space<vmem_shared>>
      tpu.enqueue_dma source(%dma_start3A_70 : memref<640x128xf32, #tpu.memory_space<vmem_shared>>) target(%dma_start3A_68 : memref<640x128xf32, #tpu.memory_space<hbm>>) target_semaphore(%run_scoped3A_65 : memref<!tpu.dma_semaphore, #tpu.memory_space<semaphore_mem>>)
      %dma_wait3A = arith.constant 0 : i32
      %dma_wait3A_71 = tpu.memref_slice %arg6[%arg0, %mul3A_0, %dma_wait3A] : memref<2x10240x128xf32, #tpu.memory_space<hbm>> -> memref<1x640x128xf32, #tpu.memory_space<hbm>>
      %dma_wait3A_72 = tpu.memref_squeeze %dma_wait3A_71 : memref<1x640x128xf32, #tpu.memory_space<hbm>> -> memref<640x128xf32, #tpu.memory_space<hbm>>
      %dma_wait3A_73 = arith.constant 0 : i32
      %dma_wait3A_74 = tpu.memref_slice %arg10[%mul3A_0, %dma_wait3A_73] : memref<10240x128xf32, #tpu.memory_space<vmem_shared>> -> memref<640x128xf32, #tpu.memory_space<vmem_shared>>
      tpu.wait_dma2 semaphore(%run_scoped3A_65 : memref<!tpu.dma_semaphore, #tpu.memory_space<semaphore_mem>>) src(%dma_wait3A_74 : memref<640x128xf32, #tpu.memory_space<vmem_shared>>) dst(%dma_wait3A_72 : memref<640x128xf32, #tpu.memory_space<hbm>>)
      tpu.yield
    }) : () -> ()
    return
  }
}

#map = affine_map<(d0, d1) -> (0, 0)>
#map1 = affine_map<(d0, d1) -> (0, 0, 0)>
module attributes {stable_mosaic.version = 14 : i64} {
  func.func @_sc_mp(%arg0: i32, %arg1: i32, %arg2: memref<10240x128xf32, #tpu.memory_space<hbm>>, %arg3: memref<2560x128xi32, #tpu.memory_space<hbm>>, %arg4: memref<2560x128xi32, #tpu.memory_space<hbm>>, %arg5: memref<640x128xf32, #tpu.memory_space<hbm>>, %arg6: memref<2x10240x128xf32, #tpu.memory_space<hbm>>, %arg7: memref<2x8x128xi32, #tpu.memory_space<vmem>>, %arg8: memref<2x8x128xi32, #tpu.memory_space<vmem>>, %arg9: memref<2x128x128xf32, #tpu.memory_space<vmem>>, %arg10: memref<10240x128xf32, #tpu.memory_space<vmem_shared>>, %arg11: memref<!tpu.dma_semaphore, #tpu.memory_space<semaphore_mem>>, %arg12: memref<!tpu.dma_semaphore, #tpu.memory_space<semaphore_mem>>) attributes {dimension_semantics = [#tpu.dimension_semantics<core_parallel>, #tpu.dimension_semantics<subcore_parallel>], iteration_bounds = array<i64: 2, 16>, scalar_prefetch = 0 : i64, scratch_operands = 6 : i64, tpu.core_type = #tpu.core_type<sc_vector_subcore>, window_params = [{transform_indices = #map}, {transform_indices = #map}, {transform_indices = #map}, {transform_indices = #map}, {transform_indices = #map1}]} {
    %mul3A = arith.constant 640 : i32
    %mul3A_0 = arith.muli %arg1, %mul3A : i32
    "tpu.region"() ({
      %run_scoped3A_65 = tpu.sem_alloc : memref<!tpu.dma_semaphore, #tpu.memory_space<semaphore_mem>>
      %dma_start3A_66 = arith.constant 0 : i32
      %dma_start3A_67 = tpu.memref_slice %arg10[%mul3A_0, %dma_start3A_66] : memref<10240x128xf32, #tpu.memory_space<vmem_shared>> -> memref<640x128xf32, #tpu.memory_space<vmem_shared>>
      tpu.enqueue_dma source(%arg5 : memref<640x128xf32, #tpu.memory_space<hbm>>) target(%dma_start3A_67 : memref<640x128xf32, #tpu.memory_space<vmem_shared>>) target_semaphore(%run_scoped3A_65 : memref<!tpu.dma_semaphore, #tpu.memory_space<semaphore_mem>>)
      %dma_wait3A = arith.constant 0 : i32
      %dma_wait3A_68 = tpu.memref_slice %arg10[%mul3A_0, %dma_wait3A] : memref<10240x128xf32, #tpu.memory_space<vmem_shared>> -> memref<640x128xf32, #tpu.memory_space<vmem_shared>>
      tpu.wait_dma2 semaphore(%run_scoped3A_65 : memref<!tpu.dma_semaphore, #tpu.memory_space<semaphore_mem>>) src(%arg5 : memref<640x128xf32, #tpu.memory_space<hbm>>) dst(%dma_wait3A_68 : memref<640x128xf32, #tpu.memory_space<vmem_shared>>)
      tpu.yield
    }) : () -> ()
    %barrier3A = arith.constant 0 : index
    tpu.barrier barrier_id(%barrier3A)
    %eq3A = arith.constant 0 : i32
    %eq3A_1 = arith.cmpi eq, %arg0, %eq3A : i32
    %jit3A = arith.constant 120 : i32
    %jit3A_2 = arith.constant 40 : i32
    %select_n3A = arith.select %eq3A_1, %jit3A, %jit3A_2 : i32
    %eq3A_3 = arith.constant 0 : i32
    %eq3A_4 = arith.cmpi eq, %arg0, %eq3A_3 : i32
    %mul3A_5 = arith.constant 120 : i32
    %mul3A_6 = arith.muli %arg1, %mul3A_5 : i32
    %mul3A_7 = arith.constant 40 : i32
    %mul3A_8 = arith.muli %arg1, %mul3A_7 : i32
    %add3A = arith.constant 1920 : i32
    %add3A_9 = arith.addi %add3A, %mul3A_8 : i32
    %select_n3A_10 = arith.select %eq3A_4, %mul3A_6, %add3A_9 : i32
    %run_scoped3A = arith.constant 0 : i32
    "tpu.region"() ({
      %run_scoped3A_65 = tpu.sem_alloc : memref<!tpu.dma_semaphore, #tpu.memory_space<semaphore_mem>>
      %dma_start3A_66 = arith.constant 0 : i32
      %dma_start3A_67 = arith.constant 0 : i32
      %dma_start3A_68 = tpu.memref_slice %arg7[%run_scoped3A, %dma_start3A_66, %dma_start3A_67] : memref<2x8x128xi32, #tpu.memory_space<vmem>> -> memref<1x8x128xi32, #tpu.memory_space<vmem>>
      %dma_start3A_69 = tpu.memref_squeeze %dma_start3A_68 : memref<1x8x128xi32, #tpu.memory_space<vmem>> -> memref<8x128xi32, #tpu.memory_space<vmem>>
      %dma_start3A_70 = arith.constant 0 : i32
      %dma_start3A_71 = tpu.memref_slice %arg3[%select_n3A_10, %dma_start3A_70] : memref<2560x128xi32, #tpu.memory_space<hbm>> -> memref<8x128xi32, #tpu.memory_space<hbm>>
      %dma_start3A_72 = arith.constant 0 : i32
      %dma_start3A_73 = arith.constant 0 : i32
      %dma_start3A_74 = tpu.memref_slice %arg7[%run_scoped3A, %dma_start3A_72, %dma_start3A_73] : memref<2x8x128xi32, #tpu.memory_space<vmem>> -> memref<1x8x128xi32, #tpu.memory_space<vmem>>
      %dma_start3A_75 = tpu.memref_squeeze %dma_start3A_74 : memref<1x8x128xi32, #tpu.memory_space<vmem>> -> memref<8x128xi32, #tpu.memory_space<vmem>>
      %dma_start3A_76 = arith.constant 0 : i32
      %dma_start3A_77 = tpu.memref_slice %arg3[%select_n3A_10, %dma_start3A_76] : memref<2560x128xi32, #tpu.memory_space<hbm>> -> memref<8x128xi32, #tpu.memory_space<hbm>>
      tpu.enqueue_dma source(%dma_start3A_77 : memref<8x128xi32, #tpu.memory_space<hbm>>) target(%dma_start3A_75 : memref<8x128xi32, #tpu.memory_space<vmem>>) target_semaphore(%run_scoped3A_65 : memref<!tpu.dma_semaphore, #tpu.memory_space<semaphore_mem>>)
      %dma_wait3A = arith.constant 0 : i32
      %dma_wait3A_78 = arith.constant 0 : i32
      %dma_wait3A_79 = tpu.memref_slice %arg7[%run_scoped3A, %dma_wait3A, %dma_wait3A_78] : memref<2x8x128xi32, #tpu.memory_space<vmem>> -> memref<1x8x128xi32, #tpu.memory_space<vmem>>
      %dma_wait3A_80 = tpu.memref_squeeze %dma_wait3A_79 : memref<1x8x128xi32, #tpu.memory_space<vmem>> -> memref<8x128xi32, #tpu.memory_space<vmem>>
      %dma_wait3A_81 = arith.constant 0 : i32
      %dma_wait3A_82 = tpu.memref_slice %arg3[%select_n3A_10, %dma_wait3A_81] : memref<2560x128xi32, #tpu.memory_space<hbm>> -> memref<8x128xi32, #tpu.memory_space<hbm>>
      %dma_wait3A_83 = arith.constant 0 : i32
      %dma_wait3A_84 = arith.constant 0 : i32
      %dma_wait3A_85 = tpu.memref_slice %arg7[%run_scoped3A, %dma_wait3A_83, %dma_wait3A_84] : memref<2x8x128xi32, #tpu.memory_space<vmem>> -> memref<1x8x128xi32, #tpu.memory_space<vmem>>
      %dma_wait3A_86 = tpu.memref_squeeze %dma_wait3A_85 : memref<1x8x128xi32, #tpu.memory_space<vmem>> -> memref<8x128xi32, #tpu.memory_space<vmem>>
      %dma_wait3A_87 = arith.constant 0 : i32
      %dma_wait3A_88 = tpu.memref_slice %arg3[%select_n3A_10, %dma_wait3A_87] : memref<2560x128xi32, #tpu.memory_space<hbm>> -> memref<8x128xi32, #tpu.memory_space<hbm>>
      tpu.wait_dma2 semaphore(%run_scoped3A_65 : memref<!tpu.dma_semaphore, #tpu.memory_space<semaphore_mem>>) src(%dma_wait3A_88 : memref<8x128xi32, #tpu.memory_space<hbm>>) dst(%dma_wait3A_86 : memref<8x128xi32, #tpu.memory_space<vmem>>)
      tpu.yield
    }) : () -> ()
    %run_scoped3A_11 = arith.constant 0 : i32
    "tpu.region"() ({
      %run_scoped3A_65 = tpu.sem_alloc : memref<!tpu.dma_semaphore, #tpu.memory_space<semaphore_mem>>
      %dma_start3A_66 = arith.constant 0 : i32
      %dma_start3A_67 = arith.constant 0 : i32
      %dma_start3A_68 = tpu.memref_slice %arg8[%run_scoped3A_11, %dma_start3A_66, %dma_start3A_67] : memref<2x8x128xi32, #tpu.memory_space<vmem>> -> memref<1x8x128xi32, #tpu.memory_space<vmem>>
      %dma_start3A_69 = tpu.memref_squeeze %dma_start3A_68 : memref<1x8x128xi32, #tpu.memory_space<vmem>> -> memref<8x128xi32, #tpu.memory_space<vmem>>
      %dma_start3A_70 = arith.constant 0 : i32
      %dma_start3A_71 = tpu.memref_slice %arg4[%select_n3A_10, %dma_start3A_70] : memref<2560x128xi32, #tpu.memory_space<hbm>> -> memref<8x128xi32, #tpu.memory_space<hbm>>
      %dma_start3A_72 = arith.constant 0 : i32
      %dma_start3A_73 = arith.constant 0 : i32
      %dma_start3A_74 = tpu.memref_slice %arg8[%run_scoped3A_11, %dma_start3A_72, %dma_start3A_73] : memref<2x8x128xi32, #tpu.memory_space<vmem>> -> memref<1x8x128xi32, #tpu.memory_space<vmem>>
      %dma_start3A_75 = tpu.memref_squeeze %dma_start3A_74 : memref<1x8x128xi32, #tpu.memory_space<vmem>> -> memref<8x128xi32, #tpu.memory_space<vmem>>
      %dma_start3A_76 = arith.constant 0 : i32
      %dma_start3A_77 = tpu.memref_slice %arg4[%select_n3A_10, %dma_start3A_76] : memref<2560x128xi32, #tpu.memory_space<hbm>> -> memref<8x128xi32, #tpu.memory_space<hbm>>
      tpu.enqueue_dma source(%dma_start3A_77 : memref<8x128xi32, #tpu.memory_space<hbm>>) target(%dma_start3A_75 : memref<8x128xi32, #tpu.memory_space<vmem>>) target_semaphore(%run_scoped3A_65 : memref<!tpu.dma_semaphore, #tpu.memory_space<semaphore_mem>>)
      %dma_wait3A = arith.constant 0 : i32
      %dma_wait3A_78 = arith.constant 0 : i32
      %dma_wait3A_79 = tpu.memref_slice %arg8[%run_scoped3A_11, %dma_wait3A, %dma_wait3A_78] : memref<2x8x128xi32, #tpu.memory_space<vmem>> -> memref<1x8x128xi32, #tpu.memory_space<vmem>>
      %dma_wait3A_80 = tpu.memref_squeeze %dma_wait3A_79 : memref<1x8x128xi32, #tpu.memory_space<vmem>> -> memref<8x128xi32, #tpu.memory_space<vmem>>
      %dma_wait3A_81 = arith.constant 0 : i32
      %dma_wait3A_82 = tpu.memref_slice %arg4[%select_n3A_10, %dma_wait3A_81] : memref<2560x128xi32, #tpu.memory_space<hbm>> -> memref<8x128xi32, #tpu.memory_space<hbm>>
      %dma_wait3A_83 = arith.constant 0 : i32
      %dma_wait3A_84 = arith.constant 0 : i32
      %dma_wait3A_85 = tpu.memref_slice %arg8[%run_scoped3A_11, %dma_wait3A_83, %dma_wait3A_84] : memref<2x8x128xi32, #tpu.memory_space<vmem>> -> memref<1x8x128xi32, #tpu.memory_space<vmem>>
      %dma_wait3A_86 = tpu.memref_squeeze %dma_wait3A_85 : memref<1x8x128xi32, #tpu.memory_space<vmem>> -> memref<8x128xi32, #tpu.memory_space<vmem>>
      %dma_wait3A_87 = arith.constant 0 : i32
      %dma_wait3A_88 = tpu.memref_slice %arg4[%select_n3A_10, %dma_wait3A_87] : memref<2560x128xi32, #tpu.memory_space<hbm>> -> memref<8x128xi32, #tpu.memory_space<hbm>>
      tpu.wait_dma2 semaphore(%run_scoped3A_65 : memref<!tpu.dma_semaphore, #tpu.memory_space<semaphore_mem>>) src(%dma_wait3A_88 : memref<8x128xi32, #tpu.memory_space<hbm>>) dst(%dma_wait3A_86 : memref<8x128xi32, #tpu.memory_space<vmem>>)
      tpu.yield
    }) : () -> ()
    %dma_start3A = arith.constant 0 : i32
    %dma_start3A_12 = arith.constant 0 : i32
    %dma_start3A_13 = arith.constant 0 : i32
    %dma_start3A_14 = arith.constant 0 : i32
    %dma_start3A_15 = arith.constant 0 : i32
    %dma_start3A_16 = tpu.memref_slice %arg9[%dma_start3A_13, %dma_start3A_14, %dma_start3A_15] : memref<2x128x128xf32, #tpu.memory_space<vmem>> -> memref<1x128x128xf32, #tpu.memory_space<vmem>>
    %dma_start3A_17 = tpu.memref_squeeze %dma_start3A_16 : memref<1x128x128xf32, #tpu.memory_space<vmem>> -> memref<128x128xf32, #tpu.memory_space<vmem>>
    %dma_start3A_18 = arith.constant 0 : i32
    %dma_start3A_19 = tpu.memref_slice %arg7[%dma_start3A, %dma_start3A_12, %dma_start3A_18] : memref<2x8x128xi32, #tpu.memory_space<vmem>> -> memref<1x1x128xi32, #tpu.memory_space<vmem>>
    %dma_start3A_20 = tpu.memref_squeeze %dma_start3A_19 : memref<1x1x128xi32, #tpu.memory_space<vmem>> -> memref<128xi32, #tpu.memory_space<vmem>>
    %dma_start3A_21 = arith.constant 0 : i32
    %dma_start3A_22 = arith.constant 0 : i32
    %dma_start3A_23 = tpu.memref_slice %arg2[%dma_start3A_21, %dma_start3A_22] : memref<10240x128xf32, #tpu.memory_space<hbm>> -> memref<10240x128xf32, #tpu.memory_space<hbm>>
    tpu.enqueue_indirect_dma source(%dma_start3A_23 : memref<10240x128xf32, #tpu.memory_space<hbm>>) target(%dma_start3A_17 : memref<128x128xf32, #tpu.memory_space<vmem>>) offsets(%dma_start3A_20 : memref<128xi32, #tpu.memory_space<vmem>>) semaphore(%arg11 : memref<!tpu.dma_semaphore, #tpu.memory_space<semaphore_mem>>)
    %dma_start3A_24 = arith.constant 0 : i32
    %dma_start3A_25 = arith.constant 1 : i32
    %dma_start3A_26 = arith.constant 1 : i32
    %dma_start3A_27 = arith.constant 0 : i32
    %dma_start3A_28 = arith.constant 0 : i32
    %dma_start3A_29 = tpu.memref_slice %arg9[%dma_start3A_26, %dma_start3A_27, %dma_start3A_28] : memref<2x128x128xf32, #tpu.memory_space<vmem>> -> memref<1x128x128xf32, #tpu.memory_space<vmem>>
    %dma_start3A_30 = tpu.memref_squeeze %dma_start3A_29 : memref<1x128x128xf32, #tpu.memory_space<vmem>> -> memref<128x128xf32, #tpu.memory_space<vmem>>
    %dma_start3A_31 = arith.constant 0 : i32
    %dma_start3A_32 = tpu.memref_slice %arg7[%dma_start3A_24, %dma_start3A_25, %dma_start3A_31] : memref<2x8x128xi32, #tpu.memory_space<vmem>> -> memref<1x1x128xi32, #tpu.memory_space<vmem>>
    %dma_start3A_33 = tpu.memref_squeeze %dma_start3A_32 : memref<1x1x128xi32, #tpu.memory_space<vmem>> -> memref<128xi32, #tpu.memory_space<vmem>>
    %dma_start3A_34 = arith.constant 0 : i32
    %dma_start3A_35 = arith.constant 0 : i32
    %dma_start3A_36 = tpu.memref_slice %arg2[%dma_start3A_34, %dma_start3A_35] : memref<10240x128xf32, #tpu.memory_space<hbm>> -> memref<10240x128xf32, #tpu.memory_space<hbm>>
    tpu.enqueue_indirect_dma source(%dma_start3A_36 : memref<10240x128xf32, #tpu.memory_space<hbm>>) target(%dma_start3A_30 : memref<128x128xf32, #tpu.memory_space<vmem>>) offsets(%dma_start3A_33 : memref<128xi32, #tpu.memory_space<vmem>>) semaphore(%arg12 : memref<!tpu.dma_semaphore, #tpu.memory_space<semaphore_mem>>)
    %jit3A_37 = arith.constant 2 : i32
    %div3A = arith.divsi %select_n3A, %jit3A_37 : i32
    %sign3A = arith.constant 0 : i32
    %sign3A_38 = arith.cmpi sgt, %select_n3A, %sign3A : i32
    %sign3A_39 = arith.extui %sign3A_38 : i1 to i32
    %sign3A_40 = arith.constant 0 : i32
    %sign3A_41 = arith.cmpi slt, %select_n3A, %sign3A_40 : i32
    %sign3A_42 = arith.extui %sign3A_41 : i1 to i32
    %sign3A_43 = arith.subi %sign3A_39, %sign3A_42 : i32
    %sign3A_44 = arith.constant 0 : i32
    %sign3A_45 = arith.cmpi sgt, %jit3A_37, %sign3A_44 : i32
    %sign3A_46 = arith.extui %sign3A_45 : i1 to i32
    %sign3A_47 = arith.constant 0 : i32
    %sign3A_48 = arith.cmpi slt, %jit3A_37, %sign3A_47 : i32
    %sign3A_49 = arith.extui %sign3A_48 : i1 to i32
    %sign3A_50 = arith.subi %sign3A_46, %sign3A_49 : i32
    %ne3A = arith.cmpi ne, %sign3A_43, %sign3A_50 : i32
    %rem3A = arith.remsi %select_n3A, %jit3A_37 : i32
    %ne3A_51 = arith.constant 0 : i32
    %ne3A_52 = arith.cmpi ne, %rem3A, %ne3A_51 : i32
    %and3A = arith.andi %ne3A, %ne3A_52 : i1
    %sub3A = arith.constant 1 : i32
    %sub3A_53 = arith.subi %div3A, %sub3A : i32
    %select_n3A_54 = arith.select %and3A, %sub3A_53, %div3A : i32
    %while3A = arith.constant 0 : i32
    %while3A_55 = arith.constant 0 : i32
    %while3A_56 = arith.subi %select_n3A_54, %while3A_55 : i32
    %while3A_57 = arith.addi %while3A_55, %while3A_56 : i32
    %while3A_58 = arith.constant 1 : i32
    %while3A_59 = arith.divsi %while3A_56, %while3A_58 : i32
    %while3A_60 = arith.muli %while3A_59, %while3A_58 : i32
    %while3A_61 = arith.addi %while3A_55, %while3A_60 : i32
    %while3A_62 = arith.constant 1 : i32
    scf.for %while3A_65 = %while3A_55 to %while3A_61 step %while3A_62  : i32 {
      %mul3A_66 = arith.constant 2 : i32
      %mul3A_67 = arith.muli %mul3A_66, %while3A_65 : i32
      %add3A_68 = arith.constant 0 : i32
      %add3A_69 = arith.addi %mul3A_67, %add3A_68 : i32
      %dma_wait3A = arith.constant 0 : i32
      %dma_wait3A_70 = arith.constant 0 : i32
      %dma_wait3A_71 = arith.constant 0 : i32
      %dma_wait3A_72 = arith.constant 0 : i32
      %dma_wait3A_73 = arith.constant 0 : i32
      %dma_wait3A_74 = tpu.memref_slice %arg9[%dma_wait3A_71, %dma_wait3A_72, %dma_wait3A_73] : memref<2x128x128xf32, #tpu.memory_space<vmem>> -> memref<1x128x128xf32, #tpu.memory_space<vmem>>
      %dma_wait3A_75 = tpu.memref_squeeze %dma_wait3A_74 : memref<1x128x128xf32, #tpu.memory_space<vmem>> -> memref<128x128xf32, #tpu.memory_space<vmem>>
      %dma_wait3A_76 = arith.constant 0 : i32
      %dma_wait3A_77 = tpu.memref_slice %arg7[%dma_wait3A, %dma_wait3A_70, %dma_wait3A_76] : memref<2x8x128xi32, #tpu.memory_space<vmem>> -> memref<1x1x128xi32, #tpu.memory_space<vmem>>
      %dma_wait3A_78 = tpu.memref_squeeze %dma_wait3A_77 : memref<1x1x128xi32, #tpu.memory_space<vmem>> -> memref<128xi32, #tpu.memory_space<vmem>>
      %dma_wait3A_79 = arith.constant 0 : i32
      %dma_wait3A_80 = arith.constant 0 : i32
      %dma_wait3A_81 = tpu.memref_slice %arg2[%dma_wait3A_79, %dma_wait3A_80] : memref<10240x128xf32, #tpu.memory_space<hbm>> -> memref<10240x128xf32, #tpu.memory_space<hbm>>
      tpu.wait_indirect_dma semaphore(%arg11 : memref<!tpu.dma_semaphore, #tpu.memory_space<semaphore_mem>>) src(%dma_wait3A_81 : memref<10240x128xf32, #tpu.memory_space<hbm>>) dst(%dma_wait3A_75 : memref<128x128xf32, #tpu.memory_space<vmem>>)
      %jit3A_82 = arith.constant 8 : i32
      %div3A_83 = arith.divsi %add3A_69, %jit3A_82 : i32
      %sign3A_84 = arith.constant 0 : i32
      %sign3A_85 = arith.cmpi sgt, %add3A_69, %sign3A_84 : i32
      %sign3A_86 = arith.extui %sign3A_85 : i1 to i32
      %sign3A_87 = arith.constant 0 : i32
      %sign3A_88 = arith.cmpi slt, %add3A_69, %sign3A_87 : i32
      %sign3A_89 = arith.extui %sign3A_88 : i1 to i32
      %sign3A_90 = arith.subi %sign3A_86, %sign3A_89 : i32
      %sign3A_91 = arith.constant 0 : i32
      %sign3A_92 = arith.cmpi sgt, %jit3A_82, %sign3A_91 : i32
      %sign3A_93 = arith.extui %sign3A_92 : i1 to i32
      %sign3A_94 = arith.constant 0 : i32
      %sign3A_95 = arith.cmpi slt, %jit3A_82, %sign3A_94 : i32
      %sign3A_96 = arith.extui %sign3A_95 : i1 to i32
      %sign3A_97 = arith.subi %sign3A_93, %sign3A_96 : i32
      %ne3A_98 = arith.cmpi ne, %sign3A_90, %sign3A_97 : i32
      %rem3A_99 = arith.remsi %add3A_69, %jit3A_82 : i32
      %ne3A_100 = arith.constant 0 : i32
      %ne3A_101 = arith.cmpi ne, %rem3A_99, %ne3A_100 : i32
      %and3A_102 = arith.andi %ne3A_98, %ne3A_101 : i1
      %sub3A_103 = arith.constant 1 : i32
      %sub3A_104 = arith.subi %div3A_83, %sub3A_103 : i32
      %select_n3A_105 = arith.select %and3A_102, %sub3A_104, %div3A_83 : i32
      %jit3A_106 = arith.constant 2 : i32
      %eq3A_107 = arith.constant 0 : i32
      %eq3A_108 = arith.cmpi eq, %jit3A_106, %eq3A_107 : i32
      %jit3A_109 = arith.constant 1 : i32
      %select_n3A_110 = arith.select %eq3A_108, %jit3A_109, %jit3A_106 : i32
      %rem3A_111 = arith.remsi %select_n3A_105, %select_n3A_110 : i32
      %ne3A_112 = arith.constant 0 : i32
      %ne3A_113 = arith.cmpi ne, %rem3A_111, %ne3A_112 : i32
      %lt3A = arith.constant 0 : i32
      %lt3A_114 = arith.cmpi slt, %rem3A_111, %lt3A : i32
      %lt3A_115 = arith.constant 0 : i32
      %lt3A_116 = arith.cmpi slt, %select_n3A_110, %lt3A_115 : i32
      %ne3A_117 = arith.xori %lt3A_114, %lt3A_116 : i1
      %and3A_118 = arith.andi %ne3A_117, %ne3A_113 : i1
      %add3A_119 = arith.addi %rem3A_111, %select_n3A_110 : i32
      %select_n3A_120 = arith.select %and3A_118, %add3A_119, %rem3A_111 : i32
      %jit3A_121 = arith.constant 8 : i32
      %eq3A_122 = arith.constant 0 : i32
      %eq3A_123 = arith.cmpi eq, %jit3A_121, %eq3A_122 : i32
      %jit3A_124 = arith.constant 1 : i32
      %select_n3A_125 = arith.select %eq3A_123, %jit3A_124, %jit3A_121 : i32
      %rem3A_126 = arith.remsi %add3A_69, %select_n3A_125 : i32
      %ne3A_127 = arith.constant 0 : i32
      %ne3A_128 = arith.cmpi ne, %rem3A_126, %ne3A_127 : i32
      %lt3A_129 = arith.constant 0 : i32
      %lt3A_130 = arith.cmpi slt, %rem3A_126, %lt3A_129 : i32
      %lt3A_131 = arith.constant 0 : i32
      %lt3A_132 = arith.cmpi slt, %select_n3A_125, %lt3A_131 : i32
      %ne3A_133 = arith.xori %lt3A_130, %lt3A_132 : i1
      %and3A_134 = arith.andi %ne3A_133, %ne3A_128 : i1
      %add3A_135 = arith.addi %rem3A_126, %select_n3A_125 : i32
      %select_n3A_136 = arith.select %and3A_134, %add3A_135, %rem3A_126 : i32
      %run_scoped3A_137 = arith.constant 0 : i32
      "tpu.region"() ({
        %run_scoped3A_245 = tpu.sem_alloc : memref<!tpu.dma_semaphore, #tpu.memory_space<semaphore_mem>>
        %dma_start3A_246 = arith.constant 0 : i32
        %dma_start3A_247 = arith.constant 0 : i32
        %dma_start3A_248 = tpu.memref_slice %arg9[%run_scoped3A_137, %dma_start3A_246, %dma_start3A_247] : memref<2x128x128xf32, #tpu.memory_space<vmem>> -> memref<1x128x128xf32, #tpu.memory_space<vmem>>
        %dma_start3A_249 = tpu.memref_squeeze %dma_start3A_248 : memref<1x128x128xf32, #tpu.memory_space<vmem>> -> memref<128x128xf32, #tpu.memory_space<vmem>>
        %dma_start3A_250 = arith.constant 0 : i32
        %dma_start3A_251 = tpu.memref_slice %arg8[%select_n3A_120, %select_n3A_136, %dma_start3A_250] : memref<2x8x128xi32, #tpu.memory_space<vmem>> -> memref<1x1x128xi32, #tpu.memory_space<vmem>>
        %dma_start3A_252 = tpu.memref_squeeze %dma_start3A_251 : memref<1x1x128xi32, #tpu.memory_space<vmem>> -> memref<128xi32, #tpu.memory_space<vmem>>
        %dma_start3A_253 = arith.constant 0 : i32
        %dma_start3A_254 = arith.constant 0 : i32
        %dma_start3A_255 = tpu.memref_slice %arg10[%dma_start3A_253, %dma_start3A_254] : memref<10240x128xf32, #tpu.memory_space<vmem_shared>> -> memref<10240x128xf32, #tpu.memory_space<vmem_shared>>
        tpu.enqueue_indirect_dma source(%dma_start3A_249 : memref<128x128xf32, #tpu.memory_space<vmem>>) target(%dma_start3A_255 : memref<10240x128xf32, #tpu.memory_space<vmem_shared>>) offsets(%dma_start3A_252 : memref<128xi32, #tpu.memory_space<vmem>>) semaphore(%run_scoped3A_245 : memref<!tpu.dma_semaphore, #tpu.memory_space<semaphore_mem>>) {add = true}
        %dma_wait3A_256 = arith.constant 0 : i32
        %dma_wait3A_257 = arith.constant 0 : i32
        %dma_wait3A_258 = tpu.memref_slice %arg9[%run_scoped3A_137, %dma_wait3A_256, %dma_wait3A_257] : memref<2x128x128xf32, #tpu.memory_space<vmem>> -> memref<1x128x128xf32, #tpu.memory_space<vmem>>
        %dma_wait3A_259 = tpu.memref_squeeze %dma_wait3A_258 : memref<1x128x128xf32, #tpu.memory_space<vmem>> -> memref<128x128xf32, #tpu.memory_space<vmem>>
        %dma_wait3A_260 = arith.constant 0 : i32
        %dma_wait3A_261 = tpu.memref_slice %arg8[%select_n3A_120, %select_n3A_136, %dma_wait3A_260] : memref<2x8x128xi32, #tpu.memory_space<vmem>> -> memref<1x1x128xi32, #tpu.memory_space<vmem>>
        %dma_wait3A_262 = tpu.memref_squeeze %dma_wait3A_261 : memref<1x1x128xi32, #tpu.memory_space<vmem>> -> memref<128xi32, #tpu.memory_space<vmem>>
        %dma_wait3A_263 = arith.constant 0 : i32
        %dma_wait3A_264 = arith.constant 0 : i32
        %dma_wait3A_265 = tpu.memref_slice %arg10[%dma_wait3A_263, %dma_wait3A_264] : memref<10240x128xf32, #tpu.memory_space<vmem_shared>> -> memref<10240x128xf32, #tpu.memory_space<vmem_shared>>
        tpu.wait_indirect_dma semaphore(%run_scoped3A_245 : memref<!tpu.dma_semaphore, #tpu.memory_space<semaphore_mem>>) src(%dma_wait3A_259 : memref<128x128xf32, #tpu.memory_space<vmem>>) dst(%dma_wait3A_265 : memref<10240x128xf32, #tpu.memory_space<vmem_shared>>)
        tpu.yield
      }) : () -> ()
      %add3A_138 = arith.constant 2 : i32
      %add3A_139 = arith.addi %add3A_69, %add3A_138 : i32
      %jit3A_140 = arith.constant 8 : i32
      %eq3A_141 = arith.constant 0 : i32
      %eq3A_142 = arith.cmpi eq, %jit3A_140, %eq3A_141 : i32
      %jit3A_143 = arith.constant 1 : i32
      %select_n3A_144 = arith.select %eq3A_142, %jit3A_143, %jit3A_140 : i32
      %rem3A_145 = arith.remsi %add3A_139, %select_n3A_144 : i32
      %ne3A_146 = arith.constant 0 : i32
      %ne3A_147 = arith.cmpi ne, %rem3A_145, %ne3A_146 : i32
      %lt3A_148 = arith.constant 0 : i32
      %lt3A_149 = arith.cmpi slt, %rem3A_145, %lt3A_148 : i32
      %lt3A_150 = arith.constant 0 : i32
      %lt3A_151 = arith.cmpi slt, %select_n3A_144, %lt3A_150 : i32
      %ne3A_152 = arith.xori %lt3A_149, %lt3A_151 : i1
      %and3A_153 = arith.andi %ne3A_152, %ne3A_147 : i1
      %add3A_154 = arith.addi %rem3A_145, %select_n3A_144 : i32
      %select_n3A_155 = arith.select %and3A_153, %add3A_154, %rem3A_145 : i32
      %eq3A_156 = arith.constant 0 : i32
      %eq3A_157 = arith.cmpi eq, %select_n3A_155, %eq3A_156 : i32
      %lt3A_158 = arith.cmpi slt, %add3A_139, %select_n3A : i32
      %and3A_159 = arith.andi %eq3A_157, %lt3A_158 : i1
      %convert_element_type3A = arith.extui %and3A_159 : i1 to i32
      %cond3A = arith.constant 0 : i32
      %cond3A_160 = arith.cmpi ne, %convert_element_type3A, %cond3A : i32
      scf.if %cond3A_160 {
        %jit3A_245 = arith.constant 8 : i32
        %div3A_246 = arith.divsi %add3A_139, %jit3A_245 : i32
        %sign3A_247 = arith.constant 0 : i32
        %sign3A_248 = arith.cmpi sgt, %add3A_139, %sign3A_247 : i32
        %sign3A_249 = arith.extui %sign3A_248 : i1 to i32
        %sign3A_250 = arith.constant 0 : i32
        %sign3A_251 = arith.cmpi slt, %add3A_139, %sign3A_250 : i32
        %sign3A_252 = arith.extui %sign3A_251 : i1 to i32
        %sign3A_253 = arith.subi %sign3A_249, %sign3A_252 : i32
        %sign3A_254 = arith.constant 0 : i32
        %sign3A_255 = arith.cmpi sgt, %jit3A_245, %sign3A_254 : i32
        %sign3A_256 = arith.extui %sign3A_255 : i1 to i32
        %sign3A_257 = arith.constant 0 : i32
        %sign3A_258 = arith.cmpi slt, %jit3A_245, %sign3A_257 : i32
        %sign3A_259 = arith.extui %sign3A_258 : i1 to i32
        %sign3A_260 = arith.subi %sign3A_256, %sign3A_259 : i32
        %ne3A_261 = arith.cmpi ne, %sign3A_253, %sign3A_260 : i32
        %rem3A_262 = arith.remsi %add3A_139, %jit3A_245 : i32
        %ne3A_263 = arith.constant 0 : i32
        %ne3A_264 = arith.cmpi ne, %rem3A_262, %ne3A_263 : i32
        %and3A_265 = arith.andi %ne3A_261, %ne3A_264 : i1
        %sub3A_266 = arith.constant 1 : i32
        %sub3A_267 = arith.subi %div3A_246, %sub3A_266 : i32
        %select_n3A_268 = arith.select %and3A_265, %sub3A_267, %div3A_246 : i32
        %mul3A_269 = arith.constant 8 : i32
        %mul3A_270 = arith.muli %select_n3A_268, %mul3A_269 : i32
        %add3A_271 = arith.addi %select_n3A_10, %mul3A_270 : i32
        %jit3A_272 = arith.constant 2 : i32
        %eq3A_273 = arith.constant 0 : i32
        %eq3A_274 = arith.cmpi eq, %jit3A_272, %eq3A_273 : i32
        %jit3A_275 = arith.constant 1 : i32
        %select_n3A_276 = arith.select %eq3A_274, %jit3A_275, %jit3A_272 : i32
        %rem3A_277 = arith.remsi %select_n3A_268, %select_n3A_276 : i32
        %ne3A_278 = arith.constant 0 : i32
        %ne3A_279 = arith.cmpi ne, %rem3A_277, %ne3A_278 : i32
        %lt3A_280 = arith.constant 0 : i32
        %lt3A_281 = arith.cmpi slt, %rem3A_277, %lt3A_280 : i32
        %lt3A_282 = arith.constant 0 : i32
        %lt3A_283 = arith.cmpi slt, %select_n3A_276, %lt3A_282 : i32
        %ne3A_284 = arith.xori %lt3A_281, %lt3A_283 : i1
        %and3A_285 = arith.andi %ne3A_284, %ne3A_279 : i1
        %add3A_286 = arith.addi %rem3A_277, %select_n3A_276 : i32
        %select_n3A_287 = arith.select %and3A_285, %add3A_286, %rem3A_277 : i32
        "tpu.region"() ({
          %run_scoped3A_307 = tpu.sem_alloc : memref<!tpu.dma_semaphore, #tpu.memory_space<semaphore_mem>>
          %dma_start3A_308 = arith.constant 0 : i32
          %dma_start3A_309 = arith.constant 0 : i32
          %dma_start3A_310 = tpu.memref_slice %arg7[%select_n3A_287, %dma_start3A_308, %dma_start3A_309] : memref<2x8x128xi32, #tpu.memory_space<vmem>> -> memref<1x8x128xi32, #tpu.memory_space<vmem>>
          %dma_start3A_311 = tpu.memref_squeeze %dma_start3A_310 : memref<1x8x128xi32, #tpu.memory_space<vmem>> -> memref<8x128xi32, #tpu.memory_space<vmem>>
          %dma_start3A_312 = arith.constant 0 : i32
          %dma_start3A_313 = tpu.memref_slice %arg3[%add3A_271, %dma_start3A_312] : memref<2560x128xi32, #tpu.memory_space<hbm>> -> memref<8x128xi32, #tpu.memory_space<hbm>>
          %dma_start3A_314 = arith.constant 0 : i32
          %dma_start3A_315 = arith.constant 0 : i32
          %dma_start3A_316 = tpu.memref_slice %arg7[%select_n3A_287, %dma_start3A_314, %dma_start3A_315] : memref<2x8x128xi32, #tpu.memory_space<vmem>> -> memref<1x8x128xi32, #tpu.memory_space<vmem>>
          %dma_start3A_317 = tpu.memref_squeeze %dma_start3A_316 : memref<1x8x128xi32, #tpu.memory_space<vmem>> -> memref<8x128xi32, #tpu.memory_space<vmem>>
          %dma_start3A_318 = arith.constant 0 : i32
          %dma_start3A_319 = tpu.memref_slice %arg3[%add3A_271, %dma_start3A_318] : memref<2560x128xi32, #tpu.memory_space<hbm>> -> memref<8x128xi32, #tpu.memory_space<hbm>>
          tpu.enqueue_dma source(%dma_start3A_319 : memref<8x128xi32, #tpu.memory_space<hbm>>) target(%dma_start3A_317 : memref<8x128xi32, #tpu.memory_space<vmem>>) target_semaphore(%run_scoped3A_307 : memref<!tpu.dma_semaphore, #tpu.memory_space<semaphore_mem>>)
          %dma_wait3A_320 = arith.constant 0 : i32
          %dma_wait3A_321 = arith.constant 0 : i32
          %dma_wait3A_322 = tpu.memref_slice %arg7[%select_n3A_287, %dma_wait3A_320, %dma_wait3A_321] : memref<2x8x128xi32, #tpu.memory_space<vmem>> -> memref<1x8x128xi32, #tpu.memory_space<vmem>>
          %dma_wait3A_323 = tpu.memref_squeeze %dma_wait3A_322 : memref<1x8x128xi32, #tpu.memory_space<vmem>> -> memref<8x128xi32, #tpu.memory_space<vmem>>
          %dma_wait3A_324 = arith.constant 0 : i32
          %dma_wait3A_325 = tpu.memref_slice %arg3[%add3A_271, %dma_wait3A_324] : memref<2560x128xi32, #tpu.memory_space<hbm>> -> memref<8x128xi32, #tpu.memory_space<hbm>>
          %dma_wait3A_326 = arith.constant 0 : i32
          %dma_wait3A_327 = arith.constant 0 : i32
          %dma_wait3A_328 = tpu.memref_slice %arg7[%select_n3A_287, %dma_wait3A_326, %dma_wait3A_327] : memref<2x8x128xi32, #tpu.memory_space<vmem>> -> memref<1x8x128xi32, #tpu.memory_space<vmem>>
          %dma_wait3A_329 = tpu.memref_squeeze %dma_wait3A_328 : memref<1x8x128xi32, #tpu.memory_space<vmem>> -> memref<8x128xi32, #tpu.memory_space<vmem>>
          %dma_wait3A_330 = arith.constant 0 : i32
          %dma_wait3A_331 = tpu.memref_slice %arg3[%add3A_271, %dma_wait3A_330] : memref<2560x128xi32, #tpu.memory_space<hbm>> -> memref<8x128xi32, #tpu.memory_space<hbm>>
          tpu.wait_dma2 semaphore(%run_scoped3A_307 : memref<!tpu.dma_semaphore, #tpu.memory_space<semaphore_mem>>) src(%dma_wait3A_331 : memref<8x128xi32, #tpu.memory_space<hbm>>) dst(%dma_wait3A_329 : memref<8x128xi32, #tpu.memory_space<vmem>>)
          tpu.yield
        }) : () -> ()
        %mul3A_288 = arith.constant 8 : i32
        %mul3A_289 = arith.muli %select_n3A_268, %mul3A_288 : i32
        %add3A_290 = arith.addi %select_n3A_10, %mul3A_289 : i32
        %jit3A_291 = arith.constant 2 : i32
        %eq3A_292 = arith.constant 0 : i32
        %eq3A_293 = arith.cmpi eq, %jit3A_291, %eq3A_292 : i32
        %jit3A_294 = arith.constant 1 : i32
        %select_n3A_295 = arith.select %eq3A_293, %jit3A_294, %jit3A_291 : i32
        %rem3A_296 = arith.remsi %select_n3A_268, %select_n3A_295 : i32
        %ne3A_297 = arith.constant 0 : i32
        %ne3A_298 = arith.cmpi ne, %rem3A_296, %ne3A_297 : i32
        %lt3A_299 = arith.constant 0 : i32
        %lt3A_300 = arith.cmpi slt, %rem3A_296, %lt3A_299 : i32
        %lt3A_301 = arith.constant 0 : i32
        %lt3A_302 = arith.cmpi slt, %select_n3A_295, %lt3A_301 : i32
        %ne3A_303 = arith.xori %lt3A_300, %lt3A_302 : i1
        %and3A_304 = arith.andi %ne3A_303, %ne3A_298 : i1
        %add3A_305 = arith.addi %rem3A_296, %select_n3A_295 : i32
        %select_n3A_306 = arith.select %and3A_304, %add3A_305, %rem3A_296 : i32
        "tpu.region"() ({
          %run_scoped3A_307 = tpu.sem_alloc : memref<!tpu.dma_semaphore, #tpu.memory_space<semaphore_mem>>
          %dma_start3A_308 = arith.constant 0 : i32
          %dma_start3A_309 = arith.constant 0 : i32
          %dma_start3A_310 = tpu.memref_slice %arg8[%select_n3A_306, %dma_start3A_308, %dma_start3A_309] : memref<2x8x128xi32, #tpu.memory_space<vmem>> -> memref<1x8x128xi32, #tpu.memory_space<vmem>>
          %dma_start3A_311 = tpu.memref_squeeze %dma_start3A_310 : memref<1x8x128xi32, #tpu.memory_space<vmem>> -> memref<8x128xi32, #tpu.memory_space<vmem>>
          %dma_start3A_312 = arith.constant 0 : i32
          %dma_start3A_313 = tpu.memref_slice %arg4[%add3A_290, %dma_start3A_312] : memref<2560x128xi32, #tpu.memory_space<hbm>> -> memref<8x128xi32, #tpu.memory_space<hbm>>
          %dma_start3A_314 = arith.constant 0 : i32
          %dma_start3A_315 = arith.constant 0 : i32
          %dma_start3A_316 = tpu.memref_slice %arg8[%select_n3A_306, %dma_start3A_314, %dma_start3A_315] : memref<2x8x128xi32, #tpu.memory_space<vmem>> -> memref<1x8x128xi32, #tpu.memory_space<vmem>>
          %dma_start3A_317 = tpu.memref_squeeze %dma_start3A_316 : memref<1x8x128xi32, #tpu.memory_space<vmem>> -> memref<8x128xi32, #tpu.memory_space<vmem>>
          %dma_start3A_318 = arith.constant 0 : i32
          %dma_start3A_319 = tpu.memref_slice %arg4[%add3A_290, %dma_start3A_318] : memref<2560x128xi32, #tpu.memory_space<hbm>> -> memref<8x128xi32, #tpu.memory_space<hbm>>
          tpu.enqueue_dma source(%dma_start3A_319 : memref<8x128xi32, #tpu.memory_space<hbm>>) target(%dma_start3A_317 : memref<8x128xi32, #tpu.memory_space<vmem>>) target_semaphore(%run_scoped3A_307 : memref<!tpu.dma_semaphore, #tpu.memory_space<semaphore_mem>>)
          %dma_wait3A_320 = arith.constant 0 : i32
          %dma_wait3A_321 = arith.constant 0 : i32
          %dma_wait3A_322 = tpu.memref_slice %arg8[%select_n3A_306, %dma_wait3A_320, %dma_wait3A_321] : memref<2x8x128xi32, #tpu.memory_space<vmem>> -> memref<1x8x128xi32, #tpu.memory_space<vmem>>
          %dma_wait3A_323 = tpu.memref_squeeze %dma_wait3A_322 : memref<1x8x128xi32, #tpu.memory_space<vmem>> -> memref<8x128xi32, #tpu.memory_space<vmem>>
          %dma_wait3A_324 = arith.constant 0 : i32
          %dma_wait3A_325 = tpu.memref_slice %arg4[%add3A_290, %dma_wait3A_324] : memref<2560x128xi32, #tpu.memory_space<hbm>> -> memref<8x128xi32, #tpu.memory_space<hbm>>
          %dma_wait3A_326 = arith.constant 0 : i32
          %dma_wait3A_327 = arith.constant 0 : i32
          %dma_wait3A_328 = tpu.memref_slice %arg8[%select_n3A_306, %dma_wait3A_326, %dma_wait3A_327] : memref<2x8x128xi32, #tpu.memory_space<vmem>> -> memref<1x8x128xi32, #tpu.memory_space<vmem>>
          %dma_wait3A_329 = tpu.memref_squeeze %dma_wait3A_328 : memref<1x8x128xi32, #tpu.memory_space<vmem>> -> memref<8x128xi32, #tpu.memory_space<vmem>>
          %dma_wait3A_330 = arith.constant 0 : i32
          %dma_wait3A_331 = tpu.memref_slice %arg4[%add3A_290, %dma_wait3A_330] : memref<2560x128xi32, #tpu.memory_space<hbm>> -> memref<8x128xi32, #tpu.memory_space<hbm>>
          tpu.wait_dma2 semaphore(%run_scoped3A_307 : memref<!tpu.dma_semaphore, #tpu.memory_space<semaphore_mem>>) src(%dma_wait3A_331 : memref<8x128xi32, #tpu.memory_space<hbm>>) dst(%dma_wait3A_329 : memref<8x128xi32, #tpu.memory_space<vmem>>)
          tpu.yield
        }) : () -> ()
      } else {
      }
      %lt3A_161 = arith.cmpi slt, %add3A_139, %select_n3A : i32
      %convert_element_type3A_162 = arith.extui %lt3A_161 : i1 to i32
      %cond3A_163 = arith.constant 0 : i32
      %cond3A_164 = arith.cmpi ne, %convert_element_type3A_162, %cond3A_163 : i32
      scf.if %cond3A_164 {
        %jit3A_245 = arith.constant 8 : i32
        %div3A_246 = arith.divsi %add3A_139, %jit3A_245 : i32
        %sign3A_247 = arith.constant 0 : i32
        %sign3A_248 = arith.cmpi sgt, %add3A_139, %sign3A_247 : i32
        %sign3A_249 = arith.extui %sign3A_248 : i1 to i32
        %sign3A_250 = arith.constant 0 : i32
        %sign3A_251 = arith.cmpi slt, %add3A_139, %sign3A_250 : i32
        %sign3A_252 = arith.extui %sign3A_251 : i1 to i32
        %sign3A_253 = arith.subi %sign3A_249, %sign3A_252 : i32
        %sign3A_254 = arith.constant 0 : i32
        %sign3A_255 = arith.cmpi sgt, %jit3A_245, %sign3A_254 : i32
        %sign3A_256 = arith.extui %sign3A_255 : i1 to i32
        %sign3A_257 = arith.constant 0 : i32
        %sign3A_258 = arith.cmpi slt, %jit3A_245, %sign3A_257 : i32
        %sign3A_259 = arith.extui %sign3A_258 : i1 to i32
        %sign3A_260 = arith.subi %sign3A_256, %sign3A_259 : i32
        %ne3A_261 = arith.cmpi ne, %sign3A_253, %sign3A_260 : i32
        %rem3A_262 = arith.remsi %add3A_139, %jit3A_245 : i32
        %ne3A_263 = arith.constant 0 : i32
        %ne3A_264 = arith.cmpi ne, %rem3A_262, %ne3A_263 : i32
        %and3A_265 = arith.andi %ne3A_261, %ne3A_264 : i1
        %sub3A_266 = arith.constant 1 : i32
        %sub3A_267 = arith.subi %div3A_246, %sub3A_266 : i32
        %select_n3A_268 = arith.select %and3A_265, %sub3A_267, %div3A_246 : i32
        %jit3A_269 = arith.constant 2 : i32
        %eq3A_270 = arith.constant 0 : i32
        %eq3A_271 = arith.cmpi eq, %jit3A_269, %eq3A_270 : i32
        %jit3A_272 = arith.constant 1 : i32
        %select_n3A_273 = arith.select %eq3A_271, %jit3A_272, %jit3A_269 : i32
        %rem3A_274 = arith.remsi %select_n3A_268, %select_n3A_273 : i32
        %ne3A_275 = arith.constant 0 : i32
        %ne3A_276 = arith.cmpi ne, %rem3A_274, %ne3A_275 : i32
        %lt3A_277 = arith.constant 0 : i32
        %lt3A_278 = arith.cmpi slt, %rem3A_274, %lt3A_277 : i32
        %lt3A_279 = arith.constant 0 : i32
        %lt3A_280 = arith.cmpi slt, %select_n3A_273, %lt3A_279 : i32
        %ne3A_281 = arith.xori %lt3A_278, %lt3A_280 : i1
        %and3A_282 = arith.andi %ne3A_281, %ne3A_276 : i1
        %add3A_283 = arith.addi %rem3A_274, %select_n3A_273 : i32
        %select_n3A_284 = arith.select %and3A_282, %add3A_283, %rem3A_274 : i32
        %jit3A_285 = arith.constant 8 : i32
        %eq3A_286 = arith.constant 0 : i32
        %eq3A_287 = arith.cmpi eq, %jit3A_285, %eq3A_286 : i32
        %jit3A_288 = arith.constant 1 : i32
        %select_n3A_289 = arith.select %eq3A_287, %jit3A_288, %jit3A_285 : i32
        %rem3A_290 = arith.remsi %add3A_139, %select_n3A_289 : i32
        %ne3A_291 = arith.constant 0 : i32
        %ne3A_292 = arith.cmpi ne, %rem3A_290, %ne3A_291 : i32
        %lt3A_293 = arith.constant 0 : i32
        %lt3A_294 = arith.cmpi slt, %rem3A_290, %lt3A_293 : i32
        %lt3A_295 = arith.constant 0 : i32
        %lt3A_296 = arith.cmpi slt, %select_n3A_289, %lt3A_295 : i32
        %ne3A_297 = arith.xori %lt3A_294, %lt3A_296 : i1
        %and3A_298 = arith.andi %ne3A_297, %ne3A_292 : i1
        %add3A_299 = arith.addi %rem3A_290, %select_n3A_289 : i32
        %select_n3A_300 = arith.select %and3A_298, %add3A_299, %rem3A_290 : i32
        %dma_start3A_301 = arith.constant 0 : i32
        %dma_start3A_302 = arith.constant 0 : i32
        %dma_start3A_303 = arith.constant 0 : i32
        %dma_start3A_304 = tpu.memref_slice %arg9[%dma_start3A_301, %dma_start3A_302, %dma_start3A_303] : memref<2x128x128xf32, #tpu.memory_space<vmem>> -> memref<1x128x128xf32, #tpu.memory_space<vmem>>
        %dma_start3A_305 = tpu.memref_squeeze %dma_start3A_304 : memref<1x128x128xf32, #tpu.memory_space<vmem>> -> memref<128x128xf32, #tpu.memory_space<vmem>>
        %dma_start3A_306 = arith.constant 0 : i32
        %dma_start3A_307 = tpu.memref_slice %arg7[%select_n3A_284, %select_n3A_300, %dma_start3A_306] : memref<2x8x128xi32, #tpu.memory_space<vmem>> -> memref<1x1x128xi32, #tpu.memory_space<vmem>>
        %dma_start3A_308 = tpu.memref_squeeze %dma_start3A_307 : memref<1x1x128xi32, #tpu.memory_space<vmem>> -> memref<128xi32, #tpu.memory_space<vmem>>
        %dma_start3A_309 = arith.constant 0 : i32
        %dma_start3A_310 = arith.constant 0 : i32
        %dma_start3A_311 = tpu.memref_slice %arg2[%dma_start3A_309, %dma_start3A_310] : memref<10240x128xf32, #tpu.memory_space<hbm>> -> memref<10240x128xf32, #tpu.memory_space<hbm>>
        tpu.enqueue_indirect_dma source(%dma_start3A_311 : memref<10240x128xf32, #tpu.memory_space<hbm>>) target(%dma_start3A_305 : memref<128x128xf32, #tpu.memory_space<vmem>>) offsets(%dma_start3A_308 : memref<128xi32, #tpu.memory_space<vmem>>) semaphore(%arg11 : memref<!tpu.dma_semaphore, #tpu.memory_space<semaphore_mem>>)
      } else {
      }
      %mul3A_165 = arith.constant 2 : i32
      %mul3A_166 = arith.muli %mul3A_165, %while3A_65 : i32
      %add3A_167 = arith.constant 1 : i32
      %add3A_168 = arith.addi %mul3A_166, %add3A_167 : i32
      %dma_wait3A_169 = arith.constant 0 : i32
      %dma_wait3A_170 = arith.constant 0 : i32
      %dma_wait3A_171 = arith.constant 1 : i32
      %dma_wait3A_172 = arith.constant 0 : i32
      %dma_wait3A_173 = arith.constant 0 : i32
      %dma_wait3A_174 = tpu.memref_slice %arg9[%dma_wait3A_171, %dma_wait3A_172, %dma_wait3A_173] : memref<2x128x128xf32, #tpu.memory_space<vmem>> -> memref<1x128x128xf32, #tpu.memory_space<vmem>>
      %dma_wait3A_175 = tpu.memref_squeeze %dma_wait3A_174 : memref<1x128x128xf32, #tpu.memory_space<vmem>> -> memref<128x128xf32, #tpu.memory_space<vmem>>
      %dma_wait3A_176 = arith.constant 0 : i32
      %dma_wait3A_177 = tpu.memref_slice %arg7[%dma_wait3A_169, %dma_wait3A_170, %dma_wait3A_176] : memref<2x8x128xi32, #tpu.memory_space<vmem>> -> memref<1x1x128xi32, #tpu.memory_space<vmem>>
      %dma_wait3A_178 = tpu.memref_squeeze %dma_wait3A_177 : memref<1x1x128xi32, #tpu.memory_space<vmem>> -> memref<128xi32, #tpu.memory_space<vmem>>
      %dma_wait3A_179 = arith.constant 0 : i32
      %dma_wait3A_180 = arith.constant 0 : i32
      %dma_wait3A_181 = tpu.memref_slice %arg2[%dma_wait3A_179, %dma_wait3A_180] : memref<10240x128xf32, #tpu.memory_space<hbm>> -> memref<10240x128xf32, #tpu.memory_space<hbm>>
      tpu.wait_indirect_dma semaphore(%arg12 : memref<!tpu.dma_semaphore, #tpu.memory_space<semaphore_mem>>) src(%dma_wait3A_181 : memref<10240x128xf32, #tpu.memory_space<hbm>>) dst(%dma_wait3A_175 : memref<128x128xf32, #tpu.memory_space<vmem>>)
      %jit3A_182 = arith.constant 8 : i32
      %div3A_183 = arith.divsi %add3A_168, %jit3A_182 : i32
      %sign3A_184 = arith.constant 0 : i32
      %sign3A_185 = arith.cmpi sgt, %add3A_168, %sign3A_184 : i32
      %sign3A_186 = arith.extui %sign3A_185 : i1 to i32
      %sign3A_187 = arith.constant 0 : i32
      %sign3A_188 = arith.cmpi slt, %add3A_168, %sign3A_187 : i32
      %sign3A_189 = arith.extui %sign3A_188 : i1 to i32
      %sign3A_190 = arith.subi %sign3A_186, %sign3A_189 : i32
      %sign3A_191 = arith.constant 0 : i32
      %sign3A_192 = arith.cmpi sgt, %jit3A_182, %sign3A_191 : i32
      %sign3A_193 = arith.extui %sign3A_192 : i1 to i32
      %sign3A_194 = arith.constant 0 : i32
      %sign3A_195 = arith.cmpi slt, %jit3A_182, %sign3A_194 : i32
      %sign3A_196 = arith.extui %sign3A_195 : i1 to i32
      %sign3A_197 = arith.subi %sign3A_193, %sign3A_196 : i32
      %ne3A_198 = arith.cmpi ne, %sign3A_190, %sign3A_197 : i32
      %rem3A_199 = arith.remsi %add3A_168, %jit3A_182 : i32
      %ne3A_200 = arith.constant 0 : i32
      %ne3A_201 = arith.cmpi ne, %rem3A_199, %ne3A_200 : i32
      %and3A_202 = arith.andi %ne3A_198, %ne3A_201 : i1
      %sub3A_203 = arith.constant 1 : i32
      %sub3A_204 = arith.subi %div3A_183, %sub3A_203 : i32
      %select_n3A_205 = arith.select %and3A_202, %sub3A_204, %div3A_183 : i32
      %jit3A_206 = arith.constant 2 : i32
      %eq3A_207 = arith.constant 0 : i32
      %eq3A_208 = arith.cmpi eq, %jit3A_206, %eq3A_207 : i32
      %jit3A_209 = arith.constant 1 : i32
      %select_n3A_210 = arith.select %eq3A_208, %jit3A_209, %jit3A_206 : i32
      %rem3A_211 = arith.remsi %select_n3A_205, %select_n3A_210 : i32
      %ne3A_212 = arith.constant 0 : i32
      %ne3A_213 = arith.cmpi ne, %rem3A_211, %ne3A_212 : i32
      %lt3A_214 = arith.constant 0 : i32
      %lt3A_215 = arith.cmpi slt, %rem3A_211, %lt3A_214 : i32
      %lt3A_216 = arith.constant 0 : i32
      %lt3A_217 = arith.cmpi slt, %select_n3A_210, %lt3A_216 : i32
      %ne3A_218 = arith.xori %lt3A_215, %lt3A_217 : i1
      %and3A_219 = arith.andi %ne3A_218, %ne3A_213 : i1
      %add3A_220 = arith.addi %rem3A_211, %select_n3A_210 : i32
      %select_n3A_221 = arith.select %and3A_219, %add3A_220, %rem3A_211 : i32
      %jit3A_222 = arith.constant 8 : i32
      %eq3A_223 = arith.constant 0 : i32
      %eq3A_224 = arith.cmpi eq, %jit3A_222, %eq3A_223 : i32
      %jit3A_225 = arith.constant 1 : i32
      %select_n3A_226 = arith.select %eq3A_224, %jit3A_225, %jit3A_222 : i32
      %rem3A_227 = arith.remsi %add3A_168, %select_n3A_226 : i32
      %ne3A_228 = arith.constant 0 : i32
      %ne3A_229 = arith.cmpi ne, %rem3A_227, %ne3A_228 : i32
      %lt3A_230 = arith.constant 0 : i32
      %lt3A_231 = arith.cmpi slt, %rem3A_227, %lt3A_230 : i32
      %lt3A_232 = arith.constant 0 : i32
      %lt3A_233 = arith.cmpi slt, %select_n3A_226, %lt3A_232 : i32
      %ne3A_234 = arith.xori %lt3A_231, %lt3A_233 : i1
      %and3A_235 = arith.andi %ne3A_234, %ne3A_229 : i1
      %add3A_236 = arith.addi %rem3A_227, %select_n3A_226 : i32
      %select_n3A_237 = arith.select %and3A_235, %add3A_236, %rem3A_227 : i32
      %run_scoped3A_238 = arith.constant 1 : i32
      "tpu.region"() ({
        %run_scoped3A_245 = tpu.sem_alloc : memref<!tpu.dma_semaphore, #tpu.memory_space<semaphore_mem>>
        %dma_start3A_246 = arith.constant 0 : i32
        %dma_start3A_247 = arith.constant 0 : i32
        %dma_start3A_248 = tpu.memref_slice %arg9[%run_scoped3A_238, %dma_start3A_246, %dma_start3A_247] : memref<2x128x128xf32, #tpu.memory_space<vmem>> -> memref<1x128x128xf32, #tpu.memory_space<vmem>>
        %dma_start3A_249 = tpu.memref_squeeze %dma_start3A_248 : memref<1x128x128xf32, #tpu.memory_space<vmem>> -> memref<128x128xf32, #tpu.memory_space<vmem>>
        %dma_start3A_250 = arith.constant 0 : i32
        %dma_start3A_251 = tpu.memref_slice %arg8[%select_n3A_221, %select_n3A_237, %dma_start3A_250] : memref<2x8x128xi32, #tpu.memory_space<vmem>> -> memref<1x1x128xi32, #tpu.memory_space<vmem>>
        %dma_start3A_252 = tpu.memref_squeeze %dma_start3A_251 : memref<1x1x128xi32, #tpu.memory_space<vmem>> -> memref<128xi32, #tpu.memory_space<vmem>>
        %dma_start3A_253 = arith.constant 0 : i32
        %dma_start3A_254 = arith.constant 0 : i32
        %dma_start3A_255 = tpu.memref_slice %arg10[%dma_start3A_253, %dma_start3A_254] : memref<10240x128xf32, #tpu.memory_space<vmem_shared>> -> memref<10240x128xf32, #tpu.memory_space<vmem_shared>>
        tpu.enqueue_indirect_dma source(%dma_start3A_249 : memref<128x128xf32, #tpu.memory_space<vmem>>) target(%dma_start3A_255 : memref<10240x128xf32, #tpu.memory_space<vmem_shared>>) offsets(%dma_start3A_252 : memref<128xi32, #tpu.memory_space<vmem>>) semaphore(%run_scoped3A_245 : memref<!tpu.dma_semaphore, #tpu.memory_space<semaphore_mem>>) {add = true}
        %dma_wait3A_256 = arith.constant 0 : i32
        %dma_wait3A_257 = arith.constant 0 : i32
        %dma_wait3A_258 = tpu.memref_slice %arg9[%run_scoped3A_238, %dma_wait3A_256, %dma_wait3A_257] : memref<2x128x128xf32, #tpu.memory_space<vmem>> -> memref<1x128x128xf32, #tpu.memory_space<vmem>>
        %dma_wait3A_259 = tpu.memref_squeeze %dma_wait3A_258 : memref<1x128x128xf32, #tpu.memory_space<vmem>> -> memref<128x128xf32, #tpu.memory_space<vmem>>
        %dma_wait3A_260 = arith.constant 0 : i32
        %dma_wait3A_261 = tpu.memref_slice %arg8[%select_n3A_221, %select_n3A_237, %dma_wait3A_260] : memref<2x8x128xi32, #tpu.memory_space<vmem>> -> memref<1x1x128xi32, #tpu.memory_space<vmem>>
        %dma_wait3A_262 = tpu.memref_squeeze %dma_wait3A_261 : memref<1x1x128xi32, #tpu.memory_space<vmem>> -> memref<128xi32, #tpu.memory_space<vmem>>
        %dma_wait3A_263 = arith.constant 0 : i32
        %dma_wait3A_264 = arith.constant 0 : i32
        %dma_wait3A_265 = tpu.memref_slice %arg10[%dma_wait3A_263, %dma_wait3A_264] : memref<10240x128xf32, #tpu.memory_space<vmem_shared>> -> memref<10240x128xf32, #tpu.memory_space<vmem_shared>>
        tpu.wait_indirect_dma semaphore(%run_scoped3A_245 : memref<!tpu.dma_semaphore, #tpu.memory_space<semaphore_mem>>) src(%dma_wait3A_259 : memref<128x128xf32, #tpu.memory_space<vmem>>) dst(%dma_wait3A_265 : memref<10240x128xf32, #tpu.memory_space<vmem_shared>>)
        tpu.yield
      }) : () -> ()
      %add3A_239 = arith.constant 2 : i32
      %add3A_240 = arith.addi %add3A_168, %add3A_239 : i32
      %lt3A_241 = arith.cmpi slt, %add3A_240, %select_n3A : i32
      %convert_element_type3A_242 = arith.extui %lt3A_241 : i1 to i32
      %cond3A_243 = arith.constant 0 : i32
      %cond3A_244 = arith.cmpi ne, %convert_element_type3A_242, %cond3A_243 : i32
      scf.if %cond3A_244 {
        %jit3A_245 = arith.constant 8 : i32
        %div3A_246 = arith.divsi %add3A_240, %jit3A_245 : i32
        %sign3A_247 = arith.constant 0 : i32
        %sign3A_248 = arith.cmpi sgt, %add3A_240, %sign3A_247 : i32
        %sign3A_249 = arith.extui %sign3A_248 : i1 to i32
        %sign3A_250 = arith.constant 0 : i32
        %sign3A_251 = arith.cmpi slt, %add3A_240, %sign3A_250 : i32
        %sign3A_252 = arith.extui %sign3A_251 : i1 to i32
        %sign3A_253 = arith.subi %sign3A_249, %sign3A_252 : i32
        %sign3A_254 = arith.constant 0 : i32
        %sign3A_255 = arith.cmpi sgt, %jit3A_245, %sign3A_254 : i32
        %sign3A_256 = arith.extui %sign3A_255 : i1 to i32
        %sign3A_257 = arith.constant 0 : i32
        %sign3A_258 = arith.cmpi slt, %jit3A_245, %sign3A_257 : i32
        %sign3A_259 = arith.extui %sign3A_258 : i1 to i32
        %sign3A_260 = arith.subi %sign3A_256, %sign3A_259 : i32
        %ne3A_261 = arith.cmpi ne, %sign3A_253, %sign3A_260 : i32
        %rem3A_262 = arith.remsi %add3A_240, %jit3A_245 : i32
        %ne3A_263 = arith.constant 0 : i32
        %ne3A_264 = arith.cmpi ne, %rem3A_262, %ne3A_263 : i32
        %and3A_265 = arith.andi %ne3A_261, %ne3A_264 : i1
        %sub3A_266 = arith.constant 1 : i32
        %sub3A_267 = arith.subi %div3A_246, %sub3A_266 : i32
        %select_n3A_268 = arith.select %and3A_265, %sub3A_267, %div3A_246 : i32
        %jit3A_269 = arith.constant 2 : i32
        %eq3A_270 = arith.constant 0 : i32
        %eq3A_271 = arith.cmpi eq, %jit3A_269, %eq3A_270 : i32
        %jit3A_272 = arith.constant 1 : i32
        %select_n3A_273 = arith.select %eq3A_271, %jit3A_272, %jit3A_269 : i32
        %rem3A_274 = arith.remsi %select_n3A_268, %select_n3A_273 : i32
        %ne3A_275 = arith.constant 0 : i32
        %ne3A_276 = arith.cmpi ne, %rem3A_274, %ne3A_275 : i32
        %lt3A_277 = arith.constant 0 : i32
        %lt3A_278 = arith.cmpi slt, %rem3A_274, %lt3A_277 : i32
        %lt3A_279 = arith.constant 0 : i32
        %lt3A_280 = arith.cmpi slt, %select_n3A_273, %lt3A_279 : i32
        %ne3A_281 = arith.xori %lt3A_278, %lt3A_280 : i1
        %and3A_282 = arith.andi %ne3A_281, %ne3A_276 : i1
        %add3A_283 = arith.addi %rem3A_274, %select_n3A_273 : i32
        %select_n3A_284 = arith.select %and3A_282, %add3A_283, %rem3A_274 : i32
        %jit3A_285 = arith.constant 8 : i32
        %eq3A_286 = arith.constant 0 : i32
        %eq3A_287 = arith.cmpi eq, %jit3A_285, %eq3A_286 : i32
        %jit3A_288 = arith.constant 1 : i32
        %select_n3A_289 = arith.select %eq3A_287, %jit3A_288, %jit3A_285 : i32
        %rem3A_290 = arith.remsi %add3A_240, %select_n3A_289 : i32
        %ne3A_291 = arith.constant 0 : i32
        %ne3A_292 = arith.cmpi ne, %rem3A_290, %ne3A_291 : i32
        %lt3A_293 = arith.constant 0 : i32
        %lt3A_294 = arith.cmpi slt, %rem3A_290, %lt3A_293 : i32
        %lt3A_295 = arith.constant 0 : i32
        %lt3A_296 = arith.cmpi slt, %select_n3A_289, %lt3A_295 : i32
        %ne3A_297 = arith.xori %lt3A_294, %lt3A_296 : i1
        %and3A_298 = arith.andi %ne3A_297, %ne3A_292 : i1
        %add3A_299 = arith.addi %rem3A_290, %select_n3A_289 : i32
        %select_n3A_300 = arith.select %and3A_298, %add3A_299, %rem3A_290 : i32
        %dma_start3A_301 = arith.constant 1 : i32
        %dma_start3A_302 = arith.constant 0 : i32
        %dma_start3A_303 = arith.constant 0 : i32
        %dma_start3A_304 = tpu.memref_slice %arg9[%dma_start3A_301, %dma_start3A_302, %dma_start3A_303] : memref<2x128x128xf32, #tpu.memory_space<vmem>> -> memref<1x128x128xf32, #tpu.memory_space<vmem>>
        %dma_start3A_305 = tpu.memref_squeeze %dma_start3A_304 : memref<1x128x128xf32, #tpu.memory_space<vmem>> -> memref<128x128xf32, #tpu.memory_space<vmem>>
        %dma_start3A_306 = arith.constant 0 : i32
        %dma_start3A_307 = tpu.memref_slice %arg7[%select_n3A_284, %select_n3A_300, %dma_start3A_306] : memref<2x8x128xi32, #tpu.memory_space<vmem>> -> memref<1x1x128xi32, #tpu.memory_space<vmem>>
        %dma_start3A_308 = tpu.memref_squeeze %dma_start3A_307 : memref<1x1x128xi32, #tpu.memory_space<vmem>> -> memref<128xi32, #tpu.memory_space<vmem>>
        %dma_start3A_309 = arith.constant 0 : i32
        %dma_start3A_310 = arith.constant 0 : i32
        %dma_start3A_311 = tpu.memref_slice %arg2[%dma_start3A_309, %dma_start3A_310] : memref<10240x128xf32, #tpu.memory_space<hbm>> -> memref<10240x128xf32, #tpu.memory_space<hbm>>
        tpu.enqueue_indirect_dma source(%dma_start3A_311 : memref<10240x128xf32, #tpu.memory_space<hbm>>) target(%dma_start3A_305 : memref<128x128xf32, #tpu.memory_space<vmem>>) offsets(%dma_start3A_308 : memref<128xi32, #tpu.memory_space<vmem>>) semaphore(%arg12 : memref<!tpu.dma_semaphore, #tpu.memory_space<semaphore_mem>>)
      } else {
      }
    }
    %while3A_63 = arith.constant 1 : i32
    scf.for %while3A_65 = %while3A_61 to %while3A_57 step %while3A_63  : i32 {
      %mul3A_66 = arith.constant 2 : i32
      %mul3A_67 = arith.muli %mul3A_66, %while3A_65 : i32
      %add3A_68 = arith.constant 0 : i32
      %add3A_69 = arith.addi %mul3A_67, %add3A_68 : i32
      %dma_wait3A = arith.constant 0 : i32
      %dma_wait3A_70 = arith.constant 0 : i32
      %dma_wait3A_71 = arith.constant 0 : i32
      %dma_wait3A_72 = arith.constant 0 : i32
      %dma_wait3A_73 = arith.constant 0 : i32
      %dma_wait3A_74 = tpu.memref_slice %arg9[%dma_wait3A_71, %dma_wait3A_72, %dma_wait3A_73] : memref<2x128x128xf32, #tpu.memory_space<vmem>> -> memref<1x128x128xf32, #tpu.memory_space<vmem>>
      %dma_wait3A_75 = tpu.memref_squeeze %dma_wait3A_74 : memref<1x128x128xf32, #tpu.memory_space<vmem>> -> memref<128x128xf32, #tpu.memory_space<vmem>>
      %dma_wait3A_76 = arith.constant 0 : i32
      %dma_wait3A_77 = tpu.memref_slice %arg7[%dma_wait3A, %dma_wait3A_70, %dma_wait3A_76] : memref<2x8x128xi32, #tpu.memory_space<vmem>> -> memref<1x1x128xi32, #tpu.memory_space<vmem>>
      %dma_wait3A_78 = tpu.memref_squeeze %dma_wait3A_77 : memref<1x1x128xi32, #tpu.memory_space<vmem>> -> memref<128xi32, #tpu.memory_space<vmem>>
      %dma_wait3A_79 = arith.constant 0 : i32
      %dma_wait3A_80 = arith.constant 0 : i32
      %dma_wait3A_81 = tpu.memref_slice %arg2[%dma_wait3A_79, %dma_wait3A_80] : memref<10240x128xf32, #tpu.memory_space<hbm>> -> memref<10240x128xf32, #tpu.memory_space<hbm>>
      tpu.wait_indirect_dma semaphore(%arg11 : memref<!tpu.dma_semaphore, #tpu.memory_space<semaphore_mem>>) src(%dma_wait3A_81 : memref<10240x128xf32, #tpu.memory_space<hbm>>) dst(%dma_wait3A_75 : memref<128x128xf32, #tpu.memory_space<vmem>>)
      %jit3A_82 = arith.constant 8 : i32
      %div3A_83 = arith.divsi %add3A_69, %jit3A_82 : i32
      %sign3A_84 = arith.constant 0 : i32
      %sign3A_85 = arith.cmpi sgt, %add3A_69, %sign3A_84 : i32
      %sign3A_86 = arith.extui %sign3A_85 : i1 to i32
      %sign3A_87 = arith.constant 0 : i32
      %sign3A_88 = arith.cmpi slt, %add3A_69, %sign3A_87 : i32
      %sign3A_89 = arith.extui %sign3A_88 : i1 to i32
      %sign3A_90 = arith.subi %sign3A_86, %sign3A_89 : i32
      %sign3A_91 = arith.constant 0 : i32
      %sign3A_92 = arith.cmpi sgt, %jit3A_82, %sign3A_91 : i32
      %sign3A_93 = arith.extui %sign3A_92 : i1 to i32
      %sign3A_94 = arith.constant 0 : i32
      %sign3A_95 = arith.cmpi slt, %jit3A_82, %sign3A_94 : i32
      %sign3A_96 = arith.extui %sign3A_95 : i1 to i32
      %sign3A_97 = arith.subi %sign3A_93, %sign3A_96 : i32
      %ne3A_98 = arith.cmpi ne, %sign3A_90, %sign3A_97 : i32
      %rem3A_99 = arith.remsi %add3A_69, %jit3A_82 : i32
      %ne3A_100 = arith.constant 0 : i32
      %ne3A_101 = arith.cmpi ne, %rem3A_99, %ne3A_100 : i32
      %and3A_102 = arith.andi %ne3A_98, %ne3A_101 : i1
      %sub3A_103 = arith.constant 1 : i32
      %sub3A_104 = arith.subi %div3A_83, %sub3A_103 : i32
      %select_n3A_105 = arith.select %and3A_102, %sub3A_104, %div3A_83 : i32
      %jit3A_106 = arith.constant 2 : i32
      %eq3A_107 = arith.constant 0 : i32
      %eq3A_108 = arith.cmpi eq, %jit3A_106, %eq3A_107 : i32
      %jit3A_109 = arith.constant 1 : i32
      %select_n3A_110 = arith.select %eq3A_108, %jit3A_109, %jit3A_106 : i32
      %rem3A_111 = arith.remsi %select_n3A_105, %select_n3A_110 : i32
      %ne3A_112 = arith.constant 0 : i32
      %ne3A_113 = arith.cmpi ne, %rem3A_111, %ne3A_112 : i32
      %lt3A = arith.constant 0 : i32
      %lt3A_114 = arith.cmpi slt, %rem3A_111, %lt3A : i32
      %lt3A_115 = arith.constant 0 : i32
      %lt3A_116 = arith.cmpi slt, %select_n3A_110, %lt3A_115 : i32
      %ne3A_117 = arith.xori %lt3A_114, %lt3A_116 : i1
      %and3A_118 = arith.andi %ne3A_117, %ne3A_113 : i1
      %add3A_119 = arith.addi %rem3A_111, %select_n3A_110 : i32
      %select_n3A_120 = arith.select %and3A_118, %add3A_119, %rem3A_111 : i32
      %jit3A_121 = arith.constant 8 : i32
      %eq3A_122 = arith.constant 0 : i32
      %eq3A_123 = arith.cmpi eq, %jit3A_121, %eq3A_122 : i32
      %jit3A_124 = arith.constant 1 : i32
      %select_n3A_125 = arith.select %eq3A_123, %jit3A_124, %jit3A_121 : i32
      %rem3A_126 = arith.remsi %add3A_69, %select_n3A_125 : i32
      %ne3A_127 = arith.constant 0 : i32
      %ne3A_128 = arith.cmpi ne, %rem3A_126, %ne3A_127 : i32
      %lt3A_129 = arith.constant 0 : i32
      %lt3A_130 = arith.cmpi slt, %rem3A_126, %lt3A_129 : i32
      %lt3A_131 = arith.constant 0 : i32
      %lt3A_132 = arith.cmpi slt, %select_n3A_125, %lt3A_131 : i32
      %ne3A_133 = arith.xori %lt3A_130, %lt3A_132 : i1
      %and3A_134 = arith.andi %ne3A_133, %ne3A_128 : i1
      %add3A_135 = arith.addi %rem3A_126, %select_n3A_125 : i32
      %select_n3A_136 = arith.select %and3A_134, %add3A_135, %rem3A_126 : i32
      %run_scoped3A_137 = arith.constant 0 : i32
      "tpu.region"() ({
        %run_scoped3A_245 = tpu.sem_alloc : memref<!tpu.dma_semaphore, #tpu.memory_space<semaphore_mem>>
        %dma_start3A_246 = arith.constant 0 : i32
        %dma_start3A_247 = arith.constant 0 : i32
        %dma_start3A_248 = tpu.memref_slice %arg9[%run_scoped3A_137, %dma_start3A_246, %dma_start3A_247] : memref<2x128x128xf32, #tpu.memory_space<vmem>> -> memref<1x128x128xf32, #tpu.memory_space<vmem>>
        %dma_start3A_249 = tpu.memref_squeeze %dma_start3A_248 : memref<1x128x128xf32, #tpu.memory_space<vmem>> -> memref<128x128xf32, #tpu.memory_space<vmem>>
        %dma_start3A_250 = arith.constant 0 : i32
        %dma_start3A_251 = tpu.memref_slice %arg8[%select_n3A_120, %select_n3A_136, %dma_start3A_250] : memref<2x8x128xi32, #tpu.memory_space<vmem>> -> memref<1x1x128xi32, #tpu.memory_space<vmem>>
        %dma_start3A_252 = tpu.memref_squeeze %dma_start3A_251 : memref<1x1x128xi32, #tpu.memory_space<vmem>> -> memref<128xi32, #tpu.memory_space<vmem>>
        %dma_start3A_253 = arith.constant 0 : i32
        %dma_start3A_254 = arith.constant 0 : i32
        %dma_start3A_255 = tpu.memref_slice %arg10[%dma_start3A_253, %dma_start3A_254] : memref<10240x128xf32, #tpu.memory_space<vmem_shared>> -> memref<10240x128xf32, #tpu.memory_space<vmem_shared>>
        tpu.enqueue_indirect_dma source(%dma_start3A_249 : memref<128x128xf32, #tpu.memory_space<vmem>>) target(%dma_start3A_255 : memref<10240x128xf32, #tpu.memory_space<vmem_shared>>) offsets(%dma_start3A_252 : memref<128xi32, #tpu.memory_space<vmem>>) semaphore(%run_scoped3A_245 : memref<!tpu.dma_semaphore, #tpu.memory_space<semaphore_mem>>) {add = true}
        %dma_wait3A_256 = arith.constant 0 : i32
        %dma_wait3A_257 = arith.constant 0 : i32
        %dma_wait3A_258 = tpu.memref_slice %arg9[%run_scoped3A_137, %dma_wait3A_256, %dma_wait3A_257] : memref<2x128x128xf32, #tpu.memory_space<vmem>> -> memref<1x128x128xf32, #tpu.memory_space<vmem>>
        %dma_wait3A_259 = tpu.memref_squeeze %dma_wait3A_258 : memref<1x128x128xf32, #tpu.memory_space<vmem>> -> memref<128x128xf32, #tpu.memory_space<vmem>>
        %dma_wait3A_260 = arith.constant 0 : i32
        %dma_wait3A_261 = tpu.memref_slice %arg8[%select_n3A_120, %select_n3A_136, %dma_wait3A_260] : memref<2x8x128xi32, #tpu.memory_space<vmem>> -> memref<1x1x128xi32, #tpu.memory_space<vmem>>
        %dma_wait3A_262 = tpu.memref_squeeze %dma_wait3A_261 : memref<1x1x128xi32, #tpu.memory_space<vmem>> -> memref<128xi32, #tpu.memory_space<vmem>>
        %dma_wait3A_263 = arith.constant 0 : i32
        %dma_wait3A_264 = arith.constant 0 : i32
        %dma_wait3A_265 = tpu.memref_slice %arg10[%dma_wait3A_263, %dma_wait3A_264] : memref<10240x128xf32, #tpu.memory_space<vmem_shared>> -> memref<10240x128xf32, #tpu.memory_space<vmem_shared>>
        tpu.wait_indirect_dma semaphore(%run_scoped3A_245 : memref<!tpu.dma_semaphore, #tpu.memory_space<semaphore_mem>>) src(%dma_wait3A_259 : memref<128x128xf32, #tpu.memory_space<vmem>>) dst(%dma_wait3A_265 : memref<10240x128xf32, #tpu.memory_space<vmem_shared>>)
        tpu.yield
      }) : () -> ()
      %add3A_138 = arith.constant 2 : i32
      %add3A_139 = arith.addi %add3A_69, %add3A_138 : i32
      %jit3A_140 = arith.constant 8 : i32
      %eq3A_141 = arith.constant 0 : i32
      %eq3A_142 = arith.cmpi eq, %jit3A_140, %eq3A_141 : i32
      %jit3A_143 = arith.constant 1 : i32
      %select_n3A_144 = arith.select %eq3A_142, %jit3A_143, %jit3A_140 : i32
      %rem3A_145 = arith.remsi %add3A_139, %select_n3A_144 : i32
      %ne3A_146 = arith.constant 0 : i32
      %ne3A_147 = arith.cmpi ne, %rem3A_145, %ne3A_146 : i32
      %lt3A_148 = arith.constant 0 : i32
      %lt3A_149 = arith.cmpi slt, %rem3A_145, %lt3A_148 : i32
      %lt3A_150 = arith.constant 0 : i32
      %lt3A_151 = arith.cmpi slt, %select_n3A_144, %lt3A_150 : i32
      %ne3A_152 = arith.xori %lt3A_149, %lt3A_151 : i1
      %and3A_153 = arith.andi %ne3A_152, %ne3A_147 : i1
      %add3A_154 = arith.addi %rem3A_145, %select_n3A_144 : i32
      %select_n3A_155 = arith.select %and3A_153, %add3A_154, %rem3A_145 : i32
      %eq3A_156 = arith.constant 0 : i32
      %eq3A_157 = arith.cmpi eq, %select_n3A_155, %eq3A_156 : i32
      %lt3A_158 = arith.cmpi slt, %add3A_139, %select_n3A : i32
      %and3A_159 = arith.andi %eq3A_157, %lt3A_158 : i1
      %convert_element_type3A = arith.extui %and3A_159 : i1 to i32
      %cond3A = arith.constant 0 : i32
      %cond3A_160 = arith.cmpi ne, %convert_element_type3A, %cond3A : i32
      scf.if %cond3A_160 {
        %jit3A_245 = arith.constant 8 : i32
        %div3A_246 = arith.divsi %add3A_139, %jit3A_245 : i32
        %sign3A_247 = arith.constant 0 : i32
        %sign3A_248 = arith.cmpi sgt, %add3A_139, %sign3A_247 : i32
        %sign3A_249 = arith.extui %sign3A_248 : i1 to i32
        %sign3A_250 = arith.constant 0 : i32
        %sign3A_251 = arith.cmpi slt, %add3A_139, %sign3A_250 : i32
        %sign3A_252 = arith.extui %sign3A_251 : i1 to i32
        %sign3A_253 = arith.subi %sign3A_249, %sign3A_252 : i32
        %sign3A_254 = arith.constant 0 : i32
        %sign3A_255 = arith.cmpi sgt, %jit3A_245, %sign3A_254 : i32
        %sign3A_256 = arith.extui %sign3A_255 : i1 to i32
        %sign3A_257 = arith.constant 0 : i32
        %sign3A_258 = arith.cmpi slt, %jit3A_245, %sign3A_257 : i32
        %sign3A_259 = arith.extui %sign3A_258 : i1 to i32
        %sign3A_260 = arith.subi %sign3A_256, %sign3A_259 : i32
        %ne3A_261 = arith.cmpi ne, %sign3A_253, %sign3A_260 : i32
        %rem3A_262 = arith.remsi %add3A_139, %jit3A_245 : i32
        %ne3A_263 = arith.constant 0 : i32
        %ne3A_264 = arith.cmpi ne, %rem3A_262, %ne3A_263 : i32
        %and3A_265 = arith.andi %ne3A_261, %ne3A_264 : i1
        %sub3A_266 = arith.constant 1 : i32
        %sub3A_267 = arith.subi %div3A_246, %sub3A_266 : i32
        %select_n3A_268 = arith.select %and3A_265, %sub3A_267, %div3A_246 : i32
        %mul3A_269 = arith.constant 8 : i32
        %mul3A_270 = arith.muli %select_n3A_268, %mul3A_269 : i32
        %add3A_271 = arith.addi %select_n3A_10, %mul3A_270 : i32
        %jit3A_272 = arith.constant 2 : i32
        %eq3A_273 = arith.constant 0 : i32
        %eq3A_274 = arith.cmpi eq, %jit3A_272, %eq3A_273 : i32
        %jit3A_275 = arith.constant 1 : i32
        %select_n3A_276 = arith.select %eq3A_274, %jit3A_275, %jit3A_272 : i32
        %rem3A_277 = arith.remsi %select_n3A_268, %select_n3A_276 : i32
        %ne3A_278 = arith.constant 0 : i32
        %ne3A_279 = arith.cmpi ne, %rem3A_277, %ne3A_278 : i32
        %lt3A_280 = arith.constant 0 : i32
        %lt3A_281 = arith.cmpi slt, %rem3A_277, %lt3A_280 : i32
        %lt3A_282 = arith.constant 0 : i32
        %lt3A_283 = arith.cmpi slt, %select_n3A_276, %lt3A_282 : i32
        %ne3A_284 = arith.xori %lt3A_281, %lt3A_283 : i1
        %and3A_285 = arith.andi %ne3A_284, %ne3A_279 : i1
        %add3A_286 = arith.addi %rem3A_277, %select_n3A_276 : i32
        %select_n3A_287 = arith.select %and3A_285, %add3A_286, %rem3A_277 : i32
        "tpu.region"() ({
          %run_scoped3A_307 = tpu.sem_alloc : memref<!tpu.dma_semaphore, #tpu.memory_space<semaphore_mem>>
          %dma_start3A_308 = arith.constant 0 : i32
          %dma_start3A_309 = arith.constant 0 : i32
          %dma_start3A_310 = tpu.memref_slice %arg7[%select_n3A_287, %dma_start3A_308, %dma_start3A_309] : memref<2x8x128xi32, #tpu.memory_space<vmem>> -> memref<1x8x128xi32, #tpu.memory_space<vmem>>
          %dma_start3A_311 = tpu.memref_squeeze %dma_start3A_310 : memref<1x8x128xi32, #tpu.memory_space<vmem>> -> memref<8x128xi32, #tpu.memory_space<vmem>>
          %dma_start3A_312 = arith.constant 0 : i32
          %dma_start3A_313 = tpu.memref_slice %arg3[%add3A_271, %dma_start3A_312] : memref<2560x128xi32, #tpu.memory_space<hbm>> -> memref<8x128xi32, #tpu.memory_space<hbm>>
          %dma_start3A_314 = arith.constant 0 : i32
          %dma_start3A_315 = arith.constant 0 : i32
          %dma_start3A_316 = tpu.memref_slice %arg7[%select_n3A_287, %dma_start3A_314, %dma_start3A_315] : memref<2x8x128xi32, #tpu.memory_space<vmem>> -> memref<1x8x128xi32, #tpu.memory_space<vmem>>
          %dma_start3A_317 = tpu.memref_squeeze %dma_start3A_316 : memref<1x8x128xi32, #tpu.memory_space<vmem>> -> memref<8x128xi32, #tpu.memory_space<vmem>>
          %dma_start3A_318 = arith.constant 0 : i32
          %dma_start3A_319 = tpu.memref_slice %arg3[%add3A_271, %dma_start3A_318] : memref<2560x128xi32, #tpu.memory_space<hbm>> -> memref<8x128xi32, #tpu.memory_space<hbm>>
          tpu.enqueue_dma source(%dma_start3A_319 : memref<8x128xi32, #tpu.memory_space<hbm>>) target(%dma_start3A_317 : memref<8x128xi32, #tpu.memory_space<vmem>>) target_semaphore(%run_scoped3A_307 : memref<!tpu.dma_semaphore, #tpu.memory_space<semaphore_mem>>)
          %dma_wait3A_320 = arith.constant 0 : i32
          %dma_wait3A_321 = arith.constant 0 : i32
          %dma_wait3A_322 = tpu.memref_slice %arg7[%select_n3A_287, %dma_wait3A_320, %dma_wait3A_321] : memref<2x8x128xi32, #tpu.memory_space<vmem>> -> memref<1x8x128xi32, #tpu.memory_space<vmem>>
          %dma_wait3A_323 = tpu.memref_squeeze %dma_wait3A_322 : memref<1x8x128xi32, #tpu.memory_space<vmem>> -> memref<8x128xi32, #tpu.memory_space<vmem>>
          %dma_wait3A_324 = arith.constant 0 : i32
          %dma_wait3A_325 = tpu.memref_slice %arg3[%add3A_271, %dma_wait3A_324] : memref<2560x128xi32, #tpu.memory_space<hbm>> -> memref<8x128xi32, #tpu.memory_space<hbm>>
          %dma_wait3A_326 = arith.constant 0 : i32
          %dma_wait3A_327 = arith.constant 0 : i32
          %dma_wait3A_328 = tpu.memref_slice %arg7[%select_n3A_287, %dma_wait3A_326, %dma_wait3A_327] : memref<2x8x128xi32, #tpu.memory_space<vmem>> -> memref<1x8x128xi32, #tpu.memory_space<vmem>>
          %dma_wait3A_329 = tpu.memref_squeeze %dma_wait3A_328 : memref<1x8x128xi32, #tpu.memory_space<vmem>> -> memref<8x128xi32, #tpu.memory_space<vmem>>
          %dma_wait3A_330 = arith.constant 0 : i32
          %dma_wait3A_331 = tpu.memref_slice %arg3[%add3A_271, %dma_wait3A_330] : memref<2560x128xi32, #tpu.memory_space<hbm>> -> memref<8x128xi32, #tpu.memory_space<hbm>>
          tpu.wait_dma2 semaphore(%run_scoped3A_307 : memref<!tpu.dma_semaphore, #tpu.memory_space<semaphore_mem>>) src(%dma_wait3A_331 : memref<8x128xi32, #tpu.memory_space<hbm>>) dst(%dma_wait3A_329 : memref<8x128xi32, #tpu.memory_space<vmem>>)
          tpu.yield
        }) : () -> ()
        %mul3A_288 = arith.constant 8 : i32
        %mul3A_289 = arith.muli %select_n3A_268, %mul3A_288 : i32
        %add3A_290 = arith.addi %select_n3A_10, %mul3A_289 : i32
        %jit3A_291 = arith.constant 2 : i32
        %eq3A_292 = arith.constant 0 : i32
        %eq3A_293 = arith.cmpi eq, %jit3A_291, %eq3A_292 : i32
        %jit3A_294 = arith.constant 1 : i32
        %select_n3A_295 = arith.select %eq3A_293, %jit3A_294, %jit3A_291 : i32
        %rem3A_296 = arith.remsi %select_n3A_268, %select_n3A_295 : i32
        %ne3A_297 = arith.constant 0 : i32
        %ne3A_298 = arith.cmpi ne, %rem3A_296, %ne3A_297 : i32
        %lt3A_299 = arith.constant 0 : i32
        %lt3A_300 = arith.cmpi slt, %rem3A_296, %lt3A_299 : i32
        %lt3A_301 = arith.constant 0 : i32
        %lt3A_302 = arith.cmpi slt, %select_n3A_295, %lt3A_301 : i32
        %ne3A_303 = arith.xori %lt3A_300, %lt3A_302 : i1
        %and3A_304 = arith.andi %ne3A_303, %ne3A_298 : i1
        %add3A_305 = arith.addi %rem3A_296, %select_n3A_295 : i32
        %select_n3A_306 = arith.select %and3A_304, %add3A_305, %rem3A_296 : i32
        "tpu.region"() ({
          %run_scoped3A_307 = tpu.sem_alloc : memref<!tpu.dma_semaphore, #tpu.memory_space<semaphore_mem>>
          %dma_start3A_308 = arith.constant 0 : i32
          %dma_start3A_309 = arith.constant 0 : i32
          %dma_start3A_310 = tpu.memref_slice %arg8[%select_n3A_306, %dma_start3A_308, %dma_start3A_309] : memref<2x8x128xi32, #tpu.memory_space<vmem>> -> memref<1x8x128xi32, #tpu.memory_space<vmem>>
          %dma_start3A_311 = tpu.memref_squeeze %dma_start3A_310 : memref<1x8x128xi32, #tpu.memory_space<vmem>> -> memref<8x128xi32, #tpu.memory_space<vmem>>
          %dma_start3A_312 = arith.constant 0 : i32
          %dma_start3A_313 = tpu.memref_slice %arg4[%add3A_290, %dma_start3A_312] : memref<2560x128xi32, #tpu.memory_space<hbm>> -> memref<8x128xi32, #tpu.memory_space<hbm>>
          %dma_start3A_314 = arith.constant 0 : i32
          %dma_start3A_315 = arith.constant 0 : i32
          %dma_start3A_316 = tpu.memref_slice %arg8[%select_n3A_306, %dma_start3A_314, %dma_start3A_315] : memref<2x8x128xi32, #tpu.memory_space<vmem>> -> memref<1x8x128xi32, #tpu.memory_space<vmem>>
          %dma_start3A_317 = tpu.memref_squeeze %dma_start3A_316 : memref<1x8x128xi32, #tpu.memory_space<vmem>> -> memref<8x128xi32, #tpu.memory_space<vmem>>
          %dma_start3A_318 = arith.constant 0 : i32
          %dma_start3A_319 = tpu.memref_slice %arg4[%add3A_290, %dma_start3A_318] : memref<2560x128xi32, #tpu.memory_space<hbm>> -> memref<8x128xi32, #tpu.memory_space<hbm>>
          tpu.enqueue_dma source(%dma_start3A_319 : memref<8x128xi32, #tpu.memory_space<hbm>>) target(%dma_start3A_317 : memref<8x128xi32, #tpu.memory_space<vmem>>) target_semaphore(%run_scoped3A_307 : memref<!tpu.dma_semaphore, #tpu.memory_space<semaphore_mem>>)
          %dma_wait3A_320 = arith.constant 0 : i32
          %dma_wait3A_321 = arith.constant 0 : i32
          %dma_wait3A_322 = tpu.memref_slice %arg8[%select_n3A_306, %dma_wait3A_320, %dma_wait3A_321] : memref<2x8x128xi32, #tpu.memory_space<vmem>> -> memref<1x8x128xi32, #tpu.memory_space<vmem>>
          %dma_wait3A_323 = tpu.memref_squeeze %dma_wait3A_322 : memref<1x8x128xi32, #tpu.memory_space<vmem>> -> memref<8x128xi32, #tpu.memory_space<vmem>>
          %dma_wait3A_324 = arith.constant 0 : i32
          %dma_wait3A_325 = tpu.memref_slice %arg4[%add3A_290, %dma_wait3A_324] : memref<2560x128xi32, #tpu.memory_space<hbm>> -> memref<8x128xi32, #tpu.memory_space<hbm>>
          %dma_wait3A_326 = arith.constant 0 : i32
          %dma_wait3A_327 = arith.constant 0 : i32
          %dma_wait3A_328 = tpu.memref_slice %arg8[%select_n3A_306, %dma_wait3A_326, %dma_wait3A_327] : memref<2x8x128xi32, #tpu.memory_space<vmem>> -> memref<1x8x128xi32, #tpu.memory_space<vmem>>
          %dma_wait3A_329 = tpu.memref_squeeze %dma_wait3A_328 : memref<1x8x128xi32, #tpu.memory_space<vmem>> -> memref<8x128xi32, #tpu.memory_space<vmem>>
          %dma_wait3A_330 = arith.constant 0 : i32
          %dma_wait3A_331 = tpu.memref_slice %arg4[%add3A_290, %dma_wait3A_330] : memref<2560x128xi32, #tpu.memory_space<hbm>> -> memref<8x128xi32, #tpu.memory_space<hbm>>
          tpu.wait_dma2 semaphore(%run_scoped3A_307 : memref<!tpu.dma_semaphore, #tpu.memory_space<semaphore_mem>>) src(%dma_wait3A_331 : memref<8x128xi32, #tpu.memory_space<hbm>>) dst(%dma_wait3A_329 : memref<8x128xi32, #tpu.memory_space<vmem>>)
          tpu.yield
        }) : () -> ()
      } else {
      }
      %lt3A_161 = arith.cmpi slt, %add3A_139, %select_n3A : i32
      %convert_element_type3A_162 = arith.extui %lt3A_161 : i1 to i32
      %cond3A_163 = arith.constant 0 : i32
      %cond3A_164 = arith.cmpi ne, %convert_element_type3A_162, %cond3A_163 : i32
      scf.if %cond3A_164 {
        %jit3A_245 = arith.constant 8 : i32
        %div3A_246 = arith.divsi %add3A_139, %jit3A_245 : i32
        %sign3A_247 = arith.constant 0 : i32
        %sign3A_248 = arith.cmpi sgt, %add3A_139, %sign3A_247 : i32
        %sign3A_249 = arith.extui %sign3A_248 : i1 to i32
        %sign3A_250 = arith.constant 0 : i32
        %sign3A_251 = arith.cmpi slt, %add3A_139, %sign3A_250 : i32
        %sign3A_252 = arith.extui %sign3A_251 : i1 to i32
        %sign3A_253 = arith.subi %sign3A_249, %sign3A_252 : i32
        %sign3A_254 = arith.constant 0 : i32
        %sign3A_255 = arith.cmpi sgt, %jit3A_245, %sign3A_254 : i32
        %sign3A_256 = arith.extui %sign3A_255 : i1 to i32
        %sign3A_257 = arith.constant 0 : i32
        %sign3A_258 = arith.cmpi slt, %jit3A_245, %sign3A_257 : i32
        %sign3A_259 = arith.extui %sign3A_258 : i1 to i32
        %sign3A_260 = arith.subi %sign3A_256, %sign3A_259 : i32
        %ne3A_261 = arith.cmpi ne, %sign3A_253, %sign3A_260 : i32
        %rem3A_262 = arith.remsi %add3A_139, %jit3A_245 : i32
        %ne3A_263 = arith.constant 0 : i32
        %ne3A_264 = arith.cmpi ne, %rem3A_262, %ne3A_263 : i32
        %and3A_265 = arith.andi %ne3A_261, %ne3A_264 : i1
        %sub3A_266 = arith.constant 1 : i32
        %sub3A_267 = arith.subi %div3A_246, %sub3A_266 : i32
        %select_n3A_268 = arith.select %and3A_265, %sub3A_267, %div3A_246 : i32
        %jit3A_269 = arith.constant 2 : i32
        %eq3A_270 = arith.constant 0 : i32
        %eq3A_271 = arith.cmpi eq, %jit3A_269, %eq3A_270 : i32
        %jit3A_272 = arith.constant 1 : i32
        %select_n3A_273 = arith.select %eq3A_271, %jit3A_272, %jit3A_269 : i32
        %rem3A_274 = arith.remsi %select_n3A_268, %select_n3A_273 : i32
        %ne3A_275 = arith.constant 0 : i32
        %ne3A_276 = arith.cmpi ne, %rem3A_274, %ne3A_275 : i32
        %lt3A_277 = arith.constant 0 : i32
        %lt3A_278 = arith.cmpi slt, %rem3A_274, %lt3A_277 : i32
        %lt3A_279 = arith.constant 0 : i32
        %lt3A_280 = arith.cmpi slt, %select_n3A_273, %lt3A_279 : i32
        %ne3A_281 = arith.xori %lt3A_278, %lt3A_280 : i1
        %and3A_282 = arith.andi %ne3A_281, %ne3A_276 : i1
        %add3A_283 = arith.addi %rem3A_274, %select_n3A_273 : i32
        %select_n3A_284 = arith.select %and3A_282, %add3A_283, %rem3A_274 : i32
        %jit3A_285 = arith.constant 8 : i32
        %eq3A_286 = arith.constant 0 : i32
        %eq3A_287 = arith.cmpi eq, %jit3A_285, %eq3A_286 : i32
        %jit3A_288 = arith.constant 1 : i32
        %select_n3A_289 = arith.select %eq3A_287, %jit3A_288, %jit3A_285 : i32
        %rem3A_290 = arith.remsi %add3A_139, %select_n3A_289 : i32
        %ne3A_291 = arith.constant 0 : i32
        %ne3A_292 = arith.cmpi ne, %rem3A_290, %ne3A_291 : i32
        %lt3A_293 = arith.constant 0 : i32
        %lt3A_294 = arith.cmpi slt, %rem3A_290, %lt3A_293 : i32
        %lt3A_295 = arith.constant 0 : i32
        %lt3A_296 = arith.cmpi slt, %select_n3A_289, %lt3A_295 : i32
        %ne3A_297 = arith.xori %lt3A_294, %lt3A_296 : i1
        %and3A_298 = arith.andi %ne3A_297, %ne3A_292 : i1
        %add3A_299 = arith.addi %rem3A_290, %select_n3A_289 : i32
        %select_n3A_300 = arith.select %and3A_298, %add3A_299, %rem3A_290 : i32
        %dma_start3A_301 = arith.constant 0 : i32
        %dma_start3A_302 = arith.constant 0 : i32
        %dma_start3A_303 = arith.constant 0 : i32
        %dma_start3A_304 = tpu.memref_slice %arg9[%dma_start3A_301, %dma_start3A_302, %dma_start3A_303] : memref<2x128x128xf32, #tpu.memory_space<vmem>> -> memref<1x128x128xf32, #tpu.memory_space<vmem>>
        %dma_start3A_305 = tpu.memref_squeeze %dma_start3A_304 : memref<1x128x128xf32, #tpu.memory_space<vmem>> -> memref<128x128xf32, #tpu.memory_space<vmem>>
        %dma_start3A_306 = arith.constant 0 : i32
        %dma_start3A_307 = tpu.memref_slice %arg7[%select_n3A_284, %select_n3A_300, %dma_start3A_306] : memref<2x8x128xi32, #tpu.memory_space<vmem>> -> memref<1x1x128xi32, #tpu.memory_space<vmem>>
        %dma_start3A_308 = tpu.memref_squeeze %dma_start3A_307 : memref<1x1x128xi32, #tpu.memory_space<vmem>> -> memref<128xi32, #tpu.memory_space<vmem>>
        %dma_start3A_309 = arith.constant 0 : i32
        %dma_start3A_310 = arith.constant 0 : i32
        %dma_start3A_311 = tpu.memref_slice %arg2[%dma_start3A_309, %dma_start3A_310] : memref<10240x128xf32, #tpu.memory_space<hbm>> -> memref<10240x128xf32, #tpu.memory_space<hbm>>
        tpu.enqueue_indirect_dma source(%dma_start3A_311 : memref<10240x128xf32, #tpu.memory_space<hbm>>) target(%dma_start3A_305 : memref<128x128xf32, #tpu.memory_space<vmem>>) offsets(%dma_start3A_308 : memref<128xi32, #tpu.memory_space<vmem>>) semaphore(%arg11 : memref<!tpu.dma_semaphore, #tpu.memory_space<semaphore_mem>>)
      } else {
      }
      %mul3A_165 = arith.constant 2 : i32
      %mul3A_166 = arith.muli %mul3A_165, %while3A_65 : i32
      %add3A_167 = arith.constant 1 : i32
      %add3A_168 = arith.addi %mul3A_166, %add3A_167 : i32
      %dma_wait3A_169 = arith.constant 0 : i32
      %dma_wait3A_170 = arith.constant 0 : i32
      %dma_wait3A_171 = arith.constant 1 : i32
      %dma_wait3A_172 = arith.constant 0 : i32
      %dma_wait3A_173 = arith.constant 0 : i32
      %dma_wait3A_174 = tpu.memref_slice %arg9[%dma_wait3A_171, %dma_wait3A_172, %dma_wait3A_173] : memref<2x128x128xf32, #tpu.memory_space<vmem>> -> memref<1x128x128xf32, #tpu.memory_space<vmem>>
      %dma_wait3A_175 = tpu.memref_squeeze %dma_wait3A_174 : memref<1x128x128xf32, #tpu.memory_space<vmem>> -> memref<128x128xf32, #tpu.memory_space<vmem>>
      %dma_wait3A_176 = arith.constant 0 : i32
      %dma_wait3A_177 = tpu.memref_slice %arg7[%dma_wait3A_169, %dma_wait3A_170, %dma_wait3A_176] : memref<2x8x128xi32, #tpu.memory_space<vmem>> -> memref<1x1x128xi32, #tpu.memory_space<vmem>>
      %dma_wait3A_178 = tpu.memref_squeeze %dma_wait3A_177 : memref<1x1x128xi32, #tpu.memory_space<vmem>> -> memref<128xi32, #tpu.memory_space<vmem>>
      %dma_wait3A_179 = arith.constant 0 : i32
      %dma_wait3A_180 = arith.constant 0 : i32
      %dma_wait3A_181 = tpu.memref_slice %arg2[%dma_wait3A_179, %dma_wait3A_180] : memref<10240x128xf32, #tpu.memory_space<hbm>> -> memref<10240x128xf32, #tpu.memory_space<hbm>>
      tpu.wait_indirect_dma semaphore(%arg12 : memref<!tpu.dma_semaphore, #tpu.memory_space<semaphore_mem>>) src(%dma_wait3A_181 : memref<10240x128xf32, #tpu.memory_space<hbm>>) dst(%dma_wait3A_175 : memref<128x128xf32, #tpu.memory_space<vmem>>)
      %jit3A_182 = arith.constant 8 : i32
      %div3A_183 = arith.divsi %add3A_168, %jit3A_182 : i32
      %sign3A_184 = arith.constant 0 : i32
      %sign3A_185 = arith.cmpi sgt, %add3A_168, %sign3A_184 : i32
      %sign3A_186 = arith.extui %sign3A_185 : i1 to i32
      %sign3A_187 = arith.constant 0 : i32
      %sign3A_188 = arith.cmpi slt, %add3A_168, %sign3A_187 : i32
      %sign3A_189 = arith.extui %sign3A_188 : i1 to i32
      %sign3A_190 = arith.subi %sign3A_186, %sign3A_189 : i32
      %sign3A_191 = arith.constant 0 : i32
      %sign3A_192 = arith.cmpi sgt, %jit3A_182, %sign3A_191 : i32
      %sign3A_193 = arith.extui %sign3A_192 : i1 to i32
      %sign3A_194 = arith.constant 0 : i32
      %sign3A_195 = arith.cmpi slt, %jit3A_182, %sign3A_194 : i32
      %sign3A_196 = arith.extui %sign3A_195 : i1 to i32
      %sign3A_197 = arith.subi %sign3A_193, %sign3A_196 : i32
      %ne3A_198 = arith.cmpi ne, %sign3A_190, %sign3A_197 : i32
      %rem3A_199 = arith.remsi %add3A_168, %jit3A_182 : i32
      %ne3A_200 = arith.constant 0 : i32
      %ne3A_201 = arith.cmpi ne, %rem3A_199, %ne3A_200 : i32
      %and3A_202 = arith.andi %ne3A_198, %ne3A_201 : i1
      %sub3A_203 = arith.constant 1 : i32
      %sub3A_204 = arith.subi %div3A_183, %sub3A_203 : i32
      %select_n3A_205 = arith.select %and3A_202, %sub3A_204, %div3A_183 : i32
      %jit3A_206 = arith.constant 2 : i32
      %eq3A_207 = arith.constant 0 : i32
      %eq3A_208 = arith.cmpi eq, %jit3A_206, %eq3A_207 : i32
      %jit3A_209 = arith.constant 1 : i32
      %select_n3A_210 = arith.select %eq3A_208, %jit3A_209, %jit3A_206 : i32
      %rem3A_211 = arith.remsi %select_n3A_205, %select_n3A_210 : i32
      %ne3A_212 = arith.constant 0 : i32
      %ne3A_213 = arith.cmpi ne, %rem3A_211, %ne3A_212 : i32
      %lt3A_214 = arith.constant 0 : i32
      %lt3A_215 = arith.cmpi slt, %rem3A_211, %lt3A_214 : i32
      %lt3A_216 = arith.constant 0 : i32
      %lt3A_217 = arith.cmpi slt, %select_n3A_210, %lt3A_216 : i32
      %ne3A_218 = arith.xori %lt3A_215, %lt3A_217 : i1
      %and3A_219 = arith.andi %ne3A_218, %ne3A_213 : i1
      %add3A_220 = arith.addi %rem3A_211, %select_n3A_210 : i32
      %select_n3A_221 = arith.select %and3A_219, %add3A_220, %rem3A_211 : i32
      %jit3A_222 = arith.constant 8 : i32
      %eq3A_223 = arith.constant 0 : i32
      %eq3A_224 = arith.cmpi eq, %jit3A_222, %eq3A_223 : i32
      %jit3A_225 = arith.constant 1 : i32
      %select_n3A_226 = arith.select %eq3A_224, %jit3A_225, %jit3A_222 : i32
      %rem3A_227 = arith.remsi %add3A_168, %select_n3A_226 : i32
      %ne3A_228 = arith.constant 0 : i32
      %ne3A_229 = arith.cmpi ne, %rem3A_227, %ne3A_228 : i32
      %lt3A_230 = arith.constant 0 : i32
      %lt3A_231 = arith.cmpi slt, %rem3A_227, %lt3A_230 : i32
      %lt3A_232 = arith.constant 0 : i32
      %lt3A_233 = arith.cmpi slt, %select_n3A_226, %lt3A_232 : i32
      %ne3A_234 = arith.xori %lt3A_231, %lt3A_233 : i1
      %and3A_235 = arith.andi %ne3A_234, %ne3A_229 : i1
      %add3A_236 = arith.addi %rem3A_227, %select_n3A_226 : i32
      %select_n3A_237 = arith.select %and3A_235, %add3A_236, %rem3A_227 : i32
      %run_scoped3A_238 = arith.constant 1 : i32
      "tpu.region"() ({
        %run_scoped3A_245 = tpu.sem_alloc : memref<!tpu.dma_semaphore, #tpu.memory_space<semaphore_mem>>
        %dma_start3A_246 = arith.constant 0 : i32
        %dma_start3A_247 = arith.constant 0 : i32
        %dma_start3A_248 = tpu.memref_slice %arg9[%run_scoped3A_238, %dma_start3A_246, %dma_start3A_247] : memref<2x128x128xf32, #tpu.memory_space<vmem>> -> memref<1x128x128xf32, #tpu.memory_space<vmem>>
        %dma_start3A_249 = tpu.memref_squeeze %dma_start3A_248 : memref<1x128x128xf32, #tpu.memory_space<vmem>> -> memref<128x128xf32, #tpu.memory_space<vmem>>
        %dma_start3A_250 = arith.constant 0 : i32
        %dma_start3A_251 = tpu.memref_slice %arg8[%select_n3A_221, %select_n3A_237, %dma_start3A_250] : memref<2x8x128xi32, #tpu.memory_space<vmem>> -> memref<1x1x128xi32, #tpu.memory_space<vmem>>
        %dma_start3A_252 = tpu.memref_squeeze %dma_start3A_251 : memref<1x1x128xi32, #tpu.memory_space<vmem>> -> memref<128xi32, #tpu.memory_space<vmem>>
        %dma_start3A_253 = arith.constant 0 : i32
        %dma_start3A_254 = arith.constant 0 : i32
        %dma_start3A_255 = tpu.memref_slice %arg10[%dma_start3A_253, %dma_start3A_254] : memref<10240x128xf32, #tpu.memory_space<vmem_shared>> -> memref<10240x128xf32, #tpu.memory_space<vmem_shared>>
        tpu.enqueue_indirect_dma source(%dma_start3A_249 : memref<128x128xf32, #tpu.memory_space<vmem>>) target(%dma_start3A_255 : memref<10240x128xf32, #tpu.memory_space<vmem_shared>>) offsets(%dma_start3A_252 : memref<128xi32, #tpu.memory_space<vmem>>) semaphore(%run_scoped3A_245 : memref<!tpu.dma_semaphore, #tpu.memory_space<semaphore_mem>>) {add = true}
        %dma_wait3A_256 = arith.constant 0 : i32
        %dma_wait3A_257 = arith.constant 0 : i32
        %dma_wait3A_258 = tpu.memref_slice %arg9[%run_scoped3A_238, %dma_wait3A_256, %dma_wait3A_257] : memref<2x128x128xf32, #tpu.memory_space<vmem>> -> memref<1x128x128xf32, #tpu.memory_space<vmem>>
        %dma_wait3A_259 = tpu.memref_squeeze %dma_wait3A_258 : memref<1x128x128xf32, #tpu.memory_space<vmem>> -> memref<128x128xf32, #tpu.memory_space<vmem>>
        %dma_wait3A_260 = arith.constant 0 : i32
        %dma_wait3A_261 = tpu.memref_slice %arg8[%select_n3A_221, %select_n3A_237, %dma_wait3A_260] : memref<2x8x128xi32, #tpu.memory_space<vmem>> -> memref<1x1x128xi32, #tpu.memory_space<vmem>>
        %dma_wait3A_262 = tpu.memref_squeeze %dma_wait3A_261 : memref<1x1x128xi32, #tpu.memory_space<vmem>> -> memref<128xi32, #tpu.memory_space<vmem>>
        %dma_wait3A_263 = arith.constant 0 : i32
        %dma_wait3A_264 = arith.constant 0 : i32
        %dma_wait3A_265 = tpu.memref_slice %arg10[%dma_wait3A_263, %dma_wait3A_264] : memref<10240x128xf32, #tpu.memory_space<vmem_shared>> -> memref<10240x128xf32, #tpu.memory_space<vmem_shared>>
        tpu.wait_indirect_dma semaphore(%run_scoped3A_245 : memref<!tpu.dma_semaphore, #tpu.memory_space<semaphore_mem>>) src(%dma_wait3A_259 : memref<128x128xf32, #tpu.memory_space<vmem>>) dst(%dma_wait3A_265 : memref<10240x128xf32, #tpu.memory_space<vmem_shared>>)
        tpu.yield
      }) : () -> ()
      %add3A_239 = arith.constant 2 : i32
      %add3A_240 = arith.addi %add3A_168, %add3A_239 : i32
      %lt3A_241 = arith.cmpi slt, %add3A_240, %select_n3A : i32
      %convert_element_type3A_242 = arith.extui %lt3A_241 : i1 to i32
      %cond3A_243 = arith.constant 0 : i32
      %cond3A_244 = arith.cmpi ne, %convert_element_type3A_242, %cond3A_243 : i32
      scf.if %cond3A_244 {
        %jit3A_245 = arith.constant 8 : i32
        %div3A_246 = arith.divsi %add3A_240, %jit3A_245 : i32
        %sign3A_247 = arith.constant 0 : i32
        %sign3A_248 = arith.cmpi sgt, %add3A_240, %sign3A_247 : i32
        %sign3A_249 = arith.extui %sign3A_248 : i1 to i32
        %sign3A_250 = arith.constant 0 : i32
        %sign3A_251 = arith.cmpi slt, %add3A_240, %sign3A_250 : i32
        %sign3A_252 = arith.extui %sign3A_251 : i1 to i32
        %sign3A_253 = arith.subi %sign3A_249, %sign3A_252 : i32
        %sign3A_254 = arith.constant 0 : i32
        %sign3A_255 = arith.cmpi sgt, %jit3A_245, %sign3A_254 : i32
        %sign3A_256 = arith.extui %sign3A_255 : i1 to i32
        %sign3A_257 = arith.constant 0 : i32
        %sign3A_258 = arith.cmpi slt, %jit3A_245, %sign3A_257 : i32
        %sign3A_259 = arith.extui %sign3A_258 : i1 to i32
        %sign3A_260 = arith.subi %sign3A_256, %sign3A_259 : i32
        %ne3A_261 = arith.cmpi ne, %sign3A_253, %sign3A_260 : i32
        %rem3A_262 = arith.remsi %add3A_240, %jit3A_245 : i32
        %ne3A_263 = arith.constant 0 : i32
        %ne3A_264 = arith.cmpi ne, %rem3A_262, %ne3A_263 : i32
        %and3A_265 = arith.andi %ne3A_261, %ne3A_264 : i1
        %sub3A_266 = arith.constant 1 : i32
        %sub3A_267 = arith.subi %div3A_246, %sub3A_266 : i32
        %select_n3A_268 = arith.select %and3A_265, %sub3A_267, %div3A_246 : i32
        %jit3A_269 = arith.constant 2 : i32
        %eq3A_270 = arith.constant 0 : i32
        %eq3A_271 = arith.cmpi eq, %jit3A_269, %eq3A_270 : i32
        %jit3A_272 = arith.constant 1 : i32
        %select_n3A_273 = arith.select %eq3A_271, %jit3A_272, %jit3A_269 : i32
        %rem3A_274 = arith.remsi %select_n3A_268, %select_n3A_273 : i32
        %ne3A_275 = arith.constant 0 : i32
        %ne3A_276 = arith.cmpi ne, %rem3A_274, %ne3A_275 : i32
        %lt3A_277 = arith.constant 0 : i32
        %lt3A_278 = arith.cmpi slt, %rem3A_274, %lt3A_277 : i32
        %lt3A_279 = arith.constant 0 : i32
        %lt3A_280 = arith.cmpi slt, %select_n3A_273, %lt3A_279 : i32
        %ne3A_281 = arith.xori %lt3A_278, %lt3A_280 : i1
        %and3A_282 = arith.andi %ne3A_281, %ne3A_276 : i1
        %add3A_283 = arith.addi %rem3A_274, %select_n3A_273 : i32
        %select_n3A_284 = arith.select %and3A_282, %add3A_283, %rem3A_274 : i32
        %jit3A_285 = arith.constant 8 : i32
        %eq3A_286 = arith.constant 0 : i32
        %eq3A_287 = arith.cmpi eq, %jit3A_285, %eq3A_286 : i32
        %jit3A_288 = arith.constant 1 : i32
        %select_n3A_289 = arith.select %eq3A_287, %jit3A_288, %jit3A_285 : i32
        %rem3A_290 = arith.remsi %add3A_240, %select_n3A_289 : i32
        %ne3A_291 = arith.constant 0 : i32
        %ne3A_292 = arith.cmpi ne, %rem3A_290, %ne3A_291 : i32
        %lt3A_293 = arith.constant 0 : i32
        %lt3A_294 = arith.cmpi slt, %rem3A_290, %lt3A_293 : i32
        %lt3A_295 = arith.constant 0 : i32
        %lt3A_296 = arith.cmpi slt, %select_n3A_289, %lt3A_295 : i32
        %ne3A_297 = arith.xori %lt3A_294, %lt3A_296 : i1
        %and3A_298 = arith.andi %ne3A_297, %ne3A_292 : i1
        %add3A_299 = arith.addi %rem3A_290, %select_n3A_289 : i32
        %select_n3A_300 = arith.select %and3A_298, %add3A_299, %rem3A_290 : i32
        %dma_start3A_301 = arith.constant 1 : i32
        %dma_start3A_302 = arith.constant 0 : i32
        %dma_start3A_303 = arith.constant 0 : i32
        %dma_start3A_304 = tpu.memref_slice %arg9[%dma_start3A_301, %dma_start3A_302, %dma_start3A_303] : memref<2x128x128xf32, #tpu.memory_space<vmem>> -> memref<1x128x128xf32, #tpu.memory_space<vmem>>
        %dma_start3A_305 = tpu.memref_squeeze %dma_start3A_304 : memref<1x128x128xf32, #tpu.memory_space<vmem>> -> memref<128x128xf32, #tpu.memory_space<vmem>>
        %dma_start3A_306 = arith.constant 0 : i32
        %dma_start3A_307 = tpu.memref_slice %arg7[%select_n3A_284, %select_n3A_300, %dma_start3A_306] : memref<2x8x128xi32, #tpu.memory_space<vmem>> -> memref<1x1x128xi32, #tpu.memory_space<vmem>>
        %dma_start3A_308 = tpu.memref_squeeze %dma_start3A_307 : memref<1x1x128xi32, #tpu.memory_space<vmem>> -> memref<128xi32, #tpu.memory_space<vmem>>
        %dma_start3A_309 = arith.constant 0 : i32
        %dma_start3A_310 = arith.constant 0 : i32
        %dma_start3A_311 = tpu.memref_slice %arg2[%dma_start3A_309, %dma_start3A_310] : memref<10240x128xf32, #tpu.memory_space<hbm>> -> memref<10240x128xf32, #tpu.memory_space<hbm>>
        tpu.enqueue_indirect_dma source(%dma_start3A_311 : memref<10240x128xf32, #tpu.memory_space<hbm>>) target(%dma_start3A_305 : memref<128x128xf32, #tpu.memory_space<vmem>>) offsets(%dma_start3A_308 : memref<128xi32, #tpu.memory_space<vmem>>) semaphore(%arg12 : memref<!tpu.dma_semaphore, #tpu.memory_space<semaphore_mem>>)
      } else {
      }
    }
    %barrier3A_64 = arith.constant 0 : index
    tpu.barrier barrier_id(%barrier3A_64)
    "tpu.region"() ({
      %run_scoped3A_65 = tpu.sem_alloc : memref<!tpu.dma_semaphore, #tpu.memory_space<semaphore_mem>>
      %dma_start3A_66 = arith.constant 0 : i32
      %dma_start3A_67 = tpu.memref_slice %arg6[%arg0, %mul3A_0, %dma_start3A_66] : memref<2x10240x128xf32, #tpu.memory_space<hbm>> -> memref<1x640x128xf32, #tpu.memory_space<hbm>>
      %dma_start3A_68 = tpu.memref_squeeze %dma_start3A_67 : memref<1x640x128xf32, #tpu.memory_space<hbm>> -> memref<640x128xf32, #tpu.memory_space<hbm>>
      %dma_start3A_69 = arith.constant 0 : i32
      %dma_start3A_70 = tpu.memref_slice %arg10[%mul3A_0, %dma_start3A_69] : memref<10240x128xf32, #tpu.memory_space<vmem_shared>> -> memref<640x128xf32, #tpu.memory_space<vmem_shared>>
      tpu.enqueue_dma source(%dma_start3A_70 : memref<640x128xf32, #tpu.memory_space<vmem_shared>>) target(%dma_start3A_68 : memref<640x128xf32, #tpu.memory_space<hbm>>) target_semaphore(%run_scoped3A_65 : memref<!tpu.dma_semaphore, #tpu.memory_space<semaphore_mem>>)
      %dma_wait3A = arith.constant 0 : i32
      %dma_wait3A_71 = tpu.memref_slice %arg6[%arg0, %mul3A_0, %dma_wait3A] : memref<2x10240x128xf32, #tpu.memory_space<hbm>> -> memref<1x640x128xf32, #tpu.memory_space<hbm>>
      %dma_wait3A_72 = tpu.memref_squeeze %dma_wait3A_71 : memref<1x640x128xf32, #tpu.memory_space<hbm>> -> memref<640x128xf32, #tpu.memory_space<hbm>>
      %dma_wait3A_73 = arith.constant 0 : i32
      %dma_wait3A_74 = tpu.memref_slice %arg10[%mul3A_0, %dma_wait3A_73] : memref<10240x128xf32, #tpu.memory_space<vmem_shared>> -> memref<640x128xf32, #tpu.memory_space<vmem_shared>>
      tpu.wait_dma2 semaphore(%run_scoped3A_65 : memref<!tpu.dma_semaphore, #tpu.memory_space<semaphore_mem>>) src(%dma_wait3A_74 : memref<640x128xf32, #tpu.memory_space<vmem_shared>>) dst(%dma_wait3A_72 : memref<640x128xf32, #tpu.memory_space<hbm>>)
      tpu.yield
    }) : () -> ()
    return
  }
}

module attributes {stable_mosaic.version = 14 : i64} {
  func.func @_tc0_body(%arg0: memref<10240x128xf32, #tpu.memory_space<vmem>>, %arg1: memref<128x128xf32, #tpu.memory_space<vmem>>, %arg2: memref<2x10240x128xf32, #tpu.memory_space<vmem>>, %arg3: memref<10240x128xf32, #tpu.memory_space<vmem>>) attributes {dimension_semantics = [], scalar_prefetch = 0 : i64, scratch_operands = 0 : i64, tpu.core_type = #tpu.core_type<tc>} {
    %get3A = arith.constant 0 : index
    %get3A_0 = arith.constant 0 : index
    %get3A_1 = vector.load %arg0[%get3A, %get3A_0] : memref<10240x128xf32, #tpu.memory_space<vmem>>, vector<10240x128xf32>
    %get3A_2 = arith.constant 0 : index
    %get3A_3 = arith.constant 0 : index
    %get3A_4 = vector.load %arg1[%get3A_2, %get3A_3] : memref<128x128xf32, #tpu.memory_space<vmem>>, vector<128x128xf32>
    %dot_general3A = arith.constant dense<0.000000e+00> : vector<10240x128xf32>
    %dot_general3A_5 = tpu.matmul %get3A_1, %get3A_4, %dot_general3A {dimension_numbers = #tpu.dot_dimension_numbers<[1], [0], [0], [1], [0, 0, 1, 1], [], []>, transpose_lhs_hint = false} : vector<10240x128xf32>, vector<128x128xf32>, vector<10240x128xf32> -> vector<10240x128xf32>
    %get3A_6 = arith.constant 0 : index
    %get3A_7 = arith.constant 0 : index
    %get3A_8 = arith.constant 0 : index
    %get3A_9 = vector.load %arg2[%get3A_6, %get3A_7, %get3A_8] : memref<2x10240x128xf32, #tpu.memory_space<vmem>>, vector<1x10240x128xf32>
    %get3A_10 = vector.shape_cast %get3A_9 : vector<1x10240x128xf32> to vector<10240x128xf32>
    %get3A_11 = arith.constant 1 : index
    %get3A_12 = arith.constant 0 : index
    %get3A_13 = arith.constant 0 : index
    %get3A_14 = vector.load %arg2[%get3A_11, %get3A_12, %get3A_13] : memref<2x10240x128xf32, #tpu.memory_space<vmem>>, vector<1x10240x128xf32>
    %get3A_15 = vector.shape_cast %get3A_14 : vector<1x10240x128xf32> to vector<10240x128xf32>
    %add3A = arith.addf %get3A_10, %get3A_15 : vector<10240x128xf32>
    %slice3A = vector.extract_strided_slice %add3A {offsets = [0, 0], sizes = [10240, 1], strides = [1, 1]} : vector<10240x128xf32> to vector<10240x1xf32>
    %add3A_16 = arith.constant 1.000000e+00 : f32
    %add3A_17 = vector.broadcast %add3A_16 : f32 to vector<10240x1xf32>
    %add3A_18 = arith.addf %slice3A, %add3A_17 : vector<10240x1xf32>
    %rsqrt3A = math.rsqrt %add3A_18 : vector<10240x1xf32>
    %mul3A = vector.broadcast %rsqrt3A : vector<10240x1xf32> to vector<10240x128xf32>
    %mul3A_19 = arith.mulf %dot_general3A_5, %mul3A : vector<10240x128xf32>
    %swap3A = arith.constant 0 : index
    %swap3A_20 = arith.constant 0 : index
    %swap3A_21 = vector.load %arg3[%swap3A, %swap3A_20] : memref<10240x128xf32, #tpu.memory_space<vmem>>, vector<10240x128xf32>
    tpu.vector_store %arg3[%swap3A, %swap3A_20], %mul3A_19 {strides = array<i32>} : memref<10240x128xf32, #tpu.memory_space<vmem>>, vector<10240x128xf32>,
    return
  }
}

module attributes {stable_mosaic.version = 14 : i64} {
  func.func @_tcmid_body(%arg0: memref<2x10240x128xf32, #tpu.memory_space<vmem>>, %arg1: memref<10240x128xf32, #tpu.memory_space<vmem>>, %arg2: memref<2x10240x128xf32, #tpu.memory_space<vmem>>, %arg3: memref<128x128xf32, #tpu.memory_space<vmem>>, %arg4: memref<1x128xf32, #tpu.memory_space<vmem>>, %arg5: memref<10240x128xf32, #tpu.memory_space<vmem>>) attributes {dimension_semantics = [], scalar_prefetch = 0 : i64, scratch_operands = 0 : i64, tpu.core_type = #tpu.core_type<tc>} {
    %get3A = arith.constant 0 : index
    %get3A_0 = arith.constant 0 : index
    %get3A_1 = arith.constant 0 : index
    %get3A_2 = vector.load %arg2[%get3A, %get3A_0, %get3A_1] : memref<2x10240x128xf32, #tpu.memory_space<vmem>>, vector<1x10240x128xf32>
    %get3A_3 = vector.shape_cast %get3A_2 : vector<1x10240x128xf32> to vector<10240x128xf32>
    %get3A_4 = arith.constant 1 : index
    %get3A_5 = arith.constant 0 : index
    %get3A_6 = arith.constant 0 : index
    %get3A_7 = vector.load %arg2[%get3A_4, %get3A_5, %get3A_6] : memref<2x10240x128xf32, #tpu.memory_space<vmem>>, vector<1x10240x128xf32>
    %get3A_8 = vector.shape_cast %get3A_7 : vector<1x10240x128xf32> to vector<10240x128xf32>
    %add3A = arith.addf %get3A_3, %get3A_8 : vector<10240x128xf32>
    %slice3A = vector.extract_strided_slice %add3A {offsets = [0, 0], sizes = [10240, 1], strides = [1, 1]} : vector<10240x128xf32> to vector<10240x1xf32>
    %add3A_9 = arith.constant 1.000000e+00 : f32
    %add3A_10 = vector.broadcast %add3A_9 : f32 to vector<10240x1xf32>
    %add3A_11 = arith.addf %slice3A, %add3A_10 : vector<10240x1xf32>
    %rsqrt3A = math.rsqrt %add3A_11 : vector<10240x1xf32>
    %get3A_12 = arith.constant 0 : index
    %get3A_13 = arith.constant 0 : index
    %get3A_14 = arith.constant 0 : index
    %get3A_15 = vector.load %arg0[%get3A_12, %get3A_13, %get3A_14] : memref<2x10240x128xf32, #tpu.memory_space<vmem>>, vector<1x10240x128xf32>
    %get3A_16 = vector.shape_cast %get3A_15 : vector<1x10240x128xf32> to vector<10240x128xf32>
    %get3A_17 = arith.constant 1 : index
    %get3A_18 = arith.constant 0 : index
    %get3A_19 = arith.constant 0 : index
    %get3A_20 = vector.load %arg0[%get3A_17, %get3A_18, %get3A_19] : memref<2x10240x128xf32, #tpu.memory_space<vmem>>, vector<1x10240x128xf32>
    %get3A_21 = vector.shape_cast %get3A_20 : vector<1x10240x128xf32> to vector<10240x128xf32>
    %add3A_22 = arith.addf %get3A_16, %get3A_21 : vector<10240x128xf32>
    %get3A_23 = arith.constant 0 : index
    %get3A_24 = arith.constant 0 : index
    %get3A_25 = vector.load %arg1[%get3A_23, %get3A_24] : memref<10240x128xf32, #tpu.memory_space<vmem>>, vector<10240x128xf32>
    %add3A_26 = arith.addf %add3A_22, %get3A_25 : vector<10240x128xf32>
    %mul3A = vector.broadcast %rsqrt3A : vector<10240x1xf32> to vector<10240x128xf32>
    %mul3A_27 = arith.mulf %mul3A, %add3A_26 : vector<10240x128xf32>
    %get3A_28 = arith.constant 0 : index
    %get3A_29 = arith.constant 0 : index
    %get3A_30 = vector.load %arg4[%get3A_28, %get3A_29] : memref<1x128xf32, #tpu.memory_space<vmem>>, vector<1x128xf32>
    %add3A_31 = vector.broadcast %get3A_30 : vector<1x128xf32> to vector<10240x128xf32>
    %add3A_32 = arith.addf %mul3A_27, %add3A_31 : vector<10240x128xf32>
    %max3A = arith.constant 0.000000e+00 : f32
    %max3A_33 = vector.broadcast %max3A : f32 to vector<10240x128xf32>
    %max3A_34 = arith.maximumf %add3A_32, %max3A_33 : vector<10240x128xf32>
    %get3A_35 = arith.constant 0 : index
    %get3A_36 = arith.constant 0 : index
    %get3A_37 = vector.load %arg3[%get3A_35, %get3A_36] : memref<128x128xf32, #tpu.memory_space<vmem>>, vector<128x128xf32>
    %dot_general3A = arith.constant dense<0.000000e+00> : vector<10240x128xf32>
    %dot_general3A_38 = tpu.matmul %max3A_34, %get3A_37, %dot_general3A {dimension_numbers = #tpu.dot_dimension_numbers<[1], [0], [0], [1], [0, 0, 1, 1], [], []>, transpose_lhs_hint = false} : vector<10240x128xf32>, vector<128x128xf32>, vector<10240x128xf32> -> vector<10240x128xf32>
    %mul3A_39 = vector.broadcast %rsqrt3A : vector<10240x1xf32> to vector<10240x128xf32>
    %mul3A_40 = arith.mulf %dot_general3A_38, %mul3A_39 : vector<10240x128xf32>
    %swap3A = arith.constant 0 : index
    %swap3A_41 = arith.constant 0 : index
    %swap3A_42 = vector.load %arg5[%swap3A, %swap3A_41] : memref<10240x128xf32, #tpu.memory_space<vmem>>, vector<10240x128xf32>
    tpu.vector_store %arg5[%swap3A, %swap3A_41], %mul3A_40 {strides = array<i32>} : memref<10240x128xf32, #tpu.memory_space<vmem>>, vector<10240x128xf32>,
    return
  }
}

module attributes {stable_mosaic.version = 14 : i64} {
  func.func @_tcfin_body(%arg0: memref<2x10240x128xf32, #tpu.memory_space<vmem>>, %arg1: memref<10240x128xf32, #tpu.memory_space<vmem>>, %arg2: memref<2x10240x128xf32, #tpu.memory_space<vmem>>, %arg3: memref<1x128xf32, #tpu.memory_space<vmem>>, %arg4: memref<64x256xf32, #tpu.memory_space<vmem>>, %arg5: memref<256x128xf32, #tpu.memory_space<vmem>>, %arg6: memref<1x128xf32, #tpu.memory_space<vmem>>, %arg7: memref<10240x1xi32, #tpu.memory_space<vmem>>, %arg8: memref<128x128xf32, #tpu.memory_space<vmem>>, %arg9: memref<128x128xf32, #tpu.memory_space<vmem>>, %arg10: memref<1x128xf32, #tpu.memory_space<vmem>>, %arg11: memref<128x64xf32, #tpu.memory_space<vmem>>, %arg12: memref<1x64xf32, #tpu.memory_space<vmem>>, %arg13: memref<10240x64xf32, #tpu.memory_space<vmem>>) attributes {dimension_semantics = [], scalar_prefetch = 0 : i64, scratch_operands = 0 : i64, tpu.core_type = #tpu.core_type<tc>} {
    %get3A = arith.constant 0 : index
    %get3A_0 = arith.constant 0 : index
    %get3A_1 = arith.constant 0 : index
    %get3A_2 = vector.load %arg2[%get3A, %get3A_0, %get3A_1] : memref<2x10240x128xf32, #tpu.memory_space<vmem>>, vector<1x10240x128xf32>
    %get3A_3 = vector.shape_cast %get3A_2 : vector<1x10240x128xf32> to vector<10240x128xf32>
    %get3A_4 = arith.constant 1 : index
    %get3A_5 = arith.constant 0 : index
    %get3A_6 = arith.constant 0 : index
    %get3A_7 = vector.load %arg2[%get3A_4, %get3A_5, %get3A_6] : memref<2x10240x128xf32, #tpu.memory_space<vmem>>, vector<1x10240x128xf32>
    %get3A_8 = vector.shape_cast %get3A_7 : vector<1x10240x128xf32> to vector<10240x128xf32>
    %add3A = arith.addf %get3A_3, %get3A_8 : vector<10240x128xf32>
    %slice3A = vector.extract_strided_slice %add3A {offsets = [0, 0], sizes = [10240, 1], strides = [1, 1]} : vector<10240x128xf32> to vector<10240x1xf32>
    %add3A_9 = arith.constant 1.000000e+00 : f32
    %add3A_10 = vector.broadcast %add3A_9 : f32 to vector<10240x1xf32>
    %add3A_11 = arith.addf %slice3A, %add3A_10 : vector<10240x1xf32>
    %rsqrt3A = math.rsqrt %add3A_11 : vector<10240x1xf32>
    %get3A_12 = arith.constant 0 : index
    %get3A_13 = arith.constant 0 : index
    %get3A_14 = arith.constant 0 : index
    %get3A_15 = vector.load %arg0[%get3A_12, %get3A_13, %get3A_14] : memref<2x10240x128xf32, #tpu.memory_space<vmem>>, vector<1x10240x128xf32>
    %get3A_16 = vector.shape_cast %get3A_15 : vector<1x10240x128xf32> to vector<10240x128xf32>
    %get3A_17 = arith.constant 1 : index
    %get3A_18 = arith.constant 0 : index
    %get3A_19 = arith.constant 0 : index
    %get3A_20 = vector.load %arg0[%get3A_17, %get3A_18, %get3A_19] : memref<2x10240x128xf32, #tpu.memory_space<vmem>>, vector<1x10240x128xf32>
    %get3A_21 = vector.shape_cast %get3A_20 : vector<1x10240x128xf32> to vector<10240x128xf32>
    %add3A_22 = arith.addf %get3A_16, %get3A_21 : vector<10240x128xf32>
    %get3A_23 = arith.constant 0 : index
    %get3A_24 = arith.constant 0 : index
    %get3A_25 = vector.load %arg1[%get3A_23, %get3A_24] : memref<10240x128xf32, #tpu.memory_space<vmem>>, vector<10240x128xf32>
    %add3A_26 = arith.addf %add3A_22, %get3A_25 : vector<10240x128xf32>
    %mul3A = vector.broadcast %rsqrt3A : vector<10240x1xf32> to vector<10240x128xf32>
    %mul3A_27 = arith.mulf %mul3A, %add3A_26 : vector<10240x128xf32>
    %get3A_28 = arith.constant 0 : index
    %get3A_29 = arith.constant 0 : index
    %get3A_30 = vector.load %arg3[%get3A_28, %get3A_29] : memref<1x128xf32, #tpu.memory_space<vmem>>, vector<1x128xf32>
    %add3A_31 = vector.broadcast %get3A_30 : vector<1x128xf32> to vector<10240x128xf32>
    %add3A_32 = arith.addf %mul3A_27, %add3A_31 : vector<10240x128xf32>
    %max3A = arith.constant 0.000000e+00 : f32
    %max3A_33 = vector.broadcast %max3A : f32 to vector<10240x128xf32>
    %max3A_34 = arith.maximumf %add3A_32, %max3A_33 : vector<10240x128xf32>
    %get3A_35 = arith.constant 0 : index
    %get3A_36 = arith.constant 0 : index
    %get3A_37 = vector.load %arg4[%get3A_35, %get3A_36] : memref<64x256xf32, #tpu.memory_space<vmem>>, vector<64x256xf32>
    %get3A_38 = arith.constant 0 : index
    %get3A_39 = arith.constant 0 : index
    %get3A_40 = vector.load %arg5[%get3A_38, %get3A_39] : memref<256x128xf32, #tpu.memory_space<vmem>>, vector<256x128xf32>
    %dot_general3A = arith.constant dense<0.000000e+00> : vector<64x128xf32>
    %dot_general3A_41 = tpu.matmul %get3A_37, %get3A_40, %dot_general3A {dimension_numbers = #tpu.dot_dimension_numbers<[1], [0], [0], [1], [0, 0, 1, 1], [], []>, transpose_lhs_hint = false} : vector<64x256xf32>, vector<256x128xf32>, vector<64x128xf32> -> vector<64x128xf32>
    %get3A_42 = arith.constant 0 : index
    %get3A_43 = arith.constant 0 : index
    %get3A_44 = vector.load %arg6[%get3A_42, %get3A_43] : memref<1x128xf32, #tpu.memory_space<vmem>>, vector<1x128xf32>
    %add3A_45 = vector.broadcast %get3A_44 : vector<1x128xf32> to vector<64x128xf32>
    %add3A_46 = arith.addf %dot_general3A_41, %add3A_45 : vector<64x128xf32>
    %max3A_47 = arith.constant 0.000000e+00 : f32
    %max3A_48 = vector.broadcast %max3A_47 : f32 to vector<64x128xf32>
    %max3A_49 = arith.maximumf %add3A_46, %max3A_48 : vector<64x128xf32>
    %get3A_50 = arith.constant 0 : index
    %get3A_51 = arith.constant 0 : index
    %get3A_52 = vector.load %arg9[%get3A_50, %get3A_51] : memref<128x128xf32, #tpu.memory_space<vmem>>, vector<128x128xf32>
    %dot_general3A_53 = arith.constant dense<0.000000e+00> : vector<64x128xf32>
    %dot_general3A_54 = tpu.matmul %max3A_49, %get3A_52, %dot_general3A_53 {dimension_numbers = #tpu.dot_dimension_numbers<[1], [0], [0], [1], [0, 0, 1, 1], [], []>, transpose_lhs_hint = false} : vector<64x128xf32>, vector<128x128xf32>, vector<64x128xf32> -> vector<64x128xf32>
    %get3A_55 = arith.constant 0 : index
    %get3A_56 = arith.constant 0 : index
    %get3A_57 = vector.load %arg7[%get3A_55, %get3A_56] : memref<10240x1xi32, #tpu.memory_space<vmem>>, vector<10240x1xi32>
    %iota3A = tpu.iota {dimensions = array<i32: 1>} : vector<1x64xi32>
    %eq3A = vector.broadcast %get3A_57 : vector<10240x1xi32> to vector<10240x64xi32>
    %eq3A_58 = vector.broadcast %iota3A : vector<1x64xi32> to vector<10240x64xi32>
    %eq3A_59 = arith.cmpi eq, %eq3A, %eq3A_58 : vector<10240x64xi32>
    %convert_element_type3A = arith.extui %eq3A_59 : vector<10240x64xi1> to vector<10240x64xi32>
    %convert_element_type3A_60 = arith.sitofp %convert_element_type3A : vector<10240x64xi32> to vector<10240x64xf32>
    %get3A_61 = arith.constant 0 : index
    %get3A_62 = arith.constant 0 : index
    %get3A_63 = vector.load %arg8[%get3A_61, %get3A_62] : memref<128x128xf32, #tpu.memory_space<vmem>>, vector<128x128xf32>
    %dot_general3A_64 = arith.constant dense<0.000000e+00> : vector<10240x128xf32>
    %dot_general3A_65 = tpu.matmul %max3A_34, %get3A_63, %dot_general3A_64 {dimension_numbers = #tpu.dot_dimension_numbers<[1], [0], [0], [1], [0, 0, 1, 1], [], []>, transpose_lhs_hint = false} : vector<10240x128xf32>, vector<128x128xf32>, vector<10240x128xf32> -> vector<10240x128xf32>
    %dot_general3A_66 = arith.constant dense<0.000000e+00> : vector<10240x128xf32>
    %dot_general3A_67 = tpu.matmul %convert_element_type3A_60, %dot_general3A_54, %dot_general3A_66 {dimension_numbers = #tpu.dot_dimension_numbers<[1], [0], [0], [1], [0, 0, 1, 1], [], []>, transpose_lhs_hint = false} : vector<10240x64xf32>, vector<64x128xf32>, vector<10240x128xf32> -> vector<10240x128xf32>
    %add3A_68 = arith.addf %dot_general3A_65, %dot_general3A_67 : vector<10240x128xf32>
    %get3A_69 = arith.constant 0 : index
    %get3A_70 = arith.constant 0 : index
    %get3A_71 = vector.load %arg10[%get3A_69, %get3A_70] : memref<1x128xf32, #tpu.memory_space<vmem>>, vector<1x128xf32>
    %add3A_72 = vector.broadcast %get3A_71 : vector<1x128xf32> to vector<10240x128xf32>
    %add3A_73 = arith.addf %add3A_68, %add3A_72 : vector<10240x128xf32>
    %max3A_74 = arith.constant 0.000000e+00 : f32
    %max3A_75 = vector.broadcast %max3A_74 : f32 to vector<10240x128xf32>
    %max3A_76 = arith.maximumf %add3A_73, %max3A_75 : vector<10240x128xf32>
    %get3A_77 = arith.constant 0 : index
    %get3A_78 = arith.constant 0 : index
    %get3A_79 = vector.load %arg11[%get3A_77, %get3A_78] : memref<128x64xf32, #tpu.memory_space<vmem>>, vector<128x64xf32>
    %dot_general3A_80 = arith.constant dense<0.000000e+00> : vector<10240x64xf32>
    %dot_general3A_81 = tpu.matmul %max3A_76, %get3A_79, %dot_general3A_80 {dimension_numbers = #tpu.dot_dimension_numbers<[1], [0], [0], [1], [0, 0, 1, 1], [], []>, transpose_lhs_hint = false} : vector<10240x128xf32>, vector<128x64xf32>, vector<10240x64xf32> -> vector<10240x64xf32>
    %get3A_82 = arith.constant 0 : index
    %get3A_83 = arith.constant 0 : index
    %get3A_84 = vector.load %arg12[%get3A_82, %get3A_83] : memref<1x64xf32, #tpu.memory_space<vmem>>, vector<1x64xf32>
    %add3A_85 = vector.broadcast %get3A_84 : vector<1x64xf32> to vector<10240x64xf32>
    %add3A_86 = arith.addf %dot_general3A_81, %add3A_85 : vector<10240x64xf32>
    %swap3A = arith.constant 0 : index
    %swap3A_87 = arith.constant 0 : index
    %swap3A_88 = vector.load %arg13[%swap3A, %swap3A_87] : memref<10240x64xf32, #tpu.memory_space<vmem>>, vector<10240x64xf32>
    tpu.vector_store %arg13[%swap3A, %swap3A_87], %add3A_86 {strides = array<i32>} : memref<10240x64xf32, #tpu.memory_space<vmem>>, vector<10240x64xf32>,
    return
  }
}

</mosaic_0001>

<sc_bundles>
// kernel: kernel.10.cloned.1.call-start
scs
__scs_entry_jumppad:
0x0: {  	(pc) =	sbr.rel $0x88, $3  }
0x1: {  	(tag) =	ssettag $0x0;
	lr =	simm.s32 $0x1  }
0x2: {  	[smem:$0x3F91] =	sst lr;
	_ =	strace $0xD0000000  }
0x3: {  	_ = 	snop  }
0x4: {  	_ = 	snop  }
0x5: {  	_ = 	snop  }
0x6: {  	_ = 	snop  }
0x7: {  	_ = 	snop  }
__scs_overlays_trampoline_lowered:
0x8: {  	[smem:$0x3FA0] =	sst s0  }
0x9: {  	[smem:$0x3FA1] =	sst s1  }
0xa: {  	[smem:$0x3FA2] =	sst s2  }
0xb: {  	[smem:$0x3FA3] =	sst s3  }
0xc: {  	[smem:$0x3FA4] =	sst s4  }
0xd: {  	[smem:$0x3FA5] =	sst s5  }
0xe: {  	[smem:$0x3FA6] =	sst s6  }
0xf: {  	[smem:$0x3FA7] =	sst s7  }
0x10: {  	[smem:$0x3FA8] =	sst s8  }
0x11: {  	[smem:$0x3FA9] =	sst s9;
	s0 =	simm.s32 @!p0 $0x0  }
0x12: {  	s1 =	sld [smem:$0x3F8F];
	s0 =	simm.s32 @p0 $0x1  }
0x13: {  	[smem:$0x3FAA] =	sst s0;
	s0 =	simm.s32 @!p1 $0x0  }
0x14: {  	s2 =	sld [smem:$0x3F8E];
	s0 =	simm.s32 @p1 $0x1  }
0x15: {  	[smem:$0x3FAB] =	sst s0;
	s0 =	simm.s32 @!p2 $0x0  }
0x16: {  	s3 =	sld [smem:$0x3FDB];
	s0 =	simm.s32 @p2 $0x1  }
0x17: {  	s4 =	simm.s32 $0x1BF5;
	[smem:$0x3FAD] =	sst s0  }
0x18: {  	s0 =	sld [smem:$0x3F90];
	_ =	swait.ge [sflag:s4], $0x0  }
0x19: {  	s7 =	sld [smem:$0x3F91]  }
0x1a: {  	s8 =	sadd.s32 $0xFFFFE003, lr  }
0x1b: {  	s9 =	sadd.s32 $0xFFFFFEF7, lr;
	s5 =	simm.s32 $0xFFFFFFFF;
	p2 =	slt.u32 s8, $0xFFFFF086  }
0x1c: {  	p1 =	slt.u32 s9, $0xF7A;
	s5 =	simm.s32 @!p2 $0x0  }
0x1d: {  	s5 =	simm.s32 @p1 $0x1;
	p0 =	seq.s32 s7, s2  }
0x1e: {  	s7 =	smul.u32 @!p0 $0xF7A, s2;
	p2 =	seq.s32 @!p0 s5, $0x0  }
0x1f: {  	s9 =	smul.u32 $0xF7A, s1;
	s8 =	simm.s32 @!p0 $0x1BF5;
	p2 =	por !p2, p0  }
0x20: {  	[sflag:s8] =	ssyncset.s32 @!p0 $0xFFFFF086;
	s6 =	sadd.s32 @!p0 s3, s7;
	s7 =	simm.s32 @!p0 $0x108  }
0x21: {  	s3 =	sadd.s32 s3, s9;
	s6 =	sadd.s32 @!p0 $0x88, s6;
	s7 =	simm.s32 @p2 $0x1082  }
0x22: {  	[simem:s7], [sflag:s8] =	dma.local @!p0 [hbm:s6], $0xF7A  }
0x23: {  	s9 =	sor.u32 $0xD0000000, s2;
	s6 =	simm.s32 $0x108;
	_ =	swait.ge @!p0 [sflag:s8], $0x0  }
0x24: {  	s3 =	sadd.s32 $0x88, s3;
	s6 =	simm.s32 @!p1 $0x1082;
	[sflag:s4] =	ssyncset.s32 $0xFFFFF086  }
0x25: {  	[simem:s6], [sflag:s4] =	dma.local [hbm:s3], $0xF7A  }
0x26: {  	[smem:$0x3F91] =	sst s1;
	(tag) =	ssettag s2;
	_ =	strace s9  }
0x27: {  	s1 =	sld [smem:$0x3FA1]  }
0x28: {  	s2 =	sld [smem:$0x3FA2]  }
0x29: {  	s4 =	sld [smem:$0x3FA4]  }
0x2a: {  	p0 =	seq.s32 s5, $0x0;
	s5 =	sld [smem:$0x3FA5]  }
0x2b: {  	s6 =	sld [smem:$0x3FA6]  }
0x2c: {  	s7 =	sld [smem:$0x3FA7]  }
0x2d: {  	s3 =	simm.s32 $0x108;
	s8 =	sld [smem:$0x3FA8]  }
0x2e: {  	s3 =	simm.s32 @!p0 $0x1082;
	s9 =	sld [smem:$0x3FA9]  }
0x2f: {  	lr =	sadd.s32 s0, s3;
	s0 =	sld [smem:$0x3FA0]  }
0x30: {  	s3 =	sld [smem:$0x3FA3]  }
0x31: {  	[smem:$0x3FAC] =	sst s10  }
0x32: {  	s10 =	sld [smem:$0x3FAA];
	_ =	sdelay $0x3  }
0x33: {  	p0 =	seq.s32 s10, $0x1;
	s10 =	sld [smem:$0x3FAC];
	_ =	sdelay $0x3  }
0x34: {  	[smem:$0x3FAC] =	sst s10  }
0x35: {  	s10 =	sld [smem:$0x3FAB];
	_ =	sdelay $0x3  }
0x36: {  	p1 =	seq.s32 s10, $0x1;
	s10 =	sld [smem:$0x3FAC];
	_ =	sdelay $0x3  }
0x37: {  	[smem:$0x3FAC] =	sst s10  }
0x38: {  	s10 =	sld [smem:$0x3FAD]  }
0x39: {  	_ = 	snop;
	(pc) =	sbr.ind lr, $3  }
0x3a: {  	_ = 	snop  }
0x3b: {  	_ = 	snop  }
0x3c: {  	p2 =	seq.s32 s10, $0x1;
	s10 =	sld [smem:$0x3FAC]  }
0x3d: {  	_ =	shalt  }
0x3e: {  	_ =	shalt  }
0x3f: {  	_ =	shalt  }
0x40: {  	_ =	shalt  }
0x41: {  	_ =	shalt  }
0x42: {  	_ =	shalt  }
0x43: {  	_ =	shalt  }
0x44: {  	_ =	shalt  }
0x45: {  	_ =	shalt  }
0x46: {  	_ =	shalt  }
0x47: {  	_ =	shalt  }
0x48: {  	_ =	shalt  }
0x49: {  	_ =	shalt  }
0x4a: {  	_ =	shalt  }
0x4b: {  	_ =	shalt  }
0x4c: {  	_ =	shalt  }
0x4d: {  	_ =	shalt  }
0x4e: {  	_ =	shalt  }
0x4f: {  	_ =	shalt  }
0x50: {  	_ =	shalt  }
0x51: {  	_ =	shalt  }
0x52: {  	_ =	shalt  }
0x53: {  	_ =	shalt  }
0x54: {  	_ =	shalt  }
0x55: {  	_ =	shalt  }
0x56: {  	_ =	shalt  }
0x57: {  	_ =	shalt  }
0x58: {  	_ =	shalt  }
0x59: {  	_ =	shalt  }
0x5a: {  	_ =	shalt  }
0x5b: {  	_ =	shalt  }
0x5c: {  	_ =	shalt  }
0x5d: {  	_ =	shalt  }
0x5e: {  	_ =	shalt  }
0x5f: {  	_ =	shalt  }
0x60: {  	_ =	shalt  }
0x61: {  	_ =	shalt  }
0x62: {  	_ =	shalt  }
0x63: {  	_ =	shalt  }
0x64: {  	_ =	shalt  }
0x65: {  	_ =	shalt  }
0x66: {  	_ =	shalt  }
0x67: {  	_ =	shalt  }
0x68: {  	_ =	shalt  }
0x69: {  	_ =	shalt  }
0x6a: {  	_ =	shalt  }
0x6b: {  	_ =	shalt  }
0x6c: {  	_ =	shalt  }
0x6d: {  	_ =	shalt  }
0x6e: {  	_ =	shalt  }
0x6f: {  	_ =	shalt  }
0x70: {  	_ =	shalt  }
0x71: {  	_ =	shalt  }
0x72: {  	_ =	shalt  }
0x73: {  	_ =	shalt  }
0x74: {  	_ =	shalt  }
0x75: {  	_ =	shalt  }
0x76: {  	_ =	shalt  }
0x77: {  	_ =	shalt  }
0x78: {  	_ =	shalt  }
0x79: {  	_ =	shalt  }
0x7a: {  	_ =	shalt  }
0x7b: {  	_ =	shalt  }
0x7c: {  	_ =	shalt  }
0x7d: {  	_ =	shalt  }
0x7e: {  	_ =	shalt  }
0x7f: {  	_ =	shalt  }
0x80: {  	_ =	shalt  }
0x81: {  	_ =	shalt  }
0x82: {  	_ =	shalt  }
0x83: {  	_ =	shalt  }
0x84: {  	_ =	shalt  }
0x85: {  	_ =	shalt  }
0x86: {  	_ =	shalt  }
0x87: {  	_ =	shalt  }
.Lfunc_end0:
.L_simem_size_0:
called_computation_lowered:
.L_overlay_start_0:
0x88: {  	s2 =	sld [smem:$0x3FD9]  }
0x89: {  	s3 =	sld [smem:$0x3FFE];
	_ =	sdelay $0x1  }
0x8a: {  	s1 =	srdreg.scid  }
0x8b: {  	s0 =	sand.u32 $0x1, s1  }
0x8c: {  	s16 =	sshll.u32 s0, $0xA;
	s2 =	sadd.s32 s3, s2  }
0x8d: {  	s2 =	sadd.s32 s2, s16  }
0x8e: {  	[smem:$0x3FB8] =	sst s2  }
0x8f: {  	_ = 	snop  }
0x90: {  	(tm) =	ssettm $0x1  }
0x91: {  	s17 =	sld [smem:$0x3FFB];
	_ =	sdelay $0x3  }
0x92: {  	_ =	strace s17  }
0x93: {  	s2 =	sld [smem:$0x3FFC];
	_ =	sdelay $0x3  }
0x94: {  	_ =	strace s2  }
0x95: {  	s2 =	sld [smem:$0x3FFD];
	_ =	sdelay $0x3  }
0x96: {  	_ =	strace s2  }
0x97: {  	_ =	strace $0x8FFFFFFF  }
0x98: {  	s18 =	sld [smem:$0x3FDB];
	_ =	sdelay $0x1  }
0x99: {  	s19 =	simm.s32 $_scs_section_size  }
0x9a: {  	s4 =	simm.s32 $_size__tile_overlayer_lowered;
	s5 =	simm.s32 $_tile_overlayer_lowered  }
0x9b: {  	s22 =	simm.s32 $0x1BFF;
	s21 =	sshll.u32 s5, $0x1;
	s2 =	sadd.s32 s19, s18  }
0x9c: {  	s6 =	simm.s32 $0x0;
	s20 =	sshll.u32 s4, $0x1;
	s4 =	sadd.s32 s21, s2  }
0x9d: {  	[timem:s6], [sflag:s22] =	dma.local [hbm:s4], s20  }
0x9e: {  	_ =	swait.ge [sflag:s22], s20  }
0x9f: {  	s3 =	ssub.s32 $0x0, s20;
	[sflag:s22] =	ssyncset.done $0x0  }
0xa0: {  	[sflag:s22] =	ssyncadd.s32 s3;
	_ =	sdelay $0x1  }
0xa1: {  	s23 =	simm.s32 $0x1B8B  }
0xa2: {  	_ =	swait.ge [sflag:s23], $0x1  }
0xa3: {  	[sflag:s23] =	ssyncset.done $0x0  }
0xa4: {  	s25 =	simm.s32 $0x1B8E;
	s24 =	sld [smem:$0x3FFE];
	[sflag:s23] =	ssyncadd.s32 $0xFFFFFFFF  }
0xa5: {  	s26 =	simm.s32 $execute0_lowered;
	[smem:$0x3FD2] =	sst s25  }
0xa6: {  	s4 =	sshll.u32 s26, $0x1;
	_ =	strace $0x80000046;
	[dreg:$0x1] =	wrdreg $0xFFFFFFFF  }
0xa7: {  	s28 =	simm.s32 $_size_execute0_lowered;
	s2 =	sadd.s32 s2, s4;
	[dreg:$0x0] =	wrdreg $0x0  }
0xa8: {  	s4 =	sshll.u32 s28, $0x1;
	[dreg:$0x2] =	wrdreg s2  }
0xa9: {  	[dreg:$0x3] =	wrdreg s4  }
0xaa: {  	[dreg:$0x4] =	wrdreg $0xC0  }
0xab: {  	_ =	task [dreg:s6], $0x5FFFF  }
0xac: {  	[dreg:$0x1] =	wrdreg $0xFFFFFFFF  }
0xad: {  	[dreg:$0x0] =	wrdreg $0x60  }
0xae: {  	[dreg:$0x2] =	wrdreg s24  }
0xaf: {  	[dreg:$0x3] =	wrdreg $0x44000  }
0xb0: {  	[dreg:$0x4] =	wrdreg $0x9  }
0xb1: {  	_ =	task.clear_ibuf [dreg:s6], $0x5FFFF;
	_ =	strace $0x90000046  }
0xb2: {  	s29 =	simm.s32 $0x9;
	_ =	strace $0x80000048  }
0xb3: {  	_ =	swait.ge [sflag:s29], $0x1  }
0xb4: {  	[sflag:s29] =	ssyncadd.s32 $0xFFFFFFFF  }
0xb5: {  	_ =	strace $0x90000048  }
0xb6: {  	_ =	sfence  }
0xb7: {  	s30 =	sld [smem:$0x0];
	_ =	sdelay $0x2  }
0xb8: {  	s31 =	sshll.u32 s1, $0xD;
	s1 =	sshrl.u32 s1, $0x2  }
0xb9: {  	s3 =	sand.u32 $0x4000, s31;
	s1 =	sadd.s32 s1, s30  }
0xba: {  	s0 =	sor.u32 s3, s0;
	s1 =	sshll.u32 s1, $0x11  }
0xbb: {  	s0 =	sor.u32 s1, s0  }
0xbc: {  	s0 =	sadd.s32 $0x8F2B, s0  }
0xbd: {  	[sflag:s0] =	ssyncadd.remote.s32 $0x1  }
0xbe: {  	_ =	sfence.sel $0xFFFF  }
0xbf: {  	[dreg:$0x0] =	wrdreg $0xFFFFFFFF;
	(pc) =	sbr.abs _section_cstart, $3  }
0xc0: {  	[dreg:$0x1] =	wrdreg $0xFFFFFFFF  }
0xc1: {  	_ =	task.clear_ibuf [dreg:s6], $0x2FFFF;
	_ =	strace $0x9FFFFFFF  }
0xc2: {  	(tm) =	ssettm $0x7FFFFFFF  }
0xc3: {  	_ =	shalt  }
tec
execute0_lowered:
.L_overlay_start_1:
0x0: {  	(tag) =	ssettag $0x1  }
0x1: {  	s6 =	rddreg [dreg:$0x0]  }
0x2: {  	s2 =	rddreg [dreg:$0x1]  }
0x3: {  	s0 =	rddreg [dreg:$0x2]  }
0x4: {  	s1 =	stileid.u32;
	s4 =	srdreg.scid;
	s3 =	simm.s32 $0x0  }
0x5: {  	s13 =	simm.s32 $0x80;
	s14 =	simm.s32 $0x100;
	s15 =	simm.s32 $0x180  }
0x6: {  	s16 =	simm.s32 $0x200;
	s17 =	simm.s32 $0x280;
	s18 =	simm.s32 $0x300  }
0x7: {  	s19 =	simm.s32 $0x380;
	s20 =	simm.s32 $0x0;
	s5 =	smul.u32 $0xA00, s1  }
0x8: {  	s7 =	sand.u32 $0x1, s4;
	[smem:$0x7FF] =	sst s3;
	s9 =	smul.u32 $0x14000, s1  }
0x9: {  	s4 =	sadd.s32 $0x11000, s6;
	s11 =	smul.u32 $0x50000, s1;
	s31 =	sshll.u32 s1, $0x6  }
0xa: {  	s8 =	smul.u32 $0x140000, s7;
	_ =	strace $0x80000047;
	s25 =	ssub.s32 $0x2, s7  }
0xb: {  	s7 =	smul.u32 $0x500, s7;
	s10 =	sadd.s32 s5, s6;
	s5 =	sadd.s32 $0xE800, s6  }
0xc: {  	s12 =	sshrl.u32 s25, $0x1;
	s28 =	sshrl.u32 s11, $0x2;
	s11 =	sor.u32 $0x1C01, s31  }
0xd: {  	s8 =	sadd.s32 s9, s8;
	s26 =	ssub.s32 s25, s12;
	s29 =	sadd.s32 s28, s2  }
0xe: {  	s30 =	sadd.s32 s7, s10;
	s9 =	simm.s32 $0x400;
	s8 =	sshrl.u32 s8, $0x3  }
0xf: {  	s10 =	simm.s32 $0x1;
	s7 =	smax.u32 s26, $0x1;
	s6 =	sadd.s32 s8, s6  }
0x10: {  	s12 =	sshrl.u32 s29, $0x3;
	s8 =	sadd.s32 $0x4800, s30;
	s6 =	sadd.s32 $0x11800, s6  }
.LBB2_1:
0x11: {  	[tilespmem:s9], [sflag:$0x1] =	stream.linear.gather [hbm4b:s4+s3], $0x4000, $0x38;
	[tilespmem:$0x18400] =	vst v63  }
0x12: {  	_ =	swait.ge [sflag:s10], $0x4000  }
0x13: {  	[sflag:s10] =	ssyncset.done $0x0  }
0x14: {  	[sflag:s10] =	ssyncadd.s32 $0xFFFFC000  }
0x15: {  	[spmem:s12], [sflag:s11] =	dma.local [hbm:s5], $0x2800  }
0x16: {  	_ =	swait.ge [sflag:s10], $0x2800  }
0x17: {  	[sflag:s10] =	ssyncset.done $0x0  }
0x18: {  	[sflag:s10] =	ssyncadd.s32 $0xFFFFD800  }
0x19: {  	s21 =	sadd.s32 $0x0, s8;
	[bflag:$0x0] =	sbarrier.arrive $0xFFFF  }
0x1a: {  	[tilespmem:s3], [sflag:$0x1] =	stream.linear.gather [hbm4b:s21+s3], $0x400, $0x38;
	[tilespmem:$0x18400] =	vst v63  }
0x1b: {  	_ =	swait.ge [sflag:s10], $0x400  }
0x1c: {  	[sflag:s10] =	ssyncset.done $0x0  }
0x1d: {  	[sflag:s10] =	ssyncadd.s32 $0xFFFFFC00  }
0x1e: {  	[spmem:s2] =	stream.indirect.scatter.add.f32 [tilespmem:s9], [sflag:$0x1], $0x80, s3, s13, $0xb8;
	[tilespmem:$0x18400] =	vst v63  }
0x1f: {  	_ =	swait.ge [sflag:s10], $0x4000  }
0x20: {  	[sflag:s10] =	ssyncset.done $0x0  }
0x21: {  	[sflag:s10] =	ssyncadd.s32 $0xFFFFC000  }
0x22: {  	[spmem:s2] =	stream.indirect.scatter.add.f32 [tilespmem:s9], [sflag:$0x1], $0x80, s13, s13, $0xb8;
	[tilespmem:$0x18400] =	vst v63  }
0x23: {  	_ =	swait.ge [sflag:s10], $0x4000  }
0x24: {  	[sflag:s10] =	ssyncset.done $0x0  }
0x25: {  	[sflag:s10] =	ssyncadd.s32 $0xFFFFC000  }
0x26: {  	[spmem:s2] =	stream.indirect.scatter.add.f32 [tilespmem:s9], [sflag:$0x1], $0x80, s14, s13, $0xb8;
	[tilespmem:$0x18400] =	vst v63  }
0x27: {  	_ =	swait.ge [sflag:s10], $0x4000  }
0x28: {  	[sflag:s10] =	ssyncset.done $0x0  }
0x29: {  	[sflag:s10] =	ssyncadd.s32 $0xFFFFC000  }
0x2a: {  	[spmem:s2] =	stream.indirect.scatter.add.f32 [tilespmem:s9], [sflag:$0x1], $0x80, s15, s13, $0xb8;
	[tilespmem:$0x18400] =	vst v63  }
0x2b: {  	_ =	swait.ge [sflag:s10], $0x4000  }
0x2c: {  	[sflag:s10] =	ssyncset.done $0x0  }
0x2d: {  	[sflag:s10] =	ssyncadd.s32 $0xFFFFC000  }
0x2e: {  	[spmem:s2] =	stream.indirect.scatter.add.f32 [tilespmem:s9], [sflag:$0x1], $0x80, s16, s13, $0xb8;
	[tilespmem:$0x18400] =	vst v63  }
0x2f: {  	_ =	swait.ge [sflag:s10], $0x4000  }
0x30: {  	[sflag:s10] =	ssyncset.done $0x0  }
0x31: {  	[sflag:s10] =	ssyncadd.s32 $0xFFFFC000  }
0x32: {  	[spmem:s2] =	stream.indirect.scatter.add.f32 [tilespmem:s9], [sflag:$0x1], $0x80, s17, s13, $0xb8;
	[tilespmem:$0x18400] =	vst v63  }
0x33: {  	_ =	swait.ge [sflag:s10], $0x4000  }
0x34: {  	[sflag:s10] =	ssyncset.done $0x0  }
0x35: {  	[sflag:s10] =	ssyncadd.s32 $0xFFFFC000  }
0x36: {  	[spmem:s2] =	stream.indirect.scatter.add.f32 [tilespmem:s9], [sflag:$0x1], $0x80, s18, s13, $0xb8;
	[tilespmem:$0x18400] =	vst v63  }
0x37: {  	_ =	swait.ge [sflag:s10], $0x4000  }
0x38: {  	[sflag:s10] =	ssyncset.done $0x0  }
0x39: {  	[sflag:s10] =	ssyncadd.s32 $0xFFFFC000  }
0x3a: {  	[spmem:s2] =	stream.indirect.scatter.add.f32 [tilespmem:s9], [sflag:$0x1], $0x80, s19, s13, $0xb8;
	[tilespmem:$0x18400] =	vst v63  }
0x3b: {  	_ =	swait.ge [sflag:s10], $0x4000  }
0x3c: {  	s23 =	simm.s32 $0x100;
	s21 =	simm.s32 $0x80;
	[sflag:s10] =	ssyncset.done $0x0  }
.LBB2_2:
0x3d: {  	s24 =	sadd.s32 s21, s8  }
0x3e: {  	[sflag:s10] =	ssyncadd.s32 $0xFFFFC000;
	s21 =	smov.u32 s23;
	s22 =	sadd.s32 $0x80, s23  }
0x3f: {  	[tilespmem:s3], [sflag:$0x1] =	stream.linear.gather [hbm4b:s24+s3], $0x400, $0x38;
	[tilespmem:$0x18400] =	vst v63  }
0x40: {  	p0 =	sne.s32 s23, $0x480;
	_ =	swait.ge [sflag:s10], $0x400  }
0x41: {  	[sflag:s10] =	ssyncset.done $0x0  }
0x42: {  	[sflag:s10] =	ssyncadd.s32 $0xFFFFFC00  }
0x43: {  	[spmem:s2] =	stream.indirect.scatter.add.f32 [tilespmem:s9], [sflag:$0x1], $0x80, s3, s13, $0xb8;
	[tilespmem:$0x18400] =	vst v63  }
0x44: {  	_ =	swait.ge [sflag:s10], $0x4000  }
0x45: {  	[sflag:s10] =	ssyncset.done $0x0  }
0x46: {  	[sflag:s10] =	ssyncadd.s32 $0xFFFFC000  }
0x47: {  	[spmem:s2] =	stream.indirect.scatter.add.f32 [tilespmem:s9], [sflag:$0x1], $0x80, s13, s13, $0xb8;
	[tilespmem:$0x18400] =	vst v63  }
0x48: {  	_ =	swait.ge [sflag:s10], $0x4000  }
0x49: {  	[sflag:s10] =	ssyncset.done $0x0  }
0x4a: {  	[sflag:s10] =	ssyncadd.s32 $0xFFFFC000  }
0x4b: {  	[spmem:s2] =	stream.indirect.scatter.add.f32 [tilespmem:s9], [sflag:$0x1], $0x80, s14, s13, $0xb8;
	[tilespmem:$0x18400] =	vst v63  }
0x4c: {  	_ =	swait.ge [sflag:s10], $0x4000  }
0x4d: {  	[sflag:s10] =	ssyncset.done $0x0  }
0x4e: {  	[sflag:s10] =	ssyncadd.s32 $0xFFFFC000  }
0x4f: {  	[spmem:s2] =	stream.indirect.scatter.add.f32 [tilespmem:s9], [sflag:$0x1], $0x80, s15, s13, $0xb8;
	[tilespmem:$0x18400] =	vst v63  }
0x50: {  	_ =	swait.ge [sflag:s10], $0x4000  }
0x51: {  	[sflag:s10] =	ssyncset.done $0x0  }
0x52: {  	[sflag:s10] =	ssyncadd.s32 $0xFFFFC000  }
0x53: {  	[spmem:s2] =	stream.indirect.scatter.add.f32 [tilespmem:s9], [sflag:$0x1], $0x80, s16, s13, $0xb8;
	[tilespmem:$0x18400] =	vst v63  }
0x54: {  	_ =	swait.ge [sflag:s10], $0x4000  }
0x55: {  	[sflag:s10] =	ssyncset.done $0x0  }
0x56: {  	[sflag:s10] =	ssyncadd.s32 $0xFFFFC000  }
0x57: {  	[spmem:s2] =	stream.indirect.scatter.add.f32 [tilespmem:s9], [sflag:$0x1], $0x80, s17, s13, $0xb8;
	[tilespmem:$0x18400] =	vst v63  }
0x58: {  	_ =	swait.ge [sflag:s10], $0x4000  }
0x59: {  	[sflag:s10] =	ssyncset.done $0x0  }
0x5a: {  	[sflag:s10] =	ssyncadd.s32 $0xFFFFC000  }
0x5b: {  	[spmem:s2] =	stream.indirect.scatter.add.f32 [tilespmem:s9], [sflag:$0x1], $0x80, s18, s13, $0xb8;
	[tilespmem:$0x18400] =	vst v63  }
0x5c: {  	_ =	swait.ge [sflag:s10], $0x4000  }
.Ltmp0:
0x5d: {  	[sflag:s10] =	ssyncset.done $0x0;
	(pc) =	sbr.rel @p0 .LBB2_2-.Ltmp0, $4  }
0x5e: {  	[sflag:s10] =	ssyncadd.s32 $0xFFFFC000  }
0x5f: {  	[spmem:s2] =	stream.indirect.scatter.add.f32 [tilespmem:s9], [sflag:$0x1], $0x80, s19, s13, $0xb8;
	[tilespmem:$0x18400] =	vst v63  }
0x60: {  	_ =	swait.ge [sflag:s10], $0x4000  }
0x61: {  	s23 =	smov.u32 s22;
	[sflag:s10] =	ssyncset.done $0x0  }
0x62: {  	s21 =	sadd.s32 s21, s8;
	[sflag:s10] =	ssyncadd.s32 $0xFFFFC000  }
0x63: {  	[tilespmem:s3], [sflag:$0x1] =	stream.linear.gather [hbm4b:s21+s3], $0x400, $0x38;
	[tilespmem:$0x18400] =	vst v63  }
0x64: {  	_ =	swait.ge [sflag:s10], $0x400  }
0x65: {  	[sflag:s10] =	ssyncset.done $0x0  }
0x66: {  	[sflag:s10] =	ssyncadd.s32 $0xFFFFFC00  }
0x67: {  	[spmem:s2] =	stream.indirect.scatter.add.f32 [tilespmem:s9], [sflag:$0x1], $0x80, s3, s13, $0xb8;
	[tilespmem:$0x18400] =	vst v63  }
0x68: {  	_ =	swait.ge [sflag:s10], $0x4000  }
0x69: {  	[sflag:s10] =	ssyncset.done $0x0  }
0x6a: {  	[sflag:s10] =	ssyncadd.s32 $0xFFFFC000  }
0x6b: {  	[spmem:s2] =	stream.indirect.scatter.add.f32 [tilespmem:s9], [sflag:$0x1], $0x80, s13, s13, $0xb8;
	[tilespmem:$0x18400] =	vst v63  }
0x6c: {  	_ =	swait.ge [sflag:s10], $0x4000  }
0x6d: {  	[sflag:s10] =	ssyncset.done $0x0  }
0x6e: {  	[sflag:s10] =	ssyncadd.s32 $0xFFFFC000  }
0x6f: {  	[spmem:s2] =	stream.indirect.scatter.add.f32 [tilespmem:s9], [sflag:$0x1], $0x80, s14, s13, $0xb8;
	[tilespmem:$0x18400] =	vst v63  }
0x70: {  	_ =	swait.ge [sflag:s10], $0x4000  }
0x71: {  	[sflag:s10] =	ssyncset.done $0x0  }
0x72: {  	[sflag:s10] =	ssyncadd.s32 $0xFFFFC000  }
0x73: {  	[spmem:s2] =	stream.indirect.scatter.add.f32 [tilespmem:s9], [sflag:$0x1], $0x80, s15, s13, $0xb8;
	[tilespmem:$0x18400] =	vst v63  }
0x74: {  	_ =	swait.ge [sflag:s10], $0x4000  }
0x75: {  	[sflag:s10] =	ssyncset.done $0x0  }
0x76: {  	[sflag:s10] =	ssyncadd.s32 $0xFFFFC000  }
0x77: {  	[spmem:s2] =	stream.indirect.scatter.add.f32 [tilespmem:s9], [sflag:$0x1], $0x80, s16, s13, $0xb8;
	[tilespmem:$0x18400] =	vst v63  }
0x78: {  	_ =	swait.ge [sflag:s10], $0x4000  }
0x79: {  	[sflag:s10] =	ssyncset.done $0x0  }
0x7a: {  	[sflag:s10] =	ssyncadd.s32 $0xFFFFC000  }
0x7b: {  	[spmem:s2] =	stream.indirect.scatter.add.f32 [tilespmem:s9], [sflag:$0x1], $0x80, s17, s13, $0xb8;
	[tilespmem:$0x18400] =	vst v63  }
0x7c: {  	_ =	swait.ge [sflag:s10], $0x4000  }
0x7d: {  	[sflag:s10] =	ssyncset.done $0x0  }
0x7e: {  	[sflag:s10] =	ssyncadd.s32 $0xFFFFC000  }
0x7f: {  	[spmem:s2] =	stream.indirect.scatter.add.f32 [tilespmem:s9], [sflag:$0x1], $0x80, s18, s13, $0xb8;
	[tilespmem:$0x18400] =	vst v63  }
0x80: {  	_ =	swait.ge [sflag:s10], $0x4000  }
0x81: {  	[sflag:s10] =	ssyncset.done $0x0  }
0x82: {  	[sflag:s10] =	ssyncadd.s32 $0xFFFFC000  }
0x83: {  	[spmem:s2] =	stream.indirect.scatter.add.f32 [tilespmem:s9], [sflag:$0x1], $0x80, s19, s13, $0xb8;
	[tilespmem:$0x18400] =	vst v63  }
0x84: {  	_ =	swait.ge [sflag:s10], $0x4000  }
0x85: {  	s20 =	sadd.s32 $0x1, s20;
	[sflag:s10] =	ssyncset.done $0x0  }
0x86: {  	p0 =	sne.s32 s20, s7;
	[sflag:s10] =	ssyncadd.s32 $0xFFFFC000  }
.Ltmp1:
0x87: {  	[bflag:$0x0] =	sbarrier.arrive $0xFFFF;
	(pc) =	sbr.rel @p0 .LBB2_1-.Ltmp1, $4  }
0x88: {  	[hbm:s6], [sflag:s11] =	dma.local [spmem:s12], $0x2800  }
0x89: {  	_ =	swait.ge [sflag:s10], $0x2800  }
0x8a: {  	[sflag:s10] =	ssyncset.done $0x0  }
0x8b: {  	[sflag:s10] =	ssyncadd.s32 $0xFFFFD800  }
0x8c: {  	_ =	sfence.sel $0x180000  }
0x8d: {  	[bflag:$0x0] =	sbarrier.arrive $0xFFFF  }
0x8e: {  	p0 =	sne.s32 s1, $0x0;
	_ =	strace $0x90000047  }
0x8f: {  	s0 =	sadd.s32 @!p0 $0x100000, s0;
	[bflag:$0x2] =	sbarrier.arrive $0xFFFF  }
0x90: {  	[sflag:s0] =	ssyncadd.tile.s32 @!p0 $0x1;
	_ =	shalt  }
.Lfunc_end2:
_tile_overlayer_lowered:
.L_overlay_start_2:
0x91: {  	(tag) =	ssettag $0x2  }
0x92: {  	s0 =	rddreg [dreg:$0x0];
	s2 =	stileid.u32  }
0x93: {  	s1 =	rddreg [dreg:$0x1];
	p0 =	sne.s32 s2, $0x0  }
0x94: {  	s3 =	rddreg [dreg:$0x2];
	[bflag:$0x3] =	sbarrier.arrive $0xFFFF;
	s2 =	simm.s32 @!p0 $0x1C01  }
0x95: {  	[timem:s3], [sflag:s2] =	dma.local @!p0 [hbm:s0], s1  }
0x96: {  	s0 =	simm.s32 @!p0 $0x1  }
0x97: {  	_ =	swait.ge @!p0 [sflag:s0], s1  }
0x98: {  	s1 =	ssub.s32 @!p0 $0x0, s1;
	[sflag:s0] =	ssyncset.done @!p0 $0x0  }
0x99: {  	[sflag:s0] =	ssyncadd.s32 @!p0 s1  }
0x9a: {  	[bflag:$0x3] =	sbarrier.arrive $0xFFFF  }
0x9b: {  	_ =	shalt  }

// kernel: kernel.13.cloned.1.call-start
scs
__scs_entry_jumppad:
0x0: {  	(pc) =	sbr.rel $0x88, $3  }
0x1: {  	(tag) =	ssettag $0x0;
	lr =	simm.s32 $0x1  }
0x2: {  	[smem:$0x3F91] =	sst lr;
	_ =	strace $0xD0000000  }
0x3: {  	_ = 	snop  }
0x4: {  	_ = 	snop  }
0x5: {  	_ = 	snop  }
0x6: {  	_ = 	snop  }
0x7: {  	_ = 	snop  }
__scs_overlays_trampoline_lowered:
0x8: {  	[smem:$0x3FA0] =	sst s0  }
0x9: {  	[smem:$0x3FA1] =	sst s1  }
0xa: {  	[smem:$0x3FA2] =	sst s2  }
0xb: {  	[smem:$0x3FA3] =	sst s3  }
0xc: {  	[smem:$0x3FA4] =	sst s4  }
0xd: {  	[smem:$0x3FA5] =	sst s5  }
0xe: {  	[smem:$0x3FA6] =	sst s6  }
0xf: {  	[smem:$0x3FA7] =	sst s7  }
0x10: {  	[smem:$0x3FA8] =	sst s8  }
0x11: {  	[smem:$0x3FA9] =	sst s9;
	s0 =	simm.s32 @!p0 $0x0  }
0x12: {  	s1 =	sld [smem:$0x3F8F];
	s0 =	simm.s32 @p0 $0x1  }
0x13: {  	[smem:$0x3FAA] =	sst s0;
	s0 =	simm.s32 @!p1 $0x0  }
0x14: {  	s2 =	sld [smem:$0x3F8E];
	s0 =	simm.s32 @p1 $0x1  }
0x15: {  	[smem:$0x3FAB] =	sst s0;
	s0 =	simm.s32 @!p2 $0x0  }
0x16: {  	s3 =	sld [smem:$0x3FDB];
	s0 =	simm.s32 @p2 $0x1  }
0x17: {  	s4 =	simm.s32 $0x1BF5;
	[smem:$0x3FAD] =	sst s0  }
0x18: {  	s0 =	sld [smem:$0x3F90];
	_ =	swait.ge [sflag:s4], $0x0  }
0x19: {  	s7 =	sld [smem:$0x3F91]  }
0x1a: {  	s8 =	sadd.s32 $0xFFFFE003, lr  }
0x1b: {  	s9 =	sadd.s32 $0xFFFFFEF7, lr;
	s5 =	simm.s32 $0xFFFFFFFF;
	p2 =	slt.u32 s8, $0xFFFFF086  }
0x1c: {  	p1 =	slt.u32 s9, $0xF7A;
	s5 =	simm.s32 @!p2 $0x0  }
0x1d: {  	s5 =	simm.s32 @p1 $0x1;
	p0 =	seq.s32 s7, s2  }
0x1e: {  	s7 =	smul.u32 @!p0 $0xF7A, s2;
	p2 =	seq.s32 @!p0 s5, $0x0  }
0x1f: {  	s9 =	smul.u32 $0xF7A, s1;
	s8 =	simm.s32 @!p0 $0x1BF5;
	p2 =	por !p2, p0  }
0x20: {  	[sflag:s8] =	ssyncset.s32 @!p0 $0xFFFFF086;
	s6 =	sadd.s32 @!p0 s3, s7;
	s7 =	simm.s32 @!p0 $0x108  }
0x21: {  	s3 =	sadd.s32 s3, s9;
	s6 =	sadd.s32 @!p0 $0x88, s6;
	s7 =	simm.s32 @p2 $0x1082  }
0x22: {  	[simem:s7], [sflag:s8] =	dma.local @!p0 [hbm:s6], $0xF7A  }
0x23: {  	s9 =	sor.u32 $0xD0000000, s2;
	s6 =	simm.s32 $0x108;
	_ =	swait.ge @!p0 [sflag:s8], $0x0  }
0x24: {  	s3 =	sadd.s32 $0x88, s3;
	s6 =	simm.s32 @!p1 $0x1082;
	[sflag:s4] =	ssyncset.s32 $0xFFFFF086  }
0x25: {  	[simem:s6], [sflag:s4] =	dma.local [hbm:s3], $0xF7A  }
0x26: {  	[smem:$0x3F91] =	sst s1;
	(tag) =	ssettag s2;
	_ =	strace s9  }
0x27: {  	s1 =	sld [smem:$0x3FA1]  }
0x28: {  	s2 =	sld [smem:$0x3FA2]  }
0x29: {  	s4 =	sld [smem:$0x3FA4]  }
0x2a: {  	p0 =	seq.s32 s5, $0x0;
	s5 =	sld [smem:$0x3FA5]  }
0x2b: {  	s6 =	sld [smem:$0x3FA6]  }
0x2c: {  	s7 =	sld [smem:$0x3FA7]  }
0x2d: {  	s3 =	simm.s32 $0x108;
	s8 =	sld [smem:$0x3FA8]  }
0x2e: {  	s3 =	simm.s32 @!p0 $0x1082;
	s9 =	sld [smem:$0x3FA9]  }
0x2f: {  	lr =	sadd.s32 s0, s3;
	s0 =	sld [smem:$0x3FA0]  }
0x30: {  	s3 =	sld [smem:$0x3FA3]  }
0x31: {  	[smem:$0x3FAC] =	sst s10  }
0x32: {  	s10 =	sld [smem:$0x3FAA];
	_ =	sdelay $0x3  }
0x33: {  	p0 =	seq.s32 s10, $0x1;
	s10 =	sld [smem:$0x3FAC];
	_ =	sdelay $0x3  }
0x34: {  	[smem:$0x3FAC] =	sst s10  }
0x35: {  	s10 =	sld [smem:$0x3FAB];
	_ =	sdelay $0x3  }
0x36: {  	p1 =	seq.s32 s10, $0x1;
	s10 =	sld [smem:$0x3FAC];
	_ =	sdelay $0x3  }
0x37: {  	[smem:$0x3FAC] =	sst s10  }
0x38: {  	s10 =	sld [smem:$0x3FAD]  }
0x39: {  	_ = 	snop;
	(pc) =	sbr.ind lr, $3  }
0x3a: {  	_ = 	snop  }
0x3b: {  	_ = 	snop  }
0x3c: {  	p2 =	seq.s32 s10, $0x1;
	s10 =	sld [smem:$0x3FAC]  }
0x3d: {  	_ =	shalt  }
0x3e: {  	_ =	shalt  }
0x3f: {  	_ =	shalt  }
0x40: {  	_ =	shalt  }
0x41: {  	_ =	shalt  }
0x42: {  	_ =	shalt  }
0x43: {  	_ =	shalt  }
0x44: {  	_ =	shalt  }
0x45: {  	_ =	shalt  }
0x46: {  	_ =	shalt  }
0x47: {  	_ =	shalt  }
0x48: {  	_ =	shalt  }
0x49: {  	_ =	shalt  }
0x4a: {  	_ =	shalt  }
0x4b: {  	_ =	shalt  }
0x4c: {  	_ =	shalt  }
0x4d: {  	_ =	shalt  }
0x4e: {  	_ =	shalt  }
0x4f: {  	_ =	shalt  }
0x50: {  	_ =	shalt  }
0x51: {  	_ =	shalt  }
0x52: {  	_ =	shalt  }
0x53: {  	_ =	shalt  }
0x54: {  	_ =	shalt  }
0x55: {  	_ =	shalt  }
0x56: {  	_ =	shalt  }
0x57: {  	_ =	shalt  }
0x58: {  	_ =	shalt  }
0x59: {  	_ =	shalt  }
0x5a: {  	_ =	shalt  }
0x5b: {  	_ =	shalt  }
0x5c: {  	_ =	shalt  }
0x5d: {  	_ =	shalt  }
0x5e: {  	_ =	shalt  }
0x5f: {  	_ =	shalt  }
0x60: {  	_ =	shalt  }
0x61: {  	_ =	shalt  }
0x62: {  	_ =	shalt  }
0x63: {  	_ =	shalt  }
0x64: {  	_ =	shalt  }
0x65: {  	_ =	shalt  }
0x66: {  	_ =	shalt  }
0x67: {  	_ =	shalt  }
0x68: {  	_ =	shalt  }
0x69: {  	_ =	shalt  }
0x6a: {  	_ =	shalt  }
0x6b: {  	_ =	shalt  }
0x6c: {  	_ =	shalt  }
0x6d: {  	_ =	shalt  }
0x6e: {  	_ =	shalt  }
0x6f: {  	_ =	shalt  }
0x70: {  	_ =	shalt  }
0x71: {  	_ =	shalt  }
0x72: {  	_ =	shalt  }
0x73: {  	_ =	shalt  }
0x74: {  	_ =	shalt  }
0x75: {  	_ =	shalt  }
0x76: {  	_ =	shalt  }
0x77: {  	_ =	shalt  }
0x78: {  	_ =	shalt  }
0x79: {  	_ =	shalt  }
0x7a: {  	_ =	shalt  }
0x7b: {  	_ =	shalt  }
0x7c: {  	_ =	shalt  }
0x7d: {  	_ =	shalt  }
0x7e: {  	_ =	shalt  }
0x7f: {  	_ =	shalt  }
0x80: {  	_ =	shalt  }
0x81: {  	_ =	shalt  }
0x82: {  	_ =	shalt  }
0x83: {  	_ =	shalt  }
0x84: {  	_ =	shalt  }
0x85: {  	_ =	shalt  }
0x86: {  	_ =	shalt  }
0x87: {  	_ =	shalt  }
.Lfunc_end0:
.L_simem_size_0:
called_computation.1_lowered:
.L_overlay_start_0:
0x88: {  	s2 =	sld [smem:$0x3FD9]  }
0x89: {  	s3 =	sld [smem:$0x3FFE];
	_ =	sdelay $0x1  }
0x8a: {  	s1 =	srdreg.scid  }
0x8b: {  	s0 =	sand.u32 $0x1, s1  }
0x8c: {  	s17 =	sshll.u32 s0, $0xA;
	s2 =	sadd.s32 s3, s2  }
0x8d: {  	s2 =	sadd.s32 s2, s17  }
0x8e: {  	[smem:$0x3FB8] =	sst s2  }
0x8f: {  	_ = 	snop  }
0x90: {  	s2 =	sld [smem:$0x3FD0];
	(tm) =	ssettm $0x1  }
0x91: {  	s18 =	sld [smem:$0x3FFB];
	_ =	sdelay $0x3  }
0x92: {  	_ =	strace s18  }
0x93: {  	s3 =	sld [smem:$0x3FFC];
	_ =	sdelay $0x3  }
0x94: {  	_ =	strace s3  }
0x95: {  	s3 =	sld [smem:$0x3FFD];
	_ =	sdelay $0x3  }
0x96: {  	_ =	strace s3  }
0x97: {  	_ =	strace $0x8FFFFFFF  }
0x98: {  	s19 =	sld [smem:$0x3FDB];
	_ =	sdelay $0x1  }
0x99: {  	s4 =	simm.s32 $_scs_section_size  }
0x9a: {  	s5 =	simm.s32 $_size__tile_overlayer_lowered;
	s6 =	simm.s32 $_tile_overlayer_lowered  }
0x9b: {  	s22 =	simm.s32 $0x1BFF;
	s21 =	sshll.u32 s6, $0x1;
	s3 =	sadd.s32 s4, s19  }
0x9c: {  	s7 =	simm.s32 $0x0;
	s20 =	sshll.u32 s5, $0x1;
	s5 =	sadd.s32 s21, s3  }
0x9d: {  	[timem:s7], [sflag:s22] =	dma.local [hbm:s5], s20  }
0x9e: {  	_ =	swait.ge [sflag:s22], s20  }
0x9f: {  	s4 =	ssub.s32 $0x0, s20;
	[sflag:s22] =	ssyncset.done $0x0  }
0xa0: {  	[sflag:s22] =	ssyncadd.s32 s4;
	_ =	sdelay $0x1  }
0xa1: {  	s23 =	simm.s32 $0x1B8B  }
0xa2: {  	_ =	swait.ge [sflag:s23], $0x1  }
0xa3: {  	[sflag:s23] =	ssyncset.done $0x0  }
0xa4: {  	s25 =	simm.s32 $0x1B8E;
	s24 =	sld [smem:$0x3FFE];
	[sflag:s23] =	ssyncadd.s32 $0xFFFFFFFF  }
0xa5: {  	s26 =	simm.s32 $execute0_lowered;
	[smem:$0x3FD2] =	sst s25  }
0xa6: {  	s5 =	sshll.u32 s26, $0x1;
	_ =	strace $0x80000049;
	[dreg:$0x1] =	wrdreg $0xFFFFFFFF  }
0xa7: {  	s28 =	simm.s32 $_size_execute0_lowered;
	s3 =	sadd.s32 s3, s5;
	[dreg:$0x0] =	wrdreg $0x0  }
0xa8: {  	s5 =	sshll.u32 s28, $0x1;
	[dreg:$0x2] =	wrdreg s3  }
0xa9: {  	[dreg:$0x3] =	wrdreg s5  }
0xaa: {  	[dreg:$0x4] =	wrdreg $0xC0  }
0xab: {  	_ =	task [dreg:s7], $0x5FFFF  }
0xac: {  	[dreg:$0x1] =	wrdreg $0xFFFFFFFF  }
0xad: {  	[dreg:$0x0] =	wrdreg $0x60  }
0xae: {  	[dreg:$0x2] =	wrdreg s24  }
0xaf: {  	[dreg:$0x3] =	wrdreg s2  }
0xb0: {  	[dreg:$0x4] =	wrdreg $0x90000  }
0xb1: {  	[dreg:$0x5] =	wrdreg $0x9  }
0xb2: {  	_ =	task.clear_ibuf [dreg:s7], $0x6FFFF;
	_ =	strace $0x90000049  }
0xb3: {  	s29 =	simm.s32 $0x9;
	_ =	strace $0x8000004B  }
0xb4: {  	_ =	swait.ge [sflag:s29], $0x1  }
0xb5: {  	[sflag:s29] =	ssyncadd.s32 $0xFFFFFFFF  }
0xb6: {  	_ =	strace $0x9000004B  }
0xb7: {  	_ =	sfence  }
0xb8: {  	s30 =	sld [smem:$0x0];
	_ =	sdelay $0x2  }
0xb9: {  	s31 =	sshll.u32 s1, $0xD;
	s1 =	sshrl.u32 s1, $0x2  }
0xba: {  	s3 =	sand.u32 $0x4000, s31;
	s1 =	sadd.s32 s1, s30  }
0xbb: {  	s0 =	sor.u32 s3, s0;
	s1 =	sshll.u32 s1, $0x11  }
0xbc: {  	s0 =	sor.u32 s1, s0  }
0xbd: {  	s0 =	sadd.s32 $0x8F2B, s0  }
0xbe: {  	[sflag:s0] =	ssyncadd.remote.s32 $0x1  }
0xbf: {  	_ =	sfence.sel $0xFFFF  }
0xc0: {  	[dreg:$0x0] =	wrdreg $0xFFFFFFFF;
	(pc) =	sbr.abs _section_cstart, $3  }
0xc1: {  	[dreg:$0x1] =	wrdreg $0xFFFFFFFF  }
0xc2: {  	_ =	task.clear_ibuf [dreg:s7], $0x2FFFF;
	_ =	strace $0x9FFFFFFF  }
0xc3: {  	(tm) =	ssettm $0x7FFFFFFF  }
tec
execute0_lowered:
.L_overlay_start_1:
0x0: {  	(tag) =	ssettag $0x1  }
0x1: {  	s8 =	rddreg [dreg:$0x0]  }
0x2: {  	s2 =	rddreg [dreg:$0x1];
	s0 =	srdreg.scid  }
0x3: {  	s3 =	rddreg [dreg:$0x2];
	s25 =	stileid.u32;
	s4 =	simm.s32 $0x0  }
0x4: {  	s17 =	simm.s32 $0x80;
	s18 =	simm.s32 $0x1000;
	s19 =	simm.s32 $0x5000  }
0x5: {  	s20 =	simm.s32 $0x1;
	s22 =	simm.s32 $0x400;
	s7 =	smul.u32 $0x14000, s25  }
0x6: {  	s21 =	simm.s32 $0x2;
	s9 =	sand.u32 $0x1, s0;
	s11 =	smul.u32 $0x50000, s25  }
0x7: {  	[smem:$0x7FF] =	sst s4;
	s5 =	sadd.s32 $0x61800, s8;
	s13 =	smul.u32 $0x28, s25  }
0x8: {  	s29 =	sshll.u32 s25, $0x6;
	s6 =	smul.u32 $0x140000, s9;
	_ =	strace $0x8000004A  }
0x9: {  	s26 =	ssub.s32 $0x2, s9;
	p0 =	seq.s32 s9, $0x0;
	s9 =	sor.u32 $0x1C03, s29  }
0xa: {  	[dreg:$0x5] =	wrdreg s22;
	s22 =	simm.s32 $0x0;
	s28 =	sshrl.u32 s26, $0x1  }
0xb: {  	s11 =	sshrl.u32 s11, $0x2;
	s7 =	sadd.s32 s7, s6;
	s6 =	sadd.s32 $0x4800, s8  }
0xc: {  	s14 =	ssub.s32 s26, s28;
	s15 =	sadd.s32 s11, s3;
	s11 =	sadd.s32 $0x780, s13  }
0xd: {  	s10 =	sshrl.u32 s7, $0x3;
	s7 =	sadd.s32 $0xE800, s8;
	s13 =	smax.u32 s14, $0x1  }
0xe: {  	s12 =	sadd.s32 s10, s8;
	s10 =	smul.u32 $0x78, s25;
	s8 =	simm.s32 $0x78  }
0xf: {  	s14 =	sshrl.u32 s15, $0x3;
	s15 =	simm.s32 $0x3;
	s8 =	simm.s32 @!p0 $0x28  }
0x10: {  	s12 =	sadd.s32 $0x89800, s12;
	s11 =	smov.u32 @p0 s10;
	s16 =	sshrl.u32 s8, $0x1  }
0x11: {  	s30 =	sshll.u32 s11, $0x4;
	[dreg:$0x6] =	wrdreg s16;
	s31 =	sshrl.u32 s11, $0x3  }
0x12: {  	s10 =	sadd.s32 s2, s30;
	s11 =	sadd.s32 s6, s30;
	[dreg:$0x4] =	wrdreg s31  }
.LBB2_1:
0x13: {  	[spmem:s14], [sflag:s9] =	dma.local [hbm:s7], $0x2800  }
0x14: {  	_ =	swait.ge [sflag:s15], $0x2800  }
0x15: {  	[sflag:s15] =	ssyncset.done $0x0  }
0x16: {  	[sflag:s15] =	ssyncadd.s32 $0xFFFFD800  }
0x17: {  	[bflag:$0x0] =	sbarrier.arrive $0xFFFF  }
0x18: {  	[tilespmem:s4], [sflag:$0x3] =	stream.linear.gather [hbm4b:s10+s4], $0x400, $0x38;
	[tilespmem:$0x1D000] =	vst v63  }
0x19: {  	_ =	swait.ge [sflag:s15], $0x400  }
0x1a: {  	[sflag:s15] =	ssyncset.done $0x0  }
0x1b: {  	s0 =	simm.s32 $0x800;
	[sflag:s15] =	ssyncadd.s32 $0xFFFFFC00  }
0x1c: {  	[tilespmem:s0], [sflag:$0x3] =	stream.linear.gather [hbm4b:s11+s4], $0x400, $0x38;
	[tilespmem:$0x1D000] =	vst v63  }
0x1d: {  	_ =	swait.ge [sflag:s15], $0x400  }
0x1e: {  	[sflag:s15] =	ssyncset.done $0x0  }
0x1f: {  	[sflag:s15] =	ssyncadd.s32 $0xFFFFFC00  }
0x20: {  	[tilespmem:s18], [sflag:$0x1] =	stream.indirect.gather [hbm4b:s5+s17], $0x80, s4, s17, $0xb8;
	[tilespmem:$0x1D000] =	vst v63  }
0x21: {  	s23 =	simm.s32 $0x180;
	s25 =	simm.s32 $0x0;
	s24 =	simm.s32 $0x0  }
0x22: {  	[tilespmem:s19], [sflag:$0x2] =	stream.indirect.gather [hbm4b:s5+s17], $0x80, s17, s17, $0xb8;
	[tilespmem:$0x1D000] =	vst v63  }
.LBB2_2:
0x23: {  	s26 =	sand.u32 $0x4, s24;
	s28 =	sadd.s32 $0xFFFFFE80, s23  }
0x24: {  	_ =	swait.ge [sflag:s20], $0x4000;
	s28 =	sand.u32 $0x300, s28;
	s29 =	sshll.u32 s26, $0x8  }
0x25: {  	[sflag:s20] =	ssyncset.done $0x0;
	s29 =	sor.u32 s28, s29  }
0x26: {  	[sflag:s20] =	ssyncadd.s32 $0xFFFFC000;
	s29 =	sor.u32 $0x800, s29  }
0x27: {  	[spmem:s3] =	stream.indirect.scatter.add.f32 [tilespmem:s18], [sflag:$0x3], $0x80, s29, s17, $0xb8;
	[tilespmem:$0x1D000] =	vst v63  }
0x28: {  	s29 =	sadd.s32 $0x2, s25  }
0x29: {  	s30 =	sand.u32 $0x6, s29;
	p0 =	sge.u32 s29, s8  }
0x2a: {  	p1 =	sne.s32 @!p0 s30, $0x0  }
0x2b: {  	_ =	swait.ge [sflag:s15], $0x4000;
	p1 =	por p1, p0  }
0x2c: {  	s31 =	rddreg [dreg:$0x4];
	s0 =	sshrl.u32 @!p1 s29, $0x3  }
0x2d: {  	s0 =	sadd.s32 @!p1 s31, s0  }
0x2e: {  	[sflag:s15] =	ssyncset.done $0x0;
	s0 =	sshll.u32 @!p1 s0, $0x7  }
0x2f: {  	[sflag:s15] =	ssyncadd.s32 $0xFFFFC000;
	s31 =	sadd.s32 @!p1 $0xFFFFFF80, s23;
	s0 =	sand.u32 @!p1 $0x1FFFFF80, s0  }
0x30: {  	s16 =	simm.s32 @!p1 $0x0;
	s31 =	sand.u32 @!p1 $0x400, s31;
	s1 =	sadd.s32 @!p1 s2, s0  }
0x31: {  	[tilespmem:s31], [sflag:$0x3] =	stream.linear.gather @!p1 [hbm4b:s1+s16], $0x400, $0x38;
	[tilespmem:$0x1D000] =	vst v63  }
0x32: {  	s1 =	simm.s32 @!p1 $0x3  }
0x33: {  	_ =	swait.ge @!p1 [sflag:s1], $0x400  }
0x34: {  	[sflag:s1] =	ssyncset.done @!p1 $0x0  }
0x35: {  	s0 =	sadd.s32 @!p1 s6, s0;
	s31 =	sor.u32 @!p1 $0x800, s31;
	[sflag:s1] =	ssyncadd.s32 @!p1 $0xFFFFFC00  }
0x36: {  	[tilespmem:s31], [sflag:$0x3] =	stream.linear.gather @!p1 [hbm4b:s0+s16], $0x400, $0x38;
	[tilespmem:$0x1D000] =	vst v63  }
0x37: {  	_ =	swait.ge @!p1 [sflag:s1], $0x400  }
0x38: {  	s0 =	sadd.s32 @!p0 $0xFFFFFF80, s23;
	[sflag:s1] =	ssyncset.done @!p1 $0x0  }
0x39: {  	s0 =	sand.u32 @!p0 $0x400, s0;
	[sflag:s1] =	ssyncadd.s32 @!p1 $0xFFFFFC00;
	s1 =	sshll.u32 @!p0 s30, $0x7  }
0x3a: {  	s16 =	simm.s32 @!p0 $0x1000;
	s0 =	sor.u32 @!p0 s1, s0;
	s1 =	simm.s32 @!p0 $0x80  }
0x3b: {  	[tilespmem:s16], [sflag:$0x1] =	stream.indirect.gather @!p0 [hbm4b:s5+s1], $0x80, s0, s1, $0xb8;
	[tilespmem:$0x1D000] =	vst v63  }
0x3c: {  	_ =	swait.ge [sflag:s21], $0x4000  }
0x3d: {  	p0 =	sne.s32 s26, $0x0;
	s0 =	rddreg [dreg:$0x5]  }
0x3e: {  	s0 =	simm.s32 @!p0 $0x0  }
0x3f: {  	[sflag:s21] =	ssyncset.done $0x0;
	s0 =	sor.u32 s28, s0  }
0x40: {  	s30 =	sadd.s32 $0x3, s25;
	[sflag:s21] =	ssyncadd.s32 $0xFFFFC000;
	s0 =	sadd.s32 $0x880, s0  }
0x41: {  	[spmem:s3] =	stream.indirect.scatter.add.f32 [tilespmem:s19], [sflag:$0x3], $0x80, s0, s17, $0xb8;
	[tilespmem:$0x1D000] =	vst v63  }
0x42: {  	s24 =	sadd.s32 $0x1, s24;
	p0 =	sge.u32 s30, s8;
	_ =	swait.ge [sflag:s15], $0x4000  }
0x43: {  	s1 =	simm.s32 @!p0 $0x80;
	s16 =	simm.s32 @!p0 $0x5000;
	[sflag:s15] =	ssyncset.done $0x0  }
0x44: {  	s0 =	sand.u32 @!p0 $0x780, s23;
	s31 =	rddreg [dreg:$0x6];
	[sflag:s15] =	ssyncadd.s32 $0xFFFFC000  }
0x45: {  	[tilespmem:s16], [sflag:$0x2] =	stream.indirect.gather @!p0 [hbm4b:s5+s1], $0x80, s0, s1, $0xb8;
	[tilespmem:$0x1D000] =	vst v63  }
0x46: {  	p0 =	sne.s32 s31, s24  }
.Ltmp0:
0x47: {  	_ = 	snop;
	(pc) =	sbr.rel @p0 .LBB2_2-.Ltmp0, $2  }
0x48: {  	_ =	sdelay $0x2  }
0x49: {  	s25 =	smov.u32 s29;
	s23 =	sadd.s32 $0x100, s23  }
0x4a: {  	s22 =	sadd.s32 $0x1, s22  }
0x4b: {  	p0 =	sne.s32 s22, s13  }
.Ltmp1:
0x4c: {  	[bflag:$0x0] =	sbarrier.arrive $0xFFFF;
	(pc) =	sbr.rel @p0 .LBB2_1-.Ltmp1, $4  }
0x4d: {  	[hbm:s12], [sflag:s9] =	dma.local [spmem:s14], $0x2800  }
0x4e: {  	_ =	swait.ge [sflag:s15], $0x2800  }
0x4f: {  	[sflag:s15] =	ssyncset.done $0x0  }
0x50: {  	[sflag:s15] =	ssyncadd.s32 $0xFFFFD800  }
0x51: {  	_ =	sfence.sel $0x180000  }
0x52: {  	[bflag:$0x0] =	sbarrier.arrive $0xFFFF  }
0x53: {  	_ =	strace $0x9000004A  }
0x54: {  	s0 =	stileid.u32;
	[bflag:$0x2] =	sbarrier.arrive $0xFFFF  }
0x55: {  	p0 =	sne.s32 s0, $0x0;
	s0 =	rddreg [dreg:$0x3]  }
0x56: {  	s0 =	sadd.s32 @!p0 $0x100000, s0  }
0x57: {  	[sflag:s0] =	ssyncadd.tile.s32 @!p0 $0x1;
	_ =	shalt  }
.Lfunc_end2:
_tile_overlayer_lowered:
.L_overlay_start_2:
0x58: {  	(tag) =	ssettag $0x2  }
0x59: {  	s0 =	rddreg [dreg:$0x0];
	s2 =	stileid.u32  }
0x5a: {  	s1 =	rddreg [dreg:$0x1];
	p0 =	sne.s32 s2, $0x0  }
0x5b: {  	s3 =	rddreg [dreg:$0x2];
	[bflag:$0x3] =	sbarrier.arrive $0xFFFF;
	s2 =	simm.s32 @!p0 $0x1C03  }
0x5c: {  	[timem:s3], [sflag:s2] =	dma.local @!p0 [hbm:s0], s1  }
0x5d: {  	s0 =	simm.s32 @!p0 $0x3  }
0x5e: {  	_ =	swait.ge @!p0 [sflag:s0], s1  }
0x5f: {  	s1 =	ssub.s32 @!p0 $0x0, s1;
	[sflag:s0] =	ssyncset.done @!p0 $0x0  }
0x60: {  	[sflag:s0] =	ssyncadd.s32 @!p0 s1  }
0x61: {  	[bflag:$0x3] =	sbarrier.arrive $0xFFFF  }
0x62: {  	_ =	shalt  }

// kernel: kernel.16.cloned.1.call-start
scs
__scs_entry_jumppad:
0x0: {  	(pc) =	sbr.rel $0x88, $3  }
0x1: {  	(tag) =	ssettag $0x0;
	lr =	simm.s32 $0x1  }
0x2: {  	[smem:$0x3F91] =	sst lr;
	_ =	strace $0xD0000000  }
0x3: {  	_ = 	snop  }
0x4: {  	_ = 	snop  }
0x5: {  	_ = 	snop  }
0x6: {  	_ = 	snop  }
0x7: {  	_ = 	snop  }
__scs_overlays_trampoline_lowered:
0x8: {  	[smem:$0x3FA0] =	sst s0  }
0x9: {  	[smem:$0x3FA1] =	sst s1  }
0xa: {  	[smem:$0x3FA2] =	sst s2  }
0xb: {  	[smem:$0x3FA3] =	sst s3  }
0xc: {  	[smem:$0x3FA4] =	sst s4  }
0xd: {  	[smem:$0x3FA5] =	sst s5  }
0xe: {  	[smem:$0x3FA6] =	sst s6  }
0xf: {  	[smem:$0x3FA7] =	sst s7  }
0x10: {  	[smem:$0x3FA8] =	sst s8  }
0x11: {  	[smem:$0x3FA9] =	sst s9;
	s0 =	simm.s32 @!p0 $0x0  }
0x12: {  	s1 =	sld [smem:$0x3F8F];
	s0 =	simm.s32 @p0 $0x1  }
0x13: {  	[smem:$0x3FAA] =	sst s0;
	s0 =	simm.s32 @!p1 $0x0  }
0x14: {  	s2 =	sld [smem:$0x3F8E];
	s0 =	simm.s32 @p1 $0x1  }
0x15: {  	[smem:$0x3FAB] =	sst s0;
	s0 =	simm.s32 @!p2 $0x0  }
0x16: {  	s3 =	sld [smem:$0x3FDB];
	s0 =	simm.s32 @p2 $0x1  }
0x17: {  	s4 =	simm.s32 $0x1BF5;
	[smem:$0x3FAD] =	sst s0  }
0x18: {  	s0 =	sld [smem:$0x3F90];
	_ =	swait.ge [sflag:s4], $0x0  }
0x19: {  	s7 =	sld [smem:$0x3F91]  }
0x1a: {  	s8 =	sadd.s32 $0xFFFFE003, lr  }
0x1b: {  	s9 =	sadd.s32 $0xFFFFFEF7, lr;
	s5 =	simm.s32 $0xFFFFFFFF;
	p2 =	slt.u32 s8, $0xFFFFF086  }
0x1c: {  	p1 =	slt.u32 s9, $0xF7A;
	s5 =	simm.s32 @!p2 $0x0  }
0x1d: {  	s5 =	simm.s32 @p1 $0x1;
	p0 =	seq.s32 s7, s2  }
0x1e: {  	s7 =	smul.u32 @!p0 $0xF7A, s2;
	p2 =	seq.s32 @!p0 s5, $0x0  }
0x1f: {  	s9 =	smul.u32 $0xF7A, s1;
	s8 =	simm.s32 @!p0 $0x1BF5;
	p2 =	por !p2, p0  }
0x20: {  	[sflag:s8] =	ssyncset.s32 @!p0 $0xFFFFF086;
	s6 =	sadd.s32 @!p0 s3, s7;
	s7 =	simm.s32 @!p0 $0x108  }
0x21: {  	s3 =	sadd.s32 s3, s9;
	s6 =	sadd.s32 @!p0 $0x88, s6;
	s7 =	simm.s32 @p2 $0x1082  }
0x22: {  	[simem:s7], [sflag:s8] =	dma.local @!p0 [hbm:s6], $0xF7A  }
0x23: {  	s9 =	sor.u32 $0xD0000000, s2;
	s6 =	simm.s32 $0x108;
	_ =	swait.ge @!p0 [sflag:s8], $0x0  }
0x24: {  	s3 =	sadd.s32 $0x88, s3;
	s6 =	simm.s32 @!p1 $0x1082;
	[sflag:s4] =	ssyncset.s32 $0xFFFFF086  }
0x25: {  	[simem:s6], [sflag:s4] =	dma.local [hbm:s3], $0xF7A  }
0x26: {  	[smem:$0x3F91] =	sst s1;
	(tag) =	ssettag s2;
	_ =	strace s9  }
0x27: {  	s1 =	sld [smem:$0x3FA1]  }
0x28: {  	s2 =	sld [smem:$0x3FA2]  }
0x29: {  	s4 =	sld [smem:$0x3FA4]  }
0x2a: {  	p0 =	seq.s32 s5, $0x0;
	s5 =	sld [smem:$0x3FA5]  }
0x2b: {  	s6 =	sld [smem:$0x3FA6]  }
0x2c: {  	s7 =	sld [smem:$0x3FA7]  }
0x2d: {  	s3 =	simm.s32 $0x108;
	s8 =	sld [smem:$0x3FA8]  }
0x2e: {  	s3 =	simm.s32 @!p0 $0x1082;
	s9 =	sld [smem:$0x3FA9]  }
0x2f: {  	lr =	sadd.s32 s0, s3;
	s0 =	sld [smem:$0x3FA0]  }
0x30: {  	s3 =	sld [smem:$0x3FA3]  }
0x31: {  	[smem:$0x3FAC] =	sst s10  }
0x32: {  	s10 =	sld [smem:$0x3FAA];
	_ =	sdelay $0x3  }
0x33: {  	p0 =	seq.s32 s10, $0x1;
	s10 =	sld [smem:$0x3FAC];
	_ =	sdelay $0x3  }
0x34: {  	[smem:$0x3FAC] =	sst s10  }
0x35: {  	s10 =	sld [smem:$0x3FAB];
	_ =	sdelay $0x3  }
0x36: {  	p1 =	seq.s32 s10, $0x1;
	s10 =	sld [smem:$0x3FAC];
	_ =	sdelay $0x3  }
0x37: {  	[smem:$0x3FAC] =	sst s10  }
0x38: {  	s10 =	sld [smem:$0x3FAD]  }
0x39: {  	_ = 	snop;
	(pc) =	sbr.ind lr, $3  }
0x3a: {  	_ = 	snop  }
0x3b: {  	_ = 	snop  }
0x3c: {  	p2 =	seq.s32 s10, $0x1;
	s10 =	sld [smem:$0x3FAC]  }
0x3d: {  	_ =	shalt  }
0x3e: {  	_ =	shalt  }
0x3f: {  	_ =	shalt  }
0x40: {  	_ =	shalt  }
0x41: {  	_ =	shalt  }
0x42: {  	_ =	shalt  }
0x43: {  	_ =	shalt  }
0x44: {  	_ =	shalt  }
0x45: {  	_ =	shalt  }
0x46: {  	_ =	shalt  }
0x47: {  	_ =	shalt  }
0x48: {  	_ =	shalt  }
0x49: {  	_ =	shalt  }
0x4a: {  	_ =	shalt  }
0x4b: {  	_ =	shalt  }
0x4c: {  	_ =	shalt  }
0x4d: {  	_ =	shalt  }
0x4e: {  	_ =	shalt  }
0x4f: {  	_ =	shalt  }
0x50: {  	_ =	shalt  }
0x51: {  	_ =	shalt  }
0x52: {  	_ =	shalt  }
0x53: {  	_ =	shalt  }
0x54: {  	_ =	shalt  }
0x55: {  	_ =	shalt  }
0x56: {  	_ =	shalt  }
0x57: {  	_ =	shalt  }
0x58: {  	_ =	shalt  }
0x59: {  	_ =	shalt  }
0x5a: {  	_ =	shalt  }
0x5b: {  	_ =	shalt  }
0x5c: {  	_ =	shalt  }
0x5d: {  	_ =	shalt  }
0x5e: {  	_ =	shalt  }
0x5f: {  	_ =	shalt  }
0x60: {  	_ =	shalt  }
0x61: {  	_ =	shalt  }
0x62: {  	_ =	shalt  }
0x63: {  	_ =	shalt  }
0x64: {  	_ =	shalt  }
0x65: {  	_ =	shalt  }
0x66: {  	_ =	shalt  }
0x67: {  	_ =	shalt  }
0x68: {  	_ =	shalt  }
0x69: {  	_ =	shalt  }
0x6a: {  	_ =	shalt  }
0x6b: {  	_ =	shalt  }
0x6c: {  	_ =	shalt  }
0x6d: {  	_ =	shalt  }
0x6e: {  	_ =	shalt  }
0x6f: {  	_ =	shalt  }
0x70: {  	_ =	shalt  }
0x71: {  	_ =	shalt  }
0x72: {  	_ =	shalt  }
0x73: {  	_ =	shalt  }
0x74: {  	_ =	shalt  }
0x75: {  	_ =	shalt  }
0x76: {  	_ =	shalt  }
0x77: {  	_ =	shalt  }
0x78: {  	_ =	shalt  }
0x79: {  	_ =	shalt  }
0x7a: {  	_ =	shalt  }
0x7b: {  	_ =	shalt  }
0x7c: {  	_ =	shalt  }
0x7d: {  	_ =	shalt  }
0x7e: {  	_ =	shalt  }
0x7f: {  	_ =	shalt  }
0x80: {  	_ =	shalt  }
0x81: {  	_ =	shalt  }
0x82: {  	_ =	shalt  }
0x83: {  	_ =	shalt  }
0x84: {  	_ =	shalt  }
0x85: {  	_ =	shalt  }
0x86: {  	_ =	shalt  }
0x87: {  	_ =	shalt  }
.Lfunc_end0:
.L_simem_size_0:
called_computation.2_lowered:
.L_overlay_start_0:
0x88: {  	s2 =	sld [smem:$0x3FD9]  }
0x89: {  	s3 =	sld [smem:$0x3FFE];
	_ =	sdelay $0x1  }
0x8a: {  	s1 =	srdreg.scid  }
0x8b: {  	s0 =	sand.u32 $0x1, s1  }
0x8c: {  	s17 =	sshll.u32 s0, $0xA;
	s2 =	sadd.s32 s3, s2  }
0x8d: {  	s2 =	sadd.s32 s2, s17  }
0x8e: {  	[smem:$0x3FB8] =	sst s2  }
0x8f: {  	_ = 	snop  }
0x90: {  	s2 =	sld [smem:$0x3FD0];
	(tm) =	ssettm $0x1  }
0x91: {  	s18 =	sld [smem:$0x3FFB];
	_ =	sdelay $0x3  }
0x92: {  	_ =	strace s18  }
0x93: {  	s3 =	sld [smem:$0x3FFC];
	_ =	sdelay $0x3  }
0x94: {  	_ =	strace s3  }
0x95: {  	s3 =	sld [smem:$0x3FFD];
	_ =	sdelay $0x3  }
0x96: {  	_ =	strace s3  }
0x97: {  	_ =	strace $0x8FFFFFFF  }
0x98: {  	s19 =	sld [smem:$0x3FDB];
	_ =	sdelay $0x1  }
0x99: {  	s4 =	simm.s32 $_scs_section_size  }
0x9a: {  	s5 =	simm.s32 $_size__tile_overlayer_lowered;
	s6 =	simm.s32 $_tile_overlayer_lowered  }
0x9b: {  	s22 =	simm.s32 $0x1BFF;
	s21 =	sshll.u32 s6, $0x1;
	s3 =	sadd.s32 s4, s19  }
0x9c: {  	s7 =	simm.s32 $0x0;
	s20 =	sshll.u32 s5, $0x1;
	s5 =	sadd.s32 s21, s3  }
0x9d: {  	[timem:s7], [sflag:s22] =	dma.local [hbm:s5], s20  }
0x9e: {  	_ =	swait.ge [sflag:s22], s20  }
0x9f: {  	s4 =	ssub.s32 $0x0, s20;
	[sflag:s22] =	ssyncset.done $0x0  }
0xa0: {  	[sflag:s22] =	ssyncadd.s32 s4;
	_ =	sdelay $0x1  }
0xa1: {  	s23 =	simm.s32 $0x1B8B  }
0xa2: {  	_ =	swait.ge [sflag:s23], $0x1  }
0xa3: {  	[sflag:s23] =	ssyncset.done $0x0  }
0xa4: {  	s25 =	simm.s32 $0x1B8E;
	s24 =	sld [smem:$0x3FFE];
	[sflag:s23] =	ssyncadd.s32 $0xFFFFFFFF  }
0xa5: {  	s26 =	simm.s32 $execute0_lowered;
	[smem:$0x3FD2] =	sst s25  }
0xa6: {  	s5 =	sshll.u32 s26, $0x1;
	_ =	strace $0x8000004C;
	[dreg:$0x1] =	wrdreg $0xFFFFFFFF  }
0xa7: {  	s28 =	simm.s32 $_size_execute0_lowered;
	s3 =	sadd.s32 s3, s5;
	[dreg:$0x0] =	wrdreg $0x0  }
0xa8: {  	s5 =	sshll.u32 s28, $0x1;
	[dreg:$0x2] =	wrdreg s3  }
0xa9: {  	[dreg:$0x3] =	wrdreg s5  }
0xaa: {  	[dreg:$0x4] =	wrdreg $0xC0  }
0xab: {  	_ =	task [dreg:s7], $0x5FFFF  }
0xac: {  	[dreg:$0x1] =	wrdreg $0xFFFFFFFF  }
0xad: {  	[dreg:$0x0] =	wrdreg $0x60  }
0xae: {  	[dreg:$0x2] =	wrdreg s24  }
0xaf: {  	[dreg:$0x3] =	wrdreg s2  }
0xb0: {  	[dreg:$0x4] =	wrdreg $0x90000  }
0xb1: {  	[dreg:$0x5] =	wrdreg $0x9  }
0xb2: {  	_ =	task.clear_ibuf [dreg:s7], $0x6FFFF;
	_ =	strace $0x9000004C  }
0xb3: {  	s29 =	simm.s32 $0x9;
	_ =	strace $0x8000004E  }
0xb4: {  	_ =	swait.ge [sflag:s29], $0x1  }
0xb5: {  	[sflag:s29] =	ssyncadd.s32 $0xFFFFFFFF  }
0xb6: {  	_ =	strace $0x9000004E  }
0xb7: {  	_ =	sfence  }
0xb8: {  	s30 =	sld [smem:$0x0];
	_ =	sdelay $0x2  }
0xb9: {  	s31 =	sshll.u32 s1, $0xD;
	s1 =	sshrl.u32 s1, $0x2  }
0xba: {  	s3 =	sand.u32 $0x4000, s31;
	s1 =	sadd.s32 s1, s30  }
0xbb: {  	s0 =	sor.u32 s3, s0;
	s1 =	sshll.u32 s1, $0x11  }
0xbc: {  	s0 =	sor.u32 s1, s0  }
0xbd: {  	s0 =	sadd.s32 $0x8F2B, s0  }
0xbe: {  	[sflag:s0] =	ssyncadd.remote.s32 $0x1  }
0xbf: {  	_ =	sfence.sel $0xFFFF  }
0xc0: {  	[dreg:$0x0] =	wrdreg $0xFFFFFFFF;
	(pc) =	sbr.abs _section_cstart, $3  }
0xc1: {  	[dreg:$0x1] =	wrdreg $0xFFFFFFFF  }
0xc2: {  	_ =	task.clear_ibuf [dreg:s7], $0x2FFFF;
	_ =	strace $0x9FFFFFFF  }
0xc3: {  	(tm) =	ssettm $0x7FFFFFFF  }
tec
execute0_lowered:
.L_overlay_start_1:
0x0: {  	(tag) =	ssettag $0x1  }
0x1: {  	s8 =	rddreg [dreg:$0x0]  }
0x2: {  	s2 =	rddreg [dreg:$0x1];
	s0 =	srdreg.scid  }
0x3: {  	s3 =	rddreg [dreg:$0x2];
	s25 =	stileid.u32;
	s4 =	simm.s32 $0x0  }
0x4: {  	s17 =	simm.s32 $0x80;
	s18 =	simm.s32 $0x1000;
	s19 =	simm.s32 $0x5000  }
0x5: {  	s20 =	simm.s32 $0x1;
	s22 =	simm.s32 $0x400;
	s7 =	smul.u32 $0x14000, s25  }
0x6: {  	s21 =	simm.s32 $0x2;
	s9 =	sand.u32 $0x1, s0;
	s11 =	smul.u32 $0x50000, s25  }
0x7: {  	[smem:$0x7FF] =	sst s4;
	s5 =	sadd.s32 $0x61800, s8;
	s13 =	smul.u32 $0x28, s25  }
0x8: {  	s29 =	sshll.u32 s25, $0x6;
	s6 =	smul.u32 $0x140000, s9;
	_ =	strace $0x8000004D  }
0x9: {  	s26 =	ssub.s32 $0x2, s9;
	p0 =	seq.s32 s9, $0x0;
	s9 =	sor.u32 $0x1C03, s29  }
0xa: {  	[dreg:$0x5] =	wrdreg s22;
	s22 =	simm.s32 $0x0;
	s28 =	sshrl.u32 s26, $0x1  }
0xb: {  	s11 =	sshrl.u32 s11, $0x2;
	s7 =	sadd.s32 s7, s6;
	s6 =	sadd.s32 $0x4800, s8  }
0xc: {  	s14 =	ssub.s32 s26, s28;
	s15 =	sadd.s32 s11, s3;
	s11 =	sadd.s32 $0x780, s13  }
0xd: {  	s10 =	sshrl.u32 s7, $0x3;
	s7 =	sadd.s32 $0xE800, s8;
	s13 =	smax.u32 s14, $0x1  }
0xe: {  	s12 =	sadd.s32 s10, s8;
	s10 =	smul.u32 $0x78, s25;
	s8 =	simm.s32 $0x78  }
0xf: {  	s14 =	sshrl.u32 s15, $0x3;
	s15 =	simm.s32 $0x3;
	s8 =	simm.s32 @!p0 $0x28  }
0x10: {  	s12 =	sadd.s32 $0x89800, s12;
	s11 =	smov.u32 @p0 s10;
	s16 =	sshrl.u32 s8, $0x1  }
0x11: {  	s30 =	sshll.u32 s11, $0x4;
	[dreg:$0x6] =	wrdreg s16;
	s31 =	sshrl.u32 s11, $0x3  }
0x12: {  	s10 =	sadd.s32 s2, s30;
	s11 =	sadd.s32 s6, s30;
	[dreg:$0x4] =	wrdreg s31  }
.LBB2_1:
0x13: {  	[spmem:s14], [sflag:s9] =	dma.local [hbm:s7], $0x2800  }
0x14: {  	_ =	swait.ge [sflag:s15], $0x2800  }
0x15: {  	[sflag:s15] =	ssyncset.done $0x0  }
0x16: {  	[sflag:s15] =	ssyncadd.s32 $0xFFFFD800  }
0x17: {  	[bflag:$0x0] =	sbarrier.arrive $0xFFFF  }
0x18: {  	[tilespmem:s4], [sflag:$0x3] =	stream.linear.gather [hbm4b:s10+s4], $0x400, $0x38;
	[tilespmem:$0x1D000] =	vst v63  }
0x19: {  	_ =	swait.ge [sflag:s15], $0x400  }
0x1a: {  	[sflag:s15] =	ssyncset.done $0x0  }
0x1b: {  	s0 =	simm.s32 $0x800;
	[sflag:s15] =	ssyncadd.s32 $0xFFFFFC00  }
0x1c: {  	[tilespmem:s0], [sflag:$0x3] =	stream.linear.gather [hbm4b:s11+s4], $0x400, $0x38;
	[tilespmem:$0x1D000] =	vst v63  }
0x1d: {  	_ =	swait.ge [sflag:s15], $0x400  }
0x1e: {  	[sflag:s15] =	ssyncset.done $0x0  }
0x1f: {  	[sflag:s15] =	ssyncadd.s32 $0xFFFFFC00  }
0x20: {  	[tilespmem:s18], [sflag:$0x1] =	stream.indirect.gather [hbm4b:s5+s17], $0x80, s4, s17, $0xb8;
	[tilespmem:$0x1D000] =	vst v63  }
0x21: {  	s23 =	simm.s32 $0x180;
	s25 =	simm.s32 $0x0;
	s24 =	simm.s32 $0x0  }
0x22: {  	[tilespmem:s19], [sflag:$0x2] =	stream.indirect.gather [hbm4b:s5+s17], $0x80, s17, s17, $0xb8;
	[tilespmem:$0x1D000] =	vst v63  }
.LBB2_2:
0x23: {  	s26 =	sand.u32 $0x4, s24;
	s28 =	sadd.s32 $0xFFFFFE80, s23  }
0x24: {  	_ =	swait.ge [sflag:s20], $0x4000;
	s28 =	sand.u32 $0x300, s28;
	s29 =	sshll.u32 s26, $0x8  }
0x25: {  	[sflag:s20] =	ssyncset.done $0x0;
	s29 =	sor.u32 s28, s29  }
0x26: {  	[sflag:s20] =	ssyncadd.s32 $0xFFFFC000;
	s29 =	sor.u32 $0x800, s29  }
0x27: {  	[spmem:s3] =	stream.indirect.scatter.add.f32 [tilespmem:s18], [sflag:$0x3], $0x80, s29, s17, $0xb8;
	[tilespmem:$0x1D000] =	vst v63  }
0x28: {  	s29 =	sadd.s32 $0x2, s25  }
0x29: {  	s30 =	sand.u32 $0x6, s29;
	p0 =	sge.u32 s29, s8  }
0x2a: {  	p1 =	sne.s32 @!p0 s30, $0x0  }
0x2b: {  	_ =	swait.ge [sflag:s15], $0x4000;
	p1 =	por p1, p0  }
0x2c: {  	s31 =	rddreg [dreg:$0x4];
	s0 =	sshrl.u32 @!p1 s29, $0x3  }
0x2d: {  	s0 =	sadd.s32 @!p1 s31, s0  }
0x2e: {  	[sflag:s15] =	ssyncset.done $0x0;
	s0 =	sshll.u32 @!p1 s0, $0x7  }
0x2f: {  	[sflag:s15] =	ssyncadd.s32 $0xFFFFC000;
	s31 =	sadd.s32 @!p1 $0xFFFFFF80, s23;
	s0 =	sand.u32 @!p1 $0x1FFFFF80, s0  }
0x30: {  	s16 =	simm.s32 @!p1 $0x0;
	s31 =	sand.u32 @!p1 $0x400, s31;
	s1 =	sadd.s32 @!p1 s2, s0  }
0x31: {  	[tilespmem:s31], [sflag:$0x3] =	stream.linear.gather @!p1 [hbm4b:s1+s16], $0x400, $0x38;
	[tilespmem:$0x1D000] =	vst v63  }
0x32: {  	s1 =	simm.s32 @!p1 $0x3  }
0x33: {  	_ =	swait.ge @!p1 [sflag:s1], $0x400  }
0x34: {  	[sflag:s1] =	ssyncset.done @!p1 $0x0  }
0x35: {  	s0 =	sadd.s32 @!p1 s6, s0;
	s31 =	sor.u32 @!p1 $0x800, s31;
	[sflag:s1] =	ssyncadd.s32 @!p1 $0xFFFFFC00  }
0x36: {  	[tilespmem:s31], [sflag:$0x3] =	stream.linear.gather @!p1 [hbm4b:s0+s16], $0x400, $0x38;
	[tilespmem:$0x1D000] =	vst v63  }
0x37: {  	_ =	swait.ge @!p1 [sflag:s1], $0x400  }
0x38: {  	s0 =	sadd.s32 @!p0 $0xFFFFFF80, s23;
	[sflag:s1] =	ssyncset.done @!p1 $0x0  }
0x39: {  	s0 =	sand.u32 @!p0 $0x400, s0;
	[sflag:s1] =	ssyncadd.s32 @!p1 $0xFFFFFC00;
	s1 =	sshll.u32 @!p0 s30, $0x7  }
0x3a: {  	s16 =	simm.s32 @!p0 $0x1000;
	s0 =	sor.u32 @!p0 s1, s0;
	s1 =	simm.s32 @!p0 $0x80  }
0x3b: {  	[tilespmem:s16], [sflag:$0x1] =	stream.indirect.gather @!p0 [hbm4b:s5+s1], $0x80, s0, s1, $0xb8;
	[tilespmem:$0x1D000] =	vst v63  }
0x3c: {  	_ =	swait.ge [sflag:s21], $0x4000  }
0x3d: {  	p0 =	sne.s32 s26, $0x0;
	s0 =	rddreg [dreg:$0x5]  }
0x3e: {  	s0 =	simm.s32 @!p0 $0x0  }
0x3f: {  	[sflag:s21] =	ssyncset.done $0x0;
	s0 =	sor.u32 s28, s0  }
0x40: {  	s30 =	sadd.s32 $0x3, s25;
	[sflag:s21] =	ssyncadd.s32 $0xFFFFC000;
	s0 =	sadd.s32 $0x880, s0  }
0x41: {  	[spmem:s3] =	stream.indirect.scatter.add.f32 [tilespmem:s19], [sflag:$0x3], $0x80, s0, s17, $0xb8;
	[tilespmem:$0x1D000] =	vst v63  }
0x42: {  	s24 =	sadd.s32 $0x1, s24;
	p0 =	sge.u32 s30, s8;
	_ =	swait.ge [sflag:s15], $0x4000  }
0x43: {  	s1 =	simm.s32 @!p0 $0x80;
	s16 =	simm.s32 @!p0 $0x5000;
	[sflag:s15] =	ssyncset.done $0x0  }
0x44: {  	s0 =	sand.u32 @!p0 $0x780, s23;
	s31 =	rddreg [dreg:$0x6];
	[sflag:s15] =	ssyncadd.s32 $0xFFFFC000  }
0x45: {  	[tilespmem:s16], [sflag:$0x2] =	stream.indirect.gather @!p0 [hbm4b:s5+s1], $0x80, s0, s1, $0xb8;
	[tilespmem:$0x1D000] =	vst v63  }
0x46: {  	p0 =	sne.s32 s31, s24  }
.Ltmp0:
0x47: {  	_ = 	snop;
	(pc) =	sbr.rel @p0 .LBB2_2-.Ltmp0, $2  }
0x48: {  	_ =	sdelay $0x2  }
0x49: {  	s25 =	smov.u32 s29;
	s23 =	sadd.s32 $0x100, s23  }
0x4a: {  	s22 =	sadd.s32 $0x1, s22  }
0x4b: {  	p0 =	sne.s32 s22, s13  }
.Ltmp1:
0x4c: {  	[bflag:$0x0] =	sbarrier.arrive $0xFFFF;
	(pc) =	sbr.rel @p0 .LBB2_1-.Ltmp1, $4  }
0x4d: {  	[hbm:s12], [sflag:s9] =	dma.local [spmem:s14], $0x2800  }
0x4e: {  	_ =	swait.ge [sflag:s15], $0x2800  }
0x4f: {  	[sflag:s15] =	ssyncset.done $0x0  }
0x50: {  	[sflag:s15] =	ssyncadd.s32 $0xFFFFD800  }
0x51: {  	_ =	sfence.sel $0x180000  }
0x52: {  	[bflag:$0x0] =	sbarrier.arrive $0xFFFF  }
0x53: {  	_ =	strace $0x9000004D  }
0x54: {  	s0 =	stileid.u32;
	[bflag:$0x2] =	sbarrier.arrive $0xFFFF  }
0x55: {  	p0 =	sne.s32 s0, $0x0;
	s0 =	rddreg [dreg:$0x3]  }
0x56: {  	s0 =	sadd.s32 @!p0 $0x100000, s0  }
0x57: {  	[sflag:s0] =	ssyncadd.tile.s32 @!p0 $0x1;
	_ =	shalt  }
.Lfunc_end2:
_tile_overlayer_lowered:
.L_overlay_start_2:
0x58: {  	(tag) =	ssettag $0x2  }
0x59: {  	s0 =	rddreg [dreg:$0x0];
	s2 =	stileid.u32  }
0x5a: {  	s1 =	rddreg [dreg:$0x1];
	p0 =	sne.s32 s2, $0x0  }
0x5b: {  	s3 =	rddreg [dreg:$0x2];
	[bflag:$0x3] =	sbarrier.arrive $0xFFFF;
	s2 =	simm.s32 @!p0 $0x1C03  }
0x5c: {  	[timem:s3], [sflag:s2] =	dma.local @!p0 [hbm:s0], s1  }
0x5d: {  	s0 =	simm.s32 @!p0 $0x3  }
0x5e: {  	_ =	swait.ge @!p0 [sflag:s0], s1  }
0x5f: {  	s1 =	ssub.s32 @!p0 $0x0, s1;
	[sflag:s0] =	ssyncset.done @!p0 $0x0  }
0x60: {  	[sflag:s0] =	ssyncadd.s32 @!p0 s1  }
0x61: {  	[bflag:$0x3] =	sbarrier.arrive $0xFFFF  }
0x62: {  	_ =	shalt  }

// kernel: kernel.19.cloned.1.call-start
scs
__scs_entry_jumppad:
0x0: {  	(pc) =	sbr.rel $0x88, $3  }
0x1: {  	(tag) =	ssettag $0x0;
	lr =	simm.s32 $0x1  }
0x2: {  	[smem:$0x3F91] =	sst lr;
	_ =	strace $0xD0000000  }
0x3: {  	_ = 	snop  }
0x4: {  	_ = 	snop  }
0x5: {  	_ = 	snop  }
0x6: {  	_ = 	snop  }
0x7: {  	_ = 	snop  }
__scs_overlays_trampoline_lowered:
0x8: {  	[smem:$0x3FA0] =	sst s0  }
0x9: {  	[smem:$0x3FA1] =	sst s1  }
0xa: {  	[smem:$0x3FA2] =	sst s2  }
0xb: {  	[smem:$0x3FA3] =	sst s3  }
0xc: {  	[smem:$0x3FA4] =	sst s4  }
0xd: {  	[smem:$0x3FA5] =	sst s5  }
0xe: {  	[smem:$0x3FA6] =	sst s6  }
0xf: {  	[smem:$0x3FA7] =	sst s7  }
0x10: {  	[smem:$0x3FA8] =	sst s8  }
0x11: {  	[smem:$0x3FA9] =	sst s9;
	s0 =	simm.s32 @!p0 $0x0  }
0x12: {  	s1 =	sld [smem:$0x3F8F];
	s0 =	simm.s32 @p0 $0x1  }
0x13: {  	[smem:$0x3FAA] =	sst s0;
	s0 =	simm.s32 @!p1 $0x0  }
0x14: {  	s2 =	sld [smem:$0x3F8E];
	s0 =	simm.s32 @p1 $0x1  }
0x15: {  	[smem:$0x3FAB] =	sst s0;
	s0 =	simm.s32 @!p2 $0x0  }
0x16: {  	s3 =	sld [smem:$0x3FDB];
	s0 =	simm.s32 @p2 $0x1  }
0x17: {  	s4 =	simm.s32 $0x1BF5;
	[smem:$0x3FAD] =	sst s0  }
0x18: {  	s0 =	sld [smem:$0x3F90];
	_ =	swait.ge [sflag:s4], $0x0  }
0x19: {  	s7 =	sld [smem:$0x3F91]  }
0x1a: {  	s8 =	sadd.s32 $0xFFFFE003, lr  }
0x1b: {  	s9 =	sadd.s32 $0xFFFFFEF7, lr;
	s5 =	simm.s32 $0xFFFFFFFF;
	p2 =	slt.u32 s8, $0xFFFFF086  }
0x1c: {  	p1 =	slt.u32 s9, $0xF7A;
	s5 =	simm.s32 @!p2 $0x0  }
0x1d: {  	s5 =	simm.s32 @p1 $0x1;
	p0 =	seq.s32 s7, s2  }
0x1e: {  	s7 =	smul.u32 @!p0 $0xF7A, s2;
	p2 =	seq.s32 @!p0 s5, $0x0  }
0x1f: {  	s9 =	smul.u32 $0xF7A, s1;
	s8 =	simm.s32 @!p0 $0x1BF5;
	p2 =	por !p2, p0  }
0x20: {  	[sflag:s8] =	ssyncset.s32 @!p0 $0xFFFFF086;
	s6 =	sadd.s32 @!p0 s3, s7;
	s7 =	simm.s32 @!p0 $0x108  }
0x21: {  	s3 =	sadd.s32 s3, s9;
	s6 =	sadd.s32 @!p0 $0x88, s6;
	s7 =	simm.s32 @p2 $0x1082  }
0x22: {  	[simem:s7], [sflag:s8] =	dma.local @!p0 [hbm:s6], $0xF7A  }
0x23: {  	s9 =	sor.u32 $0xD0000000, s2;
	s6 =	simm.s32 $0x108;
	_ =	swait.ge @!p0 [sflag:s8], $0x0  }
0x24: {  	s3 =	sadd.s32 $0x88, s3;
	s6 =	simm.s32 @!p1 $0x1082;
	[sflag:s4] =	ssyncset.s32 $0xFFFFF086  }
0x25: {  	[simem:s6], [sflag:s4] =	dma.local [hbm:s3], $0xF7A  }
0x26: {  	[smem:$0x3F91] =	sst s1;
	(tag) =	ssettag s2;
	_ =	strace s9  }
0x27: {  	s1 =	sld [smem:$0x3FA1]  }
0x28: {  	s2 =	sld [smem:$0x3FA2]  }
0x29: {  	s4 =	sld [smem:$0x3FA4]  }
0x2a: {  	p0 =	seq.s32 s5, $0x0;
	s5 =	sld [smem:$0x3FA5]  }
0x2b: {  	s6 =	sld [smem:$0x3FA6]  }
0x2c: {  	s7 =	sld [smem:$0x3FA7]  }
0x2d: {  	s3 =	simm.s32 $0x108;
	s8 =	sld [smem:$0x3FA8]  }
0x2e: {  	s3 =	simm.s32 @!p0 $0x1082;
	s9 =	sld [smem:$0x3FA9]  }
0x2f: {  	lr =	sadd.s32 s0, s3;
	s0 =	sld [smem:$0x3FA0]  }
0x30: {  	s3 =	sld [smem:$0x3FA3]  }
0x31: {  	[smem:$0x3FAC] =	sst s10  }
0x32: {  	s10 =	sld [smem:$0x3FAA];
	_ =	sdelay $0x3  }
0x33: {  	p0 =	seq.s32 s10, $0x1;
	s10 =	sld [smem:$0x3FAC];
	_ =	sdelay $0x3  }
0x34: {  	[smem:$0x3FAC] =	sst s10  }
0x35: {  	s10 =	sld [smem:$0x3FAB];
	_ =	sdelay $0x3  }
0x36: {  	p1 =	seq.s32 s10, $0x1;
	s10 =	sld [smem:$0x3FAC];
	_ =	sdelay $0x3  }
0x37: {  	[smem:$0x3FAC] =	sst s10  }
0x38: {  	s10 =	sld [smem:$0x3FAD]  }
0x39: {  	_ = 	snop;
	(pc) =	sbr.ind lr, $3  }
0x3a: {  	_ = 	snop  }
0x3b: {  	_ = 	snop  }
0x3c: {  	p2 =	seq.s32 s10, $0x1;
	s10 =	sld [smem:$0x3FAC]  }
0x3d: {  	_ =	shalt  }
0x3e: {  	_ =	shalt  }
0x3f: {  	_ =	shalt  }
0x40: {  	_ =	shalt  }
0x41: {  	_ =	shalt  }
0x42: {  	_ =	shalt  }
0x43: {  	_ =	shalt  }
0x44: {  	_ =	shalt  }
0x45: {  	_ =	shalt  }
0x46: {  	_ =	shalt  }
0x47: {  	_ =	shalt  }
0x48: {  	_ =	shalt  }
0x49: {  	_ =	shalt  }
0x4a: {  	_ =	shalt  }
0x4b: {  	_ =	shalt  }
0x4c: {  	_ =	shalt  }
0x4d: {  	_ =	shalt  }
0x4e: {  	_ =	shalt  }
0x4f: {  	_ =	shalt  }
0x50: {  	_ =	shalt  }
0x51: {  	_ =	shalt  }
0x52: {  	_ =	shalt  }
0x53: {  	_ =	shalt  }
0x54: {  	_ =	shalt  }
0x55: {  	_ =	shalt  }
0x56: {  	_ =	shalt  }
0x57: {  	_ =	shalt  }
0x58: {  	_ =	shalt  }
0x59: {  	_ =	shalt  }
0x5a: {  	_ =	shalt  }
0x5b: {  	_ =	shalt  }
0x5c: {  	_ =	shalt  }
0x5d: {  	_ =	shalt  }
0x5e: {  	_ =	shalt  }
0x5f: {  	_ =	shalt  }
0x60: {  	_ =	shalt  }
0x61: {  	_ =	shalt  }
0x62: {  	_ =	shalt  }
0x63: {  	_ =	shalt  }
0x64: {  	_ =	shalt  }
0x65: {  	_ =	shalt  }
0x66: {  	_ =	shalt  }
0x67: {  	_ =	shalt  }
0x68: {  	_ =	shalt  }
0x69: {  	_ =	shalt  }
0x6a: {  	_ =	shalt  }
0x6b: {  	_ =	shalt  }
0x6c: {  	_ =	shalt  }
0x6d: {  	_ =	shalt  }
0x6e: {  	_ =	shalt  }
0x6f: {  	_ =	shalt  }
0x70: {  	_ =	shalt  }
0x71: {  	_ =	shalt  }
0x72: {  	_ =	shalt  }
0x73: {  	_ =	shalt  }
0x74: {  	_ =	shalt  }
0x75: {  	_ =	shalt  }
0x76: {  	_ =	shalt  }
0x77: {  	_ =	shalt  }
0x78: {  	_ =	shalt  }
0x79: {  	_ =	shalt  }
0x7a: {  	_ =	shalt  }
0x7b: {  	_ =	shalt  }
0x7c: {  	_ =	shalt  }
0x7d: {  	_ =	shalt  }
0x7e: {  	_ =	shalt  }
0x7f: {  	_ =	shalt  }
0x80: {  	_ =	shalt  }
0x81: {  	_ =	shalt  }
0x82: {  	_ =	shalt  }
0x83: {  	_ =	shalt  }
0x84: {  	_ =	shalt  }
0x85: {  	_ =	shalt  }
0x86: {  	_ =	shalt  }
0x87: {  	_ =	shalt  }
.Lfunc_end0:
.L_simem_size_0:
called_computation.3_lowered:
.L_overlay_start_0:
0x88: {  	s2 =	sld [smem:$0x3FD9]  }
0x89: {  	s3 =	sld [smem:$0x3FFE];
	_ =	sdelay $0x1  }
0x8a: {  	s1 =	srdreg.scid  }
0x8b: {  	s0 =	sand.u32 $0x1, s1  }
0x8c: {  	s17 =	sshll.u32 s0, $0xA;
	s2 =	sadd.s32 s3, s2  }
0x8d: {  	s2 =	sadd.s32 s2, s17  }
0x8e: {  	[smem:$0x3FB8] =	sst s2  }
0x8f: {  	_ = 	snop  }
0x90: {  	s2 =	sld [smem:$0x3FD0];
	(tm) =	ssettm $0x1  }
0x91: {  	s18 =	sld [smem:$0x3FFB];
	_ =	sdelay $0x3  }
0x92: {  	_ =	strace s18  }
0x93: {  	s3 =	sld [smem:$0x3FFC];
	_ =	sdelay $0x3  }
0x94: {  	_ =	strace s3  }
0x95: {  	s3 =	sld [smem:$0x3FFD];
	_ =	sdelay $0x3  }
0x96: {  	_ =	strace s3  }
0x97: {  	_ =	strace $0x8FFFFFFF  }
0x98: {  	s19 =	sld [smem:$0x3FDB];
	_ =	sdelay $0x1  }
0x99: {  	s4 =	simm.s32 $_scs_section_size  }
0x9a: {  	s5 =	simm.s32 $_size__tile_overlayer_lowered;
	s6 =	simm.s32 $_tile_overlayer_lowered  }
0x9b: {  	s22 =	simm.s32 $0x1BFF;
	s21 =	sshll.u32 s6, $0x1;
	s3 =	sadd.s32 s4, s19  }
0x9c: {  	s7 =	simm.s32 $0x0;
	s20 =	sshll.u32 s5, $0x1;
	s5 =	sadd.s32 s21, s3  }
0x9d: {  	[timem:s7], [sflag:s22] =	dma.local [hbm:s5], s20  }
0x9e: {  	_ =	swait.ge [sflag:s22], s20  }
0x9f: {  	s4 =	ssub.s32 $0x0, s20;
	[sflag:s22] =	ssyncset.done $0x0  }
0xa0: {  	[sflag:s22] =	ssyncadd.s32 s4;
	_ =	sdelay $0x1  }
0xa1: {  	s23 =	simm.s32 $0x1B8B  }
0xa2: {  	_ =	swait.ge [sflag:s23], $0x1  }
0xa3: {  	[sflag:s23] =	ssyncset.done $0x0  }
0xa4: {  	s25 =	simm.s32 $0x1B8E;
	s24 =	sld [smem:$0x3FFE];
	[sflag:s23] =	ssyncadd.s32 $0xFFFFFFFF  }
0xa5: {  	s26 =	simm.s32 $execute0_lowered;
	[smem:$0x3FD2] =	sst s25  }
0xa6: {  	s5 =	sshll.u32 s26, $0x1;
	_ =	strace $0x8000004F;
	[dreg:$0x1] =	wrdreg $0xFFFFFFFF  }
0xa7: {  	s28 =	simm.s32 $_size_execute0_lowered;
	s3 =	sadd.s32 s3, s5;
	[dreg:$0x0] =	wrdreg $0x0  }
0xa8: {  	s5 =	sshll.u32 s28, $0x1;
	[dreg:$0x2] =	wrdreg s3  }
0xa9: {  	[dreg:$0x3] =	wrdreg s5  }
0xaa: {  	[dreg:$0x4] =	wrdreg $0xC0  }
0xab: {  	_ =	task [dreg:s7], $0x5FFFF  }
0xac: {  	[dreg:$0x1] =	wrdreg $0xFFFFFFFF  }
0xad: {  	[dreg:$0x0] =	wrdreg $0x60  }
0xae: {  	[dreg:$0x2] =	wrdreg s24  }
0xaf: {  	[dreg:$0x3] =	wrdreg s2  }
0xb0: {  	[dreg:$0x4] =	wrdreg $0x90000  }
0xb1: {  	[dreg:$0x5] =	wrdreg $0x9  }
0xb2: {  	_ =	task.clear_ibuf [dreg:s7], $0x6FFFF;
	_ =	strace $0x9000004F  }
0xb3: {  	s29 =	simm.s32 $0x9;
	_ =	strace $0x80000051  }
0xb4: {  	_ =	swait.ge [sflag:s29], $0x1  }
0xb5: {  	[sflag:s29] =	ssyncadd.s32 $0xFFFFFFFF  }
0xb6: {  	_ =	strace $0x90000051  }
0xb7: {  	_ =	sfence  }
0xb8: {  	s30 =	sld [smem:$0x0];
	_ =	sdelay $0x2  }
0xb9: {  	s31 =	sshll.u32 s1, $0xD;
	s1 =	sshrl.u32 s1, $0x2  }
0xba: {  	s3 =	sand.u32 $0x4000, s31;
	s1 =	sadd.s32 s1, s30  }
0xbb: {  	s0 =	sor.u32 s3, s0;
	s1 =	sshll.u32 s1, $0x11  }
0xbc: {  	s0 =	sor.u32 s1, s0  }
0xbd: {  	s0 =	sadd.s32 $0x8F2B, s0  }
0xbe: {  	[sflag:s0] =	ssyncadd.remote.s32 $0x1  }
0xbf: {  	_ =	sfence.sel $0xFFFF  }
0xc0: {  	[dreg:$0x0] =	wrdreg $0xFFFFFFFF;
	(pc) =	sbr.abs _section_cstart, $3  }
0xc1: {  	[dreg:$0x1] =	wrdreg $0xFFFFFFFF  }
0xc2: {  	_ =	task.clear_ibuf [dreg:s7], $0x2FFFF;
	_ =	strace $0x9FFFFFFF  }
0xc3: {  	(tm) =	ssettm $0x7FFFFFFF  }
tec
execute0_lowered:
.L_overlay_start_1:
0x0: {  	(tag) =	ssettag $0x1  }
0x1: {  	s8 =	rddreg [dreg:$0x0]  }
0x2: {  	s2 =	rddreg [dreg:$0x1];
	s0 =	srdreg.scid  }
0x3: {  	s3 =	rddreg [dreg:$0x2];
	s25 =	stileid.u32;
	s4 =	simm.s32 $0x0  }
0x4: {  	s17 =	simm.s32 $0x80;
	s18 =	simm.s32 $0x1000;
	s19 =	simm.s32 $0x5000  }
0x5: {  	s20 =	simm.s32 $0x1;
	s22 =	simm.s32 $0x400;
	s7 =	smul.u32 $0x14000, s25  }
0x6: {  	s21 =	simm.s32 $0x2;
	s9 =	sand.u32 $0x1, s0;
	s11 =	smul.u32 $0x50000, s25  }
0x7: {  	[smem:$0x7FF] =	sst s4;
	s5 =	sadd.s32 $0x61800, s8;
	s13 =	smul.u32 $0x28, s25  }
0x8: {  	s29 =	sshll.u32 s25, $0x6;
	s6 =	smul.u32 $0x140000, s9;
	_ =	strace $0x80000050  }
0x9: {  	s26 =	ssub.s32 $0x2, s9;
	p0 =	seq.s32 s9, $0x0;
	s9 =	sor.u32 $0x1C03, s29  }
0xa: {  	[dreg:$0x5] =	wrdreg s22;
	s22 =	simm.s32 $0x0;
	s28 =	sshrl.u32 s26, $0x1  }
0xb: {  	s11 =	sshrl.u32 s11, $0x2;
	s7 =	sadd.s32 s7, s6;
	s6 =	sadd.s32 $0x4800, s8  }
0xc: {  	s14 =	ssub.s32 s26, s28;
	s15 =	sadd.s32 s11, s3;
	s11 =	sadd.s32 $0x780, s13  }
0xd: {  	s10 =	sshrl.u32 s7, $0x3;
	s7 =	sadd.s32 $0xE800, s8;
	s13 =	smax.u32 s14, $0x1  }
0xe: {  	s12 =	sadd.s32 s10, s8;
	s10 =	smul.u32 $0x78, s25;
	s8 =	simm.s32 $0x78  }
0xf: {  	s14 =	sshrl.u32 s15, $0x3;
	s15 =	simm.s32 $0x3;
	s8 =	simm.s32 @!p0 $0x28  }
0x10: {  	s12 =	sadd.s32 $0x89800, s12;
	s11 =	smov.u32 @p0 s10;
	s16 =	sshrl.u32 s8, $0x1  }
0x11: {  	s30 =	sshll.u32 s11, $0x4;
	[dreg:$0x6] =	wrdreg s16;
	s31 =	sshrl.u32 s11, $0x3  }
0x12: {  	s10 =	sadd.s32 s2, s30;
	s11 =	sadd.s32 s6, s30;
	[dreg:$0x4] =	wrdreg s31  }
.LBB2_1:
0x13: {  	[spmem:s14], [sflag:s9] =	dma.local [hbm:s7], $0x2800  }
0x14: {  	_ =	swait.ge [sflag:s15], $0x2800  }
0x15: {  	[sflag:s15] =	ssyncset.done $0x0  }
0x16: {  	[sflag:s15] =	ssyncadd.s32 $0xFFFFD800  }
0x17: {  	[bflag:$0x0] =	sbarrier.arrive $0xFFFF  }
0x18: {  	[tilespmem:s4], [sflag:$0x3] =	stream.linear.gather [hbm4b:s10+s4], $0x400, $0x38;
	[tilespmem:$0x1D000] =	vst v63  }
0x19: {  	_ =	swait.ge [sflag:s15], $0x400  }
0x1a: {  	[sflag:s15] =	ssyncset.done $0x0  }
0x1b: {  	s0 =	simm.s32 $0x800;
	[sflag:s15] =	ssyncadd.s32 $0xFFFFFC00  }
0x1c: {  	[tilespmem:s0], [sflag:$0x3] =	stream.linear.gather [hbm4b:s11+s4], $0x400, $0x38;
	[tilespmem:$0x1D000] =	vst v63  }
0x1d: {  	_ =	swait.ge [sflag:s15], $0x400  }
0x1e: {  	[sflag:s15] =	ssyncset.done $0x0  }
0x1f: {  	[sflag:s15] =	ssyncadd.s32 $0xFFFFFC00  }
0x20: {  	[tilespmem:s18], [sflag:$0x1] =	stream.indirect.gather [hbm4b:s5+s17], $0x80, s4, s17, $0xb8;
	[tilespmem:$0x1D000] =	vst v63  }
0x21: {  	s23 =	simm.s32 $0x180;
	s25 =	simm.s32 $0x0;
	s24 =	simm.s32 $0x0  }
0x22: {  	[tilespmem:s19], [sflag:$0x2] =	stream.indirect.gather [hbm4b:s5+s17], $0x80, s17, s17, $0xb8;
	[tilespmem:$0x1D000] =	vst v63  }
.LBB2_2:
0x23: {  	s26 =	sand.u32 $0x4, s24;
	s28 =	sadd.s32 $0xFFFFFE80, s23  }
0x24: {  	_ =	swait.ge [sflag:s20], $0x4000;
	s28 =	sand.u32 $0x300, s28;
	s29 =	sshll.u32 s26, $0x8  }
0x25: {  	[sflag:s20] =	ssyncset.done $0x0;
	s29 =	sor.u32 s28, s29  }
0x26: {  	[sflag:s20] =	ssyncadd.s32 $0xFFFFC000;
	s29 =	sor.u32 $0x800, s29  }
0x27: {  	[spmem:s3] =	stream.indirect.scatter.add.f32 [tilespmem:s18], [sflag:$0x3], $0x80, s29, s17, $0xb8;
	[tilespmem:$0x1D000] =	vst v63  }
0x28: {  	s29 =	sadd.s32 $0x2, s25  }
0x29: {  	s30 =	sand.u32 $0x6, s29;
	p0 =	sge.u32 s29, s8  }
0x2a: {  	p1 =	sne.s32 @!p0 s30, $0x0  }
0x2b: {  	_ =	swait.ge [sflag:s15], $0x4000;
	p1 =	por p1, p0  }
0x2c: {  	s31 =	rddreg [dreg:$0x4];
	s0 =	sshrl.u32 @!p1 s29, $0x3  }
0x2d: {  	s0 =	sadd.s32 @!p1 s31, s0  }
0x2e: {  	[sflag:s15] =	ssyncset.done $0x0;
	s0 =	sshll.u32 @!p1 s0, $0x7  }
0x2f: {  	[sflag:s15] =	ssyncadd.s32 $0xFFFFC000;
	s31 =	sadd.s32 @!p1 $0xFFFFFF80, s23;
	s0 =	sand.u32 @!p1 $0x1FFFFF80, s0  }
0x30: {  	s16 =	simm.s32 @!p1 $0x0;
	s31 =	sand.u32 @!p1 $0x400, s31;
	s1 =	sadd.s32 @!p1 s2, s0  }
0x31: {  	[tilespmem:s31], [sflag:$0x3] =	stream.linear.gather @!p1 [hbm4b:s1+s16], $0x400, $0x38;
	[tilespmem:$0x1D000] =	vst v63  }
0x32: {  	s1 =	simm.s32 @!p1 $0x3  }
0x33: {  	_ =	swait.ge @!p1 [sflag:s1], $0x400  }
0x34: {  	[sflag:s1] =	ssyncset.done @!p1 $0x0  }
0x35: {  	s0 =	sadd.s32 @!p1 s6, s0;
	s31 =	sor.u32 @!p1 $0x800, s31;
	[sflag:s1] =	ssyncadd.s32 @!p1 $0xFFFFFC00  }
0x36: {  	[tilespmem:s31], [sflag:$0x3] =	stream.linear.gather @!p1 [hbm4b:s0+s16], $0x400, $0x38;
	[tilespmem:$0x1D000] =	vst v63  }
0x37: {  	_ =	swait.ge @!p1 [sflag:s1], $0x400  }
0x38: {  	s0 =	sadd.s32 @!p0 $0xFFFFFF80, s23;
	[sflag:s1] =	ssyncset.done @!p1 $0x0  }
0x39: {  	s0 =	sand.u32 @!p0 $0x400, s0;
	[sflag:s1] =	ssyncadd.s32 @!p1 $0xFFFFFC00;
	s1 =	sshll.u32 @!p0 s30, $0x7  }
0x3a: {  	s16 =	simm.s32 @!p0 $0x1000;
	s0 =	sor.u32 @!p0 s1, s0;
	s1 =	simm.s32 @!p0 $0x80  }
0x3b: {  	[tilespmem:s16], [sflag:$0x1] =	stream.indirect.gather @!p0 [hbm4b:s5+s1], $0x80, s0, s1, $0xb8;
	[tilespmem:$0x1D000] =	vst v63  }
0x3c: {  	_ =	swait.ge [sflag:s21], $0x4000  }
0x3d: {  	p0 =	sne.s32 s26, $0x0;
	s0 =	rddreg [dreg:$0x5]  }
0x3e: {  	s0 =	simm.s32 @!p0 $0x0  }
0x3f: {  	[sflag:s21] =	ssyncset.done $0x0;
	s0 =	sor.u32 s28, s0  }
0x40: {  	s30 =	sadd.s32 $0x3, s25;
	[sflag:s21] =	ssyncadd.s32 $0xFFFFC000;
	s0 =	sadd.s32 $0x880, s0  }
0x41: {  	[spmem:s3] =	stream.indirect.scatter.add.f32 [tilespmem:s19], [sflag:$0x3], $0x80, s0, s17, $0xb8;
	[tilespmem:$0x1D000] =	vst v63  }
0x42: {  	s24 =	sadd.s32 $0x1, s24;
	p0 =	sge.u32 s30, s8;
	_ =	swait.ge [sflag:s15], $0x4000  }
0x43: {  	s1 =	simm.s32 @!p0 $0x80;
	s16 =	simm.s32 @!p0 $0x5000;
	[sflag:s15] =	ssyncset.done $0x0  }
0x44: {  	s0 =	sand.u32 @!p0 $0x780, s23;
	s31 =	rddreg [dreg:$0x6];
	[sflag:s15] =	ssyncadd.s32 $0xFFFFC000  }
0x45: {  	[tilespmem:s16], [sflag:$0x2] =	stream.indirect.gather @!p0 [hbm4b:s5+s1], $0x80, s0, s1, $0xb8;
	[tilespmem:$0x1D000] =	vst v63  }
0x46: {  	p0 =	sne.s32 s31, s24  }
.Ltmp0:
0x47: {  	_ = 	snop;
	(pc) =	sbr.rel @p0 .LBB2_2-.Ltmp0, $2  }
0x48: {  	_ =	sdelay $0x2  }
0x49: {  	s25 =	smov.u32 s29;
	s23 =	sadd.s32 $0x100, s23  }
0x4a: {  	s22 =	sadd.s32 $0x1, s22  }
0x4b: {  	p0 =	sne.s32 s22, s13  }
.Ltmp1:
0x4c: {  	[bflag:$0x0] =	sbarrier.arrive $0xFFFF;
	(pc) =	sbr.rel @p0 .LBB2_1-.Ltmp1, $4  }
0x4d: {  	[hbm:s12], [sflag:s9] =	dma.local [spmem:s14], $0x2800  }
0x4e: {  	_ =	swait.ge [sflag:s15], $0x2800  }
0x4f: {  	[sflag:s15] =	ssyncset.done $0x0  }
0x50: {  	[sflag:s15] =	ssyncadd.s32 $0xFFFFD800  }
0x51: {  	_ =	sfence.sel $0x180000  }
0x52: {  	[bflag:$0x0] =	sbarrier.arrive $0xFFFF  }
0x53: {  	_ =	strace $0x90000050  }
0x54: {  	s0 =	stileid.u32;
	[bflag:$0x2] =	sbarrier.arrive $0xFFFF  }
0x55: {  	p0 =	sne.s32 s0, $0x0;
	s0 =	rddreg [dreg:$0x3]  }
0x56: {  	s0 =	sadd.s32 @!p0 $0x100000, s0  }
0x57: {  	[sflag:s0] =	ssyncadd.tile.s32 @!p0 $0x1;
	_ =	shalt  }
.Lfunc_end2:
_tile_overlayer_lowered:
.L_overlay_start_2:
0x58: {  	(tag) =	ssettag $0x2  }
0x59: {  	s0 =	rddreg [dreg:$0x0];
	s2 =	stileid.u32  }
0x5a: {  	s1 =	rddreg [dreg:$0x1];
	p0 =	sne.s32 s2, $0x0  }
0x5b: {  	s3 =	rddreg [dreg:$0x2];
	[bflag:$0x3] =	sbarrier.arrive $0xFFFF;
	s2 =	simm.s32 @!p0 $0x1C03  }
0x5c: {  	[timem:s3], [sflag:s2] =	dma.local @!p0 [hbm:s0], s1  }
0x5d: {  	s0 =	simm.s32 @!p0 $0x3  }
0x5e: {  	_ =	swait.ge @!p0 [sflag:s0], s1  }
0x5f: {  	s1 =	ssub.s32 @!p0 $0x0, s1;
	[sflag:s0] =	ssyncset.done @!p0 $0x0  }
0x60: {  	[sflag:s0] =	ssyncadd.s32 @!p0 s1  }
0x61: {  	[bflag:$0x3] =	sbarrier.arrive $0xFFFF  }
0x62: {  	_ =	shalt  }

</sc_bundles>
